<compile_context>
chip_gen: v7x
topology: tpu7x:2x2x1
jax: 0.10.2.dev20260603
libtpu: 0.0.44.dev20260713+nightly
codegen_flags: <defaults>
</compile_context>

<pallas_src>
import functools

import jax
import jax.numpy as jnp
from jax import lax
from jax.experimental import pallas as pl
from jax.experimental.pallas import tpu as pltpu
from jax.experimental.pallas import tpu_sc as plsc

W = H = C = 384
N = W * H
NW = 32
LANES = 16
CT = C // 128
NSLAB = N // 8
SLABS_PER_W = NSLAB // NW
S = 6
NBLK = SLABS_PER_W // S
ROWS = S * 8

_mesh = plsc.VectorSubcoreMesh(core_axis_name="c", subcore_axis_name="s")


@functools.partial(
    pl.kernel,
    mesh=_mesh,
    compiler_params=pltpu.CompilerParams(needs_layout_passes=False),
    out_type=jax.ShapeDtypeStruct((NSLAB, CT, 8, 128), jnp.float32),
    scratch_types=[
        pltpu.VMEM((S, CT, 8, 128), jnp.float32),
        pltpu.VMEM((S, CT, 8, 128), jnp.float32),
        pltpu.VMEM((S, CT, 8, 128), jnp.int32),
        pltpu.VMEM((S, CT, 8, 128), jnp.int32),
        pltpu.VMEM((S, CT, 8, 128), jnp.float32),
        pltpu.VMEM((S, CT, 8, 128), jnp.float32),
        pltpu.SemaphoreType.DMA,
        pltpu.SemaphoreType.DMA,
        pltpu.SemaphoreType.DMA,
        pltpu.SemaphoreType.DMA,
    ],
)
def _permute(img_hbm, perm_hbm, out_hbm, img_v0, img_v1, perm_v0, perm_v1,
             out_v0, out_v1, sin0, sin1, sout0, sout1):
    img_v = (img_v0, img_v1)
    perm_v = (perm_v0, perm_v1)
    out_v = (out_v0, out_v1)
    sin = (sin0, sin1)
    sout = (sout0, sout1)
    wid = lax.axis_index("s") * 2 + lax.axis_index("c")
    w_base = wid * SLABS_PER_W

    def start_in(blk, b):
        base = w_base + blk * S
        pltpu.async_copy(img_hbm.at[pl.ds(base, S)], img_v[b], sin[b])
        pltpu.async_copy(perm_hbm.at[pl.ds(base, S)], perm_v[b], sin[b])

    for b in range(2):
        start_in(b, b)

    def group_body(g, carry):
        for b in range(2):
            blk = g * 2 + b
            base = w_base + blk * S
            pltpu.make_async_copy(img_hbm.at[pl.ds(base, S)],
                                  img_v[b], sin[b]).wait()
            pltpu.make_async_copy(perm_hbm.at[pl.ds(base, S)],
                                  perm_v[b], sin[b]).wait()
            @pl.when(g > 0)
            def _():
                pltpu.make_async_copy(out_v[b],
                                      out_hbm.at[pl.ds(base, S)],
                                      sout[b]).wait()

            @plsc.parallel_loop(0, ROWS, unroll=4)
            def pix_body(pix):
                slab = lax.shift_right_logical(pix, 2 + 1)
                r = lax.bitwise_and(pix, 7)
                slab_splat = jnp.full((LANES,), slab, jnp.int32)
                r_splat = jnp.full((LANES,), r, jnp.int32)
                for tc in range(CT):
                    for k in range(128 // LANES):
                        p = perm_v[b][slab, tc, r, pl.ds(k * LANES, LANES)]
                        tc_src = lax.shift_right_logical(p, 7)
                        l_src = lax.bitwise_and(p, 127)
                        out_v[b][slab, tc, r, pl.ds(k * LANES, LANES)] = (
                            plsc.load_gather(
                                img_v[b], [slab_splat, tc_src, r_splat, l_src]))

            @pl.when(blk + 2 < NBLK)
            def _():
                start_in(blk + 2, b)

            pltpu.async_copy(out_v[b], out_hbm.at[pl.ds(base, S)], sout[b])

        return carry

    lax.fori_loop(0, NBLK // 2, group_body, 0)

    for b in range(2):
        blk = NBLK - 2 + b
        base = w_base + blk * S
        pltpu.make_async_copy(out_v[b], out_hbm.at[pl.ds(base, S)],
                              sout[b]).wait()


def _to_tiled(x):
    return (x.reshape(W, H // 8, 8, CT, 128)
             .transpose(0, 1, 3, 2, 4)
             .reshape(NSLAB, CT, 8, 128))


def kernel(image, perm):
    out = _permute(_to_tiled(image), _to_tiled(perm))
    return (out.reshape(W, H // 8, CT, 8, 128)
               .transpose(0, 1, 3, 2, 4)
               .reshape(W, H, C))

# --- scband reference (transcript-rebuilt; emitter-appended) ---
"""Pipeline reference for scband-per-pixel-channel-permutation-11974368821258 (READ-ONLY COPY).

The authoritative reference and input builder live on the scoring server;
editing this copy changes nothing except your own understanding.
"""

import jax, jax.numpy as jnp
import numpy as np

W, H, C = 384, 384, 384

def setup_inputs(seed: int = 0) -> dict:
    key = jax.random.key(seed)
    k1, k2 = jax.random.split(key)
    image = jax.random.normal(k1, (W, H, C), dtype=jnp.float32)
    # Per-pixel random channel permutation indices (faithful to np.random.permutation(c)
    # applied independently at every (i, j) pixel). argsort of iid uniforms along the
    # channel axis yields an independent uniform permutation per pixel.
    u = jax.random.uniform(k2, (W, H, C), dtype=jnp.float32)
    perm = jnp.argsort(u, axis=-1).astype(jnp.int32)
    return {"image": image, "perm": perm}

def reference(image, perm):
    # image[i, j, :] = image[i, j, perm[i, j, :]] for every pixel -> gather along channels
    return jnp.take_along_axis(image, perm, axis=-1)

if __name__ == "__main__":
    import jax
    _d = setup_inputs()
    print(jax.jit(kernel)(*tuple(_d.values())))

</pallas_src>

<mosaic_0001>
#map = affine_map<(d0, d1) -> (0, 0, 0, 0)>
module attributes {stable_mosaic.version = 14 : i64} {
  func.func @_permute(%arg0: i32, %arg1: i32, %arg2: memref<18432x3x8x128xf32, #tpu.memory_space<hbm>>, %arg3: memref<18432x3x8x128xi32, #tpu.memory_space<hbm>>, %arg4: memref<18432x3x8x128xf32, #tpu.memory_space<hbm>>, %arg5: memref<6x3x8x128xf32, #tpu.memory_space<vmem>>, %arg6: memref<6x3x8x128xf32, #tpu.memory_space<vmem>>, %arg7: memref<6x3x8x128xi32, #tpu.memory_space<vmem>>, %arg8: memref<6x3x8x128xi32, #tpu.memory_space<vmem>>, %arg9: memref<6x3x8x128xf32, #tpu.memory_space<vmem>>, %arg10: memref<6x3x8x128xf32, #tpu.memory_space<vmem>>, %arg11: memref<!tpu.dma_semaphore, #tpu.memory_space<semaphore_mem>>, %arg12: memref<!tpu.dma_semaphore, #tpu.memory_space<semaphore_mem>>, %arg13: memref<!tpu.dma_semaphore, #tpu.memory_space<semaphore_mem>>, %arg14: memref<!tpu.dma_semaphore, #tpu.memory_space<semaphore_mem>>) attributes {dimension_semantics = [#tpu.dimension_semantics<core_parallel>, #tpu.dimension_semantics<subcore_parallel>], iteration_bounds = array<i64: 2, 16>, scalar_prefetch = 0 : i64, scratch_operands = 10 : i64, tpu.core_type = #tpu.core_type<sc_vector_subcore>, window_params = [{transform_indices = #map}, {transform_indices = #map}, {transform_indices = #map}]} {
    %mul3A = arith.constant 2 : i32
    %mul3A_0 = arith.muli %arg1, %mul3A : i32
    %add3A = arith.addi %mul3A_0, %arg0 : i32
    %mul3A_1 = arith.constant 576 : i32
    %mul3A_2 = arith.muli %add3A, %mul3A_1 : i32
    %add3A_3 = arith.constant 0 : i32
    %add3A_4 = arith.addi %mul3A_2, %add3A_3 : i32
    %dma_start3A = arith.constant 0 : i32
    %dma_start3A_5 = arith.constant 0 : i32
    %dma_start3A_6 = arith.constant 0 : i32
    %dma_start3A_7 = tpu.memref_slice %arg2[%add3A_4, %dma_start3A, %dma_start3A_5, %dma_start3A_6] : memref<18432x3x8x128xf32, #tpu.memory_space<hbm>> -> memref<6x3x8x128xf32, #tpu.memory_space<hbm>>
    %dma_start3A_8 = arith.constant 0 : i32
    %dma_start3A_9 = arith.constant 0 : i32
    %dma_start3A_10 = arith.constant 0 : i32
    %dma_start3A_11 = tpu.memref_slice %arg2[%add3A_4, %dma_start3A_8, %dma_start3A_9, %dma_start3A_10] : memref<18432x3x8x128xf32, #tpu.memory_space<hbm>> -> memref<6x3x8x128xf32, #tpu.memory_space<hbm>>
    tpu.enqueue_dma source(%dma_start3A_11 : memref<6x3x8x128xf32, #tpu.memory_space<hbm>>) target(%arg5 : memref<6x3x8x128xf32, #tpu.memory_space<vmem>>) target_semaphore(%arg11 : memref<!tpu.dma_semaphore, #tpu.memory_space<semaphore_mem>>)
    %dma_start3A_12 = arith.constant 0 : i32
    %dma_start3A_13 = arith.constant 0 : i32
    %dma_start3A_14 = arith.constant 0 : i32
    %dma_start3A_15 = tpu.memref_slice %arg3[%add3A_4, %dma_start3A_12, %dma_start3A_13, %dma_start3A_14] : memref<18432x3x8x128xi32, #tpu.memory_space<hbm>> -> memref<6x3x8x128xi32, #tpu.memory_space<hbm>>
    %dma_start3A_16 = arith.constant 0 : i32
    %dma_start3A_17 = arith.constant 0 : i32
    %dma_start3A_18 = arith.constant 0 : i32
    %dma_start3A_19 = tpu.memref_slice %arg3[%add3A_4, %dma_start3A_16, %dma_start3A_17, %dma_start3A_18] : memref<18432x3x8x128xi32, #tpu.memory_space<hbm>> -> memref<6x3x8x128xi32, #tpu.memory_space<hbm>>
    tpu.enqueue_dma source(%dma_start3A_19 : memref<6x3x8x128xi32, #tpu.memory_space<hbm>>) target(%arg7 : memref<6x3x8x128xi32, #tpu.memory_space<vmem>>) target_semaphore(%arg11 : memref<!tpu.dma_semaphore, #tpu.memory_space<semaphore_mem>>)
    %add3A_20 = arith.constant 6 : i32
    %add3A_21 = arith.addi %mul3A_2, %add3A_20 : i32
    %dma_start3A_22 = arith.constant 0 : i32
    %dma_start3A_23 = arith.constant 0 : i32
    %dma_start3A_24 = arith.constant 0 : i32
    %dma_start3A_25 = tpu.memref_slice %arg2[%add3A_21, %dma_start3A_22, %dma_start3A_23, %dma_start3A_24] : memref<18432x3x8x128xf32, #tpu.memory_space<hbm>> -> memref<6x3x8x128xf32, #tpu.memory_space<hbm>>
    %dma_start3A_26 = arith.constant 0 : i32
    %dma_start3A_27 = arith.constant 0 : i32
    %dma_start3A_28 = arith.constant 0 : i32
    %dma_start3A_29 = tpu.memref_slice %arg2[%add3A_21, %dma_start3A_26, %dma_start3A_27, %dma_start3A_28] : memref<18432x3x8x128xf32, #tpu.memory_space<hbm>> -> memref<6x3x8x128xf32, #tpu.memory_space<hbm>>
    tpu.enqueue_dma source(%dma_start3A_29 : memref<6x3x8x128xf32, #tpu.memory_space<hbm>>) target(%arg6 : memref<6x3x8x128xf32, #tpu.memory_space<vmem>>) target_semaphore(%arg12 : memref<!tpu.dma_semaphore, #tpu.memory_space<semaphore_mem>>)
    %dma_start3A_30 = arith.constant 0 : i32
    %dma_start3A_31 = arith.constant 0 : i32
    %dma_start3A_32 = arith.constant 0 : i32
    %dma_start3A_33 = tpu.memref_slice %arg3[%add3A_21, %dma_start3A_30, %dma_start3A_31, %dma_start3A_32] : memref<18432x3x8x128xi32, #tpu.memory_space<hbm>> -> memref<6x3x8x128xi32, #tpu.memory_space<hbm>>
    %dma_start3A_34 = arith.constant 0 : i32
    %dma_start3A_35 = arith.constant 0 : i32
    %dma_start3A_36 = arith.constant 0 : i32
    %dma_start3A_37 = tpu.memref_slice %arg3[%add3A_21, %dma_start3A_34, %dma_start3A_35, %dma_start3A_36] : memref<18432x3x8x128xi32, #tpu.memory_space<hbm>> -> memref<6x3x8x128xi32, #tpu.memory_space<hbm>>
    tpu.enqueue_dma source(%dma_start3A_37 : memref<6x3x8x128xi32, #tpu.memory_space<hbm>>) target(%arg8 : memref<6x3x8x128xi32, #tpu.memory_space<vmem>>) target_semaphore(%arg12 : memref<!tpu.dma_semaphore, #tpu.memory_space<semaphore_mem>>)
    %scan3A = arith.constant 0 : i32
    %scan3A_38 = arith.constant 0 : i32
    %scan3A_39 = arith.constant 48 : i32
    %scan3A_40 = arith.addi %scan3A_38, %scan3A_39 : i32
    %scan3A_41 = arith.constant 1 : i32
    scf.for %scan3A_62 = %scan3A_38 to %scan3A_40 step %scan3A_41  : i32 {
      %mul3A_63 = arith.constant 2 : i32
      %mul3A_64 = arith.muli %scan3A_62, %mul3A_63 : i32
      %add3A_65 = arith.constant 0 : i32
      %add3A_66 = arith.addi %mul3A_64, %add3A_65 : i32
      %mul3A_67 = arith.constant 6 : i32
      %mul3A_68 = arith.muli %add3A_66, %mul3A_67 : i32
      %add3A_69 = arith.addi %mul3A_2, %mul3A_68 : i32
      %dma_wait3A_70 = arith.constant 0 : i32
      %dma_wait3A_71 = arith.constant 0 : i32
      %dma_wait3A_72 = arith.constant 0 : i32
      %dma_wait3A_73 = tpu.memref_slice %arg2[%add3A_69, %dma_wait3A_70, %dma_wait3A_71, %dma_wait3A_72] : memref<18432x3x8x128xf32, #tpu.memory_space<hbm>> -> memref<6x3x8x128xf32, #tpu.memory_space<hbm>>
      %dma_wait3A_74 = arith.constant 0 : i32
      %dma_wait3A_75 = arith.constant 0 : i32
      %dma_wait3A_76 = arith.constant 0 : i32
      %dma_wait3A_77 = tpu.memref_slice %arg2[%add3A_69, %dma_wait3A_74, %dma_wait3A_75, %dma_wait3A_76] : memref<18432x3x8x128xf32, #tpu.memory_space<hbm>> -> memref<6x3x8x128xf32, #tpu.memory_space<hbm>>
      tpu.wait_dma2 semaphore(%arg11 : memref<!tpu.dma_semaphore, #tpu.memory_space<semaphore_mem>>) src(%dma_wait3A_77 : memref<6x3x8x128xf32, #tpu.memory_space<hbm>>) dst(%arg5 : memref<6x3x8x128xf32, #tpu.memory_space<vmem>>)
      %dma_wait3A_78 = arith.constant 0 : i32
      %dma_wait3A_79 = arith.constant 0 : i32
      %dma_wait3A_80 = arith.constant 0 : i32
      %dma_wait3A_81 = tpu.memref_slice %arg3[%add3A_69, %dma_wait3A_78, %dma_wait3A_79, %dma_wait3A_80] : memref<18432x3x8x128xi32, #tpu.memory_space<hbm>> -> memref<6x3x8x128xi32, #tpu.memory_space<hbm>>
      %dma_wait3A_82 = arith.constant 0 : i32
      %dma_wait3A_83 = arith.constant 0 : i32
      %dma_wait3A_84 = arith.constant 0 : i32
      %dma_wait3A_85 = tpu.memref_slice %arg3[%add3A_69, %dma_wait3A_82, %dma_wait3A_83, %dma_wait3A_84] : memref<18432x3x8x128xi32, #tpu.memory_space<hbm>> -> memref<6x3x8x128xi32, #tpu.memory_space<hbm>>
      tpu.wait_dma2 semaphore(%arg11 : memref<!tpu.dma_semaphore, #tpu.memory_space<semaphore_mem>>) src(%dma_wait3A_85 : memref<6x3x8x128xi32, #tpu.memory_space<hbm>>) dst(%arg7 : memref<6x3x8x128xi32, #tpu.memory_space<vmem>>)
      %gt3A = arith.constant 0 : i32
      %gt3A_86 = arith.cmpi sgt, %scan3A_62, %gt3A : i32
      %convert_element_type3A = arith.extui %gt3A_86 : i1 to i32
      %cond3A = arith.constant 0 : i32
      %cond3A_87 = arith.cmpi ne, %convert_element_type3A, %cond3A : i32
      scf.if %cond3A_87 {
        %dma_wait3A_150 = arith.constant 0 : i32
        %dma_wait3A_151 = arith.constant 0 : i32
        %dma_wait3A_152 = arith.constant 0 : i32
        %dma_wait3A_153 = tpu.memref_slice %arg4[%add3A_69, %dma_wait3A_150, %dma_wait3A_151, %dma_wait3A_152] : memref<18432x3x8x128xf32, #tpu.memory_space<hbm>> -> memref<6x3x8x128xf32, #tpu.memory_space<hbm>>
        %dma_wait3A_154 = arith.constant 0 : i32
        %dma_wait3A_155 = arith.constant 0 : i32
        %dma_wait3A_156 = arith.constant 0 : i32
        %dma_wait3A_157 = tpu.memref_slice %arg4[%add3A_69, %dma_wait3A_154, %dma_wait3A_155, %dma_wait3A_156] : memref<18432x3x8x128xf32, #tpu.memory_space<hbm>> -> memref<6x3x8x128xf32, #tpu.memory_space<hbm>>
        tpu.wait_dma2 semaphore(%arg13 : memref<!tpu.dma_semaphore, #tpu.memory_space<semaphore_mem>>) src(%arg9 : memref<6x3x8x128xf32, #tpu.memory_space<vmem>>) dst(%dma_wait3A_157 : memref<6x3x8x128xf32, #tpu.memory_space<hbm>>)
      } else {
      }
      %parallel_loop3A = arith.constant 0 : i32
      %parallel_loop3A_88 = arith.constant 48 : i32
      %parallel_loop3A_89 = arith.constant 1 : i32
      scf.for %parallel_loop3A_150 = %parallel_loop3A to %parallel_loop3A_88 step %parallel_loop3A_89  : i32 {
        %parallel_loop3A_151 = arith.constant 3 : i32
        %parallel_loop3A_152 = arith.shrui %parallel_loop3A_150, %parallel_loop3A_151 : i32
        %parallel_loop3A_153 = arith.constant 7 : i32
        %parallel_loop3A_154 = arith.andi %parallel_loop3A_150, %parallel_loop3A_153 : i32
        %parallel_loop3A_155 = vector.broadcast %parallel_loop3A_152 : i32 to vector<16xi32>
        %parallel_loop3A_156 = vector.broadcast %parallel_loop3A_154 : i32 to vector<16xi32>
        %parallel_loop3A_157 = arith.constant 0 : i32
        %parallel_loop3A_158 = arith.index_cast %parallel_loop3A_152 : i32 to index
        %parallel_loop3A_159 = arith.index_cast %parallel_loop3A_157 : i32 to index
        %parallel_loop3A_160 = arith.index_cast %parallel_loop3A_154 : i32 to index
        %parallel_loop3A_161 = arith.constant 0 : index
        %parallel_loop3A_162 = tpu.vector_load %arg7[%parallel_loop3A_158, %parallel_loop3A_159, %parallel_loop3A_160, %parallel_loop3A_161] {strides = array<i32>} : memref<6x3x8x128xi32, #tpu.memory_space<vmem>>, vector<16xi32>,
        %parallel_loop3A_163 = arith.constant 7 : i32
        %parallel_loop3A_164 = vector.broadcast %parallel_loop3A_163 : i32 to vector<16xi32>
        %parallel_loop3A_165 = arith.shrui %parallel_loop3A_162, %parallel_loop3A_164 : vector<16xi32>
        %parallel_loop3A_166 = arith.constant 127 : i32
        %parallel_loop3A_167 = vector.broadcast %parallel_loop3A_166 : i32 to vector<16xi32>
        %parallel_loop3A_168 = arith.andi %parallel_loop3A_162, %parallel_loop3A_167 : vector<16xi32>
        %parallel_loop3A_169 = tpu.vector_load_idx %arg5[%parallel_loop3A_155, %parallel_loop3A_165, %parallel_loop3A_156, %parallel_loop3A_168] : memref<6x3x8x128xf32, #tpu.memory_space<vmem>>[vector<16xi32>, vector<16xi32>, vector<16xi32>, vector<16xi32>], vector<16xf32>,
        %parallel_loop3A_170 = arith.constant 0 : i32
        %parallel_loop3A_171 = arith.index_cast %parallel_loop3A_152 : i32 to index
        %parallel_loop3A_172 = arith.index_cast %parallel_loop3A_170 : i32 to index
        %parallel_loop3A_173 = arith.index_cast %parallel_loop3A_154 : i32 to index
        %parallel_loop3A_174 = arith.constant 0 : index
        %parallel_loop3A_175 = tpu.vector_load %arg9[%parallel_loop3A_171, %parallel_loop3A_172, %parallel_loop3A_173, %parallel_loop3A_174] {strides = array<i32>} : memref<6x3x8x128xf32, #tpu.memory_space<vmem>>, vector<16xf32>,
        tpu.vector_store %arg9[%parallel_loop3A_171, %parallel_loop3A_172, %parallel_loop3A_173, %parallel_loop3A_174], %parallel_loop3A_169 {strides = array<i32>} : memref<6x3x8x128xf32, #tpu.memory_space<vmem>>, vector<16xf32>,
        %parallel_loop3A_176 = arith.constant 0 : i32
        %parallel_loop3A_177 = arith.index_cast %parallel_loop3A_152 : i32 to index
        %parallel_loop3A_178 = arith.index_cast %parallel_loop3A_176 : i32 to index
        %parallel_loop3A_179 = arith.index_cast %parallel_loop3A_154 : i32 to index
        %parallel_loop3A_180 = arith.constant 16 : index
        %parallel_loop3A_181 = tpu.vector_load %arg7[%parallel_loop3A_177, %parallel_loop3A_178, %parallel_loop3A_179, %parallel_loop3A_180] {strides = array<i32>} : memref<6x3x8x128xi32, #tpu.memory_space<vmem>>, vector<16xi32>,
        %parallel_loop3A_182 = arith.constant 7 : i32
        %parallel_loop3A_183 = vector.broadcast %parallel_loop3A_182 : i32 to vector<16xi32>
        %parallel_loop3A_184 = arith.shrui %parallel_loop3A_181, %parallel_loop3A_183 : vector<16xi32>
        %parallel_loop3A_185 = arith.constant 127 : i32
        %parallel_loop3A_186 = vector.broadcast %parallel_loop3A_185 : i32 to vector<16xi32>
        %parallel_loop3A_187 = arith.andi %parallel_loop3A_181, %parallel_loop3A_186 : vector<16xi32>
        %parallel_loop3A_188 = tpu.vector_load_idx %arg5[%parallel_loop3A_155, %parallel_loop3A_184, %parallel_loop3A_156, %parallel_loop3A_187] : memref<6x3x8x128xf32, #tpu.memory_space<vmem>>[vector<16xi32>, vector<16xi32>, vector<16xi32>, vector<16xi32>], vector<16xf32>,
        %parallel_loop3A_189 = arith.constant 0 : i32
        %parallel_loop3A_190 = arith.index_cast %parallel_loop3A_152 : i32 to index
        %parallel_loop3A_191 = arith.index_cast %parallel_loop3A_189 : i32 to index
        %parallel_loop3A_192 = arith.index_cast %parallel_loop3A_154 : i32 to index
        %parallel_loop3A_193 = arith.constant 16 : index
        %parallel_loop3A_194 = tpu.vector_load %arg9[%parallel_loop3A_190, %parallel_loop3A_191, %parallel_loop3A_192, %parallel_loop3A_193] {strides = array<i32>} : memref<6x3x8x128xf32, #tpu.memory_space<vmem>>, vector<16xf32>,
        tpu.vector_store %arg9[%parallel_loop3A_190, %parallel_loop3A_191, %parallel_loop3A_192, %parallel_loop3A_193], %parallel_loop3A_188 {strides = array<i32>} : memref<6x3x8x128xf32, #tpu.memory_space<vmem>>, vector<16xf32>,
        %parallel_loop3A_195 = arith.constant 0 : i32
        %parallel_loop3A_196 = arith.index_cast %parallel_loop3A_152 : i32 to index
        %parallel_loop3A_197 = arith.index_cast %parallel_loop3A_195 : i32 to index
        %parallel_loop3A_198 = arith.index_cast %parallel_loop3A_154 : i32 to index
        %parallel_loop3A_199 = arith.constant 32 : index
        %parallel_loop3A_200 = tpu.vector_load %arg7[%parallel_loop3A_196, %parallel_loop3A_197, %parallel_loop3A_198, %parallel_loop3A_199] {strides = array<i32>} : memref<6x3x8x128xi32, #tpu.memory_space<vmem>>, vector<16xi32>,
        %parallel_loop3A_201 = arith.constant 7 : i32
        %parallel_loop3A_202 = vector.broadcast %parallel_loop3A_201 : i32 to vector<16xi32>
        %parallel_loop3A_203 = arith.shrui %parallel_loop3A_200, %parallel_loop3A_202 : vector<16xi32>
        %parallel_loop3A_204 = arith.constant 127 : i32
        %parallel_loop3A_205 = vector.broadcast %parallel_loop3A_204 : i32 to vector<16xi32>
        %parallel_loop3A_206 = arith.andi %parallel_loop3A_200, %parallel_loop3A_205 : vector<16xi32>
        %parallel_loop3A_207 = tpu.vector_load_idx %arg5[%parallel_loop3A_155, %parallel_loop3A_203, %parallel_loop3A_156, %parallel_loop3A_206] : memref<6x3x8x128xf32, #tpu.memory_space<vmem>>[vector<16xi32>, vector<16xi32>, vector<16xi32>, vector<16xi32>], vector<16xf32>,
        %parallel_loop3A_208 = arith.constant 0 : i32
        %parallel_loop3A_209 = arith.index_cast %parallel_loop3A_152 : i32 to index
        %parallel_loop3A_210 = arith.index_cast %parallel_loop3A_208 : i32 to index
        %parallel_loop3A_211 = arith.index_cast %parallel_loop3A_154 : i32 to index
        %parallel_loop3A_212 = arith.constant 32 : index
        %parallel_loop3A_213 = tpu.vector_load %arg9[%parallel_loop3A_209, %parallel_loop3A_210, %parallel_loop3A_211, %parallel_loop3A_212] {strides = array<i32>} : memref<6x3x8x128xf32, #tpu.memory_space<vmem>>, vector<16xf32>,
        tpu.vector_store %arg9[%parallel_loop3A_209, %parallel_loop3A_210, %parallel_loop3A_211, %parallel_loop3A_212], %parallel_loop3A_207 {strides = array<i32>} : memref<6x3x8x128xf32, #tpu.memory_space<vmem>>, vector<16xf32>,
        %parallel_loop3A_214 = arith.constant 0 : i32
        %parallel_loop3A_215 = arith.index_cast %parallel_loop3A_152 : i32 to index
        %parallel_loop3A_216 = arith.index_cast %parallel_loop3A_214 : i32 to index
        %parallel_loop3A_217 = arith.index_cast %parallel_loop3A_154 : i32 to index
        %parallel_loop3A_218 = arith.constant 48 : index
        %parallel_loop3A_219 = tpu.vector_load %arg7[%parallel_loop3A_215, %parallel_loop3A_216, %parallel_loop3A_217, %parallel_loop3A_218] {strides = array<i32>} : memref<6x3x8x128xi32, #tpu.memory_space<vmem>>, vector<16xi32>,
        %parallel_loop3A_220 = arith.constant 7 : i32
        %parallel_loop3A_221 = vector.broadcast %parallel_loop3A_220 : i32 to vector<16xi32>
        %parallel_loop3A_222 = arith.shrui %parallel_loop3A_219, %parallel_loop3A_221 : vector<16xi32>
        %parallel_loop3A_223 = arith.constant 127 : i32
        %parallel_loop3A_224 = vector.broadcast %parallel_loop3A_223 : i32 to vector<16xi32>
        %parallel_loop3A_225 = arith.andi %parallel_loop3A_219, %parallel_loop3A_224 : vector<16xi32>
        %parallel_loop3A_226 = tpu.vector_load_idx %arg5[%parallel_loop3A_155, %parallel_loop3A_222, %parallel_loop3A_156, %parallel_loop3A_225] : memref<6x3x8x128xf32, #tpu.memory_space<vmem>>[vector<16xi32>, vector<16xi32>, vector<16xi32>, vector<16xi32>], vector<16xf32>,
        %parallel_loop3A_227 = arith.constant 0 : i32
        %parallel_loop3A_228 = arith.index_cast %parallel_loop3A_152 : i32 to index
        %parallel_loop3A_229 = arith.index_cast %parallel_loop3A_227 : i32 to index
        %parallel_loop3A_230 = arith.index_cast %parallel_loop3A_154 : i32 to index
        %parallel_loop3A_231 = arith.constant 48 : index
        %parallel_loop3A_232 = tpu.vector_load %arg9[%parallel_loop3A_228, %parallel_loop3A_229, %parallel_loop3A_230, %parallel_loop3A_231] {strides = array<i32>} : memref<6x3x8x128xf32, #tpu.memory_space<vmem>>, vector<16xf32>,
        tpu.vector_store %arg9[%parallel_loop3A_228, %parallel_loop3A_229, %parallel_loop3A_230, %parallel_loop3A_231], %parallel_loop3A_226 {strides = array<i32>} : memref<6x3x8x128xf32, #tpu.memory_space<vmem>>, vector<16xf32>,
        %parallel_loop3A_233 = arith.constant 0 : i32
        %parallel_loop3A_234 = arith.index_cast %parallel_loop3A_152 : i32 to index
        %parallel_loop3A_235 = arith.index_cast %parallel_loop3A_233 : i32 to index
        %parallel_loop3A_236 = arith.index_cast %parallel_loop3A_154 : i32 to index
        %parallel_loop3A_237 = arith.constant 64 : index
        %parallel_loop3A_238 = tpu.vector_load %arg7[%parallel_loop3A_234, %parallel_loop3A_235, %parallel_loop3A_236, %parallel_loop3A_237] {strides = array<i32>} : memref<6x3x8x128xi32, #tpu.memory_space<vmem>>, vector<16xi32>,
        %parallel_loop3A_239 = arith.constant 7 : i32
        %parallel_loop3A_240 = vector.broadcast %parallel_loop3A_239 : i32 to vector<16xi32>
        %parallel_loop3A_241 = arith.shrui %parallel_loop3A_238, %parallel_loop3A_240 : vector<16xi32>
        %parallel_loop3A_242 = arith.constant 127 : i32
        %parallel_loop3A_243 = vector.broadcast %parallel_loop3A_242 : i32 to vector<16xi32>
        %parallel_loop3A_244 = arith.andi %parallel_loop3A_238, %parallel_loop3A_243 : vector<16xi32>
        %parallel_loop3A_245 = tpu.vector_load_idx %arg5[%parallel_loop3A_155, %parallel_loop3A_241, %parallel_loop3A_156, %parallel_loop3A_244] : memref<6x3x8x128xf32, #tpu.memory_space<vmem>>[vector<16xi32>, vector<16xi32>, vector<16xi32>, vector<16xi32>], vector<16xf32>,
        %parallel_loop3A_246 = arith.constant 0 : i32
        %parallel_loop3A_247 = arith.index_cast %parallel_loop3A_152 : i32 to index
        %parallel_loop3A_248 = arith.index_cast %parallel_loop3A_246 : i32 to index
        %parallel_loop3A_249 = arith.index_cast %parallel_loop3A_154 : i32 to index
        %parallel_loop3A_250 = arith.constant 64 : index
        %parallel_loop3A_251 = tpu.vector_load %arg9[%parallel_loop3A_247, %parallel_loop3A_248, %parallel_loop3A_249, %parallel_loop3A_250] {strides = array<i32>} : memref<6x3x8x128xf32, #tpu.memory_space<vmem>>, vector<16xf32>,
        tpu.vector_store %arg9[%parallel_loop3A_247, %parallel_loop3A_248, %parallel_loop3A_249, %parallel_loop3A_250], %parallel_loop3A_245 {strides = array<i32>} : memref<6x3x8x128xf32, #tpu.memory_space<vmem>>, vector<16xf32>,
        %parallel_loop3A_252 = arith.constant 0 : i32
        %parallel_loop3A_253 = arith.index_cast %parallel_loop3A_152 : i32 to index
        %parallel_loop3A_254 = arith.index_cast %parallel_loop3A_252 : i32 to index
        %parallel_loop3A_255 = arith.index_cast %parallel_loop3A_154 : i32 to index
        %parallel_loop3A_256 = arith.constant 80 : index
        %parallel_loop3A_257 = tpu.vector_load %arg7[%parallel_loop3A_253, %parallel_loop3A_254, %parallel_loop3A_255, %parallel_loop3A_256] {strides = array<i32>} : memref<6x3x8x128xi32, #tpu.memory_space<vmem>>, vector<16xi32>,
        %parallel_loop3A_258 = arith.constant 7 : i32
        %parallel_loop3A_259 = vector.broadcast %parallel_loop3A_258 : i32 to vector<16xi32>
        %parallel_loop3A_260 = arith.shrui %parallel_loop3A_257, %parallel_loop3A_259 : vector<16xi32>
        %parallel_loop3A_261 = arith.constant 127 : i32
        %parallel_loop3A_262 = vector.broadcast %parallel_loop3A_261 : i32 to vector<16xi32>
        %parallel_loop3A_263 = arith.andi %parallel_loop3A_257, %parallel_loop3A_262 : vector<16xi32>
        %parallel_loop3A_264 = tpu.vector_load_idx %arg5[%parallel_loop3A_155, %parallel_loop3A_260, %parallel_loop3A_156, %parallel_loop3A_263] : memref<6x3x8x128xf32, #tpu.memory_space<vmem>>[vector<16xi32>, vector<16xi32>, vector<16xi32>, vector<16xi32>], vector<16xf32>,
        %parallel_loop3A_265 = arith.constant 0 : i32
        %parallel_loop3A_266 = arith.index_cast %parallel_loop3A_152 : i32 to index
        %parallel_loop3A_267 = arith.index_cast %parallel_loop3A_265 : i32 to index
        %parallel_loop3A_268 = arith.index_cast %parallel_loop3A_154 : i32 to index
        %parallel_loop3A_269 = arith.constant 80 : index
        %parallel_loop3A_270 = tpu.vector_load %arg9[%parallel_loop3A_266, %parallel_loop3A_267, %parallel_loop3A_268, %parallel_loop3A_269] {strides = array<i32>} : memref<6x3x8x128xf32, #tpu.memory_space<vmem>>, vector<16xf32>,
        tpu.vector_store %arg9[%parallel_loop3A_266, %parallel_loop3A_267, %parallel_loop3A_268, %parallel_loop3A_269], %parallel_loop3A_264 {strides = array<i32>} : memref<6x3x8x128xf32, #tpu.memory_space<vmem>>, vector<16xf32>,
        %parallel_loop3A_271 = arith.constant 0 : i32
        %parallel_loop3A_272 = arith.index_cast %parallel_loop3A_152 : i32 to index
        %parallel_loop3A_273 = arith.index_cast %parallel_loop3A_271 : i32 to index
        %parallel_loop3A_274 = arith.index_cast %parallel_loop3A_154 : i32 to index
        %parallel_loop3A_275 = arith.constant 96 : index
        %parallel_loop3A_276 = tpu.vector_load %arg7[%parallel_loop3A_272, %parallel_loop3A_273, %parallel_loop3A_274, %parallel_loop3A_275] {strides = array<i32>} : memref<6x3x8x128xi32, #tpu.memory_space<vmem>>, vector<16xi32>,
        %parallel_loop3A_277 = arith.constant 7 : i32
        %parallel_loop3A_278 = vector.broadcast %parallel_loop3A_277 : i32 to vector<16xi32>
        %parallel_loop3A_279 = arith.shrui %parallel_loop3A_276, %parallel_loop3A_278 : vector<16xi32>
        %parallel_loop3A_280 = arith.constant 127 : i32
        %parallel_loop3A_281 = vector.broadcast %parallel_loop3A_280 : i32 to vector<16xi32>
        %parallel_loop3A_282 = arith.andi %parallel_loop3A_276, %parallel_loop3A_281 : vector<16xi32>
        %parallel_loop3A_283 = tpu.vector_load_idx %arg5[%parallel_loop3A_155, %parallel_loop3A_279, %parallel_loop3A_156, %parallel_loop3A_282] : memref<6x3x8x128xf32, #tpu.memory_space<vmem>>[vector<16xi32>, vector<16xi32>, vector<16xi32>, vector<16xi32>], vector<16xf32>,
        %parallel_loop3A_284 = arith.constant 0 : i32
        %parallel_loop3A_285 = arith.index_cast %parallel_loop3A_152 : i32 to index
        %parallel_loop3A_286 = arith.index_cast %parallel_loop3A_284 : i32 to index
        %parallel_loop3A_287 = arith.index_cast %parallel_loop3A_154 : i32 to index
        %parallel_loop3A_288 = arith.constant 96 : index
        %parallel_loop3A_289 = tpu.vector_load %arg9[%parallel_loop3A_285, %parallel_loop3A_286, %parallel_loop3A_287, %parallel_loop3A_288] {strides = array<i32>} : memref<6x3x8x128xf32, #tpu.memory_space<vmem>>, vector<16xf32>,
        tpu.vector_store %arg9[%parallel_loop3A_285, %parallel_loop3A_286, %parallel_loop3A_287, %parallel_loop3A_288], %parallel_loop3A_283 {strides = array<i32>} : memref<6x3x8x128xf32, #tpu.memory_space<vmem>>, vector<16xf32>,
        %parallel_loop3A_290 = arith.constant 0 : i32
        %parallel_loop3A_291 = arith.index_cast %parallel_loop3A_152 : i32 to index
        %parallel_loop3A_292 = arith.index_cast %parallel_loop3A_290 : i32 to index
        %parallel_loop3A_293 = arith.index_cast %parallel_loop3A_154 : i32 to index
        %parallel_loop3A_294 = arith.constant 112 : index
        %parallel_loop3A_295 = tpu.vector_load %arg7[%parallel_loop3A_291, %parallel_loop3A_292, %parallel_loop3A_293, %parallel_loop3A_294] {strides = array<i32>} : memref<6x3x8x128xi32, #tpu.memory_space<vmem>>, vector<16xi32>,
        %parallel_loop3A_296 = arith.constant 7 : i32
        %parallel_loop3A_297 = vector.broadcast %parallel_loop3A_296 : i32 to vector<16xi32>
        %parallel_loop3A_298 = arith.shrui %parallel_loop3A_295, %parallel_loop3A_297 : vector<16xi32>
        %parallel_loop3A_299 = arith.constant 127 : i32
        %parallel_loop3A_300 = vector.broadcast %parallel_loop3A_299 : i32 to vector<16xi32>
        %parallel_loop3A_301 = arith.andi %parallel_loop3A_295, %parallel_loop3A_300 : vector<16xi32>
        %parallel_loop3A_302 = tpu.vector_load_idx %arg5[%parallel_loop3A_155, %parallel_loop3A_298, %parallel_loop3A_156, %parallel_loop3A_301] : memref<6x3x8x128xf32, #tpu.memory_space<vmem>>[vector<16xi32>, vector<16xi32>, vector<16xi32>, vector<16xi32>], vector<16xf32>,
        %parallel_loop3A_303 = arith.constant 0 : i32
        %parallel_loop3A_304 = arith.index_cast %parallel_loop3A_152 : i32 to index
        %parallel_loop3A_305 = arith.index_cast %parallel_loop3A_303 : i32 to index
        %parallel_loop3A_306 = arith.index_cast %parallel_loop3A_154 : i32 to index
        %parallel_loop3A_307 = arith.constant 112 : index
        %parallel_loop3A_308 = tpu.vector_load %arg9[%parallel_loop3A_304, %parallel_loop3A_305, %parallel_loop3A_306, %parallel_loop3A_307] {strides = array<i32>} : memref<6x3x8x128xf32, #tpu.memory_space<vmem>>, vector<16xf32>,
        tpu.vector_store %arg9[%parallel_loop3A_304, %parallel_loop3A_305, %parallel_loop3A_306, %parallel_loop3A_307], %parallel_loop3A_302 {strides = array<i32>} : memref<6x3x8x128xf32, #tpu.memory_space<vmem>>, vector<16xf32>,
        %parallel_loop3A_309 = arith.constant 1 : i32
        %parallel_loop3A_310 = arith.index_cast %parallel_loop3A_152 : i32 to index
        %parallel_loop3A_311 = arith.index_cast %parallel_loop3A_309 : i32 to index
        %parallel_loop3A_312 = arith.index_cast %parallel_loop3A_154 : i32 to index
        %parallel_loop3A_313 = arith.constant 0 : index
        %parallel_loop3A_314 = tpu.vector_load %arg7[%parallel_loop3A_310, %parallel_loop3A_311, %parallel_loop3A_312, %parallel_loop3A_313] {strides = array<i32>} : memref<6x3x8x128xi32, #tpu.memory_space<vmem>>, vector<16xi32>,
        %parallel_loop3A_315 = arith.constant 7 : i32
        %parallel_loop3A_316 = vector.broadcast %parallel_loop3A_315 : i32 to vector<16xi32>
        %parallel_loop3A_317 = arith.shrui %parallel_loop3A_314, %parallel_loop3A_316 : vector<16xi32>
        %parallel_loop3A_318 = arith.constant 127 : i32
        %parallel_loop3A_319 = vector.broadcast %parallel_loop3A_318 : i32 to vector<16xi32>
        %parallel_loop3A_320 = arith.andi %parallel_loop3A_314, %parallel_loop3A_319 : vector<16xi32>
        %parallel_loop3A_321 = tpu.vector_load_idx %arg5[%parallel_loop3A_155, %parallel_loop3A_317, %parallel_loop3A_156, %parallel_loop3A_320] : memref<6x3x8x128xf32, #tpu.memory_space<vmem>>[vector<16xi32>, vector<16xi32>, vector<16xi32>, vector<16xi32>], vector<16xf32>,
        %parallel_loop3A_322 = arith.constant 1 : i32
        %parallel_loop3A_323 = arith.index_cast %parallel_loop3A_152 : i32 to index
        %parallel_loop3A_324 = arith.index_cast %parallel_loop3A_322 : i32 to index
        %parallel_loop3A_325 = arith.index_cast %parallel_loop3A_154 : i32 to index
        %parallel_loop3A_326 = arith.constant 0 : index
        %parallel_loop3A_327 = tpu.vector_load %arg9[%parallel_loop3A_323, %parallel_loop3A_324, %parallel_loop3A_325, %parallel_loop3A_326] {strides = array<i32>} : memref<6x3x8x128xf32, #tpu.memory_space<vmem>>, vector<16xf32>,
        tpu.vector_store %arg9[%parallel_loop3A_323, %parallel_loop3A_324, %parallel_loop3A_325, %parallel_loop3A_326], %parallel_loop3A_321 {strides = array<i32>} : memref<6x3x8x128xf32, #tpu.memory_space<vmem>>, vector<16xf32>,
        %parallel_loop3A_328 = arith.constant 1 : i32
        %parallel_loop3A_329 = arith.index_cast %parallel_loop3A_152 : i32 to index
        %parallel_loop3A_330 = arith.index_cast %parallel_loop3A_328 : i32 to index
        %parallel_loop3A_331 = arith.index_cast %parallel_loop3A_154 : i32 to index
        %parallel_loop3A_332 = arith.constant 16 : index
        %parallel_loop3A_333 = tpu.vector_load %arg7[%parallel_loop3A_329, %parallel_loop3A_330, %parallel_loop3A_331, %parallel_loop3A_332] {strides = array<i32>} : memref<6x3x8x128xi32, #tpu.memory_space<vmem>>, vector<16xi32>,
        %parallel_loop3A_334 = arith.constant 7 : i32
        %parallel_loop3A_335 = vector.broadcast %parallel_loop3A_334 : i32 to vector<16xi32>
        %parallel_loop3A_336 = arith.shrui %parallel_loop3A_333, %parallel_loop3A_335 : vector<16xi32>
        %parallel_loop3A_337 = arith.constant 127 : i32
        %parallel_loop3A_338 = vector.broadcast %parallel_loop3A_337 : i32 to vector<16xi32>
        %parallel_loop3A_339 = arith.andi %parallel_loop3A_333, %parallel_loop3A_338 : vector<16xi32>
        %parallel_loop3A_340 = tpu.vector_load_idx %arg5[%parallel_loop3A_155, %parallel_loop3A_336, %parallel_loop3A_156, %parallel_loop3A_339] : memref<6x3x8x128xf32, #tpu.memory_space<vmem>>[vector<16xi32>, vector<16xi32>, vector<16xi32>, vector<16xi32>], vector<16xf32>,
        %parallel_loop3A_341 = arith.constant 1 : i32
        %parallel_loop3A_342 = arith.index_cast %parallel_loop3A_152 : i32 to index
        %parallel_loop3A_343 = arith.index_cast %parallel_loop3A_341 : i32 to index
        %parallel_loop3A_344 = arith.index_cast %parallel_loop3A_154 : i32 to index
        %parallel_loop3A_345 = arith.constant 16 : index
        %parallel_loop3A_346 = tpu.vector_load %arg9[%parallel_loop3A_342, %parallel_loop3A_343, %parallel_loop3A_344, %parallel_loop3A_345] {strides = array<i32>} : memref<6x3x8x128xf32, #tpu.memory_space<vmem>>, vector<16xf32>,
        tpu.vector_store %arg9[%parallel_loop3A_342, %parallel_loop3A_343, %parallel_loop3A_344, %parallel_loop3A_345], %parallel_loop3A_340 {strides = array<i32>} : memref<6x3x8x128xf32, #tpu.memory_space<vmem>>, vector<16xf32>,
        %parallel_loop3A_347 = arith.constant 1 : i32
        %parallel_loop3A_348 = arith.index_cast %parallel_loop3A_152 : i32 to index
        %parallel_loop3A_349 = arith.index_cast %parallel_loop3A_347 : i32 to index
        %parallel_loop3A_350 = arith.index_cast %parallel_loop3A_154 : i32 to index
        %parallel_loop3A_351 = arith.constant 32 : index
        %parallel_loop3A_352 = tpu.vector_load %arg7[%parallel_loop3A_348, %parallel_loop3A_349, %parallel_loop3A_350, %parallel_loop3A_351] {strides = array<i32>} : memref<6x3x8x128xi32, #tpu.memory_space<vmem>>, vector<16xi32>,
        %parallel_loop3A_353 = arith.constant 7 : i32
        %parallel_loop3A_354 = vector.broadcast %parallel_loop3A_353 : i32 to vector<16xi32>
        %parallel_loop3A_355 = arith.shrui %parallel_loop3A_352, %parallel_loop3A_354 : vector<16xi32>
        %parallel_loop3A_356 = arith.constant 127 : i32
        %parallel_loop3A_357 = vector.broadcast %parallel_loop3A_356 : i32 to vector<16xi32>
        %parallel_loop3A_358 = arith.andi %parallel_loop3A_352, %parallel_loop3A_357 : vector<16xi32>
        %parallel_loop3A_359 = tpu.vector_load_idx %arg5[%parallel_loop3A_155, %parallel_loop3A_355, %parallel_loop3A_156, %parallel_loop3A_358] : memref<6x3x8x128xf32, #tpu.memory_space<vmem>>[vector<16xi32>, vector<16xi32>, vector<16xi32>, vector<16xi32>], vector<16xf32>,
        %parallel_loop3A_360 = arith.constant 1 : i32
        %parallel_loop3A_361 = arith.index_cast %parallel_loop3A_152 : i32 to index
        %parallel_loop3A_362 = arith.index_cast %parallel_loop3A_360 : i32 to index
        %parallel_loop3A_363 = arith.index_cast %parallel_loop3A_154 : i32 to index
        %parallel_loop3A_364 = arith.constant 32 : index
        %parallel_loop3A_365 = tpu.vector_load %arg9[%parallel_loop3A_361, %parallel_loop3A_362, %parallel_loop3A_363, %parallel_loop3A_364] {strides = array<i32>} : memref<6x3x8x128xf32, #tpu.memory_space<vmem>>, vector<16xf32>,
        tpu.vector_store %arg9[%parallel_loop3A_361, %parallel_loop3A_362, %parallel_loop3A_363, %parallel_loop3A_364], %parallel_loop3A_359 {strides = array<i32>} : memref<6x3x8x128xf32, #tpu.memory_space<vmem>>, vector<16xf32>,
        %parallel_loop3A_366 = arith.constant 1 : i32
        %parallel_loop3A_367 = arith.index_cast %parallel_loop3A_152 : i32 to index
        %parallel_loop3A_368 = arith.index_cast %parallel_loop3A_366 : i32 to index
        %parallel_loop3A_369 = arith.index_cast %parallel_loop3A_154 : i32 to index
        %parallel_loop3A_370 = arith.constant 48 : index
        %parallel_loop3A_371 = tpu.vector_load %arg7[%parallel_loop3A_367, %parallel_loop3A_368, %parallel_loop3A_369, %parallel_loop3A_370] {strides = array<i32>} : memref<6x3x8x128xi32, #tpu.memory_space<vmem>>, vector<16xi32>,
        %parallel_loop3A_372 = arith.constant 7 : i32
        %parallel_loop3A_373 = vector.broadcast %parallel_loop3A_372 : i32 to vector<16xi32>
        %parallel_loop3A_374 = arith.shrui %parallel_loop3A_371, %parallel_loop3A_373 : vector<16xi32>
        %parallel_loop3A_375 = arith.constant 127 : i32
        %parallel_loop3A_376 = vector.broadcast %parallel_loop3A_375 : i32 to vector<16xi32>
        %parallel_loop3A_377 = arith.andi %parallel_loop3A_371, %parallel_loop3A_376 : vector<16xi32>
        %parallel_loop3A_378 = tpu.vector_load_idx %arg5[%parallel_loop3A_155, %parallel_loop3A_374, %parallel_loop3A_156, %parallel_loop3A_377] : memref<6x3x8x128xf32, #tpu.memory_space<vmem>>[vector<16xi32>, vector<16xi32>, vector<16xi32>, vector<16xi32>], vector<16xf32>,
        %parallel_loop3A_379 = arith.constant 1 : i32
        %parallel_loop3A_380 = arith.index_cast %parallel_loop3A_152 : i32 to index
        %parallel_loop3A_381 = arith.index_cast %parallel_loop3A_379 : i32 to index
        %parallel_loop3A_382 = arith.index_cast %parallel_loop3A_154 : i32 to index
        %parallel_loop3A_383 = arith.constant 48 : index
        %parallel_loop3A_384 = tpu.vector_load %arg9[%parallel_loop3A_380, %parallel_loop3A_381, %parallel_loop3A_382, %parallel_loop3A_383] {strides = array<i32>} : memref<6x3x8x128xf32, #tpu.memory_space<vmem>>, vector<16xf32>,
        tpu.vector_store %arg9[%parallel_loop3A_380, %parallel_loop3A_381, %parallel_loop3A_382, %parallel_loop3A_383], %parallel_loop3A_378 {strides = array<i32>} : memref<6x3x8x128xf32, #tpu.memory_space<vmem>>, vector<16xf32>,
        %parallel_loop3A_385 = arith.constant 1 : i32
        %parallel_loop3A_386 = arith.index_cast %parallel_loop3A_152 : i32 to index
        %parallel_loop3A_387 = arith.index_cast %parallel_loop3A_385 : i32 to index
        %parallel_loop3A_388 = arith.index_cast %parallel_loop3A_154 : i32 to index
        %parallel_loop3A_389 = arith.constant 64 : index
        %parallel_loop3A_390 = tpu.vector_load %arg7[%parallel_loop3A_386, %parallel_loop3A_387, %parallel_loop3A_388, %parallel_loop3A_389] {strides = array<i32>} : memref<6x3x8x128xi32, #tpu.memory_space<vmem>>, vector<16xi32>,
        %parallel_loop3A_391 = arith.constant 7 : i32
        %parallel_loop3A_392 = vector.broadcast %parallel_loop3A_391 : i32 to vector<16xi32>
        %parallel_loop3A_393 = arith.shrui %parallel_loop3A_390, %parallel_loop3A_392 : vector<16xi32>
        %parallel_loop3A_394 = arith.constant 127 : i32
        %parallel_loop3A_395 = vector.broadcast %parallel_loop3A_394 : i32 to vector<16xi32>
        %parallel_loop3A_396 = arith.andi %parallel_loop3A_390, %parallel_loop3A_395 : vector<16xi32>
        %parallel_loop3A_397 = tpu.vector_load_idx %arg5[%parallel_loop3A_155, %parallel_loop3A_393, %parallel_loop3A_156, %parallel_loop3A_396] : memref<6x3x8x128xf32, #tpu.memory_space<vmem>>[vector<16xi32>, vector<16xi32>, vector<16xi32>, vector<16xi32>], vector<16xf32>,
        %parallel_loop3A_398 = arith.constant 1 : i32
        %parallel_loop3A_399 = arith.index_cast %parallel_loop3A_152 : i32 to index
        %parallel_loop3A_400 = arith.index_cast %parallel_loop3A_398 : i32 to index
        %parallel_loop3A_401 = arith.index_cast %parallel_loop3A_154 : i32 to index
        %parallel_loop3A_402 = arith.constant 64 : index
        %parallel_loop3A_403 = tpu.vector_load %arg9[%parallel_loop3A_399, %parallel_loop3A_400, %parallel_loop3A_401, %parallel_loop3A_402] {strides = array<i32>} : memref<6x3x8x128xf32, #tpu.memory_space<vmem>>, vector<16xf32>,
        tpu.vector_store %arg9[%parallel_loop3A_399, %parallel_loop3A_400, %parallel_loop3A_401, %parallel_loop3A_402], %parallel_loop3A_397 {strides = array<i32>} : memref<6x3x8x128xf32, #tpu.memory_space<vmem>>, vector<16xf32>,
        %parallel_loop3A_404 = arith.constant 1 : i32
        %parallel_loop3A_405 = arith.index_cast %parallel_loop3A_152 : i32 to index
        %parallel_loop3A_406 = arith.index_cast %parallel_loop3A_404 : i32 to index
        %parallel_loop3A_407 = arith.index_cast %parallel_loop3A_154 : i32 to index
        %parallel_loop3A_408 = arith.constant 80 : index
        %parallel_loop3A_409 = tpu.vector_load %arg7[%parallel_loop3A_405, %parallel_loop3A_406, %parallel_loop3A_407, %parallel_loop3A_408] {strides = array<i32>} : memref<6x3x8x128xi32, #tpu.memory_space<vmem>>, vector<16xi32>,
        %parallel_loop3A_410 = arith.constant 7 : i32
        %parallel_loop3A_411 = vector.broadcast %parallel_loop3A_410 : i32 to vector<16xi32>
        %parallel_loop3A_412 = arith.shrui %parallel_loop3A_409, %parallel_loop3A_411 : vector<16xi32>
        %parallel_loop3A_413 = arith.constant 127 : i32
        %parallel_loop3A_414 = vector.broadcast %parallel_loop3A_413 : i32 to vector<16xi32>
        %parallel_loop3A_415 = arith.andi %parallel_loop3A_409, %parallel_loop3A_414 : vector<16xi32>
        %parallel_loop3A_416 = tpu.vector_load_idx %arg5[%parallel_loop3A_155, %parallel_loop3A_412, %parallel_loop3A_156, %parallel_loop3A_415] : memref<6x3x8x128xf32, #tpu.memory_space<vmem>>[vector<16xi32>, vector<16xi32>, vector<16xi32>, vector<16xi32>], vector<16xf32>,
        %parallel_loop3A_417 = arith.constant 1 : i32
        %parallel_loop3A_418 = arith.index_cast %parallel_loop3A_152 : i32 to index
        %parallel_loop3A_419 = arith.index_cast %parallel_loop3A_417 : i32 to index
        %parallel_loop3A_420 = arith.index_cast %parallel_loop3A_154 : i32 to index
        %parallel_loop3A_421 = arith.constant 80 : index
        %parallel_loop3A_422 = tpu.vector_load %arg9[%parallel_loop3A_418, %parallel_loop3A_419, %parallel_loop3A_420, %parallel_loop3A_421] {strides = array<i32>} : memref<6x3x8x128xf32, #tpu.memory_space<vmem>>, vector<16xf32>,
        tpu.vector_store %arg9[%parallel_loop3A_418, %parallel_loop3A_419, %parallel_loop3A_420, %parallel_loop3A_421], %parallel_loop3A_416 {strides = array<i32>} : memref<6x3x8x128xf32, #tpu.memory_space<vmem>>, vector<16xf32>,
        %parallel_loop3A_423 = arith.constant 1 : i32
        %parallel_loop3A_424 = arith.index_cast %parallel_loop3A_152 : i32 to index
        %parallel_loop3A_425 = arith.index_cast %parallel_loop3A_423 : i32 to index
        %parallel_loop3A_426 = arith.index_cast %parallel_loop3A_154 : i32 to index
        %parallel_loop3A_427 = arith.constant 96 : index
        %parallel_loop3A_428 = tpu.vector_load %arg7[%parallel_loop3A_424, %parallel_loop3A_425, %parallel_loop3A_426, %parallel_loop3A_427] {strides = array<i32>} : memref<6x3x8x128xi32, #tpu.memory_space<vmem>>, vector<16xi32>,
        %parallel_loop3A_429 = arith.constant 7 : i32
        %parallel_loop3A_430 = vector.broadcast %parallel_loop3A_429 : i32 to vector<16xi32>
        %parallel_loop3A_431 = arith.shrui %parallel_loop3A_428, %parallel_loop3A_430 : vector<16xi32>
        %parallel_loop3A_432 = arith.constant 127 : i32
        %parallel_loop3A_433 = vector.broadcast %parallel_loop3A_432 : i32 to vector<16xi32>
        %parallel_loop3A_434 = arith.andi %parallel_loop3A_428, %parallel_loop3A_433 : vector<16xi32>
        %parallel_loop3A_435 = tpu.vector_load_idx %arg5[%parallel_loop3A_155, %parallel_loop3A_431, %parallel_loop3A_156, %parallel_loop3A_434] : memref<6x3x8x128xf32, #tpu.memory_space<vmem>>[vector<16xi32>, vector<16xi32>, vector<16xi32>, vector<16xi32>], vector<16xf32>,
        %parallel_loop3A_436 = arith.constant 1 : i32
        %parallel_loop3A_437 = arith.index_cast %parallel_loop3A_152 : i32 to index
        %parallel_loop3A_438 = arith.index_cast %parallel_loop3A_436 : i32 to index
        %parallel_loop3A_439 = arith.index_cast %parallel_loop3A_154 : i32 to index
        %parallel_loop3A_440 = arith.constant 96 : index
        %parallel_loop3A_441 = tpu.vector_load %arg9[%parallel_loop3A_437, %parallel_loop3A_438, %parallel_loop3A_439, %parallel_loop3A_440] {strides = array<i32>} : memref<6x3x8x128xf32, #tpu.memory_space<vmem>>, vector<16xf32>,
        tpu.vector_store %arg9[%parallel_loop3A_437, %parallel_loop3A_438, %parallel_loop3A_439, %parallel_loop3A_440], %parallel_loop3A_435 {strides = array<i32>} : memref<6x3x8x128xf32, #tpu.memory_space<vmem>>, vector<16xf32>,
        %parallel_loop3A_442 = arith.constant 1 : i32
        %parallel_loop3A_443 = arith.index_cast %parallel_loop3A_152 : i32 to index
        %parallel_loop3A_444 = arith.index_cast %parallel_loop3A_442 : i32 to index
        %parallel_loop3A_445 = arith.index_cast %parallel_loop3A_154 : i32 to index
        %parallel_loop3A_446 = arith.constant 112 : index
        %parallel_loop3A_447 = tpu.vector_load %arg7[%parallel_loop3A_443, %parallel_loop3A_444, %parallel_loop3A_445, %parallel_loop3A_446] {strides = array<i32>} : memref<6x3x8x128xi32, #tpu.memory_space<vmem>>, vector<16xi32>,
        %parallel_loop3A_448 = arith.constant 7 : i32
        %parallel_loop3A_449 = vector.broadcast %parallel_loop3A_448 : i32 to vector<16xi32>
        %parallel_loop3A_450 = arith.shrui %parallel_loop3A_447, %parallel_loop3A_449 : vector<16xi32>
        %parallel_loop3A_451 = arith.constant 127 : i32
        %parallel_loop3A_452 = vector.broadcast %parallel_loop3A_451 : i32 to vector<16xi32>
        %parallel_loop3A_453 = arith.andi %parallel_loop3A_447, %parallel_loop3A_452 : vector<16xi32>
        %parallel_loop3A_454 = tpu.vector_load_idx %arg5[%parallel_loop3A_155, %parallel_loop3A_450, %parallel_loop3A_156, %parallel_loop3A_453] : memref<6x3x8x128xf32, #tpu.memory_space<vmem>>[vector<16xi32>, vector<16xi32>, vector<16xi32>, vector<16xi32>], vector<16xf32>,
        %parallel_loop3A_455 = arith.constant 1 : i32
        %parallel_loop3A_456 = arith.index_cast %parallel_loop3A_152 : i32 to index
        %parallel_loop3A_457 = arith.index_cast %parallel_loop3A_455 : i32 to index
        %parallel_loop3A_458 = arith.index_cast %parallel_loop3A_154 : i32 to index
        %parallel_loop3A_459 = arith.constant 112 : index
        %parallel_loop3A_460 = tpu.vector_load %arg9[%parallel_loop3A_456, %parallel_loop3A_457, %parallel_loop3A_458, %parallel_loop3A_459] {strides = array<i32>} : memref<6x3x8x128xf32, #tpu.memory_space<vmem>>, vector<16xf32>,
        tpu.vector_store %arg9[%parallel_loop3A_456, %parallel_loop3A_457, %parallel_loop3A_458, %parallel_loop3A_459], %parallel_loop3A_454 {strides = array<i32>} : memref<6x3x8x128xf32, #tpu.memory_space<vmem>>, vector<16xf32>,
        %parallel_loop3A_461 = arith.constant 2 : i32
        %parallel_loop3A_462 = arith.index_cast %parallel_loop3A_152 : i32 to index
        %parallel_loop3A_463 = arith.index_cast %parallel_loop3A_461 : i32 to index
        %parallel_loop3A_464 = arith.index_cast %parallel_loop3A_154 : i32 to index
        %parallel_loop3A_465 = arith.constant 0 : index
        %parallel_loop3A_466 = tpu.vector_load %arg7[%parallel_loop3A_462, %parallel_loop3A_463, %parallel_loop3A_464, %parallel_loop3A_465] {strides = array<i32>} : memref<6x3x8x128xi32, #tpu.memory_space<vmem>>, vector<16xi32>,
        %parallel_loop3A_467 = arith.constant 7 : i32
        %parallel_loop3A_468 = vector.broadcast %parallel_loop3A_467 : i32 to vector<16xi32>
        %parallel_loop3A_469 = arith.shrui %parallel_loop3A_466, %parallel_loop3A_468 : vector<16xi32>
        %parallel_loop3A_470 = arith.constant 127 : i32
        %parallel_loop3A_471 = vector.broadcast %parallel_loop3A_470 : i32 to vector<16xi32>
        %parallel_loop3A_472 = arith.andi %parallel_loop3A_466, %parallel_loop3A_471 : vector<16xi32>
        %parallel_loop3A_473 = tpu.vector_load_idx %arg5[%parallel_loop3A_155, %parallel_loop3A_469, %parallel_loop3A_156, %parallel_loop3A_472] : memref<6x3x8x128xf32, #tpu.memory_space<vmem>>[vector<16xi32>, vector<16xi32>, vector<16xi32>, vector<16xi32>], vector<16xf32>,
        %parallel_loop3A_474 = arith.constant 2 : i32
        %parallel_loop3A_475 = arith.index_cast %parallel_loop3A_152 : i32 to index
        %parallel_loop3A_476 = arith.index_cast %parallel_loop3A_474 : i32 to index
        %parallel_loop3A_477 = arith.index_cast %parallel_loop3A_154 : i32 to index
        %parallel_loop3A_478 = arith.constant 0 : index
        %parallel_loop3A_479 = tpu.vector_load %arg9[%parallel_loop3A_475, %parallel_loop3A_476, %parallel_loop3A_477, %parallel_loop3A_478] {strides = array<i32>} : memref<6x3x8x128xf32, #tpu.memory_space<vmem>>, vector<16xf32>,
        tpu.vector_store %arg9[%parallel_loop3A_475, %parallel_loop3A_476, %parallel_loop3A_477, %parallel_loop3A_478], %parallel_loop3A_473 {strides = array<i32>} : memref<6x3x8x128xf32, #tpu.memory_space<vmem>>, vector<16xf32>,
        %parallel_loop3A_480 = arith.constant 2 : i32
        %parallel_loop3A_481 = arith.index_cast %parallel_loop3A_152 : i32 to index
        %parallel_loop3A_482 = arith.index_cast %parallel_loop3A_480 : i32 to index
        %parallel_loop3A_483 = arith.index_cast %parallel_loop3A_154 : i32 to index
        %parallel_loop3A_484 = arith.constant 16 : index
        %parallel_loop3A_485 = tpu.vector_load %arg7[%parallel_loop3A_481, %parallel_loop3A_482, %parallel_loop3A_483, %parallel_loop3A_484] {strides = array<i32>} : memref<6x3x8x128xi32, #tpu.memory_space<vmem>>, vector<16xi32>,
        %parallel_loop3A_486 = arith.constant 7 : i32
        %parallel_loop3A_487 = vector.broadcast %parallel_loop3A_486 : i32 to vector<16xi32>
        %parallel_loop3A_488 = arith.shrui %parallel_loop3A_485, %parallel_loop3A_487 : vector<16xi32>
        %parallel_loop3A_489 = arith.constant 127 : i32
        %parallel_loop3A_490 = vector.broadcast %parallel_loop3A_489 : i32 to vector<16xi32>
        %parallel_loop3A_491 = arith.andi %parallel_loop3A_485, %parallel_loop3A_490 : vector<16xi32>
        %parallel_loop3A_492 = tpu.vector_load_idx %arg5[%parallel_loop3A_155, %parallel_loop3A_488, %parallel_loop3A_156, %parallel_loop3A_491] : memref<6x3x8x128xf32, #tpu.memory_space<vmem>>[vector<16xi32>, vector<16xi32>, vector<16xi32>, vector<16xi32>], vector<16xf32>,
        %parallel_loop3A_493 = arith.constant 2 : i32
        %parallel_loop3A_494 = arith.index_cast %parallel_loop3A_152 : i32 to index
        %parallel_loop3A_495 = arith.index_cast %parallel_loop3A_493 : i32 to index
        %parallel_loop3A_496 = arith.index_cast %parallel_loop3A_154 : i32 to index
        %parallel_loop3A_497 = arith.constant 16 : index
        %parallel_loop3A_498 = tpu.vector_load %arg9[%parallel_loop3A_494, %parallel_loop3A_495, %parallel_loop3A_496, %parallel_loop3A_497] {strides = array<i32>} : memref<6x3x8x128xf32, #tpu.memory_space<vmem>>, vector<16xf32>,
        tpu.vector_store %arg9[%parallel_loop3A_494, %parallel_loop3A_495, %parallel_loop3A_496, %parallel_loop3A_497], %parallel_loop3A_492 {strides = array<i32>} : memref<6x3x8x128xf32, #tpu.memory_space<vmem>>, vector<16xf32>,
        %parallel_loop3A_499 = arith.constant 2 : i32
        %parallel_loop3A_500 = arith.index_cast %parallel_loop3A_152 : i32 to index
        %parallel_loop3A_501 = arith.index_cast %parallel_loop3A_499 : i32 to index
        %parallel_loop3A_502 = arith.index_cast %parallel_loop3A_154 : i32 to index
        %parallel_loop3A_503 = arith.constant 32 : index
        %parallel_loop3A_504 = tpu.vector_load %arg7[%parallel_loop3A_500, %parallel_loop3A_501, %parallel_loop3A_502, %parallel_loop3A_503] {strides = array<i32>} : memref<6x3x8x128xi32, #tpu.memory_space<vmem>>, vector<16xi32>,
        %parallel_loop3A_505 = arith.constant 7 : i32
        %parallel_loop3A_506 = vector.broadcast %parallel_loop3A_505 : i32 to vector<16xi32>
        %parallel_loop3A_507 = arith.shrui %parallel_loop3A_504, %parallel_loop3A_506 : vector<16xi32>
        %parallel_loop3A_508 = arith.constant 127 : i32
        %parallel_loop3A_509 = vector.broadcast %parallel_loop3A_508 : i32 to vector<16xi32>
        %parallel_loop3A_510 = arith.andi %parallel_loop3A_504, %parallel_loop3A_509 : vector<16xi32>
        %parallel_loop3A_511 = tpu.vector_load_idx %arg5[%parallel_loop3A_155, %parallel_loop3A_507, %parallel_loop3A_156, %parallel_loop3A_510] : memref<6x3x8x128xf32, #tpu.memory_space<vmem>>[vector<16xi32>, vector<16xi32>, vector<16xi32>, vector<16xi32>], vector<16xf32>,
        %parallel_loop3A_512 = arith.constant 2 : i32
        %parallel_loop3A_513 = arith.index_cast %parallel_loop3A_152 : i32 to index
        %parallel_loop3A_514 = arith.index_cast %parallel_loop3A_512 : i32 to index
        %parallel_loop3A_515 = arith.index_cast %parallel_loop3A_154 : i32 to index
        %parallel_loop3A_516 = arith.constant 32 : index
        %parallel_loop3A_517 = tpu.vector_load %arg9[%parallel_loop3A_513, %parallel_loop3A_514, %parallel_loop3A_515, %parallel_loop3A_516] {strides = array<i32>} : memref<6x3x8x128xf32, #tpu.memory_space<vmem>>, vector<16xf32>,
        tpu.vector_store %arg9[%parallel_loop3A_513, %parallel_loop3A_514, %parallel_loop3A_515, %parallel_loop3A_516], %parallel_loop3A_511 {strides = array<i32>} : memref<6x3x8x128xf32, #tpu.memory_space<vmem>>, vector<16xf32>,
        %parallel_loop3A_518 = arith.constant 2 : i32
        %parallel_loop3A_519 = arith.index_cast %parallel_loop3A_152 : i32 to index
        %parallel_loop3A_520 = arith.index_cast %parallel_loop3A_518 : i32 to index
        %parallel_loop3A_521 = arith.index_cast %parallel_loop3A_154 : i32 to index
        %parallel_loop3A_522 = arith.constant 48 : index
        %parallel_loop3A_523 = tpu.vector_load %arg7[%parallel_loop3A_519, %parallel_loop3A_520, %parallel_loop3A_521, %parallel_loop3A_522] {strides = array<i32>} : memref<6x3x8x128xi32, #tpu.memory_space<vmem>>, vector<16xi32>,
        %parallel_loop3A_524 = arith.constant 7 : i32
        %parallel_loop3A_525 = vector.broadcast %parallel_loop3A_524 : i32 to vector<16xi32>
        %parallel_loop3A_526 = arith.shrui %parallel_loop3A_523, %parallel_loop3A_525 : vector<16xi32>
        %parallel_loop3A_527 = arith.constant 127 : i32
        %parallel_loop3A_528 = vector.broadcast %parallel_loop3A_527 : i32 to vector<16xi32>
        %parallel_loop3A_529 = arith.andi %parallel_loop3A_523, %parallel_loop3A_528 : vector<16xi32>
        %parallel_loop3A_530 = tpu.vector_load_idx %arg5[%parallel_loop3A_155, %parallel_loop3A_526, %parallel_loop3A_156, %parallel_loop3A_529] : memref<6x3x8x128xf32, #tpu.memory_space<vmem>>[vector<16xi32>, vector<16xi32>, vector<16xi32>, vector<16xi32>], vector<16xf32>,
        %parallel_loop3A_531 = arith.constant 2 : i32
        %parallel_loop3A_532 = arith.index_cast %parallel_loop3A_152 : i32 to index
        %parallel_loop3A_533 = arith.index_cast %parallel_loop3A_531 : i32 to index
        %parallel_loop3A_534 = arith.index_cast %parallel_loop3A_154 : i32 to index
        %parallel_loop3A_535 = arith.constant 48 : index
        %parallel_loop3A_536 = tpu.vector_load %arg9[%parallel_loop3A_532, %parallel_loop3A_533, %parallel_loop3A_534, %parallel_loop3A_535] {strides = array<i32>} : memref<6x3x8x128xf32, #tpu.memory_space<vmem>>, vector<16xf32>,
        tpu.vector_store %arg9[%parallel_loop3A_532, %parallel_loop3A_533, %parallel_loop3A_534, %parallel_loop3A_535], %parallel_loop3A_530 {strides = array<i32>} : memref<6x3x8x128xf32, #tpu.memory_space<vmem>>, vector<16xf32>,
        %parallel_loop3A_537 = arith.constant 2 : i32
        %parallel_loop3A_538 = arith.index_cast %parallel_loop3A_152 : i32 to index
        %parallel_loop3A_539 = arith.index_cast %parallel_loop3A_537 : i32 to index
        %parallel_loop3A_540 = arith.index_cast %parallel_loop3A_154 : i32 to index
        %parallel_loop3A_541 = arith.constant 64 : index
        %parallel_loop3A_542 = tpu.vector_load %arg7[%parallel_loop3A_538, %parallel_loop3A_539, %parallel_loop3A_540, %parallel_loop3A_541] {strides = array<i32>} : memref<6x3x8x128xi32, #tpu.memory_space<vmem>>, vector<16xi32>,
        %parallel_loop3A_543 = arith.constant 7 : i32
        %parallel_loop3A_544 = vector.broadcast %parallel_loop3A_543 : i32 to vector<16xi32>
        %parallel_loop3A_545 = arith.shrui %parallel_loop3A_542, %parallel_loop3A_544 : vector<16xi32>
        %parallel_loop3A_546 = arith.constant 127 : i32
        %parallel_loop3A_547 = vector.broadcast %parallel_loop3A_546 : i32 to vector<16xi32>
        %parallel_loop3A_548 = arith.andi %parallel_loop3A_542, %parallel_loop3A_547 : vector<16xi32>
        %parallel_loop3A_549 = tpu.vector_load_idx %arg5[%parallel_loop3A_155, %parallel_loop3A_545, %parallel_loop3A_156, %parallel_loop3A_548] : memref<6x3x8x128xf32, #tpu.memory_space<vmem>>[vector<16xi32>, vector<16xi32>, vector<16xi32>, vector<16xi32>], vector<16xf32>,
        %parallel_loop3A_550 = arith.constant 2 : i32
        %parallel_loop3A_551 = arith.index_cast %parallel_loop3A_152 : i32 to index
        %parallel_loop3A_552 = arith.index_cast %parallel_loop3A_550 : i32 to index
        %parallel_loop3A_553 = arith.index_cast %parallel_loop3A_154 : i32 to index
        %parallel_loop3A_554 = arith.constant 64 : index
        %parallel_loop3A_555 = tpu.vector_load %arg9[%parallel_loop3A_551, %parallel_loop3A_552, %parallel_loop3A_553, %parallel_loop3A_554] {strides = array<i32>} : memref<6x3x8x128xf32, #tpu.memory_space<vmem>>, vector<16xf32>,
        tpu.vector_store %arg9[%parallel_loop3A_551, %parallel_loop3A_552, %parallel_loop3A_553, %parallel_loop3A_554], %parallel_loop3A_549 {strides = array<i32>} : memref<6x3x8x128xf32, #tpu.memory_space<vmem>>, vector<16xf32>,
        %parallel_loop3A_556 = arith.constant 2 : i32
        %parallel_loop3A_557 = arith.index_cast %parallel_loop3A_152 : i32 to index
        %parallel_loop3A_558 = arith.index_cast %parallel_loop3A_556 : i32 to index
        %parallel_loop3A_559 = arith.index_cast %parallel_loop3A_154 : i32 to index
        %parallel_loop3A_560 = arith.constant 80 : index
        %parallel_loop3A_561 = tpu.vector_load %arg7[%parallel_loop3A_557, %parallel_loop3A_558, %parallel_loop3A_559, %parallel_loop3A_560] {strides = array<i32>} : memref<6x3x8x128xi32, #tpu.memory_space<vmem>>, vector<16xi32>,
        %parallel_loop3A_562 = arith.constant 7 : i32
        %parallel_loop3A_563 = vector.broadcast %parallel_loop3A_562 : i32 to vector<16xi32>
        %parallel_loop3A_564 = arith.shrui %parallel_loop3A_561, %parallel_loop3A_563 : vector<16xi32>
        %parallel_loop3A_565 = arith.constant 127 : i32
        %parallel_loop3A_566 = vector.broadcast %parallel_loop3A_565 : i32 to vector<16xi32>
        %parallel_loop3A_567 = arith.andi %parallel_loop3A_561, %parallel_loop3A_566 : vector<16xi32>
        %parallel_loop3A_568 = tpu.vector_load_idx %arg5[%parallel_loop3A_155, %parallel_loop3A_564, %parallel_loop3A_156, %parallel_loop3A_567] : memref<6x3x8x128xf32, #tpu.memory_space<vmem>>[vector<16xi32>, vector<16xi32>, vector<16xi32>, vector<16xi32>], vector<16xf32>,
        %parallel_loop3A_569 = arith.constant 2 : i32
        %parallel_loop3A_570 = arith.index_cast %parallel_loop3A_152 : i32 to index
        %parallel_loop3A_571 = arith.index_cast %parallel_loop3A_569 : i32 to index
        %parallel_loop3A_572 = arith.index_cast %parallel_loop3A_154 : i32 to index
        %parallel_loop3A_573 = arith.constant 80 : index
        %parallel_loop3A_574 = tpu.vector_load %arg9[%parallel_loop3A_570, %parallel_loop3A_571, %parallel_loop3A_572, %parallel_loop3A_573] {strides = array<i32>} : memref<6x3x8x128xf32, #tpu.memory_space<vmem>>, vector<16xf32>,
        tpu.vector_store %arg9[%parallel_loop3A_570, %parallel_loop3A_571, %parallel_loop3A_572, %parallel_loop3A_573], %parallel_loop3A_568 {strides = array<i32>} : memref<6x3x8x128xf32, #tpu.memory_space<vmem>>, vector<16xf32>,
        %parallel_loop3A_575 = arith.constant 2 : i32
        %parallel_loop3A_576 = arith.index_cast %parallel_loop3A_152 : i32 to index
        %parallel_loop3A_577 = arith.index_cast %parallel_loop3A_575 : i32 to index
        %parallel_loop3A_578 = arith.index_cast %parallel_loop3A_154 : i32 to index
        %parallel_loop3A_579 = arith.constant 96 : index
        %parallel_loop3A_580 = tpu.vector_load %arg7[%parallel_loop3A_576, %parallel_loop3A_577, %parallel_loop3A_578, %parallel_loop3A_579] {strides = array<i32>} : memref<6x3x8x128xi32, #tpu.memory_space<vmem>>, vector<16xi32>,
        %parallel_loop3A_581 = arith.constant 7 : i32
        %parallel_loop3A_582 = vector.broadcast %parallel_loop3A_581 : i32 to vector<16xi32>
        %parallel_loop3A_583 = arith.shrui %parallel_loop3A_580, %parallel_loop3A_582 : vector<16xi32>
        %parallel_loop3A_584 = arith.constant 127 : i32
        %parallel_loop3A_585 = vector.broadcast %parallel_loop3A_584 : i32 to vector<16xi32>
        %parallel_loop3A_586 = arith.andi %parallel_loop3A_580, %parallel_loop3A_585 : vector<16xi32>
        %parallel_loop3A_587 = tpu.vector_load_idx %arg5[%parallel_loop3A_155, %parallel_loop3A_583, %parallel_loop3A_156, %parallel_loop3A_586] : memref<6x3x8x128xf32, #tpu.memory_space<vmem>>[vector<16xi32>, vector<16xi32>, vector<16xi32>, vector<16xi32>], vector<16xf32>,
        %parallel_loop3A_588 = arith.constant 2 : i32
        %parallel_loop3A_589 = arith.index_cast %parallel_loop3A_152 : i32 to index
        %parallel_loop3A_590 = arith.index_cast %parallel_loop3A_588 : i32 to index
        %parallel_loop3A_591 = arith.index_cast %parallel_loop3A_154 : i32 to index
        %parallel_loop3A_592 = arith.constant 96 : index
        %parallel_loop3A_593 = tpu.vector_load %arg9[%parallel_loop3A_589, %parallel_loop3A_590, %parallel_loop3A_591, %parallel_loop3A_592] {strides = array<i32>} : memref<6x3x8x128xf32, #tpu.memory_space<vmem>>, vector<16xf32>,
        tpu.vector_store %arg9[%parallel_loop3A_589, %parallel_loop3A_590, %parallel_loop3A_591, %parallel_loop3A_592], %parallel_loop3A_587 {strides = array<i32>} : memref<6x3x8x128xf32, #tpu.memory_space<vmem>>, vector<16xf32>,
        %parallel_loop3A_594 = arith.constant 2 : i32
        %parallel_loop3A_595 = arith.index_cast %parallel_loop3A_152 : i32 to index
        %parallel_loop3A_596 = arith.index_cast %parallel_loop3A_594 : i32 to index
        %parallel_loop3A_597 = arith.index_cast %parallel_loop3A_154 : i32 to index
        %parallel_loop3A_598 = arith.constant 112 : index
        %parallel_loop3A_599 = tpu.vector_load %arg7[%parallel_loop3A_595, %parallel_loop3A_596, %parallel_loop3A_597, %parallel_loop3A_598] {strides = array<i32>} : memref<6x3x8x128xi32, #tpu.memory_space<vmem>>, vector<16xi32>,
        %parallel_loop3A_600 = arith.constant 7 : i32
        %parallel_loop3A_601 = vector.broadcast %parallel_loop3A_600 : i32 to vector<16xi32>
        %parallel_loop3A_602 = arith.shrui %parallel_loop3A_599, %parallel_loop3A_601 : vector<16xi32>
        %parallel_loop3A_603 = arith.constant 127 : i32
        %parallel_loop3A_604 = vector.broadcast %parallel_loop3A_603 : i32 to vector<16xi32>
        %parallel_loop3A_605 = arith.andi %parallel_loop3A_599, %parallel_loop3A_604 : vector<16xi32>
        %parallel_loop3A_606 = tpu.vector_load_idx %arg5[%parallel_loop3A_155, %parallel_loop3A_602, %parallel_loop3A_156, %parallel_loop3A_605] : memref<6x3x8x128xf32, #tpu.memory_space<vmem>>[vector<16xi32>, vector<16xi32>, vector<16xi32>, vector<16xi32>], vector<16xf32>,
        %parallel_loop3A_607 = arith.constant 2 : i32
        %parallel_loop3A_608 = arith.index_cast %parallel_loop3A_152 : i32 to index
        %parallel_loop3A_609 = arith.index_cast %parallel_loop3A_607 : i32 to index
        %parallel_loop3A_610 = arith.index_cast %parallel_loop3A_154 : i32 to index
        %parallel_loop3A_611 = arith.constant 112 : index
        %parallel_loop3A_612 = tpu.vector_load %arg9[%parallel_loop3A_608, %parallel_loop3A_609, %parallel_loop3A_610, %parallel_loop3A_611] {strides = array<i32>} : memref<6x3x8x128xf32, #tpu.memory_space<vmem>>, vector<16xf32>,
        tpu.vector_store %arg9[%parallel_loop3A_608, %parallel_loop3A_609, %parallel_loop3A_610, %parallel_loop3A_611], %parallel_loop3A_606 {strides = array<i32>} : memref<6x3x8x128xf32, #tpu.memory_space<vmem>>, vector<16xf32>,
      } {sc.loop_unroll_factor = 4 : i64, sc.parallel_access}
      %add3A_90 = arith.constant 2 : i32
      %add3A_91 = arith.addi %add3A_66, %add3A_90 : i32
      %lt3A = arith.constant 96 : i32
      %lt3A_92 = arith.cmpi slt, %add3A_91, %lt3A : i32
      %convert_element_type3A_93 = arith.extui %lt3A_92 : i1 to i32
      %cond3A_94 = arith.constant 0 : i32
      %cond3A_95 = arith.cmpi ne, %convert_element_type3A_93, %cond3A_94 : i32
      scf.if %cond3A_95 {
        %add3A_150 = arith.constant 2 : i32
        %add3A_151 = arith.addi %add3A_66, %add3A_150 : i32
        %mul3A_152 = arith.constant 6 : i32
        %mul3A_153 = arith.muli %add3A_151, %mul3A_152 : i32
        %add3A_154 = arith.addi %mul3A_2, %mul3A_153 : i32
        %dma_start3A_155 = arith.constant 0 : i32
        %dma_start3A_156 = arith.constant 0 : i32
        %dma_start3A_157 = arith.constant 0 : i32
        %dma_start3A_158 = tpu.memref_slice %arg2[%add3A_154, %dma_start3A_155, %dma_start3A_156, %dma_start3A_157] : memref<18432x3x8x128xf32, #tpu.memory_space<hbm>> -> memref<6x3x8x128xf32, #tpu.memory_space<hbm>>
        %dma_start3A_159 = arith.constant 0 : i32
        %dma_start3A_160 = arith.constant 0 : i32
        %dma_start3A_161 = arith.constant 0 : i32
        %dma_start3A_162 = tpu.memref_slice %arg2[%add3A_154, %dma_start3A_159, %dma_start3A_160, %dma_start3A_161] : memref<18432x3x8x128xf32, #tpu.memory_space<hbm>> -> memref<6x3x8x128xf32, #tpu.memory_space<hbm>>
        tpu.enqueue_dma source(%dma_start3A_162 : memref<6x3x8x128xf32, #tpu.memory_space<hbm>>) target(%arg5 : memref<6x3x8x128xf32, #tpu.memory_space<vmem>>) target_semaphore(%arg11 : memref<!tpu.dma_semaphore, #tpu.memory_space<semaphore_mem>>)
        %dma_start3A_163 = arith.constant 0 : i32
        %dma_start3A_164 = arith.constant 0 : i32
        %dma_start3A_165 = arith.constant 0 : i32
        %dma_start3A_166 = tpu.memref_slice %arg3[%add3A_154, %dma_start3A_163, %dma_start3A_164, %dma_start3A_165] : memref<18432x3x8x128xi32, #tpu.memory_space<hbm>> -> memref<6x3x8x128xi32, #tpu.memory_space<hbm>>
        %dma_start3A_167 = arith.constant 0 : i32
        %dma_start3A_168 = arith.constant 0 : i32
        %dma_start3A_169 = arith.constant 0 : i32
        %dma_start3A_170 = tpu.memref_slice %arg3[%add3A_154, %dma_start3A_167, %dma_start3A_168, %dma_start3A_169] : memref<18432x3x8x128xi32, #tpu.memory_space<hbm>> -> memref<6x3x8x128xi32, #tpu.memory_space<hbm>>
        tpu.enqueue_dma source(%dma_start3A_170 : memref<6x3x8x128xi32, #tpu.memory_space<hbm>>) target(%arg7 : memref<6x3x8x128xi32, #tpu.memory_space<vmem>>) target_semaphore(%arg11 : memref<!tpu.dma_semaphore, #tpu.memory_space<semaphore_mem>>)
      } else {
      }
      %dma_start3A_96 = arith.constant 0 : i32
      %dma_start3A_97 = arith.constant 0 : i32
      %dma_start3A_98 = arith.constant 0 : i32
      %dma_start3A_99 = tpu.memref_slice %arg4[%add3A_69, %dma_start3A_96, %dma_start3A_97, %dma_start3A_98] : memref<18432x3x8x128xf32, #tpu.memory_space<hbm>> -> memref<6x3x8x128xf32, #tpu.memory_space<hbm>>
      %dma_start3A_100 = arith.constant 0 : i32
      %dma_start3A_101 = arith.constant 0 : i32
      %dma_start3A_102 = arith.constant 0 : i32
      %dma_start3A_103 = tpu.memref_slice %arg4[%add3A_69, %dma_start3A_100, %dma_start3A_101, %dma_start3A_102] : memref<18432x3x8x128xf32, #tpu.memory_space<hbm>> -> memref<6x3x8x128xf32, #tpu.memory_space<hbm>>
      tpu.enqueue_dma source(%arg9 : memref<6x3x8x128xf32, #tpu.memory_space<vmem>>) target(%dma_start3A_103 : memref<6x3x8x128xf32, #tpu.memory_space<hbm>>) target_semaphore(%arg13 : memref<!tpu.dma_semaphore, #tpu.memory_space<semaphore_mem>>)
      %mul3A_104 = arith.constant 2 : i32
      %mul3A_105 = arith.muli %scan3A_62, %mul3A_104 : i32
      %add3A_106 = arith.constant 1 : i32
      %add3A_107 = arith.addi %mul3A_105, %add3A_106 : i32
      %mul3A_108 = arith.constant 6 : i32
      %mul3A_109 = arith.muli %add3A_107, %mul3A_108 : i32
      %add3A_110 = arith.addi %mul3A_2, %mul3A_109 : i32
      %dma_wait3A_111 = arith.constant 0 : i32
      %dma_wait3A_112 = arith.constant 0 : i32
      %dma_wait3A_113 = arith.constant 0 : i32
      %dma_wait3A_114 = tpu.memref_slice %arg2[%add3A_110, %dma_wait3A_111, %dma_wait3A_112, %dma_wait3A_113] : memref<18432x3x8x128xf32, #tpu.memory_space<hbm>> -> memref<6x3x8x128xf32, #tpu.memory_space<hbm>>
      %dma_wait3A_115 = arith.constant 0 : i32
      %dma_wait3A_116 = arith.constant 0 : i32
      %dma_wait3A_117 = arith.constant 0 : i32
      %dma_wait3A_118 = tpu.memref_slice %arg2[%add3A_110, %dma_wait3A_115, %dma_wait3A_116, %dma_wait3A_117] : memref<18432x3x8x128xf32, #tpu.memory_space<hbm>> -> memref<6x3x8x128xf32, #tpu.memory_space<hbm>>
      tpu.wait_dma2 semaphore(%arg12 : memref<!tpu.dma_semaphore, #tpu.memory_space<semaphore_mem>>) src(%dma_wait3A_118 : memref<6x3x8x128xf32, #tpu.memory_space<hbm>>) dst(%arg6 : memref<6x3x8x128xf32, #tpu.memory_space<vmem>>)
      %dma_wait3A_119 = arith.constant 0 : i32
      %dma_wait3A_120 = arith.constant 0 : i32
      %dma_wait3A_121 = arith.constant 0 : i32
      %dma_wait3A_122 = tpu.memref_slice %arg3[%add3A_110, %dma_wait3A_119, %dma_wait3A_120, %dma_wait3A_121] : memref<18432x3x8x128xi32, #tpu.memory_space<hbm>> -> memref<6x3x8x128xi32, #tpu.memory_space<hbm>>
      %dma_wait3A_123 = arith.constant 0 : i32
      %dma_wait3A_124 = arith.constant 0 : i32
      %dma_wait3A_125 = arith.constant 0 : i32
      %dma_wait3A_126 = tpu.memref_slice %arg3[%add3A_110, %dma_wait3A_123, %dma_wait3A_124, %dma_wait3A_125] : memref<18432x3x8x128xi32, #tpu.memory_space<hbm>> -> memref<6x3x8x128xi32, #tpu.memory_space<hbm>>
      tpu.wait_dma2 semaphore(%arg12 : memref<!tpu.dma_semaphore, #tpu.memory_space<semaphore_mem>>) src(%dma_wait3A_126 : memref<6x3x8x128xi32, #tpu.memory_space<hbm>>) dst(%arg8 : memref<6x3x8x128xi32, #tpu.memory_space<vmem>>)
      %gt3A_127 = arith.constant 0 : i32
      %gt3A_128 = arith.cmpi sgt, %scan3A_62, %gt3A_127 : i32
      %convert_element_type3A_129 = arith.extui %gt3A_128 : i1 to i32
      %cond3A_130 = arith.constant 0 : i32
      %cond3A_131 = arith.cmpi ne, %convert_element_type3A_129, %cond3A_130 : i32
      scf.if %cond3A_131 {
        %dma_wait3A_150 = arith.constant 0 : i32
        %dma_wait3A_151 = arith.constant 0 : i32
        %dma_wait3A_152 = arith.constant 0 : i32
        %dma_wait3A_153 = tpu.memref_slice %arg4[%add3A_110, %dma_wait3A_150, %dma_wait3A_151, %dma_wait3A_152] : memref<18432x3x8x128xf32, #tpu.memory_space<hbm>> -> memref<6x3x8x128xf32, #tpu.memory_space<hbm>>
        %dma_wait3A_154 = arith.constant 0 : i32
        %dma_wait3A_155 = arith.constant 0 : i32
        %dma_wait3A_156 = arith.constant 0 : i32
        %dma_wait3A_157 = tpu.memref_slice %arg4[%add3A_110, %dma_wait3A_154, %dma_wait3A_155, %dma_wait3A_156] : memref<18432x3x8x128xf32, #tpu.memory_space<hbm>> -> memref<6x3x8x128xf32, #tpu.memory_space<hbm>>
        tpu.wait_dma2 semaphore(%arg14 : memref<!tpu.dma_semaphore, #tpu.memory_space<semaphore_mem>>) src(%arg10 : memref<6x3x8x128xf32, #tpu.memory_space<vmem>>) dst(%dma_wait3A_157 : memref<6x3x8x128xf32, #tpu.memory_space<hbm>>)
      } else {
      }
      %parallel_loop3A_132 = arith.constant 0 : i32
      %parallel_loop3A_133 = arith.constant 48 : i32
      %parallel_loop3A_134 = arith.constant 1 : i32
      scf.for %parallel_loop3A_150 = %parallel_loop3A_132 to %parallel_loop3A_133 step %parallel_loop3A_134  : i32 {
        %parallel_loop3A_151 = arith.constant 3 : i32
        %parallel_loop3A_152 = arith.shrui %parallel_loop3A_150, %parallel_loop3A_151 : i32
        %parallel_loop3A_153 = arith.constant 7 : i32
        %parallel_loop3A_154 = arith.andi %parallel_loop3A_150, %parallel_loop3A_153 : i32
        %parallel_loop3A_155 = vector.broadcast %parallel_loop3A_152 : i32 to vector<16xi32>
        %parallel_loop3A_156 = vector.broadcast %parallel_loop3A_154 : i32 to vector<16xi32>
        %parallel_loop3A_157 = arith.constant 0 : i32
        %parallel_loop3A_158 = arith.index_cast %parallel_loop3A_152 : i32 to index
        %parallel_loop3A_159 = arith.index_cast %parallel_loop3A_157 : i32 to index
        %parallel_loop3A_160 = arith.index_cast %parallel_loop3A_154 : i32 to index
        %parallel_loop3A_161 = arith.constant 0 : index
        %parallel_loop3A_162 = tpu.vector_load %arg8[%parallel_loop3A_158, %parallel_loop3A_159, %parallel_loop3A_160, %parallel_loop3A_161] {strides = array<i32>} : memref<6x3x8x128xi32, #tpu.memory_space<vmem>>, vector<16xi32>,
        %parallel_loop3A_163 = arith.constant 7 : i32
        %parallel_loop3A_164 = vector.broadcast %parallel_loop3A_163 : i32 to vector<16xi32>
        %parallel_loop3A_165 = arith.shrui %parallel_loop3A_162, %parallel_loop3A_164 : vector<16xi32>
        %parallel_loop3A_166 = arith.constant 127 : i32
        %parallel_loop3A_167 = vector.broadcast %parallel_loop3A_166 : i32 to vector<16xi32>
        %parallel_loop3A_168 = arith.andi %parallel_loop3A_162, %parallel_loop3A_167 : vector<16xi32>
        %parallel_loop3A_169 = tpu.vector_load_idx %arg6[%parallel_loop3A_155, %parallel_loop3A_165, %parallel_loop3A_156, %parallel_loop3A_168] : memref<6x3x8x128xf32, #tpu.memory_space<vmem>>[vector<16xi32>, vector<16xi32>, vector<16xi32>, vector<16xi32>], vector<16xf32>,
        %parallel_loop3A_170 = arith.constant 0 : i32
        %parallel_loop3A_171 = arith.index_cast %parallel_loop3A_152 : i32 to index
        %parallel_loop3A_172 = arith.index_cast %parallel_loop3A_170 : i32 to index
        %parallel_loop3A_173 = arith.index_cast %parallel_loop3A_154 : i32 to index
        %parallel_loop3A_174 = arith.constant 0 : index
        %parallel_loop3A_175 = tpu.vector_load %arg10[%parallel_loop3A_171, %parallel_loop3A_172, %parallel_loop3A_173, %parallel_loop3A_174] {strides = array<i32>} : memref<6x3x8x128xf32, #tpu.memory_space<vmem>>, vector<16xf32>,
        tpu.vector_store %arg10[%parallel_loop3A_171, %parallel_loop3A_172, %parallel_loop3A_173, %parallel_loop3A_174], %parallel_loop3A_169 {strides = array<i32>} : memref<6x3x8x128xf32, #tpu.memory_space<vmem>>, vector<16xf32>,
        %parallel_loop3A_176 = arith.constant 0 : i32
        %parallel_loop3A_177 = arith.index_cast %parallel_loop3A_152 : i32 to index
        %parallel_loop3A_178 = arith.index_cast %parallel_loop3A_176 : i32 to index
        %parallel_loop3A_179 = arith.index_cast %parallel_loop3A_154 : i32 to index
        %parallel_loop3A_180 = arith.constant 16 : index
        %parallel_loop3A_181 = tpu.vector_load %arg8[%parallel_loop3A_177, %parallel_loop3A_178, %parallel_loop3A_179, %parallel_loop3A_180] {strides = array<i32>} : memref<6x3x8x128xi32, #tpu.memory_space<vmem>>, vector<16xi32>,
        %parallel_loop3A_182 = arith.constant 7 : i32
        %parallel_loop3A_183 = vector.broadcast %parallel_loop3A_182 : i32 to vector<16xi32>
        %parallel_loop3A_184 = arith.shrui %parallel_loop3A_181, %parallel_loop3A_183 : vector<16xi32>
        %parallel_loop3A_185 = arith.constant 127 : i32
        %parallel_loop3A_186 = vector.broadcast %parallel_loop3A_185 : i32 to vector<16xi32>
        %parallel_loop3A_187 = arith.andi %parallel_loop3A_181, %parallel_loop3A_186 : vector<16xi32>
        %parallel_loop3A_188 = tpu.vector_load_idx %arg6[%parallel_loop3A_155, %parallel_loop3A_184, %parallel_loop3A_156, %parallel_loop3A_187] : memref<6x3x8x128xf32, #tpu.memory_space<vmem>>[vector<16xi32>, vector<16xi32>, vector<16xi32>, vector<16xi32>], vector<16xf32>,
        %parallel_loop3A_189 = arith.constant 0 : i32
        %parallel_loop3A_190 = arith.index_cast %parallel_loop3A_152 : i32 to index
        %parallel_loop3A_191 = arith.index_cast %parallel_loop3A_189 : i32 to index
        %parallel_loop3A_192 = arith.index_cast %parallel_loop3A_154 : i32 to index
        %parallel_loop3A_193 = arith.constant 16 : index
        %parallel_loop3A_194 = tpu.vector_load %arg10[%parallel_loop3A_190, %parallel_loop3A_191, %parallel_loop3A_192, %parallel_loop3A_193] {strides = array<i32>} : memref<6x3x8x128xf32, #tpu.memory_space<vmem>>, vector<16xf32>,
        tpu.vector_store %arg10[%parallel_loop3A_190, %parallel_loop3A_191, %parallel_loop3A_192, %parallel_loop3A_193], %parallel_loop3A_188 {strides = array<i32>} : memref<6x3x8x128xf32, #tpu.memory_space<vmem>>, vector<16xf32>,
        %parallel_loop3A_195 = arith.constant 0 : i32
        %parallel_loop3A_196 = arith.index_cast %parallel_loop3A_152 : i32 to index
        %parallel_loop3A_197 = arith.index_cast %parallel_loop3A_195 : i32 to index
        %parallel_loop3A_198 = arith.index_cast %parallel_loop3A_154 : i32 to index
        %parallel_loop3A_199 = arith.constant 32 : index
        %parallel_loop3A_200 = tpu.vector_load %arg8[%parallel_loop3A_196, %parallel_loop3A_197, %parallel_loop3A_198, %parallel_loop3A_199] {strides = array<i32>} : memref<6x3x8x128xi32, #tpu.memory_space<vmem>>, vector<16xi32>,
        %parallel_loop3A_201 = arith.constant 7 : i32
        %parallel_loop3A_202 = vector.broadcast %parallel_loop3A_201 : i32 to vector<16xi32>
        %parallel_loop3A_203 = arith.shrui %parallel_loop3A_200, %parallel_loop3A_202 : vector<16xi32>
        %parallel_loop3A_204 = arith.constant 127 : i32
        %parallel_loop3A_205 = vector.broadcast %parallel_loop3A_204 : i32 to vector<16xi32>
        %parallel_loop3A_206 = arith.andi %parallel_loop3A_200, %parallel_loop3A_205 : vector<16xi32>
        %parallel_loop3A_207 = tpu.vector_load_idx %arg6[%parallel_loop3A_155, %parallel_loop3A_203, %parallel_loop3A_156, %parallel_loop3A_206] : memref<6x3x8x128xf32, #tpu.memory_space<vmem>>[vector<16xi32>, vector<16xi32>, vector<16xi32>, vector<16xi32>], vector<16xf32>,
        %parallel_loop3A_208 = arith.constant 0 : i32
        %parallel_loop3A_209 = arith.index_cast %parallel_loop3A_152 : i32 to index
        %parallel_loop3A_210 = arith.index_cast %parallel_loop3A_208 : i32 to index
        %parallel_loop3A_211 = arith.index_cast %parallel_loop3A_154 : i32 to index
        %parallel_loop3A_212 = arith.constant 32 : index
        %parallel_loop3A_213 = tpu.vector_load %arg10[%parallel_loop3A_209, %parallel_loop3A_210, %parallel_loop3A_211, %parallel_loop3A_212] {strides = array<i32>} : memref<6x3x8x128xf32, #tpu.memory_space<vmem>>, vector<16xf32>,
        tpu.vector_store %arg10[%parallel_loop3A_209, %parallel_loop3A_210, %parallel_loop3A_211, %parallel_loop3A_212], %parallel_loop3A_207 {strides = array<i32>} : memref<6x3x8x128xf32, #tpu.memory_space<vmem>>, vector<16xf32>,
        %parallel_loop3A_214 = arith.constant 0 : i32
        %parallel_loop3A_215 = arith.index_cast %parallel_loop3A_152 : i32 to index
        %parallel_loop3A_216 = arith.index_cast %parallel_loop3A_214 : i32 to index
        %parallel_loop3A_217 = arith.index_cast %parallel_loop3A_154 : i32 to index
        %parallel_loop3A_218 = arith.constant 48 : index
        %parallel_loop3A_219 = tpu.vector_load %arg8[%parallel_loop3A_215, %parallel_loop3A_216, %parallel_loop3A_217, %parallel_loop3A_218] {strides = array<i32>} : memref<6x3x8x128xi32, #tpu.memory_space<vmem>>, vector<16xi32>,
        %parallel_loop3A_220 = arith.constant 7 : i32
        %parallel_loop3A_221 = vector.broadcast %parallel_loop3A_220 : i32 to vector<16xi32>
        %parallel_loop3A_222 = arith.shrui %parallel_loop3A_219, %parallel_loop3A_221 : vector<16xi32>
        %parallel_loop3A_223 = arith.constant 127 : i32
        %parallel_loop3A_224 = vector.broadcast %parallel_loop3A_223 : i32 to vector<16xi32>
        %parallel_loop3A_225 = arith.andi %parallel_loop3A_219, %parallel_loop3A_224 : vector<16xi32>
        %parallel_loop3A_226 = tpu.vector_load_idx %arg6[%parallel_loop3A_155, %parallel_loop3A_222, %parallel_loop3A_156, %parallel_loop3A_225] : memref<6x3x8x128xf32, #tpu.memory_space<vmem>>[vector<16xi32>, vector<16xi32>, vector<16xi32>, vector<16xi32>], vector<16xf32>,
        %parallel_loop3A_227 = arith.constant 0 : i32
        %parallel_loop3A_228 = arith.index_cast %parallel_loop3A_152 : i32 to index
        %parallel_loop3A_229 = arith.index_cast %parallel_loop3A_227 : i32 to index
        %parallel_loop3A_230 = arith.index_cast %parallel_loop3A_154 : i32 to index
        %parallel_loop3A_231 = arith.constant 48 : index
        %parallel_loop3A_232 = tpu.vector_load %arg10[%parallel_loop3A_228, %parallel_loop3A_229, %parallel_loop3A_230, %parallel_loop3A_231] {strides = array<i32>} : memref<6x3x8x128xf32, #tpu.memory_space<vmem>>, vector<16xf32>,
        tpu.vector_store %arg10[%parallel_loop3A_228, %parallel_loop3A_229, %parallel_loop3A_230, %parallel_loop3A_231], %parallel_loop3A_226 {strides = array<i32>} : memref<6x3x8x128xf32, #tpu.memory_space<vmem>>, vector<16xf32>,
        %parallel_loop3A_233 = arith.constant 0 : i32
        %parallel_loop3A_234 = arith.index_cast %parallel_loop3A_152 : i32 to index
        %parallel_loop3A_235 = arith.index_cast %parallel_loop3A_233 : i32 to index
        %parallel_loop3A_236 = arith.index_cast %parallel_loop3A_154 : i32 to index
        %parallel_loop3A_237 = arith.constant 64 : index
        %parallel_loop3A_238 = tpu.vector_load %arg8[%parallel_loop3A_234, %parallel_loop3A_235, %parallel_loop3A_236, %parallel_loop3A_237] {strides = array<i32>} : memref<6x3x8x128xi32, #tpu.memory_space<vmem>>, vector<16xi32>,
        %parallel_loop3A_239 = arith.constant 7 : i32
        %parallel_loop3A_240 = vector.broadcast %parallel_loop3A_239 : i32 to vector<16xi32>
        %parallel_loop3A_241 = arith.shrui %parallel_loop3A_238, %parallel_loop3A_240 : vector<16xi32>
        %parallel_loop3A_242 = arith.constant 127 : i32
        %parallel_loop3A_243 = vector.broadcast %parallel_loop3A_242 : i32 to vector<16xi32>
        %parallel_loop3A_244 = arith.andi %parallel_loop3A_238, %parallel_loop3A_243 : vector<16xi32>
        %parallel_loop3A_245 = tpu.vector_load_idx %arg6[%parallel_loop3A_155, %parallel_loop3A_241, %parallel_loop3A_156, %parallel_loop3A_244] : memref<6x3x8x128xf32, #tpu.memory_space<vmem>>[vector<16xi32>, vector<16xi32>, vector<16xi32>, vector<16xi32>], vector<16xf32>,
        %parallel_loop3A_246 = arith.constant 0 : i32
        %parallel_loop3A_247 = arith.index_cast %parallel_loop3A_152 : i32 to index
        %parallel_loop3A_248 = arith.index_cast %parallel_loop3A_246 : i32 to index
        %parallel_loop3A_249 = arith.index_cast %parallel_loop3A_154 : i32 to index
        %parallel_loop3A_250 = arith.constant 64 : index
        %parallel_loop3A_251 = tpu.vector_load %arg10[%parallel_loop3A_247, %parallel_loop3A_248, %parallel_loop3A_249, %parallel_loop3A_250] {strides = array<i32>} : memref<6x3x8x128xf32, #tpu.memory_space<vmem>>, vector<16xf32>,
        tpu.vector_store %arg10[%parallel_loop3A_247, %parallel_loop3A_248, %parallel_loop3A_249, %parallel_loop3A_250], %parallel_loop3A_245 {strides = array<i32>} : memref<6x3x8x128xf32, #tpu.memory_space<vmem>>, vector<16xf32>,
        %parallel_loop3A_252 = arith.constant 0 : i32
        %parallel_loop3A_253 = arith.index_cast %parallel_loop3A_152 : i32 to index
        %parallel_loop3A_254 = arith.index_cast %parallel_loop3A_252 : i32 to index
        %parallel_loop3A_255 = arith.index_cast %parallel_loop3A_154 : i32 to index
        %parallel_loop3A_256 = arith.constant 80 : index
        %parallel_loop3A_257 = tpu.vector_load %arg8[%parallel_loop3A_253, %parallel_loop3A_254, %parallel_loop3A_255, %parallel_loop3A_256] {strides = array<i32>} : memref<6x3x8x128xi32, #tpu.memory_space<vmem>>, vector<16xi32>,
        %parallel_loop3A_258 = arith.constant 7 : i32
        %parallel_loop3A_259 = vector.broadcast %parallel_loop3A_258 : i32 to vector<16xi32>
        %parallel_loop3A_260 = arith.shrui %parallel_loop3A_257, %parallel_loop3A_259 : vector<16xi32>
        %parallel_loop3A_261 = arith.constant 127 : i32
        %parallel_loop3A_262 = vector.broadcast %parallel_loop3A_261 : i32 to vector<16xi32>
        %parallel_loop3A_263 = arith.andi %parallel_loop3A_257, %parallel_loop3A_262 : vector<16xi32>
        %parallel_loop3A_264 = tpu.vector_load_idx %arg6[%parallel_loop3A_155, %parallel_loop3A_260, %parallel_loop3A_156, %parallel_loop3A_263] : memref<6x3x8x128xf32, #tpu.memory_space<vmem>>[vector<16xi32>, vector<16xi32>, vector<16xi32>, vector<16xi32>], vector<16xf32>,
        %parallel_loop3A_265 = arith.constant 0 : i32
        %parallel_loop3A_266 = arith.index_cast %parallel_loop3A_152 : i32 to index
        %parallel_loop3A_267 = arith.index_cast %parallel_loop3A_265 : i32 to index
        %parallel_loop3A_268 = arith.index_cast %parallel_loop3A_154 : i32 to index
        %parallel_loop3A_269 = arith.constant 80 : index
        %parallel_loop3A_270 = tpu.vector_load %arg10[%parallel_loop3A_266, %parallel_loop3A_267, %parallel_loop3A_268, %parallel_loop3A_269] {strides = array<i32>} : memref<6x3x8x128xf32, #tpu.memory_space<vmem>>, vector<16xf32>,
        tpu.vector_store %arg10[%parallel_loop3A_266, %parallel_loop3A_267, %parallel_loop3A_268, %parallel_loop3A_269], %parallel_loop3A_264 {strides = array<i32>} : memref<6x3x8x128xf32, #tpu.memory_space<vmem>>, vector<16xf32>,
        %parallel_loop3A_271 = arith.constant 0 : i32
        %parallel_loop3A_272 = arith.index_cast %parallel_loop3A_152 : i32 to index
        %parallel_loop3A_273 = arith.index_cast %parallel_loop3A_271 : i32 to index
        %parallel_loop3A_274 = arith.index_cast %parallel_loop3A_154 : i32 to index
        %parallel_loop3A_275 = arith.constant 96 : index
        %parallel_loop3A_276 = tpu.vector_load %arg8[%parallel_loop3A_272, %parallel_loop3A_273, %parallel_loop3A_274, %parallel_loop3A_275] {strides = array<i32>} : memref<6x3x8x128xi32, #tpu.memory_space<vmem>>, vector<16xi32>,
        %parallel_loop3A_277 = arith.constant 7 : i32
        %parallel_loop3A_278 = vector.broadcast %parallel_loop3A_277 : i32 to vector<16xi32>
        %parallel_loop3A_279 = arith.shrui %parallel_loop3A_276, %parallel_loop3A_278 : vector<16xi32>
        %parallel_loop3A_280 = arith.constant 127 : i32
        %parallel_loop3A_281 = vector.broadcast %parallel_loop3A_280 : i32 to vector<16xi32>
        %parallel_loop3A_282 = arith.andi %parallel_loop3A_276, %parallel_loop3A_281 : vector<16xi32>
        %parallel_loop3A_283 = tpu.vector_load_idx %arg6[%parallel_loop3A_155, %parallel_loop3A_279, %parallel_loop3A_156, %parallel_loop3A_282] : memref<6x3x8x128xf32, #tpu.memory_space<vmem>>[vector<16xi32>, vector<16xi32>, vector<16xi32>, vector<16xi32>], vector<16xf32>,
        %parallel_loop3A_284 = arith.constant 0 : i32
        %parallel_loop3A_285 = arith.index_cast %parallel_loop3A_152 : i32 to index
        %parallel_loop3A_286 = arith.index_cast %parallel_loop3A_284 : i32 to index
        %parallel_loop3A_287 = arith.index_cast %parallel_loop3A_154 : i32 to index
        %parallel_loop3A_288 = arith.constant 96 : index
        %parallel_loop3A_289 = tpu.vector_load %arg10[%parallel_loop3A_285, %parallel_loop3A_286, %parallel_loop3A_287, %parallel_loop3A_288] {strides = array<i32>} : memref<6x3x8x128xf32, #tpu.memory_space<vmem>>, vector<16xf32>,
        tpu.vector_store %arg10[%parallel_loop3A_285, %parallel_loop3A_286, %parallel_loop3A_287, %parallel_loop3A_288], %parallel_loop3A_283 {strides = array<i32>} : memref<6x3x8x128xf32, #tpu.memory_space<vmem>>, vector<16xf32>,
        %parallel_loop3A_290 = arith.constant 0 : i32
        %parallel_loop3A_291 = arith.index_cast %parallel_loop3A_152 : i32 to index
        %parallel_loop3A_292 = arith.index_cast %parallel_loop3A_290 : i32 to index
        %parallel_loop3A_293 = arith.index_cast %parallel_loop3A_154 : i32 to index
        %parallel_loop3A_294 = arith.constant 112 : index
        %parallel_loop3A_295 = tpu.vector_load %arg8[%parallel_loop3A_291, %parallel_loop3A_292, %parallel_loop3A_293, %parallel_loop3A_294] {strides = array<i32>} : memref<6x3x8x128xi32, #tpu.memory_space<vmem>>, vector<16xi32>,
        %parallel_loop3A_296 = arith.constant 7 : i32
        %parallel_loop3A_297 = vector.broadcast %parallel_loop3A_296 : i32 to vector<16xi32>
        %parallel_loop3A_298 = arith.shrui %parallel_loop3A_295, %parallel_loop3A_297 : vector<16xi32>
        %parallel_loop3A_299 = arith.constant 127 : i32
        %parallel_loop3A_300 = vector.broadcast %parallel_loop3A_299 : i32 to vector<16xi32>
        %parallel_loop3A_301 = arith.andi %parallel_loop3A_295, %parallel_loop3A_300 : vector<16xi32>
        %parallel_loop3A_302 = tpu.vector_load_idx %arg6[%parallel_loop3A_155, %parallel_loop3A_298, %parallel_loop3A_156, %parallel_loop3A_301] : memref<6x3x8x128xf32, #tpu.memory_space<vmem>>[vector<16xi32>, vector<16xi32>, vector<16xi32>, vector<16xi32>], vector<16xf32>,
        %parallel_loop3A_303 = arith.constant 0 : i32
        %parallel_loop3A_304 = arith.index_cast %parallel_loop3A_152 : i32 to index
        %parallel_loop3A_305 = arith.index_cast %parallel_loop3A_303 : i32 to index
        %parallel_loop3A_306 = arith.index_cast %parallel_loop3A_154 : i32 to index
        %parallel_loop3A_307 = arith.constant 112 : index
        %parallel_loop3A_308 = tpu.vector_load %arg10[%parallel_loop3A_304, %parallel_loop3A_305, %parallel_loop3A_306, %parallel_loop3A_307] {strides = array<i32>} : memref<6x3x8x128xf32, #tpu.memory_space<vmem>>, vector<16xf32>,
        tpu.vector_store %arg10[%parallel_loop3A_304, %parallel_loop3A_305, %parallel_loop3A_306, %parallel_loop3A_307], %parallel_loop3A_302 {strides = array<i32>} : memref<6x3x8x128xf32, #tpu.memory_space<vmem>>, vector<16xf32>,
        %parallel_loop3A_309 = arith.constant 1 : i32
        %parallel_loop3A_310 = arith.index_cast %parallel_loop3A_152 : i32 to index
        %parallel_loop3A_311 = arith.index_cast %parallel_loop3A_309 : i32 to index
        %parallel_loop3A_312 = arith.index_cast %parallel_loop3A_154 : i32 to index
        %parallel_loop3A_313 = arith.constant 0 : index
        %parallel_loop3A_314 = tpu.vector_load %arg8[%parallel_loop3A_310, %parallel_loop3A_311, %parallel_loop3A_312, %parallel_loop3A_313] {strides = array<i32>} : memref<6x3x8x128xi32, #tpu.memory_space<vmem>>, vector<16xi32>,
        %parallel_loop3A_315 = arith.constant 7 : i32
        %parallel_loop3A_316 = vector.broadcast %parallel_loop3A_315 : i32 to vector<16xi32>
        %parallel_loop3A_317 = arith.shrui %parallel_loop3A_314, %parallel_loop3A_316 : vector<16xi32>
        %parallel_loop3A_318 = arith.constant 127 : i32
        %parallel_loop3A_319 = vector.broadcast %parallel_loop3A_318 : i32 to vector<16xi32>
        %parallel_loop3A_320 = arith.andi %parallel_loop3A_314, %parallel_loop3A_319 : vector<16xi32>
        %parallel_loop3A_321 = tpu.vector_load_idx %arg6[%parallel_loop3A_155, %parallel_loop3A_317, %parallel_loop3A_156, %parallel_loop3A_320] : memref<6x3x8x128xf32, #tpu.memory_space<vmem>>[vector<16xi32>, vector<16xi32>, vector<16xi32>, vector<16xi32>], vector<16xf32>,
        %parallel_loop3A_322 = arith.constant 1 : i32
        %parallel_loop3A_323 = arith.index_cast %parallel_loop3A_152 : i32 to index
        %parallel_loop3A_324 = arith.index_cast %parallel_loop3A_322 : i32 to index
        %parallel_loop3A_325 = arith.index_cast %parallel_loop3A_154 : i32 to index
        %parallel_loop3A_326 = arith.constant 0 : index
        %parallel_loop3A_327 = tpu.vector_load %arg10[%parallel_loop3A_323, %parallel_loop3A_324, %parallel_loop3A_325, %parallel_loop3A_326] {strides = array<i32>} : memref<6x3x8x128xf32, #tpu.memory_space<vmem>>, vector<16xf32>,
        tpu.vector_store %arg10[%parallel_loop3A_323, %parallel_loop3A_324, %parallel_loop3A_325, %parallel_loop3A_326], %parallel_loop3A_321 {strides = array<i32>} : memref<6x3x8x128xf32, #tpu.memory_space<vmem>>, vector<16xf32>,
        %parallel_loop3A_328 = arith.constant 1 : i32
        %parallel_loop3A_329 = arith.index_cast %parallel_loop3A_152 : i32 to index
        %parallel_loop3A_330 = arith.index_cast %parallel_loop3A_328 : i32 to index
        %parallel_loop3A_331 = arith.index_cast %parallel_loop3A_154 : i32 to index
        %parallel_loop3A_332 = arith.constant 16 : index
        %parallel_loop3A_333 = tpu.vector_load %arg8[%parallel_loop3A_329, %parallel_loop3A_330, %parallel_loop3A_331, %parallel_loop3A_332] {strides = array<i32>} : memref<6x3x8x128xi32, #tpu.memory_space<vmem>>, vector<16xi32>,
        %parallel_loop3A_334 = arith.constant 7 : i32
        %parallel_loop3A_335 = vector.broadcast %parallel_loop3A_334 : i32 to vector<16xi32>
        %parallel_loop3A_336 = arith.shrui %parallel_loop3A_333, %parallel_loop3A_335 : vector<16xi32>
        %parallel_loop3A_337 = arith.constant 127 : i32
        %parallel_loop3A_338 = vector.broadcast %parallel_loop3A_337 : i32 to vector<16xi32>
        %parallel_loop3A_339 = arith.andi %parallel_loop3A_333, %parallel_loop3A_338 : vector<16xi32>
        %parallel_loop3A_340 = tpu.vector_load_idx %arg6[%parallel_loop3A_155, %parallel_loop3A_336, %parallel_loop3A_156, %parallel_loop3A_339] : memref<6x3x8x128xf32, #tpu.memory_space<vmem>>[vector<16xi32>, vector<16xi32>, vector<16xi32>, vector<16xi32>], vector<16xf32>,
        %parallel_loop3A_341 = arith.constant 1 : i32
        %parallel_loop3A_342 = arith.index_cast %parallel_loop3A_152 : i32 to index
        %parallel_loop3A_343 = arith.index_cast %parallel_loop3A_341 : i32 to index
        %parallel_loop3A_344 = arith.index_cast %parallel_loop3A_154 : i32 to index
        %parallel_loop3A_345 = arith.constant 16 : index
        %parallel_loop3A_346 = tpu.vector_load %arg10[%parallel_loop3A_342, %parallel_loop3A_343, %parallel_loop3A_344, %parallel_loop3A_345] {strides = array<i32>} : memref<6x3x8x128xf32, #tpu.memory_space<vmem>>, vector<16xf32>,
        tpu.vector_store %arg10[%parallel_loop3A_342, %parallel_loop3A_343, %parallel_loop3A_344, %parallel_loop3A_345], %parallel_loop3A_340 {strides = array<i32>} : memref<6x3x8x128xf32, #tpu.memory_space<vmem>>, vector<16xf32>,
        %parallel_loop3A_347 = arith.constant 1 : i32
        %parallel_loop3A_348 = arith.index_cast %parallel_loop3A_152 : i32 to index
        %parallel_loop3A_349 = arith.index_cast %parallel_loop3A_347 : i32 to index
        %parallel_loop3A_350 = arith.index_cast %parallel_loop3A_154 : i32 to index
        %parallel_loop3A_351 = arith.constant 32 : index
        %parallel_loop3A_352 = tpu.vector_load %arg8[%parallel_loop3A_348, %parallel_loop3A_349, %parallel_loop3A_350, %parallel_loop3A_351] {strides = array<i32>} : memref<6x3x8x128xi32, #tpu.memory_space<vmem>>, vector<16xi32>,
        %parallel_loop3A_353 = arith.constant 7 : i32
        %parallel_loop3A_354 = vector.broadcast %parallel_loop3A_353 : i32 to vector<16xi32>
        %parallel_loop3A_355 = arith.shrui %parallel_loop3A_352, %parallel_loop3A_354 : vector<16xi32>
        %parallel_loop3A_356 = arith.constant 127 : i32
        %parallel_loop3A_357 = vector.broadcast %parallel_loop3A_356 : i32 to vector<16xi32>
        %parallel_loop3A_358 = arith.andi %parallel_loop3A_352, %parallel_loop3A_357 : vector<16xi32>
        %parallel_loop3A_359 = tpu.vector_load_idx %arg6[%parallel_loop3A_155, %parallel_loop3A_355, %parallel_loop3A_156, %parallel_loop3A_358] : memref<6x3x8x128xf32, #tpu.memory_space<vmem>>[vector<16xi32>, vector<16xi32>, vector<16xi32>, vector<16xi32>], vector<16xf32>,
        %parallel_loop3A_360 = arith.constant 1 : i32
        %parallel_loop3A_361 = arith.index_cast %parallel_loop3A_152 : i32 to index
        %parallel_loop3A_362 = arith.index_cast %parallel_loop3A_360 : i32 to index
        %parallel_loop3A_363 = arith.index_cast %parallel_loop3A_154 : i32 to index
        %parallel_loop3A_364 = arith.constant 32 : index
        %parallel_loop3A_365 = tpu.vector_load %arg10[%parallel_loop3A_361, %parallel_loop3A_362, %parallel_loop3A_363, %parallel_loop3A_364] {strides = array<i32>} : memref<6x3x8x128xf32, #tpu.memory_space<vmem>>, vector<16xf32>,
        tpu.vector_store %arg10[%parallel_loop3A_361, %parallel_loop3A_362, %parallel_loop3A_363, %parallel_loop3A_364], %parallel_loop3A_359 {strides = array<i32>} : memref<6x3x8x128xf32, #tpu.memory_space<vmem>>, vector<16xf32>,
        %parallel_loop3A_366 = arith.constant 1 : i32
        %parallel_loop3A_367 = arith.index_cast %parallel_loop3A_152 : i32 to index
        %parallel_loop3A_368 = arith.index_cast %parallel_loop3A_366 : i32 to index
        %parallel_loop3A_369 = arith.index_cast %parallel_loop3A_154 : i32 to index
        %parallel_loop3A_370 = arith.constant 48 : index
        %parallel_loop3A_371 = tpu.vector_load %arg8[%parallel_loop3A_367, %parallel_loop3A_368, %parallel_loop3A_369, %parallel_loop3A_370] {strides = array<i32>} : memref<6x3x8x128xi32, #tpu.memory_space<vmem>>, vector<16xi32>,
        %parallel_loop3A_372 = arith.constant 7 : i32
        %parallel_loop3A_373 = vector.broadcast %parallel_loop3A_372 : i32 to vector<16xi32>
        %parallel_loop3A_374 = arith.shrui %parallel_loop3A_371, %parallel_loop3A_373 : vector<16xi32>
        %parallel_loop3A_375 = arith.constant 127 : i32
        %parallel_loop3A_376 = vector.broadcast %parallel_loop3A_375 : i32 to vector<16xi32>
        %parallel_loop3A_377 = arith.andi %parallel_loop3A_371, %parallel_loop3A_376 : vector<16xi32>
        %parallel_loop3A_378 = tpu.vector_load_idx %arg6[%parallel_loop3A_155, %parallel_loop3A_374, %parallel_loop3A_156, %parallel_loop3A_377] : memref<6x3x8x128xf32, #tpu.memory_space<vmem>>[vector<16xi32>, vector<16xi32>, vector<16xi32>, vector<16xi32>], vector<16xf32>,
        %parallel_loop3A_379 = arith.constant 1 : i32
        %parallel_loop3A_380 = arith.index_cast %parallel_loop3A_152 : i32 to index
        %parallel_loop3A_381 = arith.index_cast %parallel_loop3A_379 : i32 to index
        %parallel_loop3A_382 = arith.index_cast %parallel_loop3A_154 : i32 to index
        %parallel_loop3A_383 = arith.constant 48 : index
        %parallel_loop3A_384 = tpu.vector_load %arg10[%parallel_loop3A_380, %parallel_loop3A_381, %parallel_loop3A_382, %parallel_loop3A_383] {strides = array<i32>} : memref<6x3x8x128xf32, #tpu.memory_space<vmem>>, vector<16xf32>,
        tpu.vector_store %arg10[%parallel_loop3A_380, %parallel_loop3A_381, %parallel_loop3A_382, %parallel_loop3A_383], %parallel_loop3A_378 {strides = array<i32>} : memref<6x3x8x128xf32, #tpu.memory_space<vmem>>, vector<16xf32>,
        %parallel_loop3A_385 = arith.constant 1 : i32
        %parallel_loop3A_386 = arith.index_cast %parallel_loop3A_152 : i32 to index
        %parallel_loop3A_387 = arith.index_cast %parallel_loop3A_385 : i32 to index
        %parallel_loop3A_388 = arith.index_cast %parallel_loop3A_154 : i32 to index
        %parallel_loop3A_389 = arith.constant 64 : index
        %parallel_loop3A_390 = tpu.vector_load %arg8[%parallel_loop3A_386, %parallel_loop3A_387, %parallel_loop3A_388, %parallel_loop3A_389] {strides = array<i32>} : memref<6x3x8x128xi32, #tpu.memory_space<vmem>>, vector<16xi32>,
        %parallel_loop3A_391 = arith.constant 7 : i32
        %parallel_loop3A_392 = vector.broadcast %parallel_loop3A_391 : i32 to vector<16xi32>
        %parallel_loop3A_393 = arith.shrui %parallel_loop3A_390, %parallel_loop3A_392 : vector<16xi32>
        %parallel_loop3A_394 = arith.constant 127 : i32
        %parallel_loop3A_395 = vector.broadcast %parallel_loop3A_394 : i32 to vector<16xi32>
        %parallel_loop3A_396 = arith.andi %parallel_loop3A_390, %parallel_loop3A_395 : vector<16xi32>
        %parallel_loop3A_397 = tpu.vector_load_idx %arg6[%parallel_loop3A_155, %parallel_loop3A_393, %parallel_loop3A_156, %parallel_loop3A_396] : memref<6x3x8x128xf32, #tpu.memory_space<vmem>>[vector<16xi32>, vector<16xi32>, vector<16xi32>, vector<16xi32>], vector<16xf32>,
        %parallel_loop3A_398 = arith.constant 1 : i32
        %parallel_loop3A_399 = arith.index_cast %parallel_loop3A_152 : i32 to index
        %parallel_loop3A_400 = arith.index_cast %parallel_loop3A_398 : i32 to index
        %parallel_loop3A_401 = arith.index_cast %parallel_loop3A_154 : i32 to index
        %parallel_loop3A_402 = arith.constant 64 : index
        %parallel_loop3A_403 = tpu.vector_load %arg10[%parallel_loop3A_399, %parallel_loop3A_400, %parallel_loop3A_401, %parallel_loop3A_402] {strides = array<i32>} : memref<6x3x8x128xf32, #tpu.memory_space<vmem>>, vector<16xf32>,
        tpu.vector_store %arg10[%parallel_loop3A_399, %parallel_loop3A_400, %parallel_loop3A_401, %parallel_loop3A_402], %parallel_loop3A_397 {strides = array<i32>} : memref<6x3x8x128xf32, #tpu.memory_space<vmem>>, vector<16xf32>,
        %parallel_loop3A_404 = arith.constant 1 : i32
        %parallel_loop3A_405 = arith.index_cast %parallel_loop3A_152 : i32 to index
        %parallel_loop3A_406 = arith.index_cast %parallel_loop3A_404 : i32 to index
        %parallel_loop3A_407 = arith.index_cast %parallel_loop3A_154 : i32 to index
        %parallel_loop3A_408 = arith.constant 80 : index
        %parallel_loop3A_409 = tpu.vector_load %arg8[%parallel_loop3A_405, %parallel_loop3A_406, %parallel_loop3A_407, %parallel_loop3A_408] {strides = array<i32>} : memref<6x3x8x128xi32, #tpu.memory_space<vmem>>, vector<16xi32>,
        %parallel_loop3A_410 = arith.constant 7 : i32
        %parallel_loop3A_411 = vector.broadcast %parallel_loop3A_410 : i32 to vector<16xi32>
        %parallel_loop3A_412 = arith.shrui %parallel_loop3A_409, %parallel_loop3A_411 : vector<16xi32>
        %parallel_loop3A_413 = arith.constant 127 : i32
        %parallel_loop3A_414 = vector.broadcast %parallel_loop3A_413 : i32 to vector<16xi32>
        %parallel_loop3A_415 = arith.andi %parallel_loop3A_409, %parallel_loop3A_414 : vector<16xi32>
        %parallel_loop3A_416 = tpu.vector_load_idx %arg6[%parallel_loop3A_155, %parallel_loop3A_412, %parallel_loop3A_156, %parallel_loop3A_415] : memref<6x3x8x128xf32, #tpu.memory_space<vmem>>[vector<16xi32>, vector<16xi32>, vector<16xi32>, vector<16xi32>], vector<16xf32>,
        %parallel_loop3A_417 = arith.constant 1 : i32
        %parallel_loop3A_418 = arith.index_cast %parallel_loop3A_152 : i32 to index
        %parallel_loop3A_419 = arith.index_cast %parallel_loop3A_417 : i32 to index
        %parallel_loop3A_420 = arith.index_cast %parallel_loop3A_154 : i32 to index
        %parallel_loop3A_421 = arith.constant 80 : index
        %parallel_loop3A_422 = tpu.vector_load %arg10[%parallel_loop3A_418, %parallel_loop3A_419, %parallel_loop3A_420, %parallel_loop3A_421] {strides = array<i32>} : memref<6x3x8x128xf32, #tpu.memory_space<vmem>>, vector<16xf32>,
        tpu.vector_store %arg10[%parallel_loop3A_418, %parallel_loop3A_419, %parallel_loop3A_420, %parallel_loop3A_421], %parallel_loop3A_416 {strides = array<i32>} : memref<6x3x8x128xf32, #tpu.memory_space<vmem>>, vector<16xf32>,
        %parallel_loop3A_423 = arith.constant 1 : i32
        %parallel_loop3A_424 = arith.index_cast %parallel_loop3A_152 : i32 to index
        %parallel_loop3A_425 = arith.index_cast %parallel_loop3A_423 : i32 to index
        %parallel_loop3A_426 = arith.index_cast %parallel_loop3A_154 : i32 to index
        %parallel_loop3A_427 = arith.constant 96 : index
        %parallel_loop3A_428 = tpu.vector_load %arg8[%parallel_loop3A_424, %parallel_loop3A_425, %parallel_loop3A_426, %parallel_loop3A_427] {strides = array<i32>} : memref<6x3x8x128xi32, #tpu.memory_space<vmem>>, vector<16xi32>,
        %parallel_loop3A_429 = arith.constant 7 : i32
        %parallel_loop3A_430 = vector.broadcast %parallel_loop3A_429 : i32 to vector<16xi32>
        %parallel_loop3A_431 = arith.shrui %parallel_loop3A_428, %parallel_loop3A_430 : vector<16xi32>
        %parallel_loop3A_432 = arith.constant 127 : i32
        %parallel_loop3A_433 = vector.broadcast %parallel_loop3A_432 : i32 to vector<16xi32>
        %parallel_loop3A_434 = arith.andi %parallel_loop3A_428, %parallel_loop3A_433 : vector<16xi32>
        %parallel_loop3A_435 = tpu.vector_load_idx %arg6[%parallel_loop3A_155, %parallel_loop3A_431, %parallel_loop3A_156, %parallel_loop3A_434] : memref<6x3x8x128xf32, #tpu.memory_space<vmem>>[vector<16xi32>, vector<16xi32>, vector<16xi32>, vector<16xi32>], vector<16xf32>,
        %parallel_loop3A_436 = arith.constant 1 : i32
        %parallel_loop3A_437 = arith.index_cast %parallel_loop3A_152 : i32 to index
        %parallel_loop3A_438 = arith.index_cast %parallel_loop3A_436 : i32 to index
        %parallel_loop3A_439 = arith.index_cast %parallel_loop3A_154 : i32 to index
        %parallel_loop3A_440 = arith.constant 96 : index
        %parallel_loop3A_441 = tpu.vector_load %arg10[%parallel_loop3A_437, %parallel_loop3A_438, %parallel_loop3A_439, %parallel_loop3A_440] {strides = array<i32>} : memref<6x3x8x128xf32, #tpu.memory_space<vmem>>, vector<16xf32>,
        tpu.vector_store %arg10[%parallel_loop3A_437, %parallel_loop3A_438, %parallel_loop3A_439, %parallel_loop3A_440], %parallel_loop3A_435 {strides = array<i32>} : memref<6x3x8x128xf32, #tpu.memory_space<vmem>>, vector<16xf32>,
        %parallel_loop3A_442 = arith.constant 1 : i32
        %parallel_loop3A_443 = arith.index_cast %parallel_loop3A_152 : i32 to index
        %parallel_loop3A_444 = arith.index_cast %parallel_loop3A_442 : i32 to index
        %parallel_loop3A_445 = arith.index_cast %parallel_loop3A_154 : i32 to index
        %parallel_loop3A_446 = arith.constant 112 : index
        %parallel_loop3A_447 = tpu.vector_load %arg8[%parallel_loop3A_443, %parallel_loop3A_444, %parallel_loop3A_445, %parallel_loop3A_446] {strides = array<i32>} : memref<6x3x8x128xi32, #tpu.memory_space<vmem>>, vector<16xi32>,
        %parallel_loop3A_448 = arith.constant 7 : i32
        %parallel_loop3A_449 = vector.broadcast %parallel_loop3A_448 : i32 to vector<16xi32>
        %parallel_loop3A_450 = arith.shrui %parallel_loop3A_447, %parallel_loop3A_449 : vector<16xi32>
        %parallel_loop3A_451 = arith.constant 127 : i32
        %parallel_loop3A_452 = vector.broadcast %parallel_loop3A_451 : i32 to vector<16xi32>
        %parallel_loop3A_453 = arith.andi %parallel_loop3A_447, %parallel_loop3A_452 : vector<16xi32>
        %parallel_loop3A_454 = tpu.vector_load_idx %arg6[%parallel_loop3A_155, %parallel_loop3A_450, %parallel_loop3A_156, %parallel_loop3A_453] : memref<6x3x8x128xf32, #tpu.memory_space<vmem>>[vector<16xi32>, vector<16xi32>, vector<16xi32>, vector<16xi32>], vector<16xf32>,
        %parallel_loop3A_455 = arith.constant 1 : i32
        %parallel_loop3A_456 = arith.index_cast %parallel_loop3A_152 : i32 to index
        %parallel_loop3A_457 = arith.index_cast %parallel_loop3A_455 : i32 to index
        %parallel_loop3A_458 = arith.index_cast %parallel_loop3A_154 : i32 to index
        %parallel_loop3A_459 = arith.constant 112 : index
        %parallel_loop3A_460 = tpu.vector_load %arg10[%parallel_loop3A_456, %parallel_loop3A_457, %parallel_loop3A_458, %parallel_loop3A_459] {strides = array<i32>} : memref<6x3x8x128xf32, #tpu.memory_space<vmem>>, vector<16xf32>,
        tpu.vector_store %arg10[%parallel_loop3A_456, %parallel_loop3A_457, %parallel_loop3A_458, %parallel_loop3A_459], %parallel_loop3A_454 {strides = array<i32>} : memref<6x3x8x128xf32, #tpu.memory_space<vmem>>, vector<16xf32>,
        %parallel_loop3A_461 = arith.constant 2 : i32
        %parallel_loop3A_462 = arith.index_cast %parallel_loop3A_152 : i32 to index
        %parallel_loop3A_463 = arith.index_cast %parallel_loop3A_461 : i32 to index
        %parallel_loop3A_464 = arith.index_cast %parallel_loop3A_154 : i32 to index
        %parallel_loop3A_465 = arith.constant 0 : index
        %parallel_loop3A_466 = tpu.vector_load %arg8[%parallel_loop3A_462, %parallel_loop3A_463, %parallel_loop3A_464, %parallel_loop3A_465] {strides = array<i32>} : memref<6x3x8x128xi32, #tpu.memory_space<vmem>>, vector<16xi32>,
        %parallel_loop3A_467 = arith.constant 7 : i32
        %parallel_loop3A_468 = vector.broadcast %parallel_loop3A_467 : i32 to vector<16xi32>
        %parallel_loop3A_469 = arith.shrui %parallel_loop3A_466, %parallel_loop3A_468 : vector<16xi32>
        %parallel_loop3A_470 = arith.constant 127 : i32
        %parallel_loop3A_471 = vector.broadcast %parallel_loop3A_470 : i32 to vector<16xi32>
        %parallel_loop3A_472 = arith.andi %parallel_loop3A_466, %parallel_loop3A_471 : vector<16xi32>
        %parallel_loop3A_473 = tpu.vector_load_idx %arg6[%parallel_loop3A_155, %parallel_loop3A_469, %parallel_loop3A_156, %parallel_loop3A_472] : memref<6x3x8x128xf32, #tpu.memory_space<vmem>>[vector<16xi32>, vector<16xi32>, vector<16xi32>, vector<16xi32>], vector<16xf32>,
        %parallel_loop3A_474 = arith.constant 2 : i32
        %parallel_loop3A_475 = arith.index_cast %parallel_loop3A_152 : i32 to index
        %parallel_loop3A_476 = arith.index_cast %parallel_loop3A_474 : i32 to index
        %parallel_loop3A_477 = arith.index_cast %parallel_loop3A_154 : i32 to index
        %parallel_loop3A_478 = arith.constant 0 : index
        %parallel_loop3A_479 = tpu.vector_load %arg10[%parallel_loop3A_475, %parallel_loop3A_476, %parallel_loop3A_477, %parallel_loop3A_478] {strides = array<i32>} : memref<6x3x8x128xf32, #tpu.memory_space<vmem>>, vector<16xf32>,
        tpu.vector_store %arg10[%parallel_loop3A_475, %parallel_loop3A_476, %parallel_loop3A_477, %parallel_loop3A_478], %parallel_loop3A_473 {strides = array<i32>} : memref<6x3x8x128xf32, #tpu.memory_space<vmem>>, vector<16xf32>,
        %parallel_loop3A_480 = arith.constant 2 : i32
        %parallel_loop3A_481 = arith.index_cast %parallel_loop3A_152 : i32 to index
        %parallel_loop3A_482 = arith.index_cast %parallel_loop3A_480 : i32 to index
        %parallel_loop3A_483 = arith.index_cast %parallel_loop3A_154 : i32 to index
        %parallel_loop3A_484 = arith.constant 16 : index
        %parallel_loop3A_485 = tpu.vector_load %arg8[%parallel_loop3A_481, %parallel_loop3A_482, %parallel_loop3A_483, %parallel_loop3A_484] {strides = array<i32>} : memref<6x3x8x128xi32, #tpu.memory_space<vmem>>, vector<16xi32>,
        %parallel_loop3A_486 = arith.constant 7 : i32
        %parallel_loop3A_487 = vector.broadcast %parallel_loop3A_486 : i32 to vector<16xi32>
        %parallel_loop3A_488 = arith.shrui %parallel_loop3A_485, %parallel_loop3A_487 : vector<16xi32>
        %parallel_loop3A_489 = arith.constant 127 : i32
        %parallel_loop3A_490 = vector.broadcast %parallel_loop3A_489 : i32 to vector<16xi32>
        %parallel_loop3A_491 = arith.andi %parallel_loop3A_485, %parallel_loop3A_490 : vector<16xi32>
        %parallel_loop3A_492 = tpu.vector_load_idx %arg6[%parallel_loop3A_155, %parallel_loop3A_488, %parallel_loop3A_156, %parallel_loop3A_491] : memref<6x3x8x128xf32, #tpu.memory_space<vmem>>[vector<16xi32>, vector<16xi32>, vector<16xi32>, vector<16xi32>], vector<16xf32>,
        %parallel_loop3A_493 = arith.constant 2 : i32
        %parallel_loop3A_494 = arith.index_cast %parallel_loop3A_152 : i32 to index
        %parallel_loop3A_495 = arith.index_cast %parallel_loop3A_493 : i32 to index
        %parallel_loop3A_496 = arith.index_cast %parallel_loop3A_154 : i32 to index
        %parallel_loop3A_497 = arith.constant 16 : index
        %parallel_loop3A_498 = tpu.vector_load %arg10[%parallel_loop3A_494, %parallel_loop3A_495, %parallel_loop3A_496, %parallel_loop3A_497] {strides = array<i32>} : memref<6x3x8x128xf32, #tpu.memory_space<vmem>>, vector<16xf32>,
        tpu.vector_store %arg10[%parallel_loop3A_494, %parallel_loop3A_495, %parallel_loop3A_496, %parallel_loop3A_497], %parallel_loop3A_492 {strides = array<i32>} : memref<6x3x8x128xf32, #tpu.memory_space<vmem>>, vector<16xf32>,
        %parallel_loop3A_499 = arith.constant 2 : i32
        %parallel_loop3A_500 = arith.index_cast %parallel_loop3A_152 : i32 to index
        %parallel_loop3A_501 = arith.index_cast %parallel_loop3A_499 : i32 to index
        %parallel_loop3A_502 = arith.index_cast %parallel_loop3A_154 : i32 to index
        %parallel_loop3A_503 = arith.constant 32 : index
        %parallel_loop3A_504 = tpu.vector_load %arg8[%parallel_loop3A_500, %parallel_loop3A_501, %parallel_loop3A_502, %parallel_loop3A_503] {strides = array<i32>} : memref<6x3x8x128xi32, #tpu.memory_space<vmem>>, vector<16xi32>,
        %parallel_loop3A_505 = arith.constant 7 : i32
        %parallel_loop3A_506 = vector.broadcast %parallel_loop3A_505 : i32 to vector<16xi32>
        %parallel_loop3A_507 = arith.shrui %parallel_loop3A_504, %parallel_loop3A_506 : vector<16xi32>
        %parallel_loop3A_508 = arith.constant 127 : i32
        %parallel_loop3A_509 = vector.broadcast %parallel_loop3A_508 : i32 to vector<16xi32>
        %parallel_loop3A_510 = arith.andi %parallel_loop3A_504, %parallel_loop3A_509 : vector<16xi32>
        %parallel_loop3A_511 = tpu.vector_load_idx %arg6[%parallel_loop3A_155, %parallel_loop3A_507, %parallel_loop3A_156, %parallel_loop3A_510] : memref<6x3x8x128xf32, #tpu.memory_space<vmem>>[vector<16xi32>, vector<16xi32>, vector<16xi32>, vector<16xi32>], vector<16xf32>,
        %parallel_loop3A_512 = arith.constant 2 : i32
        %parallel_loop3A_513 = arith.index_cast %parallel_loop3A_152 : i32 to index
        %parallel_loop3A_514 = arith.index_cast %parallel_loop3A_512 : i32 to index
        %parallel_loop3A_515 = arith.index_cast %parallel_loop3A_154 : i32 to index
        %parallel_loop3A_516 = arith.constant 32 : index
        %parallel_loop3A_517 = tpu.vector_load %arg10[%parallel_loop3A_513, %parallel_loop3A_514, %parallel_loop3A_515, %parallel_loop3A_516] {strides = array<i32>} : memref<6x3x8x128xf32, #tpu.memory_space<vmem>>, vector<16xf32>,
        tpu.vector_store %arg10[%parallel_loop3A_513, %parallel_loop3A_514, %parallel_loop3A_515, %parallel_loop3A_516], %parallel_loop3A_511 {strides = array<i32>} : memref<6x3x8x128xf32, #tpu.memory_space<vmem>>, vector<16xf32>,
        %parallel_loop3A_518 = arith.constant 2 : i32
        %parallel_loop3A_519 = arith.index_cast %parallel_loop3A_152 : i32 to index
        %parallel_loop3A_520 = arith.index_cast %parallel_loop3A_518 : i32 to index
        %parallel_loop3A_521 = arith.index_cast %parallel_loop3A_154 : i32 to index
        %parallel_loop3A_522 = arith.constant 48 : index
        %parallel_loop3A_523 = tpu.vector_load %arg8[%parallel_loop3A_519, %parallel_loop3A_520, %parallel_loop3A_521, %parallel_loop3A_522] {strides = array<i32>} : memref<6x3x8x128xi32, #tpu.memory_space<vmem>>, vector<16xi32>,
        %parallel_loop3A_524 = arith.constant 7 : i32
        %parallel_loop3A_525 = vector.broadcast %parallel_loop3A_524 : i32 to vector<16xi32>
        %parallel_loop3A_526 = arith.shrui %parallel_loop3A_523, %parallel_loop3A_525 : vector<16xi32>
        %parallel_loop3A_527 = arith.constant 127 : i32
        %parallel_loop3A_528 = vector.broadcast %parallel_loop3A_527 : i32 to vector<16xi32>
        %parallel_loop3A_529 = arith.andi %parallel_loop3A_523, %parallel_loop3A_528 : vector<16xi32>
        %parallel_loop3A_530 = tpu.vector_load_idx %arg6[%parallel_loop3A_155, %parallel_loop3A_526, %parallel_loop3A_156, %parallel_loop3A_529] : memref<6x3x8x128xf32, #tpu.memory_space<vmem>>[vector<16xi32>, vector<16xi32>, vector<16xi32>, vector<16xi32>], vector<16xf32>,
        %parallel_loop3A_531 = arith.constant 2 : i32
        %parallel_loop3A_532 = arith.index_cast %parallel_loop3A_152 : i32 to index
        %parallel_loop3A_533 = arith.index_cast %parallel_loop3A_531 : i32 to index
        %parallel_loop3A_534 = arith.index_cast %parallel_loop3A_154 : i32 to index
        %parallel_loop3A_535 = arith.constant 48 : index
        %parallel_loop3A_536 = tpu.vector_load %arg10[%parallel_loop3A_532, %parallel_loop3A_533, %parallel_loop3A_534, %parallel_loop3A_535] {strides = array<i32>} : memref<6x3x8x128xf32, #tpu.memory_space<vmem>>, vector<16xf32>,
        tpu.vector_store %arg10[%parallel_loop3A_532, %parallel_loop3A_533, %parallel_loop3A_534, %parallel_loop3A_535], %parallel_loop3A_530 {strides = array<i32>} : memref<6x3x8x128xf32, #tpu.memory_space<vmem>>, vector<16xf32>,
        %parallel_loop3A_537 = arith.constant 2 : i32
        %parallel_loop3A_538 = arith.index_cast %parallel_loop3A_152 : i32 to index
        %parallel_loop3A_539 = arith.index_cast %parallel_loop3A_537 : i32 to index
        %parallel_loop3A_540 = arith.index_cast %parallel_loop3A_154 : i32 to index
        %parallel_loop3A_541 = arith.constant 64 : index
        %parallel_loop3A_542 = tpu.vector_load %arg8[%parallel_loop3A_538, %parallel_loop3A_539, %parallel_loop3A_540, %parallel_loop3A_541] {strides = array<i32>} : memref<6x3x8x128xi32, #tpu.memory_space<vmem>>, vector<16xi32>,
        %parallel_loop3A_543 = arith.constant 7 : i32
        %parallel_loop3A_544 = vector.broadcast %parallel_loop3A_543 : i32 to vector<16xi32>
        %parallel_loop3A_545 = arith.shrui %parallel_loop3A_542, %parallel_loop3A_544 : vector<16xi32>
        %parallel_loop3A_546 = arith.constant 127 : i32
        %parallel_loop3A_547 = vector.broadcast %parallel_loop3A_546 : i32 to vector<16xi32>
        %parallel_loop3A_548 = arith.andi %parallel_loop3A_542, %parallel_loop3A_547 : vector<16xi32>
        %parallel_loop3A_549 = tpu.vector_load_idx %arg6[%parallel_loop3A_155, %parallel_loop3A_545, %parallel_loop3A_156, %parallel_loop3A_548] : memref<6x3x8x128xf32, #tpu.memory_space<vmem>>[vector<16xi32>, vector<16xi32>, vector<16xi32>, vector<16xi32>], vector<16xf32>,
        %parallel_loop3A_550 = arith.constant 2 : i32
        %parallel_loop3A_551 = arith.index_cast %parallel_loop3A_152 : i32 to index
        %parallel_loop3A_552 = arith.index_cast %parallel_loop3A_550 : i32 to index
        %parallel_loop3A_553 = arith.index_cast %parallel_loop3A_154 : i32 to index
        %parallel_loop3A_554 = arith.constant 64 : index
        %parallel_loop3A_555 = tpu.vector_load %arg10[%parallel_loop3A_551, %parallel_loop3A_552, %parallel_loop3A_553, %parallel_loop3A_554] {strides = array<i32>} : memref<6x3x8x128xf32, #tpu.memory_space<vmem>>, vector<16xf32>,
        tpu.vector_store %arg10[%parallel_loop3A_551, %parallel_loop3A_552, %parallel_loop3A_553, %parallel_loop3A_554], %parallel_loop3A_549 {strides = array<i32>} : memref<6x3x8x128xf32, #tpu.memory_space<vmem>>, vector<16xf32>,
        %parallel_loop3A_556 = arith.constant 2 : i32
        %parallel_loop3A_557 = arith.index_cast %parallel_loop3A_152 : i32 to index
        %parallel_loop3A_558 = arith.index_cast %parallel_loop3A_556 : i32 to index
        %parallel_loop3A_559 = arith.index_cast %parallel_loop3A_154 : i32 to index
        %parallel_loop3A_560 = arith.constant 80 : index
        %parallel_loop3A_561 = tpu.vector_load %arg8[%parallel_loop3A_557, %parallel_loop3A_558, %parallel_loop3A_559, %parallel_loop3A_560] {strides = array<i32>} : memref<6x3x8x128xi32, #tpu.memory_space<vmem>>, vector<16xi32>,
        %parallel_loop3A_562 = arith.constant 7 : i32
        %parallel_loop3A_563 = vector.broadcast %parallel_loop3A_562 : i32 to vector<16xi32>
        %parallel_loop3A_564 = arith.shrui %parallel_loop3A_561, %parallel_loop3A_563 : vector<16xi32>
        %parallel_loop3A_565 = arith.constant 127 : i32
        %parallel_loop3A_566 = vector.broadcast %parallel_loop3A_565 : i32 to vector<16xi32>
        %parallel_loop3A_567 = arith.andi %parallel_loop3A_561, %parallel_loop3A_566 : vector<16xi32>
        %parallel_loop3A_568 = tpu.vector_load_idx %arg6[%parallel_loop3A_155, %parallel_loop3A_564, %parallel_loop3A_156, %parallel_loop3A_567] : memref<6x3x8x128xf32, #tpu.memory_space<vmem>>[vector<16xi32>, vector<16xi32>, vector<16xi32>, vector<16xi32>], vector<16xf32>,
        %parallel_loop3A_569 = arith.constant 2 : i32
        %parallel_loop3A_570 = arith.index_cast %parallel_loop3A_152 : i32 to index
        %parallel_loop3A_571 = arith.index_cast %parallel_loop3A_569 : i32 to index
        %parallel_loop3A_572 = arith.index_cast %parallel_loop3A_154 : i32 to index
        %parallel_loop3A_573 = arith.constant 80 : index
        %parallel_loop3A_574 = tpu.vector_load %arg10[%parallel_loop3A_570, %parallel_loop3A_571, %parallel_loop3A_572, %parallel_loop3A_573] {strides = array<i32>} : memref<6x3x8x128xf32, #tpu.memory_space<vmem>>, vector<16xf32>,
        tpu.vector_store %arg10[%parallel_loop3A_570, %parallel_loop3A_571, %parallel_loop3A_572, %parallel_loop3A_573], %parallel_loop3A_568 {strides = array<i32>} : memref<6x3x8x128xf32, #tpu.memory_space<vmem>>, vector<16xf32>,
        %parallel_loop3A_575 = arith.constant 2 : i32
        %parallel_loop3A_576 = arith.index_cast %parallel_loop3A_152 : i32 to index
        %parallel_loop3A_577 = arith.index_cast %parallel_loop3A_575 : i32 to index
        %parallel_loop3A_578 = arith.index_cast %parallel_loop3A_154 : i32 to index
        %parallel_loop3A_579 = arith.constant 96 : index
        %parallel_loop3A_580 = tpu.vector_load %arg8[%parallel_loop3A_576, %parallel_loop3A_577, %parallel_loop3A_578, %parallel_loop3A_579] {strides = array<i32>} : memref<6x3x8x128xi32, #tpu.memory_space<vmem>>, vector<16xi32>,
        %parallel_loop3A_581 = arith.constant 7 : i32
        %parallel_loop3A_582 = vector.broadcast %parallel_loop3A_581 : i32 to vector<16xi32>
        %parallel_loop3A_583 = arith.shrui %parallel_loop3A_580, %parallel_loop3A_582 : vector<16xi32>
        %parallel_loop3A_584 = arith.constant 127 : i32
        %parallel_loop3A_585 = vector.broadcast %parallel_loop3A_584 : i32 to vector<16xi32>
        %parallel_loop3A_586 = arith.andi %parallel_loop3A_580, %parallel_loop3A_585 : vector<16xi32>
        %parallel_loop3A_587 = tpu.vector_load_idx %arg6[%parallel_loop3A_155, %parallel_loop3A_583, %parallel_loop3A_156, %parallel_loop3A_586] : memref<6x3x8x128xf32, #tpu.memory_space<vmem>>[vector<16xi32>, vector<16xi32>, vector<16xi32>, vector<16xi32>], vector<16xf32>,
        %parallel_loop3A_588 = arith.constant 2 : i32
        %parallel_loop3A_589 = arith.index_cast %parallel_loop3A_152 : i32 to index
        %parallel_loop3A_590 = arith.index_cast %parallel_loop3A_588 : i32 to index
        %parallel_loop3A_591 = arith.index_cast %parallel_loop3A_154 : i32 to index
        %parallel_loop3A_592 = arith.constant 96 : index
        %parallel_loop3A_593 = tpu.vector_load %arg10[%parallel_loop3A_589, %parallel_loop3A_590, %parallel_loop3A_591, %parallel_loop3A_592] {strides = array<i32>} : memref<6x3x8x128xf32, #tpu.memory_space<vmem>>, vector<16xf32>,
        tpu.vector_store %arg10[%parallel_loop3A_589, %parallel_loop3A_590, %parallel_loop3A_591, %parallel_loop3A_592], %parallel_loop3A_587 {strides = array<i32>} : memref<6x3x8x128xf32, #tpu.memory_space<vmem>>, vector<16xf32>,
        %parallel_loop3A_594 = arith.constant 2 : i32
        %parallel_loop3A_595 = arith.index_cast %parallel_loop3A_152 : i32 to index
        %parallel_loop3A_596 = arith.index_cast %parallel_loop3A_594 : i32 to index
        %parallel_loop3A_597 = arith.index_cast %parallel_loop3A_154 : i32 to index
        %parallel_loop3A_598 = arith.constant 112 : index
        %parallel_loop3A_599 = tpu.vector_load %arg8[%parallel_loop3A_595, %parallel_loop3A_596, %parallel_loop3A_597, %parallel_loop3A_598] {strides = array<i32>} : memref<6x3x8x128xi32, #tpu.memory_space<vmem>>, vector<16xi32>,
        %parallel_loop3A_600 = arith.constant 7 : i32
        %parallel_loop3A_601 = vector.broadcast %parallel_loop3A_600 : i32 to vector<16xi32>
        %parallel_loop3A_602 = arith.shrui %parallel_loop3A_599, %parallel_loop3A_601 : vector<16xi32>
        %parallel_loop3A_603 = arith.constant 127 : i32
        %parallel_loop3A_604 = vector.broadcast %parallel_loop3A_603 : i32 to vector<16xi32>
        %parallel_loop3A_605 = arith.andi %parallel_loop3A_599, %parallel_loop3A_604 : vector<16xi32>
        %parallel_loop3A_606 = tpu.vector_load_idx %arg6[%parallel_loop3A_155, %parallel_loop3A_602, %parallel_loop3A_156, %parallel_loop3A_605] : memref<6x3x8x128xf32, #tpu.memory_space<vmem>>[vector<16xi32>, vector<16xi32>, vector<16xi32>, vector<16xi32>], vector<16xf32>,
        %parallel_loop3A_607 = arith.constant 2 : i32
        %parallel_loop3A_608 = arith.index_cast %parallel_loop3A_152 : i32 to index
        %parallel_loop3A_609 = arith.index_cast %parallel_loop3A_607 : i32 to index
        %parallel_loop3A_610 = arith.index_cast %parallel_loop3A_154 : i32 to index
        %parallel_loop3A_611 = arith.constant 112 : index
        %parallel_loop3A_612 = tpu.vector_load %arg10[%parallel_loop3A_608, %parallel_loop3A_609, %parallel_loop3A_610, %parallel_loop3A_611] {strides = array<i32>} : memref<6x3x8x128xf32, #tpu.memory_space<vmem>>, vector<16xf32>,
        tpu.vector_store %arg10[%parallel_loop3A_608, %parallel_loop3A_609, %parallel_loop3A_610, %parallel_loop3A_611], %parallel_loop3A_606 {strides = array<i32>} : memref<6x3x8x128xf32, #tpu.memory_space<vmem>>, vector<16xf32>,
      } {sc.loop_unroll_factor = 4 : i64, sc.parallel_access}
      %add3A_135 = arith.constant 2 : i32
      %add3A_136 = arith.addi %add3A_107, %add3A_135 : i32
      %lt3A_137 = arith.constant 96 : i32
      %lt3A_138 = arith.cmpi slt, %add3A_136, %lt3A_137 : i32
      %convert_element_type3A_139 = arith.extui %lt3A_138 : i1 to i32
      %cond3A_140 = arith.constant 0 : i32
      %cond3A_141 = arith.cmpi ne, %convert_element_type3A_139, %cond3A_140 : i32
      scf.if %cond3A_141 {
        %add3A_150 = arith.constant 2 : i32
        %add3A_151 = arith.addi %add3A_107, %add3A_150 : i32
        %mul3A_152 = arith.constant 6 : i32
        %mul3A_153 = arith.muli %add3A_151, %mul3A_152 : i32
        %add3A_154 = arith.addi %mul3A_2, %mul3A_153 : i32
        %dma_start3A_155 = arith.constant 0 : i32
        %dma_start3A_156 = arith.constant 0 : i32
        %dma_start3A_157 = arith.constant 0 : i32
        %dma_start3A_158 = tpu.memref_slice %arg2[%add3A_154, %dma_start3A_155, %dma_start3A_156, %dma_start3A_157] : memref<18432x3x8x128xf32, #tpu.memory_space<hbm>> -> memref<6x3x8x128xf32, #tpu.memory_space<hbm>>
        %dma_start3A_159 = arith.constant 0 : i32
        %dma_start3A_160 = arith.constant 0 : i32
        %dma_start3A_161 = arith.constant 0 : i32
        %dma_start3A_162 = tpu.memref_slice %arg2[%add3A_154, %dma_start3A_159, %dma_start3A_160, %dma_start3A_161] : memref<18432x3x8x128xf32, #tpu.memory_space<hbm>> -> memref<6x3x8x128xf32, #tpu.memory_space<hbm>>
        tpu.enqueue_dma source(%dma_start3A_162 : memref<6x3x8x128xf32, #tpu.memory_space<hbm>>) target(%arg6 : memref<6x3x8x128xf32, #tpu.memory_space<vmem>>) target_semaphore(%arg12 : memref<!tpu.dma_semaphore, #tpu.memory_space<semaphore_mem>>)
        %dma_start3A_163 = arith.constant 0 : i32
        %dma_start3A_164 = arith.constant 0 : i32
        %dma_start3A_165 = arith.constant 0 : i32
        %dma_start3A_166 = tpu.memref_slice %arg3[%add3A_154, %dma_start3A_163, %dma_start3A_164, %dma_start3A_165] : memref<18432x3x8x128xi32, #tpu.memory_space<hbm>> -> memref<6x3x8x128xi32, #tpu.memory_space<hbm>>
        %dma_start3A_167 = arith.constant 0 : i32
        %dma_start3A_168 = arith.constant 0 : i32
        %dma_start3A_169 = arith.constant 0 : i32
        %dma_start3A_170 = tpu.memref_slice %arg3[%add3A_154, %dma_start3A_167, %dma_start3A_168, %dma_start3A_169] : memref<18432x3x8x128xi32, #tpu.memory_space<hbm>> -> memref<6x3x8x128xi32, #tpu.memory_space<hbm>>
        tpu.enqueue_dma source(%dma_start3A_170 : memref<6x3x8x128xi32, #tpu.memory_space<hbm>>) target(%arg8 : memref<6x3x8x128xi32, #tpu.memory_space<vmem>>) target_semaphore(%arg12 : memref<!tpu.dma_semaphore, #tpu.memory_space<semaphore_mem>>)
      } else {
      }
      %dma_start3A_142 = arith.constant 0 : i32
      %dma_start3A_143 = arith.constant 0 : i32
      %dma_start3A_144 = arith.constant 0 : i32
      %dma_start3A_145 = tpu.memref_slice %arg4[%add3A_110, %dma_start3A_142, %dma_start3A_143, %dma_start3A_144] : memref<18432x3x8x128xf32, #tpu.memory_space<hbm>> -> memref<6x3x8x128xf32, #tpu.memory_space<hbm>>
      %dma_start3A_146 = arith.constant 0 : i32
      %dma_start3A_147 = arith.constant 0 : i32
      %dma_start3A_148 = arith.constant 0 : i32
      %dma_start3A_149 = tpu.memref_slice %arg4[%add3A_110, %dma_start3A_146, %dma_start3A_147, %dma_start3A_148] : memref<18432x3x8x128xf32, #tpu.memory_space<hbm>> -> memref<6x3x8x128xf32, #tpu.memory_space<hbm>>
      tpu.enqueue_dma source(%arg10 : memref<6x3x8x128xf32, #tpu.memory_space<vmem>>) target(%dma_start3A_149 : memref<6x3x8x128xf32, #tpu.memory_space<hbm>>) target_semaphore(%arg14 : memref<!tpu.dma_semaphore, #tpu.memory_space<semaphore_mem>>)
    }
    %scan3A_42 = arith.constant 48 : i32
    %add3A_43 = arith.constant 564 : i32
    %add3A_44 = arith.addi %mul3A_2, %add3A_43 : i32
    %dma_wait3A = arith.constant 0 : i32
    %dma_wait3A_45 = arith.constant 0 : i32
    %dma_wait3A_46 = arith.constant 0 : i32
    %dma_wait3A_47 = tpu.memref_slice %arg4[%add3A_44, %dma_wait3A, %dma_wait3A_45, %dma_wait3A_46] : memref<18432x3x8x128xf32, #tpu.memory_space<hbm>> -> memref<6x3x8x128xf32, #tpu.memory_space<hbm>>
    %dma_wait3A_48 = arith.constant 0 : i32
    %dma_wait3A_49 = arith.constant 0 : i32
    %dma_wait3A_50 = arith.constant 0 : i32
    %dma_wait3A_51 = tpu.memref_slice %arg4[%add3A_44, %dma_wait3A_48, %dma_wait3A_49, %dma_wait3A_50] : memref<18432x3x8x128xf32, #tpu.memory_space<hbm>> -> memref<6x3x8x128xf32, #tpu.memory_space<hbm>>
    tpu.wait_dma2 semaphore(%arg13 : memref<!tpu.dma_semaphore, #tpu.memory_space<semaphore_mem>>) src(%arg9 : memref<6x3x8x128xf32, #tpu.memory_space<vmem>>) dst(%dma_wait3A_51 : memref<6x3x8x128xf32, #tpu.memory_space<hbm>>)
    %add3A_52 = arith.constant 570 : i32
    %add3A_53 = arith.addi %mul3A_2, %add3A_52 : i32
    %dma_wait3A_54 = arith.constant 0 : i32
    %dma_wait3A_55 = arith.constant 0 : i32
    %dma_wait3A_56 = arith.constant 0 : i32
    %dma_wait3A_57 = tpu.memref_slice %arg4[%add3A_53, %dma_wait3A_54, %dma_wait3A_55, %dma_wait3A_56] : memref<18432x3x8x128xf32, #tpu.memory_space<hbm>> -> memref<6x3x8x128xf32, #tpu.memory_space<hbm>>
    %dma_wait3A_58 = arith.constant 0 : i32
    %dma_wait3A_59 = arith.constant 0 : i32
    %dma_wait3A_60 = arith.constant 0 : i32
    %dma_wait3A_61 = tpu.memref_slice %arg4[%add3A_53, %dma_wait3A_58, %dma_wait3A_59, %dma_wait3A_60] : memref<18432x3x8x128xf32, #tpu.memory_space<hbm>> -> memref<6x3x8x128xf32, #tpu.memory_space<hbm>>
    tpu.wait_dma2 semaphore(%arg14 : memref<!tpu.dma_semaphore, #tpu.memory_space<semaphore_mem>>) src(%arg10 : memref<6x3x8x128xf32, #tpu.memory_space<vmem>>) dst(%dma_wait3A_61 : memref<6x3x8x128xf32, #tpu.memory_space<hbm>>)
    return
  }
}

</mosaic_0001>

<sc_bundles>
// kernel: kernel.3.cloned.1.call-start
scs
__scs_entry_jumppad:
0x0: {  	(pc) =	sbr.rel $0x88, $3  }
0x1: {  	(tag) =	ssettag $0x0;
	lr =	simm.s32 $0x1  }
0x2: {  	[smem:$0x3F9F] =	sst lr;
	_ =	strace $0xD0000000  }
0x3: {  	_ = 	snop  }
0x4: {  	_ = 	snop  }
0x5: {  	_ = 	snop  }
0x6: {  	_ = 	snop  }
0x7: {  	_ = 	snop  }
__scs_overlays_trampoline_lowered:
0x8: {  	[smem:$0x3FAE] =	sst s0  }
0x9: {  	[smem:$0x3FAF] =	sst s1  }
0xa: {  	[smem:$0x3FB0] =	sst s2  }
0xb: {  	[smem:$0x3FB1] =	sst s3  }
0xc: {  	[smem:$0x3FB2] =	sst s4  }
0xd: {  	[smem:$0x3FB3] =	sst s5  }
0xe: {  	[smem:$0x3FB4] =	sst s6  }
0xf: {  	[smem:$0x3FB5] =	sst s7  }
0x10: {  	[smem:$0x3FB6] =	sst s8  }
0x11: {  	[smem:$0x3FB7] =	sst s9;
	s0 =	simm.s32 @!p0 $0x0  }
0x12: {  	s1 =	sld [smem:$0x3F9D];
	s0 =	simm.s32 @p0 $0x1  }
0x13: {  	[smem:$0x3FB8] =	sst s0;
	s0 =	simm.s32 @!p1 $0x0  }
0x14: {  	s2 =	sld [smem:$0x3F9C];
	s0 =	simm.s32 @p1 $0x1  }
0x15: {  	[smem:$0x3FB9] =	sst s0;
	s0 =	simm.s32 @!p2 $0x0  }
0x16: {  	s3 =	sld [smem:$0x3FDB];
	s0 =	simm.s32 @p2 $0x1  }
0x17: {  	s4 =	simm.s32 $0x1BF5;
	[smem:$0x3FBB] =	sst s0  }
0x18: {  	s0 =	sld [smem:$0x3F9E];
	_ =	swait.ge [sflag:s4], $0x0  }
0x19: {  	s7 =	sld [smem:$0x3F9F]  }
0x1a: {  	s8 =	sadd.s32 $0xFFFFE003, lr  }
0x1b: {  	s9 =	sadd.s32 $0xFFFFFEF7, lr;
	s5 =	simm.s32 $0xFFFFFFFF;
	p2 =	slt.u32 s8, $0xFFFFF086  }
0x1c: {  	p1 =	slt.u32 s9, $0xF7A;
	s5 =	simm.s32 @!p2 $0x0  }
0x1d: {  	s5 =	simm.s32 @p1 $0x1;
	p0 =	seq.s32 s7, s2  }
0x1e: {  	s7 =	smul.u32 @!p0 $0xF7A, s2;
	p2 =	seq.s32 @!p0 s5, $0x0  }
0x1f: {  	s9 =	smul.u32 $0xF7A, s1;
	s8 =	simm.s32 @!p0 $0x1BF5;
	p2 =	por !p2, p0  }
0x20: {  	[sflag:s8] =	ssyncset.s32 @!p0 $0xFFFFF086;
	s6 =	sadd.s32 @!p0 s3, s7;
	s7 =	simm.s32 @!p0 $0x108  }
0x21: {  	s3 =	sadd.s32 s3, s9;
	s6 =	sadd.s32 @!p0 $0x88, s6;
	s7 =	simm.s32 @p2 $0x1082  }
0x22: {  	[simem:s7], [sflag:s8] =	dma.local @!p0 [hbm:s6], $0xF7A  }
0x23: {  	s9 =	sor.u32 $0xD0000000, s2;
	s6 =	simm.s32 $0x108;
	_ =	swait.ge @!p0 [sflag:s8], $0x0  }
0x24: {  	s3 =	sadd.s32 $0x88, s3;
	s6 =	simm.s32 @!p1 $0x1082;
	[sflag:s4] =	ssyncset.s32 $0xFFFFF086  }
0x25: {  	[simem:s6], [sflag:s4] =	dma.local [hbm:s3], $0xF7A  }
0x26: {  	[smem:$0x3F9F] =	sst s1;
	(tag) =	ssettag s2;
	_ =	strace s9  }
0x27: {  	s1 =	sld [smem:$0x3FAF]  }
0x28: {  	s2 =	sld [smem:$0x3FB0]  }
0x29: {  	s4 =	sld [smem:$0x3FB2]  }
0x2a: {  	p0 =	seq.s32 s5, $0x0;
	s5 =	sld [smem:$0x3FB3]  }
0x2b: {  	s6 =	sld [smem:$0x3FB4]  }
0x2c: {  	s7 =	sld [smem:$0x3FB5]  }
0x2d: {  	s3 =	simm.s32 $0x108;
	s8 =	sld [smem:$0x3FB6]  }
0x2e: {  	s3 =	simm.s32 @!p0 $0x1082;
	s9 =	sld [smem:$0x3FB7]  }
0x2f: {  	lr =	sadd.s32 s0, s3;
	s0 =	sld [smem:$0x3FAE]  }
0x30: {  	s3 =	sld [smem:$0x3FB1]  }
0x31: {  	[smem:$0x3FBA] =	sst s10  }
0x32: {  	s10 =	sld [smem:$0x3FB8];
	_ =	sdelay $0x3  }
0x33: {  	p0 =	seq.s32 s10, $0x1;
	s10 =	sld [smem:$0x3FBA];
	_ =	sdelay $0x3  }
0x34: {  	[smem:$0x3FBA] =	sst s10  }
0x35: {  	s10 =	sld [smem:$0x3FB9];
	_ =	sdelay $0x3  }
0x36: {  	p1 =	seq.s32 s10, $0x1;
	s10 =	sld [smem:$0x3FBA];
	_ =	sdelay $0x3  }
0x37: {  	[smem:$0x3FBA] =	sst s10  }
0x38: {  	s10 =	sld [smem:$0x3FBB]  }
0x39: {  	_ = 	snop;
	(pc) =	sbr.ind lr, $3  }
0x3a: {  	_ = 	snop  }
0x3b: {  	_ = 	snop  }
0x3c: {  	p2 =	seq.s32 s10, $0x1;
	s10 =	sld [smem:$0x3FBA]  }
0x3d: {  	_ =	shalt  }
0x3e: {  	_ =	shalt  }
0x3f: {  	_ =	shalt  }
0x40: {  	_ =	shalt  }
0x41: {  	_ =	shalt  }
0x42: {  	_ =	shalt  }
0x43: {  	_ =	shalt  }
0x44: {  	_ =	shalt  }
0x45: {  	_ =	shalt  }
0x46: {  	_ =	shalt  }
0x47: {  	_ =	shalt  }
0x48: {  	_ =	shalt  }
0x49: {  	_ =	shalt  }
0x4a: {  	_ =	shalt  }
0x4b: {  	_ =	shalt  }
0x4c: {  	_ =	shalt  }
0x4d: {  	_ =	shalt  }
0x4e: {  	_ =	shalt  }
0x4f: {  	_ =	shalt  }
0x50: {  	_ =	shalt  }
0x51: {  	_ =	shalt  }
0x52: {  	_ =	shalt  }
0x53: {  	_ =	shalt  }
0x54: {  	_ =	shalt  }
0x55: {  	_ =	shalt  }
0x56: {  	_ =	shalt  }
0x57: {  	_ =	shalt  }
0x58: {  	_ =	shalt  }
0x59: {  	_ =	shalt  }
0x5a: {  	_ =	shalt  }
0x5b: {  	_ =	shalt  }
0x5c: {  	_ =	shalt  }
0x5d: {  	_ =	shalt  }
0x5e: {  	_ =	shalt  }
0x5f: {  	_ =	shalt  }
0x60: {  	_ =	shalt  }
0x61: {  	_ =	shalt  }
0x62: {  	_ =	shalt  }
0x63: {  	_ =	shalt  }
0x64: {  	_ =	shalt  }
0x65: {  	_ =	shalt  }
0x66: {  	_ =	shalt  }
0x67: {  	_ =	shalt  }
0x68: {  	_ =	shalt  }
0x69: {  	_ =	shalt  }
0x6a: {  	_ =	shalt  }
0x6b: {  	_ =	shalt  }
0x6c: {  	_ =	shalt  }
0x6d: {  	_ =	shalt  }
0x6e: {  	_ =	shalt  }
0x6f: {  	_ =	shalt  }
0x70: {  	_ =	shalt  }
0x71: {  	_ =	shalt  }
0x72: {  	_ =	shalt  }
0x73: {  	_ =	shalt  }
0x74: {  	_ =	shalt  }
0x75: {  	_ =	shalt  }
0x76: {  	_ =	shalt  }
0x77: {  	_ =	shalt  }
0x78: {  	_ =	shalt  }
0x79: {  	_ =	shalt  }
0x7a: {  	_ =	shalt  }
0x7b: {  	_ =	shalt  }
0x7c: {  	_ =	shalt  }
0x7d: {  	_ =	shalt  }
0x7e: {  	_ =	shalt  }
0x7f: {  	_ =	shalt  }
0x80: {  	_ =	shalt  }
0x81: {  	_ =	shalt  }
0x82: {  	_ =	shalt  }
0x83: {  	_ =	shalt  }
0x84: {  	_ =	shalt  }
0x85: {  	_ =	shalt  }
0x86: {  	_ =	shalt  }
0x87: {  	_ =	shalt  }
.Lfunc_end0:
.L_simem_size_0:
called_computation_lowered:
.L_overlay_start_0:
0x88: {  	s2 =	sld [smem:$0x3FD9]  }
0x89: {  	s3 =	sld [smem:$0x3FFE];
	_ =	sdelay $0x1  }
0x8a: {  	s1 =	srdreg.scid  }
0x8b: {  	s0 =	sand.u32 $0x1, s1  }
0x8c: {  	s18 =	sshll.u32 s0, $0xA;
	s2 =	sadd.s32 s3, s2  }
0x8d: {  	s2 =	sadd.s32 s2, s18  }
0x8e: {  	[smem:$0x3FC6] =	sst s2  }
0x8f: {  	_ = 	snop  }
0x90: {  	s2 =	sld [smem:$0x3FC9]  }
0x91: {  	s19 =	sld [smem:$0x3FC8]  }
0x92: {  	s4 =	sld [smem:$0x3FD0];
	(tm) =	ssettm $0x1  }
0x93: {  	s5 =	sld [smem:$0x3FFB];
	_ =	sdelay $0x3  }
0x94: {  	_ =	strace s5  }
0x95: {  	s5 =	sld [smem:$0x3FFC];
	_ =	sdelay $0x3  }
0x96: {  	_ =	strace s5  }
0x97: {  	s5 =	sld [smem:$0x3FFD];
	_ =	sdelay $0x3  }
0x98: {  	_ =	strace s5  }
0x99: {  	_ =	strace $0x8FFFFFFF  }
0x9a: {  	s20 =	sld [smem:$0x3FDB];
	_ =	sdelay $0x1  }
0x9b: {  	s6 =	simm.s32 $_scs_section_size  }
0x9c: {  	s7 =	simm.s32 $_size__tile_overlayer_lowered;
	s8 =	simm.s32 $_tile_overlayer_lowered  }
0x9d: {  	s23 =	simm.s32 $0x1BFF;
	s22 =	sshll.u32 s8, $0x1;
	s5 =	sadd.s32 s6, s20  }
0x9e: {  	s9 =	simm.s32 $0x0;
	s21 =	sshll.u32 s7, $0x1;
	s7 =	sadd.s32 s22, s5  }
0x9f: {  	[timem:s9], [sflag:s23] =	dma.local [hbm:s7], s21  }
0xa0: {  	_ =	swait.ge [sflag:s23], s21  }
0xa1: {  	s6 =	ssub.s32 $0x0, s21;
	[sflag:s23] =	ssyncset.done $0x0  }
0xa2: {  	[sflag:s23] =	ssyncadd.s32 s6;
	_ =	sdelay $0x1  }
0xa3: {  	s24 =	simm.s32 $0x1B8B  }
0xa4: {  	_ =	swait.ge [sflag:s24], $0x1  }
0xa5: {  	[sflag:s24] =	ssyncset.done $0x0  }
0xa6: {  	s25 =	simm.s32 $0x1B8E;
	[sflag:s24] =	ssyncadd.s32 $0xFFFFFFFF  }
0xa7: {  	s26 =	simm.s32 $execute0_lowered;
	[smem:$0x3FD2] =	sst s25  }
0xa8: {  	s6 =	sshll.u32 s26, $0x1;
	_ =	strace $0x80000046;
	[dreg:$0x1] =	wrdreg $0xFFFFFFFF  }
0xa9: {  	s28 =	simm.s32 $_size_execute0_lowered;
	s5 =	sadd.s32 s5, s6;
	[dreg:$0x0] =	wrdreg $0x0  }
0xaa: {  	s6 =	sshll.u32 s28, $0x1;
	[dreg:$0x2] =	wrdreg s5  }
0xab: {  	[dreg:$0x3] =	wrdreg s6  }
0xac: {  	[dreg:$0x4] =	wrdreg $0xC0  }
0xad: {  	_ =	task [dreg:s9], $0x5FFFF  }
0xae: {  	[dreg:$0x1] =	wrdreg $0xFFFFFFFF  }
0xaf: {  	[dreg:$0x0] =	wrdreg $0x60  }
0xb0: {  	[dreg:$0x2] =	wrdreg s2  }
0xb1: {  	[dreg:$0x3] =	wrdreg s19  }
0xb2: {  	[dreg:$0x4] =	wrdreg s4  }
0xb3: {  	[dreg:$0x5] =	wrdreg $0x9  }
0xb4: {  	_ =	task.clear_ibuf [dreg:s9], $0x6FFFF;
	_ =	strace $0x90000046  }
0xb5: {  	s29 =	simm.s32 $0x9;
	_ =	strace $0x80000048  }
0xb6: {  	_ =	swait.ge [sflag:s29], $0x1  }
0xb7: {  	[sflag:s29] =	ssyncadd.s32 $0xFFFFFFFF  }
0xb8: {  	_ =	strace $0x90000048  }
0xb9: {  	_ =	sfence  }
0xba: {  	s30 =	sld [smem:$0x0];
	_ =	sdelay $0x2  }
0xbb: {  	s31 =	sshll.u32 s1, $0xD;
	s1 =	sshrl.u32 s1, $0x2  }
0xbc: {  	s3 =	sand.u32 $0x4000, s31;
	s1 =	sadd.s32 s1, s30  }
0xbd: {  	s0 =	sor.u32 s3, s0;
	s1 =	sshll.u32 s1, $0x11  }
0xbe: {  	s0 =	sor.u32 s1, s0  }
0xbf: {  	s0 =	sadd.s32 $0x8F2B, s0  }
0xc0: {  	[sflag:s0] =	ssyncadd.remote.s32 $0x1  }
0xc1: {  	_ =	sfence.sel $0xFFFF  }
0xc2: {  	[dreg:$0x0] =	wrdreg $0xFFFFFFFF;
	(pc) =	sbr.abs _section_cstart, $3  }
0xc3: {  	[dreg:$0x1] =	wrdreg $0xFFFFFFFF  }
0xc4: {  	_ =	task.clear_ibuf [dreg:s9], $0x2FFFF;
	_ =	strace $0x9FFFFFFF  }
0xc5: {  	(tm) =	ssettm $0x7FFFFFFF  }
tec
execute0_lowered:
.L_overlay_start_1:
0x0: {  	(tag) =	ssettag $0x1  }
0x1: {  	s0 =	srdreg.scid;
	s1 =	stileid.u32  }
0x2: {  	s0 =	sand.u32 $0x1, s0;
	s1 =	sshll.u32 s1, $0x1  }
0x3: {  	s4 =	rddreg [dreg:$0x0];
	s1 =	sor.u32 s0, s1  }
0x4: {  	s6 =	rddreg [dreg:$0x1];
	s5 =	simm.s32 $0x0;
	s2 =	smul.u32 $0x36000, s1  }
0x5: {  	[smem:$0x7FF] =	sst s5  }
0x6: {  	_ =	strace $0x80000047;
	s25 =	smul.u32 $0x240, s1;
	s7 =	sadd.s32 s4, s2  }
0x7: {  	s26 =	sor.u32 $0x900, s2;
	s2 =	sadd.s32 s6, s2;
	[dreg:$0x4] =	wrdreg s7  }
0x8: {  	s0 =	ssub.s32 $0x2, s0;
	s29 =	sor.u32 $0xC, s25;
	[dreg:$0x5] =	wrdreg s2  }
0x9: {  	s3 =	sshrl.u32 s0, $0x1;
	s30 =	sor.u32 $0x6, s25;
	[dreg:$0x8] =	wrdreg s29  }
0xa: {  	s0 =	ssub.s32 s0, s3;
	s31 =	sor.u32 $0x12, s25;
	[dreg:$0x9] =	wrdreg s30  }
0xb: {  	s16 =	simm.s32 $0x4800;
	s0 =	smax.u32 s0, $0x1;
	[dreg:$0xa] =	wrdreg s31  }
0xc: {  	s18 =	simm.s32 $0x1;
	s28 =	sadd.s32 s4, s26;
	[dreg:$0xb] =	wrdreg s0  }
0xd: {  	s20 =	simm.s32 $0x2;
	s1 =	sadd.s32 s6, s26;
	[dreg:$0x6] =	wrdreg s28  }
0xe: {  	s6 =	smov.u32 s25;
	s2 =	simm.s32 $0x0;
	[dreg:$0x7] =	wrdreg s1  }
.LBB2_1:
0xf: {  	[dreg:$0xc] =	wrdreg s2  }
0x10: {  	s0 =	rddreg [dreg:$0x4]  }
0x11: {  	[tilespmem:s5], [sflag:$0x1] =	stream.linear.gather [hbm4b:s0+s5], $0x4800, $0x38;
	[tilespmem:$0x1B000] =	vst v63  }
0x12: {  	s28 =	rddreg [dreg:$0x5];
	s1 =	simm.s32 $0x9000  }
0x13: {  	[tilespmem:s1], [sflag:$0x1] =	stream.linear.gather [hbm4b:s28+s5], $0x4800, $0x38;
	[tilespmem:$0x1B000] =	vst v63  }
0x14: {  	s29 =	rddreg [dreg:$0x6]  }
0x15: {  	[tilespmem:s16], [sflag:$0x2] =	stream.linear.gather [hbm4b:s29+s5], $0x4800, $0x38;
	[tilespmem:$0x1B000] =	vst v63  }
0x16: {  	s30 =	rddreg [dreg:$0x7];
	s31 =	simm.s32 $0xD800;
	s25 =	simm.s32 $0x0  }
0x17: {  	[tilespmem:s31], [sflag:$0x2] =	stream.linear.gather [hbm4b:s30+s5], $0x4800, $0x38;
	[tilespmem:$0x1B000] =	vst v63  }
.LBB2_2:
0x18: {  	_ =	swait.ge [sflag:s18], $0x4800  }
0x19: {  	[sflag:s18] =	ssyncset.done $0x0  }
0x1a: {  	[sflag:s18] =	ssyncadd.s32 $0xFFFFB800  }
0x1b: {  	p1 =	seq.s32 s25, $0x0;
	_ =	swait.ge [sflag:s18], $0x4800  }
0x1c: {  	s0 =	simm.s32 $0x0;
	s3 =	simm.s32 $0x0;
	[sflag:s18] =	ssyncset.done $0x0  }
0x1d: {  	s1 =	simm.s32 @!p1 $0x3;
	s2 =	sand.u32 $0x4, s0;
	[sflag:s18] =	ssyncadd.s32 $0xFFFFB800  }
0x1e: {  	s19 =	smul.u32 $0xC00, s3;
	s26 =	sshll.u32 s2, $0x7;
	_ =	swait.ge @!p1 [sflag:s1], $0x4800  }
0x1f: {  	s9 =	sor.u32 $0x180, s26;
	[sflag:s1] =	ssyncset.done @!p1 $0x0  }
0x20: {  	s4 =	sor.u32 s19, s9;
	[sflag:s1] =	ssyncadd.s32 @!p1 $0xFFFFB800  }
0x21: {  	s7 =	sor.u32 $0x80, s26;
	s21 =	sor.u32 s26, s19;
	v0 =	vld [tilespmem:s4+$0x9000]  }
0x22: {  	s8 =	sor.u32 $0x100, s26;
	s22 =	sor.u32 s19, s7;
	v2 =	vld [tilespmem:s21+$0x9000]  }
0x23: {  	s23 =	sor.u32 s19, s8;
	v3 =	vld [tilespmem:s22+$0x9000]  }
0x24: {  	v4 =	vld [tilespmem:s23+$0x9000]  }
0x25: {  	v6 =	vld [tilespmem:s21+$0x9010]  }
0x26: {  	v10 =	vld [tilespmem:s22+$0x9010]  }
0x27: {  	v1 =	vmov s3;
	v11 =	vld [tilespmem:s23+$0x9010]  }
0x28: {  	v1 =	vmul.u32 $0xC00, v1;
	v14 =	vld [tilespmem:s22+$0x9020]  }
0x29: {  	v15 =	vld [tilespmem:s23+$0x9020]  }
0x2a: {  	v1 =	vbroadcast v1, $0x0;
	v5 =	vshll.u32 v0, $0x3  }
0x2b: {  	v7 =	vand.u32 $0x7F, v2;
	v2 =	vshll.u32 v2, $0x3;
	v8 =	vshll.u32 v3, $0x3  }
0x2c: {  	v0 =	vand.u32 $0x7F, v0;
	v3 =	vand.u32 $0x7F, v3;
	v12 =	vshll.u32 v10, $0x3  }
0x2d: {  	v13 =	vshll.u32 v11, $0x3;
	v10 =	vand.u32 $0x7F, v10;
	v11 =	vand.u32 $0x7F, v11  }
0x2e: {  	v18 =	vshll.u32 v14, $0x3;
	v19 =	vshll.u32 v15, $0x3;
	v14 =	vand.u32 $0x7F, v14  }
0x2f: {  	v5 =	vand.u32 $0xFFFFFC00, v5;
	v2 =	vand.u32 $0xFFFFFC00, v2;
	v8 =	vand.u32 $0xFFFFFC00, v8  }
0x30: {  	v9 =	vld [tilespmem:s4+$0x9010];
	v12 =	vand.u32 $0xFFFFFC00, v12;
	v13 =	vand.u32 $0xFFFFFC00, v13;
	v5 =	vadd.s32 v1, v5  }
0x31: {  	v2 =	vadd.s32 v1, v2;
	v8 =	vadd.s32 v1, v8;
	v12 =	vadd.s32 v1, v12  }
0x32: {  	v13 =	vadd.s32 v1, v13;
	v0 =	vor.u32 v0, v5;
	v5 =	vshll.u32 v4, $0x3  }
0x33: {  	v2 =	vor.u32 v7, v2;
	v4 =	vand.u32 $0x7F, v4;
	v5 =	vand.u32 $0xFFFFFC00, v5  }
0x34: {  	v3 =	vor.u32 v3, v8;
	v7 =	vld [tilespmem:s4+$0x9020];
	v0 =	vor.u32 s9, v0;
	v5 =	vadd.s32 v1, v5  }
0x35: {  	v17 =	vld [tilespmem:s21+$0x9030];
	v8 =	vand.u32 $0x7F, v9;
	v4 =	vor.u32 v4, v5;
	v5 =	vshll.u32 v9, $0x3  }
0x36: {  	v20 =	vld [tilespmem:s4+$0x9040];
	v11 =	vor.u32 v11, v13;
	v2 =	vor.u32 s26, v2;
	v5 =	vand.u32 $0xFFFFFC00, v5  }
0x37: {  	v21 =	vld [tilespmem:s21+$0x9040];
	v3 =	vor.u32 s7, v3;
	v9 =	vshll.u32 v6, $0x3;
	v5 =	vadd.s32 v1, v5  }
0x38: {  	v4 =	vor.u32 s8, v4;
	v9 =	vand.u32 $0xFFFFFC00, v9;
	v5 =	vor.u32 v8, v5;
	v8 =	vld [tilespmem:s21+$0x9020]  }
0x39: {  	v6 =	vand.u32 $0x7F, v6;
	v9 =	vadd.s32 v1, v9;
	v16 =	vshll.u32 v7, $0x3;
	v0 =	vld.idx.msk [tilespmem:v0+s5+$0x0], $0xffff  }
0x3a: {  	v6 =	vor.u32 v6, v9;
	v9 =	vor.u32 v10, v12;
	v12 =	vld [tilespmem:s4+$0x9030];
	v5 =	vor.u32 s9, v5  }
0x3b: {  	v15 =	vand.u32 $0x7F, v15;
	v11 =	vor.u32 s8, v11;
	v10 =	vand.u32 $0xFFFFFC00, v16;
	v2 =	vld.idx.msk [tilespmem:v2+s5+$0x0], $0xffff  }
0x3c: {  	v7 =	vand.u32 $0x7F, v7;
	v3 =	vld.idx.msk [tilespmem:v3+s5+$0x0], $0xffff;
	v10 =	vadd.s32 v1, v10;
	v6 =	vor.u32 s26, v6  }
0x3d: {  	v9 =	vor.u32 s7, v9;
	v7 =	vor.u32 v7, v10;
	v4 =	vld.idx.msk [tilespmem:v4+s5+$0x0], $0xffff;
	v16 =	vshll.u32 v8, $0x3  }
0x3e: {  	v10 =	vld [tilespmem:s23+$0x9030];
	v7 =	vor.u32 s9, v7;
	[tilespmem:s4+$0x12000] =	vst v0;
	v8 =	vand.u32 $0x7F, v8;
	v16 =	vand.u32 $0xFFFFFC00, v16  }
0x3f: {  	v5 =	vld.idx.msk [tilespmem:v5+s5+$0x0], $0xffff;
	v0 =	vadd.s32 v1, v16;
	v16 =	vand.u32 $0xFFFFFC00, v18;
	v18 =	vand.u32 $0xFFFFFC00, v19  }
0x40: {  	v13 =	vld [tilespmem:s22+$0x9030];
	[tilespmem:s21+$0x12000] =	vst v2;
	v19 =	vshll.u32 v12, $0x3;
	v12 =	vand.u32 $0x7F, v12;
	v16 =	vadd.s32 v1, v16  }
0x41: {  	[tilespmem:s22+$0x12000] =	vst v3;
	v3 =	vld.idx.msk [tilespmem:v6+s5+$0x0], $0xffff;
	v18 =	vadd.s32 v1, v18;
	v19 =	vand.u32 $0xFFFFFC00, v19;
	v0 =	vor.u32 v8, v0  }
0x42: {  	v9 =	vld.idx.msk [tilespmem:v9+s5+$0x0], $0xffff;
	[tilespmem:s23+$0x12000] =	vst v4;
	v4 =	vand.u32 $0x7F, v17;
	v19 =	vadd.s32 v1, v19;
	v8 =	vor.u32 v14, v16  }
0x43: {  	v0 =	vor.u32 s26, v0;
	v15 =	vor.u32 v15, v18;
	v16 =	vld [tilespmem:s23+$0x9040];
	v18 =	vshll.u32 v10, $0x3  }
0x44: {  	v11 =	vld.idx.msk [tilespmem:v11+s5+$0x0], $0xffff;
	v12 =	vor.u32 v12, v19;
	v8 =	vor.u32 s7, v8;
	v15 =	vor.u32 s8, v15;
	[tilespmem:s4+$0x12010] =	vst v5  }
0x45: {  	v12 =	vor.u32 s9, v12;
	v5 =	vshll.u32 v17, $0x3;
	v2 =	vld.idx.msk [tilespmem:v7+s5+$0x0], $0xffff;
	v7 =	vshll.u32 v13, $0x3  }
0x46: {  	v14 =	vld [tilespmem:s22+$0x9040];
	v5 =	vand.u32 $0xFFFFFC00, v5;
	v13 =	vand.u32 $0x7F, v13;
	v6 =	vand.u32 $0xFFFFFC00, v7  }
0x47: {  	v7 =	vand.u32 $0xFFFFFC00, v18;
	v18 =	vshll.u32 v20, $0x3;
	v5 =	vadd.s32 v1, v5  }
0x48: {  	v19 =	vld [tilespmem:s4+$0x9050];
	v20 =	vand.u32 $0x7F, v20;
	v6 =	vadd.s32 v1, v6;
	v18 =	vand.u32 $0xFFFFFC00, v18  }
0x49: {  	[tilespmem:s22+$0x12010] =	vst v9;
	v7 =	vadd.s32 v1, v7;
	v4 =	vor.u32 v4, v5;
	v5 =	vand.u32 $0x7F, v10  }
0x4a: {  	v22 =	vld [tilespmem:s21+$0x9050];
	v9 =	vshll.u32 v16, $0x3;
	[tilespmem:s23+$0x12010] =	vst v11;
	v11 =	vand.u32 $0x7F, v21;
	v18 =	vadd.s32 v1, v18  }
0x4b: {  	v5 =	vor.u32 v5, v7;
	v7 =	vshll.u32 v14, $0x3;
	v8 =	vld.idx.msk [tilespmem:v8+s5+$0x0], $0xffff;
	v9 =	vand.u32 $0xFFFFFC00, v9  }
0x4c: {  	v17 =	vor.u32 v20, v18;
	[tilespmem:s4+$0x12020] =	vst v2;
	v2 =	vor.u32 s26, v4;
	v4 =	vor.u32 v13, v6;
	v13 =	vld [tilespmem:s4+$0x9060]  }
0x4d: {  	[tilespmem:s21+$0x12010] =	vst v3;
	v5 =	vor.u32 s8, v5;
	v7 =	vand.u32 $0xFFFFFC00, v7;
	v3 =	vld.idx.msk [tilespmem:v12+s5+$0x0], $0xffff;
	v12 =	vshll.u32 v19, $0x3  }
0x4e: {  	v0 =	vld.idx.msk [tilespmem:v0+s5+$0x0], $0xffff;
	v18 =	vand.u32 $0x7F, v19;
	v10 =	vor.u32 s9, v17;
	v12 =	vand.u32 $0xFFFFFC00, v12  }
0x4f: {  	v9 =	vadd.s32 v1, v9;
	v6 =	vshll.u32 v21, $0x3;
	v19 =	vld [tilespmem:s23+$0x9050];
	v12 =	vadd.s32 v1, v12  }
0x50: {  	v17 =	vld [tilespmem:s22+$0x9050];
	v4 =	vor.u32 s7, v4;
	v6 =	vand.u32 $0xFFFFFC00, v6;
	v12 =	vor.u32 v18, v12  }
0x51: {  	v15 =	vld.idx.msk [tilespmem:v15+s5+$0x0], $0xffff;
	v7 =	vadd.s32 v1, v7;
	v6 =	vadd.s32 v1, v6;
	[tilespmem:s22+$0x12020] =	vst v8;
	v12 =	vor.u32 s9, v12  }
0x52: {  	v18 =	vld [tilespmem:s21+$0x9060];
	v8 =	vshll.u32 v13, $0x3;
	v13 =	vand.u32 $0x7F, v13;
	[tilespmem:s4+$0x12030] =	vst v3;
	v3 =	vor.u32 v11, v6  }
0x53: {  	[tilespmem:s21+$0x12020] =	vst v0;
	v6 =	vand.u32 $0x7F, v14;
	v11 =	vand.u32 $0x7F, v16;
	v8 =	vand.u32 $0xFFFFFC00, v8;
	v0 =	vld.idx.msk [tilespmem:v10+s5+$0x0], $0xffff  }
0x54: {  	v2 =	vld.idx.msk [tilespmem:v2+s5+$0x0], $0xffff;
	v14 =	vshll.u32 v19, $0x3;
	v3 =	vor.u32 s26, v3;
	v6 =	vor.u32 v6, v7  }
0x55: {  	v4 =	vld.idx.msk [tilespmem:v4+s5+$0x0], $0xffff;
	v7 =	vor.u32 v11, v9;
	v9 =	vshll.u32 v22, $0x3;
	v10 =	vshll.u32 v17, $0x3  }
0x56: {  	[tilespmem:s23+$0x12020] =	vst v15;
	v11 =	vld [tilespmem:s4+$0x9070];
	v8 =	vadd.s32 v1, v8;
	v6 =	vor.u32 s7, v6;
	v7 =	vor.u32 s8, v7  }
0x57: {  	v5 =	vld.idx.msk [tilespmem:v5+s5+$0x0], $0xffff;
	v9 =	vand.u32 $0xFFFFFC00, v9;
	v10 =	vand.u32 $0xFFFFFC00, v10;
	v8 =	vor.u32 v13, v8  }
0x58: {  	v16 =	vld [tilespmem:s22+$0x9060];
	v13 =	vand.u32 $0x7F, v22;
	v8 =	vor.u32 s9, v8;
	v10 =	vadd.s32 v1, v10;
	[tilespmem:s4+$0x12040] =	vst v0  }
0x59: {  	[tilespmem:s21+$0x12030] =	vst v2;
	v2 =	vand.u32 $0x7F, v17;
	v0 =	vadd.s32 v1, v9;
	v9 =	vand.u32 $0xFFFFFC00, v14;
	v12 =	vld.idx.msk [tilespmem:v12+s5+$0x0], $0xffff  }
0x5a: {  	v14 =	vld [tilespmem:s23+$0x9060];
	v9 =	vadd.s32 v1, v9;
	v0 =	vor.u32 v13, v0;
	v13 =	vand.u32 $0x7F, v19  }
0x5b: {  	[tilespmem:s22+$0x12030] =	vst v4;
	v2 =	vor.u32 v2, v10;
	v3 =	vld.idx.msk [tilespmem:v3+s5+$0x0], $0xffff;
	v4 =	vor.u32 v13, v9;
	v9 =	vshll.u32 v11, $0x3  }
0x5c: {  	v2 =	vor.u32 s7, v2;
	v6 =	vld.idx.msk [tilespmem:v6+s5+$0x0], $0xffff;
	v0 =	vor.u32 s26, v0;
	v9 =	vand.u32 $0xFFFFFC00, v9  }
0x5d: {  	[tilespmem:s23+$0x12030] =	vst v5;
	v10 =	vld [tilespmem:s21+$0x9070];
	v5 =	vand.u32 $0x7F, v11;
	v11 =	vshll.u32 v18, $0x3;
	v9 =	vadd.s32 v1, v9  }
0x5e: {  	v7 =	vld.idx.msk [tilespmem:v7+s5+$0x0], $0xffff;
	v4 =	vor.u32 s8, v4;
	v5 =	vor.u32 v5, v9;
	v9 =	vand.u32 $0xFFFFFC00, v11;
	[tilespmem:s4+$0x12050] =	vst v12  }
0x5f: {  	v11 =	vshll.u32 v14, $0x3;
	v12 =	vshll.u32 v16, $0x3;
	v5 =	vor.u32 s9, v5;
	v8 =	vld.idx.msk [tilespmem:v8+s5+$0x0], $0xffff  }
0x60: {  	v13 =	vld [tilespmem:s22+$0x9070];
	[tilespmem:s21+$0x12040] =	vst v3;
	v3 =	vadd.s32 v1, v9;
	v9 =	vand.u32 $0xFFFFFC00, v12;
	v12 =	vand.u32 $0x7F, v18  }
0x61: {  	[tilespmem:s22+$0x12040] =	vst v6;
	v0 =	vld.idx.msk [tilespmem:v0+s5+$0x0], $0xffff;
	v6 =	vadd.s32 v1, v9;
	v3 =	vor.u32 v12, v3;
	v9 =	vand.u32 $0x7F, v16  }
0x62: {  	v11 =	vand.u32 $0xFFFFFC00, v11;
	v2 =	vld.idx.msk [tilespmem:v2+s5+$0x0], $0xffff;
	v3 =	vor.u32 s26, v3;
	v6 =	vor.u32 v9, v6  }
0x63: {  	[tilespmem:s23+$0x12040] =	vst v7;
	v7 =	vadd.s32 v1, v11;
	v11 =	vand.u32 $0x7F, v14;
	v9 =	vld [tilespmem:s23+$0x9070];
	v6 =	vor.u32 s7, v6  }
0x64: {  	v4 =	vld.idx.msk [tilespmem:v4+s5+$0x0], $0xffff;
	v7 =	vor.u32 v11, v7;
	[tilespmem:s4+$0x12060] =	vst v8;
	v8 =	vshll.u32 v10, $0x3  }
0x65: {  	v11 =	vshll.u32 v13, $0x3;
	v7 =	vor.u32 s8, v7;
	v5 =	vld.idx.msk [tilespmem:v5+s5+$0x0], $0xffff;
	v8 =	vand.u32 $0xFFFFFC00, v8  }
0x66: {  	v11 =	vand.u32 $0xFFFFFC00, v11;
	[tilespmem:s21+$0x12050] =	vst v0;
	v0 =	vand.u32 $0x7F, v10;
	v8 =	vadd.s32 v1, v8  }
0x67: {  	v10 =	vadd.s32 v1, v11;
	[tilespmem:s22+$0x12050] =	vst v2;
	v2 =	vand.u32 $0x7F, v13;
	v3 =	vld.idx.msk [tilespmem:v3+s5+$0x0], $0xffff;
	v0 =	vor.u32 v0, v8  }
0x68: {  	v2 =	vor.u32 v2, v10;
	v8 =	vshll.u32 v9, $0x3;
	v6 =	vld.idx.msk [tilespmem:v6+s5+$0x0], $0xffff;
	v0 =	vor.u32 s26, v0  }
0x69: {  	s11 =	sadd.s32 $0x400, s19;
	[tilespmem:s23+$0x12050] =	vst v4;
	v2 =	vor.u32 s7, v2;
	v8 =	vand.u32 $0xFFFFFC00, v8  }
0x6a: {  	s10 =	sor.u32 s9, s11;
	v7 =	vld.idx.msk [tilespmem:v7+s5+$0x0], $0xffff;
	v4 =	vadd.s32 v1, v8;
	v8 =	vand.u32 $0x7F, v9;
	[tilespmem:s4+$0x12070] =	vst v5  }
0x6b: {  	v4 =	vor.u32 v8, v4;
	v5 =	vld [tilespmem:s10+$0x9000]  }
0x6c: {  	v4 =	vor.u32 s8, v4;
	[tilespmem:s21+$0x12060] =	vst v3;
	v13 =	vld [tilespmem:s10+$0x9030]  }
0x6d: {  	[tilespmem:s22+$0x12060] =	vst v6;
	v0 =	vld.idx.msk [tilespmem:v0+s5+$0x0], $0xffff  }
0x6e: {  	v2 =	vld.idx.msk [tilespmem:v2+s5+$0x0], $0xffff  }
0x6f: {  	v18 =	vld [tilespmem:s10+$0x9040]  }
0x70: {  	[tilespmem:s23+$0x12060] =	vst v7;
	v6 =	vld [tilespmem:s10+$0x9010];
	v3 =	vshll.u32 v5, $0x3  }
0x71: {  	v4 =	vld.idx.msk [tilespmem:v4+s5+$0x0], $0xffff;
	v3 =	vand.u32 $0xFFFFFC00, v3  }
0x72: {  	s24 =	sor.u32 s26, s11;
	v5 =	vand.u32 $0x7F, v5;
	v16 =	vshll.u32 v13, $0x3;
	v3 =	vadd.s32 v1, v3;
	[tilespmem:s21+$0x12070] =	vst v0  }
0x73: {  	s12 =	sor.u32 s7, s11;
	v16 =	vand.u32 $0xFFFFFC00, v16;
	[tilespmem:s22+$0x12070] =	vst v2;
	v0 =	vor.u32 v5, v3;
	v3 =	vld [tilespmem:s24+$0x9000]  }
0x74: {  	v13 =	vand.u32 $0x7F, v13;
	v16 =	vadd.s32 v1, v16;
	v2 =	vld [tilespmem:s12+$0x9000]  }
0x75: {  	v5 =	vshll.u32 v6, $0x3;
	v6 =	vand.u32 $0x7F, v6;
	v0 =	vor.u32 s9, v0  }
0x76: {  	s13 =	sor.u32 s8, s11;
	v13 =	vor.u32 v13, v16;
	v16 =	vshll.u32 v18, $0x3;
	[tilespmem:s23+$0x12070] =	vst v4;
	v4 =	vand.u32 $0xFFFFFC00, v5;
	v5 =	vld [tilespmem:s10+$0x9020]  }
0x77: {  	v18 =	vand.u32 $0x7F, v18;
	v16 =	vand.u32 $0xFFFFFC00, v16;
	v4 =	vadd.s32 v1, v4;
	v7 =	vld [tilespmem:s13+$0x9000]  }
0x78: {  	v16 =	vadd.s32 v1, v16;
	v4 =	vor.u32 v6, v4;
	v6 =	vshll.u32 v3, $0x3  }
0x79: {  	v3 =	vand.u32 $0x7F, v3;
	v8 =	vshll.u32 v2, $0x3;
	v4 =	vor.u32 s9, v4  }
0x7a: {  	v2 =	vand.u32 $0x7F, v2;
	v0 =	vld.idx.msk [tilespmem:v0+s5+$0x0], $0xffff;
	v6 =	vand.u32 $0xFFFFFC00, v6;
	v8 =	vand.u32 $0xFFFFFC00, v8  }
0x7b: {  	v10 =	vld [tilespmem:s12+$0x9010];
	v6 =	vadd.s32 v1, v6;
	v11 =	vshll.u32 v5, $0x3;
	v5 =	vand.u32 $0x7F, v5  }
0x7c: {  	v9 =	vld [tilespmem:s24+$0x9010];
	v3 =	vor.u32 v3, v6;
	v12 =	vand.u32 $0x7F, v7;
	v7 =	vshll.u32 v7, $0x3  }
0x7d: {  	v20 =	vld [tilespmem:s10+$0x9050];
	v6 =	vadd.s32 v1, v8;
	v11 =	vand.u32 $0xFFFFFC00, v11;
	v7 =	vand.u32 $0xFFFFFC00, v7  }
0x7e: {  	v8 =	vld [tilespmem:s13+$0x9010];
	v2 =	vor.u32 v2, v6;
	v3 =	vor.u32 s26, v3;
	v6 =	vadd.s32 v1, v7  }
0x7f: {  	v14 =	vld [tilespmem:s12+$0x9020];
	v11 =	vadd.s32 v1, v11;
	v2 =	vor.u32 s7, v2;
	v6 =	vor.u32 v12, v6;
	[tilespmem:s10+$0x12000] =	vst v0  }
0x80: {  	v5 =	vor.u32 v5, v11;
	v11 =	vshll.u32 v10, $0x3;
	v4 =	vld.idx.msk [tilespmem:v4+s5+$0x0], $0xffff;
	v6 =	vor.u32 s8, v6  }
0x81: {  	v7 =	vld [tilespmem:s24+$0x9020];
	v10 =	vand.u32 $0x7F, v10;
	v0 =	vor.u32 s9, v5;
	v5 =	vshll.u32 v9, $0x3  }
0x82: {  	v15 =	vld [tilespmem:s13+$0x9020];
	v11 =	vand.u32 $0xFFFFFC00, v11;
	v9 =	vand.u32 $0x7F, v9;
	v5 =	vand.u32 $0xFFFFFC00, v5  }
0x83: {  	v11 =	vadd.s32 v1, v11;
	v12 =	vshll.u32 v8, $0x3;
	v5 =	vadd.s32 v1, v5;
	v3 =	vld.idx.msk [tilespmem:v3+s5+$0x0], $0xffff  }
0x84: {  	v8 =	vand.u32 $0x7F, v8;
	v10 =	vor.u32 v10, v11;
	v12 =	vand.u32 $0xFFFFFC00, v12;
	v2 =	vld.idx.msk [tilespmem:v2+s5+$0x0], $0xffff  }
0x85: {  	v5 =	vor.u32 v9, v5;
	v10 =	vor.u32 s7, v10;
	v12 =	vadd.s32 v1, v12;
	[tilespmem:s10+$0x12010] =	vst v4;
	v6 =	vld.idx.msk [tilespmem:v6+s5+$0x0], $0xffff  }
0x86: {  	v5 =	vor.u32 s26, v5;
	v11 =	vshll.u32 v7, $0x3;
	v7 =	vand.u32 $0x7F, v7;
	v0 =	vld.idx.msk [tilespmem:v0+s5+$0x0], $0xffff  }
0x87: {  	v17 =	vld [tilespmem:s24+$0x9030];
	v8 =	vor.u32 v8, v12;
	v12 =	vshll.u32 v14, $0x3;
	v4 =	vor.u32 s9, v13  }
0x88: {  	v19 =	vld [tilespmem:s12+$0x9030];
	v11 =	vand.u32 $0xFFFFFC00, v11;
	v8 =	vor.u32 s8, v8;
	v13 =	vshll.u32 v15, $0x3;
	[tilespmem:s24+$0x12000] =	vst v3  }
0x89: {  	v21 =	vld [tilespmem:s24+$0x9040];
	v12 =	vand.u32 $0xFFFFFC00, v12;
	v11 =	vadd.s32 v1, v11;
	v13 =	vand.u32 $0xFFFFFC00, v13;
	[tilespmem:s12+$0x12000] =	vst v2  }
0x8a: {  	v9 =	vld [tilespmem:s13+$0x9030];
	v12 =	vadd.s32 v1, v12;
	v7 =	vor.u32 v7, v11;
	v13 =	vadd.s32 v1, v13;
	[tilespmem:s13+$0x12000] =	vst v6  }
0x8b: {  	v5 =	vld.idx.msk [tilespmem:v5+s5+$0x0], $0xffff;
	v2 =	vor.u32 s26, v7;
	v6 =	vshll.u32 v20, $0x3;
	[tilespmem:s10+$0x12020] =	vst v0;
	v0 =	vor.u32 v18, v16  }
0x8c: {  	v6 =	vand.u32 $0xFFFFFC00, v6;
	v3 =	vld.idx.msk [tilespmem:v4+s5+$0x0], $0xffff;
	v0 =	vor.u32 s9, v0;
	v4 =	vand.u32 $0x7F, v14  }
0x8d: {  	v10 =	vld.idx.msk [tilespmem:v10+s5+$0x0], $0xffff;
	v14 =	vand.u32 $0x7F, v15;
	v15 =	vand.u32 $0x7F, v20;
	v6 =	vadd.s32 v1, v6  }
0x8e: {  	v8 =	vld.idx.msk [tilespmem:v8+s5+$0x0], $0xffff;
	v4 =	vor.u32 v4, v12;
	v11 =	vor.u32 v14, v13;
	v13 =	vshll.u32 v19, $0x3  }
0x8f: {  	v16 =	vld [tilespmem:s10+$0x9060];
	v14 =	vshll.u32 v9, $0x3;
	v9 =	vand.u32 $0x7F, v9;
	v4 =	vor.u32 s7, v4  }
0x90: {  	v18 =	vld [tilespmem:s13+$0x9040];
	v7 =	vor.u32 s8, v11;
	v11 =	vshll.u32 v17, $0x3;
	v13 =	vand.u32 $0xFFFFFC00, v13  }
0x91: {  	v12 =	vld [tilespmem:s12+$0x9040];
	v11 =	vand.u32 $0xFFFFFC00, v11;
	v13 =	vadd.s32 v1, v13;
	[tilespmem:s10+$0x12030] =	vst v3;
	v3 =	vor.u32 v15, v6  }
0x92: {  	v6 =	vadd.s32 v1, v11;
	v11 =	vand.u32 $0xFFFFFC00, v14;
	v14 =	vand.u32 $0x7F, v17;
	v0 =	vld.idx.msk [tilespmem:v0+s5+$0x0], $0xffff  }
0x93: {  	[tilespmem:s24+$0x12010] =	vst v5;
	v5 =	vld [tilespmem:s12+$0x9050];
	v17 =	vand.u32 $0x7F, v19;
	v3 =	vor.u32 s9, v3;
	v11 =	vadd.s32 v1, v11  }
0x94: {  	v2 =	vld.idx.msk [tilespmem:v2+s5+$0x0], $0xffff;
	v6 =	vor.u32 v14, v6;
	v13 =	vor.u32 v17, v13;
	v14 =	vand.u32 $0x7F, v16  }
0x95: {  	v15 =	vld [tilespmem:s24+$0x9050];
	v17 =	vand.u32 $0x7F, v21;
	v9 =	vor.u32 v9, v11;
	v11 =	vshll.u32 v16, $0x3  }
0x96: {  	[tilespmem:s12+$0x12010] =	vst v10;
	v6 =	vor.u32 s26, v6;
	v13 =	vor.u32 s7, v13;
	v10 =	vand.u32 $0xFFFFFC00, v11;
	v11 =	vld [tilespmem:s10+$0x9070]  }
0x97: {  	v19 =	vld [tilespmem:s24+$0x9060];
	v16 =	vshll.u32 v12, $0x3;
	v12 =	vand.u32 $0x7F, v12;
	[tilespmem:s10+$0x12040] =	vst v0;
	v0 =	vadd.s32 v1, v10  }
0x98: {  	v9 =	vor.u32 s8, v9;
	v10 =	vshll.u32 v21, $0x3;
	v3 =	vld.idx.msk [tilespmem:v3+s5+$0x0], $0xffff;
	v0 =	vor.u32 v14, v0  }
0x99: {  	[tilespmem:s13+$0x12010] =	vst v8;
	v4 =	vld.idx.msk [tilespmem:v4+s5+$0x0], $0xffff;
	v8 =	vand.u32 $0xFFFFFC00, v10;
	v10 =	vshll.u32 v18, $0x3;
	v0 =	vor.u32 s9, v0  }
0x9a: {  	v7 =	vld.idx.msk [tilespmem:v7+s5+$0x0], $0xffff;
	v14 =	vand.u32 $0xFFFFFC00, v16;
	v18 =	vand.u32 $0x7F, v18;
	v8 =	vadd.s32 v1, v8  }
0x9b: {  	[tilespmem:s24+$0x12020] =	vst v2;
	v2 =	vld [tilespmem:s12+$0x9060];
	v10 =	vand.u32 $0xFFFFFC00, v10;
	v14 =	vadd.s32 v1, v14;
	v20 =	vshll.u32 v11, $0x3  }
0x9c: {  	v16 =	vld [tilespmem:s13+$0x9050];
	v10 =	vadd.s32 v1, v10;
	v8 =	vor.u32 v17, v8;
	v17 =	vand.u32 $0xFFFFFC00, v20  }
0x9d: {  	v6 =	vld.idx.msk [tilespmem:v6+s5+$0x0], $0xffff;
	v12 =	vor.u32 v12, v14;
	[tilespmem:s10+$0x12050] =	vst v3;
	v3 =	vand.u32 $0x7F, v11;
	v11 =	vadd.s32 v1, v17  }
0x9e: {  	[tilespmem:s12+$0x12020] =	vst v4;
	v4 =	vor.u32 v18, v10;
	v8 =	vor.u32 s26, v8;
	v0 =	vld.idx.msk [tilespmem:v0+s5+$0x0], $0xffff;
	v3 =	vor.u32 v3, v11  }
0x9f: {  	[tilespmem:s13+$0x12020] =	vst v7;
	v7 =	vld.idx.msk [tilespmem:v13+s5+$0x0], $0xffff;
	v10 =	vor.u32 s7, v12;
	v12 =	vshll.u32 v5, $0x3;
	v3 =	vor.u32 s9, v3  }
0xa0: {  	v9 =	vld.idx.msk [tilespmem:v9+s5+$0x0], $0xffff;
	v4 =	vor.u32 s8, v4;
	v12 =	vand.u32 $0xFFFFFC00, v12;
	v11 =	vshll.u32 v15, $0x3  }
0xa1: {  	v13 =	vld [tilespmem:s13+$0x9060];
	v14 =	vshll.u32 v16, $0x3;
	v12 =	vadd.s32 v1, v12;
	v11 =	vand.u32 $0xFFFFFC00, v11  }
0xa2: {  	v17 =	vld [tilespmem:s24+$0x9070];
	[tilespmem:s24+$0x12030] =	vst v6;
	v6 =	vand.u32 $0xFFFFFC00, v14;
	v14 =	vand.u32 $0x7F, v15;
	v11 =	vadd.s32 v1, v11  }
0xa3: {  	v6 =	vadd.s32 v1, v6;
	v8 =	vld.idx.msk [tilespmem:v8+s5+$0x0], $0xffff;
	v11 =	vor.u32 v14, v11;
	[tilespmem:s10+$0x12060] =	vst v0  }
0xa4: {  	[tilespmem:s12+$0x12030] =	vst v7;
	v7 =	vor.u32 s26, v11;
	v0 =	vand.u32 $0x7F, v5;
	v5 =	vand.u32 $0x7F, v16;
	v3 =	vld.idx.msk [tilespmem:v3+s5+$0x0], $0xffff  }
0xa5: {  	[tilespmem:s13+$0x12030] =	vst v9;
	v0 =	vor.u32 v0, v12;
	v5 =	vor.u32 v5, v6;
	v6 =	vld.idx.msk [tilespmem:v10+s5+$0x0], $0xffff  }
0xa6: {  	v4 =	vld.idx.msk [tilespmem:v4+s5+$0x0], $0xffff;
	v0 =	vor.u32 s7, v0  }
0xa7: {  	v9 =	vshll.u32 v19, $0x3;
	v14 =	vld [tilespmem:s13+$0x9070];
	v5 =	vor.u32 s8, v5  }
0xa8: {  	s17 =	simm.s32 $0x4;
	s0 =	sadd.s32 $0x800, s19;
	v9 =	vand.u32 $0xFFFFFC00, v9;
	v10 =	vld [tilespmem:s12+$0x9070];
	[tilespmem:s24+$0x12040] =	vst v8  }
0xa9: {  	s14 =	simm.s32 $0x0;
	s15 =	sand.u32 $0x4, s17;
	s22 =	sor.u32 s9, s0;
	v9 =	vadd.s32 v1, v9;
	v11 =	vshll.u32 v2, $0x3;
	v7 =	vld.idx.msk [tilespmem:v7+s5+$0x0], $0xffff;
	[tilespmem:s10+$0x12070] =	vst v3  }
0xaa: {  	s31 =	sshll.u32 s15, $0x7;
	v2 =	vand.u32 $0x7F, v2;
	v11 =	vand.u32 $0xFFFFFC00, v11;
	v8 =	vand.u32 $0x7F, v19;
	[tilespmem:s12+$0x12040] =	vst v6;
	s10 =	smul.u32 $0xC00, s14;
	v6 =	vld [tilespmem:s22+$0x9000]  }
0xab: {  	s2 =	sor.u32 $0x80, s31;
	v12 =	vshll.u32 v13, $0x3;
	v11 =	vadd.s32 v1, v11;
	[tilespmem:s13+$0x12040] =	vst v4;
	v3 =	vor.u32 v8, v9;
	v0 =	vld.idx.msk [tilespmem:v0+s5+$0x0], $0xffff  }
0xac: {  	v12 =	vand.u32 $0xFFFFFC00, v12;
	v2 =	vor.u32 v2, v11;
	v3 =	vor.u32 s26, v3;
	v5 =	vld.idx.msk [tilespmem:v5+s5+$0x0], $0xffff;
	s23 =	sor.u32 s10, s2  }
0xad: {  	s15 =	sor.u32 $0x180, s31;
	v12 =	vadd.s32 v1, v12;
	v4 =	vshll.u32 v17, $0x3;
	v2 =	vor.u32 s7, v2;
	s21 =	sor.u32 s31, s10;
	v35 =	vld [tilespmem:s23+$0x9020]  }
0xae: {  	v11 =	vshll.u32 v14, $0x3;
	v4 =	vand.u32 $0xFFFFFC00, v4;
	v8 =	vand.u32 $0x7F, v13;
	s19 =	sor.u32 s10, s15;
	v38 =	vld [tilespmem:s21+$0x9030]  }
0xaf: {  	v11 =	vand.u32 $0xFFFFFC00, v11;
	v4 =	vadd.s32 v1, v4;
	v8 =	vor.u32 v8, v12;
	v57 =	vld [tilespmem:s19+$0x9030]  }
0xb0: {  	v9 =	vshll.u32 v10, $0x3;
	v12 =	vand.u32 $0x7F, v17;
	v8 =	vor.u32 s8, v8;
	[tilespmem:s24+$0x12050] =	vst v7;
	v41 =	vld [tilespmem:s19+$0x9040]  }
0xb1: {  	v11 =	vadd.s32 v1, v11;
	v9 =	vand.u32 $0xFFFFFC00, v9;
	v4 =	vor.u32 v12, v4;
	v3 =	vld.idx.msk [tilespmem:v3+s5+$0x0], $0xffff;
	[tilespmem:s12+$0x12050] =	vst v0  }
0xb2: {  	v9 =	vadd.s32 v1, v9;
	v7 =	vand.u32 $0x7F, v10;
	v4 =	vor.u32 s26, v4;
	v2 =	vld.idx.msk [tilespmem:v2+s5+$0x0], $0xffff  }
0xb3: {  	v10 =	vand.u32 $0x7F, v14;
	v42 =	vld [tilespmem:s21+$0x9040];
	v0 =	vor.u32 v7, v9;
	v7 =	vshll.u32 v6, $0x3  }
0xb4: {  	v44 =	vld [tilespmem:s19+$0x9050];
	[tilespmem:s13+$0x12050] =	vst v5;
	v5 =	vor.u32 v10, v11;
	v7 =	vand.u32 $0xFFFFFC00, v7  }
0xb5: {  	v6 =	vand.u32 $0x7F, v6;
	v0 =	vor.u32 s7, v0;
	v8 =	vld.idx.msk [tilespmem:v8+s5+$0x0], $0xffff;
	v7 =	vadd.s32 v1, v7  }
0xb6: {  	v9 =	vld [tilespmem:s22+$0x9010];
	v5 =	vor.u32 s8, v5;
	v6 =	vor.u32 v6, v7;
	[tilespmem:s24+$0x12060] =	vst v3  }
0xb7: {  	v6 =	vor.u32 s9, v6;
	[tilespmem:s12+$0x12060] =	vst v2;
	v2 =	vld.idx.msk [tilespmem:v4+s5+$0x0], $0xffff  }
0xb8: {  	v7 =	vld [tilespmem:s22+$0x9030]  }
0xb9: {  	v3 =	vld [tilespmem:s22+$0x9020]  }
0xba: {  	[tilespmem:s13+$0x12060] =	vst v8;
	v0 =	vld.idx.msk [tilespmem:v0+s5+$0x0], $0xffff  }
0xbb: {  	s28 =	sor.u32 s26, s0;
	v39 =	vshll.u32 v35, $0x3;
	v61 =	vshll.u32 v57, $0x3;
	v35 =	vand.u32 $0x7F, v35;
	v4 =	vld.idx.msk [tilespmem:v5+s5+$0x0], $0xffff  }
0xbc: {  	s29 =	sor.u32 s7, s0;
	s30 =	sor.u32 s8, s0;
	s0 =	sor.u32 $0x100, s31;
	v46 =	vshll.u32 v38, $0x3;
	v47 =	vshll.u32 v41, $0x3;
	v5 =	vshll.u32 v9, $0x3;
	v6 =	vld.idx.msk [tilespmem:v6+s5+$0x0], $0xffff;
	[tilespmem:s24+$0x12070] =	vst v2  }
0xbd: {  	v41 =	vand.u32 $0x7F, v41;
	v5 =	vand.u32 $0xFFFFFC00, v5;
	v2 =	vand.u32 $0x7F, v9;
	s24 =	sor.u32 s10, s0;
	v9 =	vld [tilespmem:s28+$0x9000]  }
0xbe: {  	v50 =	vshll.u32 v44, $0x3;
	v5 =	vadd.s32 v1, v5;
	v8 =	vshll.u32 v3, $0x3;
	v33 =	vld [tilespmem:s24+$0x9010]  }
0xbf: {  	v51 =	vand.u32 $0x7F, v44;
	[tilespmem:s12+$0x12070] =	vst v0;
	v0 =	vor.u32 v2, v5;
	v2 =	vand.u32 $0xFFFFFC00, v8;
	v36 =	vld [tilespmem:s24+$0x9020]  }
0xc0: {  	v53 =	vand.u32 $0x7F, v42;
	v3 =	vand.u32 $0x7F, v3;
	v63 =	vld [tilespmem:s24+$0x9040];
	v2 =	vadd.s32 v1, v2  }
0xc1: {  	v39 =	vand.u32 $0xFFFFFC00, v39;
	[tilespmem:s13+$0x12070] =	vst v4;
	v5 =	vld [tilespmem:s29+$0x9000];
	v2 =	vor.u32 v3, v2;
	v3 =	vshll.u32 v7, $0x3  }
0xc2: {  	v0 =	vor.u32 s9, v0;
	v4 =	vld [tilespmem:s30+$0x9000];
	v7 =	vand.u32 $0x7F, v7;
	v3 =	vand.u32 $0xFFFFFC00, v3  }
0xc3: {  	v2 =	vor.u32 s9, v2;
	v3 =	vadd.s32 v1, v3;
	v8 =	vand.u32 $0x7F, v9  }
0xc4: {  	v9 =	vshll.u32 v9, $0x3;
	v3 =	vor.u32 v7, v3;
	v34 =	vshll.u32 v33, $0x3  }
0xc5: {  	v33 =	vand.u32 $0x7F, v33;
	v40 =	vshll.u32 v36, $0x3;
	v36 =	vand.u32 $0x7F, v36  }
0xc6: {  	[tilespmem:s22+$0x12000] =	vst v6;
	v6 =	vld [tilespmem:s22+$0x9040];
	v54 =	vshll.u32 v63, $0x3;
	v10 =	vshll.u32 v5, $0x3;
	v9 =	vand.u32 $0xFFFFFC00, v9  }
0xc7: {  	v7 =	vld [tilespmem:s28+$0x9010];
	v11 =	vshll.u32 v4, $0x3;
	v12 =	vor.u32 s9, v3;
	v5 =	vand.u32 $0x7F, v5  }
0xc8: {  	v0 =	vld.idx.msk [tilespmem:v0+s5+$0x0], $0xffff;
	v4 =	vand.u32 $0x7F, v4;
	v34 =	vand.u32 $0xFFFFFC00, v34;
	v40 =	vand.u32 $0xFFFFFC00, v40  }
0xc9: {  	v3 =	vld [tilespmem:s29+$0x9010];
	v55 =	vand.u32 $0xFFFFFC00, v54;
	v10 =	vand.u32 $0xFFFFFC00, v10;
	v11 =	vand.u32 $0xFFFFFC00, v11  }
0xca: {  	v9 =	vadd.s32 v1, v9;
	v10 =	vadd.s32 v1, v10;
	v11 =	vadd.s32 v1, v11  }
0xcb: {  	v13 =	vld [tilespmem:s30+$0x9010];
	v8 =	vor.u32 v8, v9;
	v9 =	vshll.u32 v6, $0x3;
	v6 =	vand.u32 $0x7F, v6  }
0xcc: {  	v5 =	vor.u32 v5, v10;
	v4 =	vor.u32 v4, v11;
	v10 =	vor.u32 s26, v8  }
0xcd: {  	v11 =	vor.u32 s7, v5;
	v5 =	vand.u32 $0xFFFFFC00, v9;
	v4 =	vor.u32 s8, v4  }
0xce: {  	v8 =	vld [tilespmem:s22+$0x9050];
	v5 =	vadd.s32 v1, v5;
	[tilespmem:s22+$0x12010] =	vst v0;
	v0 =	vshll.u32 v7, $0x3;
	v9 =	vshll.u32 v3, $0x3  }
0xcf: {  	v15 =	vld [tilespmem:s28+$0x9020];
	v7 =	vand.u32 $0x7F, v7;
	v17 =	vand.u32 $0x7F, v3;
	v5 =	vor.u32 v6, v5  }
0xd0: {  	v2 =	vld.idx.msk [tilespmem:v2+s5+$0x0], $0xffff;
	v0 =	vand.u32 $0xFFFFFC00, v0;
	v6 =	vshll.u32 v13, $0x3;
	v13 =	vand.u32 $0x7F, v13  }
0xd1: {  	v16 =	vld [tilespmem:s30+$0x9020];
	v14 =	vor.u32 s9, v5;
	v5 =	vand.u32 $0xFFFFFC00, v9;
	v6 =	vand.u32 $0xFFFFFC00, v6  }
0xd2: {  	v25 =	vld [tilespmem:s19+$0x9000];
	v0 =	vadd.s32 v1, v0;
	v5 =	vadd.s32 v1, v5;
	v6 =	vadd.s32 v1, v6  }
0xd3: {  	v9 =	vld [tilespmem:s29+$0x9020];
	v18 =	vshll.u32 v8, $0x3;
	v0 =	vor.u32 v7, v0;
	v5 =	vor.u32 v17, v5  }
0xd4: {  	v7 =	vand.u32 $0xFFFFFC00, v18;
	v19 =	vor.u32 s26, v0;
	v22 =	vld.idx.msk [tilespmem:v11+s5+$0x0], $0xffff;
	v11 =	vand.u32 $0x7F, v15  }
0xd5: {  	v17 =	vld [tilespmem:s22+$0x9060];
	v7 =	vadd.s32 v1, v7;
	[tilespmem:s22+$0x12020] =	vst v2;
	v2 =	vor.u32 v13, v6;
	v6 =	vand.u32 $0x7F, v8  }
0xd6: {  	v3 =	vld [tilespmem:s28+$0x9030];
	v21 =	vor.u32 s7, v5;
	v13 =	vshll.u32 v16, $0x3;
	v0 =	vor.u32 v6, v7  }
0xd7: {  	v18 =	vld.idx.msk [tilespmem:v10+s5+$0x0], $0xffff;
	v6 =	vshll.u32 v15, $0x3;
	v8 =	vor.u32 s8, v2;
	v13 =	vand.u32 $0xFFFFFC00, v13  }
0xd8: {  	v12 =	vld.idx.msk [tilespmem:v12+s5+$0x0], $0xffff;
	v20 =	vor.u32 s9, v0;
	v0 =	vand.u32 $0xFFFFFC00, v6;
	v6 =	vshll.u32 v9, $0x3  }
0xd9: {  	v15 =	vld [tilespmem:s22+$0x9070];
	v10 =	vadd.s32 v1, v13;
	v9 =	vand.u32 $0x7F, v9;
	v0 =	vadd.s32 v1, v0  }
0xda: {  	v6 =	vand.u32 $0xFFFFFC00, v6;
	v13 =	vshll.u32 v17, $0x3;
	[tilespmem:s29+$0x12000] =	vst v22;
	v22 =	vshll.u32 v25, $0x3  }
0xdb: {  	v7 =	vld [tilespmem:s30+$0x9030];
	v25 =	vand.u32 $0x7F, v25;
	v6 =	vadd.s32 v1, v6;
	v13 =	vand.u32 $0xFFFFFC00, v13  }
0xdc: {  	v0 =	vor.u32 v11, v0;
	v22 =	vand.u32 $0xFFFFFC00, v22;
	v13 =	vadd.s32 v1, v13  }
0xdd: {  	v5 =	vld [tilespmem:s29+$0x9030];
	v6 =	vor.u32 v9, v6;
	[tilespmem:s22+$0x12030] =	vst v12;
	v12 =	vand.u32 $0x7F, v16;
	v16 =	vand.u32 $0x7F, v17  }
0xde: {  	v17 =	vld.idx.msk [tilespmem:v4+s5+$0x0], $0xffff;
	v4 =	vshll.u32 v3, $0x3;
	v29 =	vand.u32 $0x7F, v15;
	v3 =	vand.u32 $0x7F, v3  }
0xdf: {  	v23 =	vld.idx.msk [tilespmem:v14+s5+$0x0], $0xffff;
	v9 =	vor.u32 v16, v13;
	v14 =	vor.u32 s26, v0;
	v0 =	vor.u32 v12, v10  }
0xe0: {  	v26 =	vld [tilespmem:s21+$0x9000];
	v12 =	vor.u32 s7, v6;
	v6 =	vshll.u32 v7, $0x3;
	v10 =	vshll.u32 v15, $0x3  }
0xe1: {  	v27 =	vld [tilespmem:s23+$0x9000];
	v16 =	vmov s14;
	v7 =	vand.u32 $0x7F, v7;
	v24 =	vor.u32 s9, v9  }
0xe2: {  	v32 =	vld [tilespmem:s23+$0x9010];
	v11 =	vor.u32 s8, v0;
	v0 =	vand.u32 $0xFFFFFC00, v4;
	v4 =	vshll.u32 v5, $0x3  }
0xe3: {  	v56 =	vld [tilespmem:s21+$0x9060];
	v6 =	vand.u32 $0xFFFFFC00, v6;
	v28 =	vmul.u32 $0xC00, v16;
	v5 =	vand.u32 $0x7F, v5  }
0xe4: {  	v30 =	vld [tilespmem:s24+$0x9000];
	v4 =	vand.u32 $0xFFFFFC00, v4;
	v13 =	vadd.s32 v1, v0;
	v0 =	vand.u32 $0xFFFFFC00, v10  }
0xe5: {  	v58 =	vld [tilespmem:s23+$0x9030];
	[tilespmem:s28+$0x12000] =	vst v18;
	v16 =	vadd.s32 v1, v6;
	v0 =	vadd.s32 v1, v0;
	v15 =	vadd.s32 v1, v4  }
0xe6: {  	v62 =	vld [tilespmem:s23+$0x9040];
	v6 =	vor.u32 v29, v0;
	v0 =	vbroadcast v28, $0x0;
	v28 =	vand.u32 $0x7F, v26;
	[tilespmem:s30+$0x12000] =	vst v17  }
0xe7: {  	v26 =	vshll.u32 v26, $0x3;
	v29 =	vld [tilespmem:s19+$0x9010];
	v18 =	vor.u32 s9, v6;
	[tilespmem:s22+$0x12040] =	vst v23;
	v23 =	vshll.u32 v27, $0x3  }
0xe8: {  	v27 =	vand.u32 $0x7F, v27;
	v45 =	vld.idx.msk [tilespmem:v8+s5+$0x0], $0xffff;
	v8 =	vand.u32 $0x7F, v56;
	v22 =	vadd.s32 v0, v22  }
0xe9: {  	v31 =	vld.idx.msk [tilespmem:v20+s5+$0x0], $0xffff;
	v20 =	vand.u32 $0xFFFFFC00, v26;
	v23 =	vand.u32 $0xFFFFFC00, v23;
	v26 =	vshll.u32 v30, $0x3  }
0xea: {  	v43 =	vld [tilespmem:s21+$0x9050];
	v30 =	vand.u32 $0x7F, v30;
	v34 =	vadd.s32 v0, v34;
	v22 =	vor.u32 v25, v22  }
0xeb: {  	v60 =	vadd.s32 v0, v40;
	v25 =	vld [tilespmem:s21+$0x9010];
	v20 =	vadd.s32 v0, v20;
	v22 =	vor.u32 s15, v22  }
0xec: {  	v23 =	vadd.s32 v0, v23;
	v26 =	vand.u32 $0xFFFFFC00, v26;
	v28 =	vor.u32 v28, v20;
	v20 =	vld.idx.msk [tilespmem:v19+s5+$0x0], $0xffff  }
0xed: {  	v26 =	vadd.s32 v0, v26;
	v23 =	vor.u32 v27, v23;
	v19 =	vld.idx.msk [tilespmem:v21+s5+$0x0], $0xffff;
	v27 =	vshll.u32 v29, $0x3  }
0xee: {  	v40 =	vand.u32 $0xFFFFFC00, v61;
	v26 =	vor.u32 v30, v26;
	v21 =	vand.u32 $0xFFFFFC00, v27;
	v27 =	vld [tilespmem:s19+$0x9020]  }
0xef: {  	v49 =	vld [tilespmem:s23+$0x9050];
	v28 =	vor.u32 s31, v28;
	v29 =	vand.u32 $0x7F, v29;
	v30 =	vadd.s32 v0, v21  }
0xf0: {  	v23 =	vor.u32 s2, v23;
	[tilespmem:s22+$0x12050] =	vst v31;
	v31 =	vshll.u32 v32, $0x3;
	v29 =	vor.u32 v29, v30;
	v22 =	vld.idx.msk [tilespmem:v22+s5+$0x0], $0xffff  }
0xf1: {  	v32 =	vand.u32 $0x7F, v32;
	v21 =	vld.idx.msk [tilespmem:v24+s5+$0x0], $0xffff;
	v24 =	vshll.u32 v25, $0x3;
	v29 =	vor.u32 s15, v29  }
0xf2: {  	v52 =	vld [tilespmem:s19+$0x9060];
	v31 =	vand.u32 $0xFFFFFC00, v31;
	v25 =	vand.u32 $0x7F, v25;
	v24 =	vand.u32 $0xFFFFFC00, v24  }
0xf3: {  	v2 =	vld [tilespmem:s28+$0x9040];
	v31 =	vadd.s32 v0, v31;
	v24 =	vadd.s32 v0, v24;
	v37 =	vshll.u32 v27, $0x3  }
0xf4: {  	v9 =	vld [tilespmem:s29+$0x9040];
	v24 =	vor.u32 v25, v24;
	v25 =	vor.u32 v32, v31;
	v31 =	vand.u32 $0xFFFFFC00, v37  }
0xf5: {  	v26 =	vor.u32 s0, v26;
	v30 =	vld [tilespmem:s21+$0x9020];
	v27 =	vand.u32 $0x7F, v27;
	v31 =	vadd.s32 v0, v31;
	[tilespmem:s19+$0x12000] =	vst v22  }
0xf6: {  	v61 =	vand.u32 $0x7F, v43;
	v33 =	vor.u32 v33, v34;
	v27 =	vor.u32 v27, v31;
	v29 =	vld.idx.msk [tilespmem:v29+s5+$0x0], $0xffff  }
0xf7: {  	v40 =	vadd.s32 v0, v40;
	v36 =	vor.u32 v36, v60;
	v28 =	vld.idx.msk [tilespmem:v28+s5+$0x0], $0xffff;
	v27 =	vor.u32 s15, v27  }
0xf8: {  	v34 =	vand.u32 $0x7F, v58;
	v33 =	vor.u32 s0, v33;
	v23 =	vld.idx.msk [tilespmem:v23+s5+$0x0], $0xffff;
	v24 =	vor.u32 s31, v24  }
0xf9: {  	v10 =	vld [tilespmem:s30+$0x9040];
	v36 =	vor.u32 s0, v36;
	v32 =	vand.u32 $0x7F, v57;
	v25 =	vor.u32 s2, v25  }
0xfa: {  	v26 =	vld.idx.msk [tilespmem:v26+s5+$0x0], $0xffff;
	v57 =	vshll.u32 v52, $0x3;
	v32 =	vor.u32 v32, v40;
	v59 =	vshll.u32 v30, $0x3  }
0xfb: {  	v40 =	vand.u32 $0xFFFFFC00, v47;
	v30 =	vand.u32 $0x7F, v30;
	v31 =	vld [tilespmem:s24+$0x9030];
	v37 =	vand.u32 $0xFFFFFC00, v59;
	[tilespmem:s19+$0x12010] =	vst v29  }
0xfc: {  	v32 =	vor.u32 s15, v32;
	v40 =	vadd.s32 v0, v40;
	v37 =	vadd.s32 v0, v37;
	[tilespmem:s21+$0x12000] =	vst v28;
	v27 =	vld.idx.msk [tilespmem:v27+s5+$0x0], $0xffff  }
0xfd: {  	v22 =	vadd.s32 v0, v39;
	v39 =	vand.u32 $0xFFFFFC00, v46;
	[tilespmem:s23+$0x12000] =	vst v23;
	v30 =	vor.u32 v30, v37;
	v23 =	vld.idx.msk [tilespmem:v24+s5+$0x0], $0xffff  }
0xfe: {  	v22 =	vor.u32 v35, v22;
	v28 =	vor.u32 v41, v40;
	v30 =	vor.u32 s31, v30;
	v25 =	vld.idx.msk [tilespmem:v25+s5+$0x0], $0xffff  }
0xff: {  	v4 =	vld [tilespmem:s28+$0x9050];
	v39 =	vadd.s32 v0, v39;
	v35 =	vand.u32 $0x7F, v62;
	v22 =	vor.u32 s2, v22;
	[tilespmem:s24+$0x12000] =	vst v26  }
0x100: {  	v26 =	vand.u32 $0x7F, v38;
	v28 =	vor.u32 s15, v28;
	v37 =	vand.u32 $0x7F, v63;
	v33 =	vld.idx.msk [tilespmem:v33+s5+$0x0], $0xffff  }
0x101: {  	v17 =	vld [tilespmem:s24+$0x9070];
	v26 =	vor.u32 v26, v39;
	v48 =	vshll.u32 v31, $0x3;
	v29 =	vshll.u32 v58, $0x3;
	[tilespmem:s19+$0x12020] =	vst v27  }
0x102: {  	v26 =	vor.u32 s31, v26;
	v24 =	vand.u32 $0xFFFFFC00, v48;
	v29 =	vand.u32 $0xFFFFFC00, v29;
	[tilespmem:s21+$0x12010] =	vst v23;
	v32 =	vld.idx.msk [tilespmem:v32+s5+$0x0], $0xffff  }
0x103: {  	v31 =	vand.u32 $0x7F, v31;
	v24 =	vadd.s32 v0, v24;
	v29 =	vadd.s32 v0, v29;
	[tilespmem:s23+$0x12010] =	vst v25;
	v30 =	vld.idx.msk [tilespmem:v30+s5+$0x0], $0xffff  }
0x104: {  	v58 =	vshll.u32 v43, $0x3;
	v24 =	vor.u32 v31, v24;
	v29 =	vor.u32 v34, v29;
	v22 =	vld.idx.msk [tilespmem:v22+s5+$0x0], $0xffff  }
0x105: {  	v59 =	vld [tilespmem:s19+$0x9070];
	v31 =	vshll.u32 v42, $0x3;
	v25 =	vshll.u32 v62, $0x3;
	[tilespmem:s24+$0x12010] =	vst v33;
	v29 =	vor.u32 s2, v29  }
0x106: {  	v33 =	vadd.s32 v0, v55;
	v62 =	vand.u32 $0x7F, v49;
	v34 =	vand.u32 $0xFFFFFC00, v50;
	v36 =	vld.idx.msk [tilespmem:v36+s5+$0x0], $0xffff  }
0x107: {  	v31 =	vand.u32 $0xFFFFFC00, v31;
	v25 =	vand.u32 $0xFFFFFC00, v25;
	v34 =	vadd.s32 v0, v34;
	v27 =	vld [tilespmem:s24+$0x9050];
	[tilespmem:s19+$0x12030] =	vst v32  }
0x108: {  	v24 =	vor.u32 s0, v24;
	v31 =	vadd.s32 v0, v31;
	v23 =	vor.u32 v51, v34;
	[tilespmem:s21+$0x12020] =	vst v30;
	v28 =	vld.idx.msk [tilespmem:v28+s5+$0x0], $0xffff  }
0x109: {  	v25 =	vadd.s32 v0, v25;
	v31 =	vor.u32 v53, v31;
	v23 =	vor.u32 s15, v23;
	[tilespmem:s23+$0x12020] =	vst v22;
	v26 =	vld.idx.msk [tilespmem:v26+s5+$0x0], $0xffff  }
0x10a: {  	v33 =	vor.u32 v37, v33;
	v25 =	vor.u32 v35, v25;
	v31 =	vor.u32 s31, v31;
	v29 =	vld.idx.msk [tilespmem:v29+s5+$0x0], $0xffff  }
0x10b: {  	v63 =	vld [tilespmem:s24+$0x9060];
	v37 =	vand.u32 $0xFFFFFC00, v58;
	v35 =	vand.u32 $0xFFFFFC00, v57;
	v25 =	vor.u32 s2, v25  }
0x10c: {  	v37 =	vadd.s32 v0, v37;
	v34 =	vand.u32 $0x7F, v52;
	v35 =	vadd.s32 v0, v35;
	v30 =	vld [tilespmem:s23+$0x9060];
	[tilespmem:s24+$0x12020] =	vst v36  }
0x10d: {  	v33 =	vor.u32 s0, v33;
	v34 =	vor.u32 v34, v35;
	v22 =	vshll.u32 v49, $0x3;
	v24 =	vld.idx.msk [tilespmem:v24+s5+$0x0], $0xffff;
	[tilespmem:s19+$0x12040] =	vst v28  }
0x10e: {  	v34 =	vor.u32 s15, v34;
	v36 =	vor.u32 v61, v37;
	v60 =	vshll.u32 v27, $0x3;
	[tilespmem:s21+$0x12030] =	vst v26;
	v23 =	vld.idx.msk [tilespmem:v23+s5+$0x0], $0xffff  }
0x10f: {  	v22 =	vand.u32 $0xFFFFFC00, v22;
	v36 =	vor.u32 s31, v36;
	[tilespmem:s23+$0x12030] =	vst v29;
	v29 =	vld.idx.msk [tilespmem:v31+s5+$0x0], $0xffff;
	v28 =	vand.u32 $0xFFFFFC00, v60  }
0x110: {  	v22 =	vadd.s32 v0, v22;
	v27 =	vand.u32 $0x7F, v27;
	v25 =	vld.idx.msk [tilespmem:v25+s5+$0x0], $0xffff;
	v28 =	vadd.s32 v0, v28  }
0x111: {  	[tilespmem:s28+$0x12010] =	vst v20;
	v42 =	vld [tilespmem:s21+$0x9070];
	v22 =	vor.u32 v62, v22;
	v27 =	vor.u32 v27, v28;
	v28 =	vshll.u32 v59, $0x3  }
0x112: {  	v44 =	vshll.u32 v63, $0x3;
	v22 =	vor.u32 s2, v22;
	v26 =	vld [tilespmem:s23+$0x9070];
	[tilespmem:s24+$0x12030] =	vst v24;
	v28 =	vand.u32 $0xFFFFFC00, v28  }
0x113: {  	v43 =	vshll.u32 v30, $0x3;
	v31 =	vand.u32 $0x7F, v59;
	v33 =	vld.idx.msk [tilespmem:v33+s5+$0x0], $0xffff;
	v28 =	vadd.s32 v0, v28;
	[tilespmem:s19+$0x12050] =	vst v23  }
0x114: {  	v35 =	vand.u32 $0xFFFFFC00, v43;
	[tilespmem:s21+$0x12040] =	vst v29;
	v28 =	vor.u32 v31, v28;
	v23 =	vshll.u32 v56, $0x3;
	v31 =	vld.idx.msk [tilespmem:v34+s5+$0x0], $0xffff  }
0x115: {  	v24 =	vadd.s32 v0, v35;
	[tilespmem:s23+$0x12040] =	vst v25;
	v25 =	vld.idx.msk [tilespmem:v36+s5+$0x0], $0xffff;
	v28 =	vor.u32 s15, v28;
	v23 =	vand.u32 $0xFFFFFC00, v23  }
0x116: {  	v6 =	vld [tilespmem:s29+$0x9050];
	[tilespmem:s29+$0x12010] =	vst v19;
	v29 =	vand.u32 $0x7F, v63;
	v27 =	vor.u32 s0, v27;
	v23 =	vadd.s32 v0, v23  }
0x117: {  	v14 =	vld.idx.msk [tilespmem:v14+s5+$0x0], $0xffff;
	[tilespmem:s22+$0x12060] =	vst v21;
	v34 =	vand.u32 $0xFFFFFC00, v44;
	v8 =	vor.u32 v8, v23;
	v23 =	vand.u32 $0x7F, v30  }
0x118: {  	[tilespmem:s24+$0x12040] =	vst v33;
	v22 =	vld.idx.msk [tilespmem:v22+s5+$0x0], $0xffff;
	v46 =	vadd.s32 v0, v34;
	v30 =	vor.u32 s31, v8;
	v8 =	vor.u32 v23, v24  }
0x119: {  	v3 =	vor.u32 v3, v13;
	v12 =	vld.idx.msk [tilespmem:v12+s5+$0x0], $0xffff;
	v23 =	vor.u32 v29, v46;
	v29 =	vor.u32 s2, v8;
	[tilespmem:s19+$0x12060] =	vst v31  }
0x11a: {  	v13 =	vshll.u32 v2, $0x3;
	[tilespmem:s21+$0x12050] =	vst v25;
	v25 =	vand.u32 $0x7F, v26;
	v24 =	vshll.u32 v42, $0x3;
	v21 =	vld.idx.msk [tilespmem:v28+s5+$0x0], $0xffff  }
0x11b: {  	v27 =	vld.idx.msk [tilespmem:v27+s5+$0x0], $0xffff;
	v23 =	vor.u32 s0, v23;
	v24 =	vand.u32 $0xFFFFFC00, v24;
	v31 =	vshll.u32 v17, $0x3  }
0x11c: {  	[tilespmem:s30+$0x12010] =	vst v45;
	v8 =	vld.idx.msk [tilespmem:v18+s5+$0x0], $0xffff;
	v18 =	vadd.s32 v0, v24;
	v17 =	vand.u32 $0x7F, v17;
	v28 =	vshll.u32 v26, $0x3  }
0x11d: {  	[tilespmem:s23+$0x12050] =	vst v22;
	v24 =	vand.u32 $0xFFFFFC00, v31;
	v20 =	vand.u32 $0xFFFFFC00, v28;
	v28 =	vand.u32 $0x7F, v42;
	v26 =	vld.idx.msk [tilespmem:v30+s5+$0x0], $0xffff  }
0x11e: {  	s12 =	sadd.s32 $0x400, s10;
	v24 =	vadd.s32 v0, v24;
	v20 =	vadd.s32 v0, v20;
	v18 =	vor.u32 v28, v18;
	v22 =	vld.idx.msk [tilespmem:v29+s5+$0x0], $0xffff  }
0x11f: {  	s13 =	sor.u32 s15, s12;
	[tilespmem:s19+$0x12070] =	vst v21;
	v21 =	vor.u32 s26, v3;
	v3 =	vor.u32 v5, v15;
	v5 =	vor.u32 v7, v16;
	v7 =	vld.idx.msk [tilespmem:v11+s5+$0x0], $0xffff  }
0x120: {  	v17 =	vor.u32 v17, v24;
	v18 =	vor.u32 s31, v18;
	v20 =	vor.u32 v25, v20;
	v19 =	vld [tilespmem:s13+$0x9000]  }
0x121: {  	v17 =	vor.u32 s0, v17;
	v20 =	vor.u32 s2, v20;
	v15 =	vshll.u32 v10, $0x3;
	v31 =	vld [tilespmem:s13+$0x9030]  }
0x122: {  	v11 =	vor.u32 s8, v5;
	v5 =	vand.u32 $0xFFFFFC00, v13;
	v13 =	vshll.u32 v9, $0x3;
	v53 =	vld [tilespmem:s13+$0x9040]  }
0x123: {  	v10 =	vand.u32 $0x7F, v10;
	v24 =	vor.u32 s7, v3;
	v60 =	vld [tilespmem:s13+$0x9050];
	v13 =	vand.u32 $0xFFFFFC00, v13  }
0x124: {  	[tilespmem:s24+$0x12050] =	vst v27;
	v15 =	vand.u32 $0xFFFFFC00, v15;
	v9 =	vand.u32 $0x7F, v9;
	v43 =	vld [tilespmem:s13+$0x9060];
	v13 =	vadd.s32 v1, v13  }
0x125: {  	v3 =	vld.idx.msk [tilespmem:v23+s5+$0x0], $0xffff;
	v5 =	vadd.s32 v1, v5;
	[tilespmem:s23+$0x12060] =	vst v22;
	v22 =	vand.u32 $0x7F, v2;
	v9 =	vor.u32 v9, v13  }
0x126: {  	v23 =	vld [tilespmem:s30+$0x9050];
	[tilespmem:s21+$0x12060] =	vst v26;
	v15 =	vadd.s32 v1, v15;
	v5 =	vor.u32 v22, v5;
	v13 =	vor.u32 s7, v9  }
0x127: {  	[tilespmem:s28+$0x12020] =	vst v14;
	v18 =	vld.idx.msk [tilespmem:v18+s5+$0x0], $0xffff;
	v16 =	vshll.u32 v19, $0x3;
	v14 =	vand.u32 $0x7F, v19;
	v52 =	vshll.u32 v31, $0x3  }
0x128: {  	v31 =	vand.u32 $0x7F, v31;
	v58 =	vand.u32 $0x7F, v53;
	v62 =	vshll.u32 v60, $0x3  }
0x129: {  	v20 =	vld.idx.msk [tilespmem:v20+s5+$0x0], $0xffff;
	v41 =	vand.u32 $0x7F, v60;
	v46 =	vshll.u32 v43, $0x3;
	v16 =	vand.u32 $0xFFFFFC00, v16  }
0x12a: {  	[tilespmem:s29+$0x12020] =	vst v12;
	v19 =	vld [tilespmem:s13+$0x9010];
	v33 =	vand.u32 $0xFFFFFC00, v52;
	v40 =	vand.u32 $0xFFFFFC00, v62;
	v16 =	vadd.s32 v0, v16  }
0x12b: {  	[tilespmem:s24+$0x12060] =	vst v3;
	v33 =	vadd.s32 v0, v33;
	v3 =	vor.u32 v14, v16;
	v16 =	vor.u32 s26, v5  }
0x12c: {  	s14 =	sor.u32 s31, s12;
	v12 =	vld.idx.msk [tilespmem:v17+s5+$0x0], $0xffff;
	[tilespmem:s21+$0x12070] =	vst v18;
	v5 =	vor.u32 v10, v15;
	v10 =	vshll.u32 v4, $0x3;
	v14 =	vshll.u32 v23, $0x3  }
0x12d: {  	v18 =	vld [tilespmem:s14+$0x9000];
	v31 =	vor.u32 v31, v33;
	v17 =	vor.u32 s15, v3;
	v9 =	vor.u32 s8, v5  }
0x12e: {  	s21 =	sor.u32 s2, s12;
	[tilespmem:s23+$0x12070] =	vst v20;
	v56 =	vld [tilespmem:s14+$0x9030];
	v10 =	vand.u32 $0xFFFFFC00, v10;
	v5 =	vshll.u32 v6, $0x3;
	v14 =	vand.u32 $0xFFFFFC00, v14  }
0x12f: {  	[tilespmem:s30+$0x12020] =	vst v7;
	v20 =	vld [tilespmem:s21+$0x9000];
	v7 =	vshll.u32 v19, $0x3;
	v15 =	vand.u32 $0xFFFFFC00, v5;
	v10 =	vadd.s32 v1, v10  }
0x130: {  	v54 =	vld [tilespmem:s21+$0x9020];
	v22 =	vand.u32 $0xFFFFFC00, v7;
	v7 =	vadd.s32 v1, v15;
	v15 =	vand.u32 $0x7F, v19  }
0x131: {  	v2 =	vld [tilespmem:s28+$0x9060];
	[tilespmem:s24+$0x12070] =	vst v12;
	v12 =	vadd.s32 v1, v14;
	v14 =	vand.u32 $0x7F, v6;
	v19 =	vadd.s32 v0, v22  }
0x132: {  	v7 =	vor.u32 v14, v7;
	v19 =	vor.u32 v15, v19;
	v15 =	vand.u32 $0x7F, v4  }
0x133: {  	v25 =	vld [tilespmem:s13+$0x9020];
	v6 =	vand.u32 $0x7F, v18;
	v18 =	vshll.u32 v18, $0x3;
	v33 =	vand.u32 $0x7F, v56  }
0x134: {  	v14 =	vor.u32 s7, v7;
	v26 =	vor.u32 s15, v19;
	v27 =	vld.idx.msk [tilespmem:v17+s5+$0x0], $0xffff;
	v17 =	vand.u32 $0xFFFFFC00, v18  }
0x135: {  	v11 =	vld.idx.msk [tilespmem:v11+s5+$0x0], $0xffff;
	v18 =	vand.u32 $0x7F, v20;
	v19 =	vshll.u32 v20, $0x3;
	v59 =	vshll.u32 v54, $0x3  }
0x136: {  	s23 =	sor.u32 s0, s12;
	v3 =	vld [tilespmem:s29+$0x9060];
	v35 =	vand.u32 $0x7F, v54;
	v10 =	vor.u32 v15, v10;
	v15 =	vshll.u32 v2, $0x3  }
0x137: {  	v22 =	vld [tilespmem:s23+$0x9000];
	v2 =	vand.u32 $0x7F, v2;
	v28 =	vadd.s32 v0, v17;
	v19 =	vand.u32 $0xFFFFFC00, v19  }
0x138: {  	v45 =	vld [tilespmem:s14+$0x9050];
	v17 =	vand.u32 $0x7F, v23;
	v34 =	vand.u32 $0xFFFFFC00, v59;
	v10 =	vor.u32 s26, v10  }
0x139: {  	v29 =	vld [tilespmem:s23+$0x9010];
	v15 =	vand.u32 $0xFFFFFC00, v15;
	v28 =	vor.u32 v6, v28;
	v19 =	vadd.s32 v0, v19  }
0x13a: {  	v55 =	vld [tilespmem:s23+$0x9020];
	v6 =	vshll.u32 v25, $0x3;
	v25 =	vand.u32 $0x7F, v25;
	v34 =	vadd.s32 v0, v34  }
0x13b: {  	v57 =	vld [tilespmem:s23+$0x9030];
	v12 =	vor.u32 v17, v12;
	v17 =	vshll.u32 v3, $0x3;
	v15 =	vadd.s32 v1, v15  }
0x13c: {  	v20 =	vld [tilespmem:s14+$0x9010];
	v3 =	vand.u32 $0x7F, v3;
	v30 =	vand.u32 $0x7F, v22;
	v22 =	vshll.u32 v22, $0x3  }
0x13d: {  	v6 =	vand.u32 $0xFFFFFC00, v6;
	v48 =	vor.u32 v18, v19;
	v19 =	vld.idx.msk [tilespmem:v21+s5+$0x0], $0xffff;
	v21 =	vor.u32 s31, v28  }
0x13e: {  	v23 =	vld [tilespmem:s21+$0x9010];
	v50 =	vshll.u32 v29, $0x3;
	v22 =	vand.u32 $0xFFFFFC00, v22;
	v47 =	vadd.s32 v0, v6;
	[tilespmem:s13+$0x12000] =	vst v27  }
0x13f: {  	v61 =	vshll.u32 v55, $0x3;
	v18 =	vadd.s32 v0, v22;
	v22 =	vor.u32 v25, v47;
	v26 =	vld.idx.msk [tilespmem:v26+s5+$0x0], $0xffff  }
0x140: {  	v5 =	vld [tilespmem:s30+$0x9060];
	v36 =	vand.u32 $0x7F, v55;
	v34 =	vor.u32 v35, v34;
	v22 =	vor.u32 s15, v22  }
0x141: {  	v44 =	vand.u32 $0x7F, v57;
	v35 =	vand.u32 $0x7F, v43;
	v51 =	vand.u32 $0xFFFFFC00, v50;
	v50 =	vld [tilespmem:s23+$0x9050]  }
0x142: {  	v28 =	vor.u32 s2, v48;
	v63 =	vor.u32 s2, v34;
	v47 =	vld [tilespmem:s21+$0x9050];
	v25 =	vor.u32 v30, v18  }
0x143: {  	v18 =	vld.idx.msk [tilespmem:v24+s5+$0x0], $0xffff;
	v24 =	vshll.u32 v20, $0x3;
	v49 =	vshll.u32 v23, $0x3;
	v20 =	vand.u32 $0x7F, v20  }
0x144: {  	v30 =	vld [tilespmem:s14+$0x9020];
	v23 =	vand.u32 $0x7F, v23;
	v24 =	vand.u32 $0xFFFFFC00, v24;
	v27 =	vand.u32 $0xFFFFFC00, v49;
	[tilespmem:s13+$0x12010] =	vst v26  }
0x145: {  	v25 =	vor.u32 s0, v25;
	v24 =	vadd.s32 v0, v24;
	v27 =	vadd.s32 v0, v27;
	v22 =	vld.idx.msk [tilespmem:v22+s5+$0x0], $0xffff  }
0x146: {  	v21 =	vld.idx.msk [tilespmem:v21+s5+$0x0], $0xffff;
	v20 =	vor.u32 v20, v24;
	v24 =	vand.u32 $0x7F, v29;
	v29 =	vor.u32 s15, v31  }
0x147: {  	v34 =	vadd.s32 v0, v40;
	v32 =	vadd.s32 v0, v51;
	v51 =	vld [tilespmem:s14+$0x9060];
	v23 =	vor.u32 v23, v27  }
0x148: {  	v27 =	vshll.u32 v53, $0x3;
	v28 =	vld.idx.msk [tilespmem:v28+s5+$0x0], $0xffff;
	v20 =	vor.u32 s31, v20;
	v24 =	vor.u32 v24, v32  }
0x149: {  	v31 =	vld [tilespmem:s21+$0x9030];
	v27 =	vand.u32 $0xFFFFFC00, v27;
	v23 =	vor.u32 s2, v23;
	v26 =	vshll.u32 v30, $0x3  }
0x14a: {  	v27 =	vadd.s32 v0, v27;
	v24 =	vor.u32 s0, v24;
	v26 =	vand.u32 $0xFFFFFC00, v26;
	v25 =	vld.idx.msk [tilespmem:v25+s5+$0x0], $0xffff;
	[tilespmem:s13+$0x12020] =	vst v22  }
0x14b: {  	v30 =	vand.u32 $0x7F, v30;
	v27 =	vor.u32 v58, v27;
	v26 =	vadd.s32 v0, v26;
	[tilespmem:s14+$0x12000] =	vst v21;
	v21 =	vld.idx.msk [tilespmem:v29+s5+$0x0], $0xffff  }
0x14c: {  	v34 =	vor.u32 v41, v34;
	v27 =	vor.u32 s15, v27;
	v26 =	vor.u32 v30, v26;
	v30 =	vld [tilespmem:s14+$0x9040]  }
0x14d: {  	v55 =	vand.u32 $0x7F, v45;
	v34 =	vor.u32 s15, v34;
	v53 =	vshll.u32 v50, $0x3;
	[tilespmem:s21+$0x12000] =	vst v28;
	v20 =	vld.idx.msk [tilespmem:v20+s5+$0x0], $0xffff  }
0x14e: {  	v32 =	vand.u32 $0xFFFFFC00, v61;
	v52 =	vshll.u32 v47, $0x3;
	v26 =	vor.u32 s31, v26;
	v23 =	vld.idx.msk [tilespmem:v23+s5+$0x0], $0xffff  }
0x14f: {  	v54 =	vand.u32 $0xFFFFFC00, v53;
	v32 =	vadd.s32 v0, v32;
	v28 =	vshll.u32 v56, $0x3;
	v22 =	vld [tilespmem:s21+$0x9040];
	[tilespmem:s23+$0x12000] =	vst v25  }
0x150: {  	v59 =	vshll.u32 v51, $0x3;
	v28 =	vand.u32 $0xFFFFFC00, v28;
	v29 =	vor.u32 v36, v32;
	v24 =	vld.idx.msk [tilespmem:v24+s5+$0x0], $0xffff;
	[tilespmem:s13+$0x12030] =	vst v21  }
0x151: {  	v42 =	vshll.u32 v31, $0x3;
	v28 =	vadd.s32 v0, v28;
	v29 =	vor.u32 s0, v29;
	v27 =	vld.idx.msk [tilespmem:v27+s5+$0x0], $0xffff  }
0x152: {  	v31 =	vand.u32 $0x7F, v31;
	v25 =	vshll.u32 v57, $0x3;
	v28 =	vor.u32 v33, v28;
	[tilespmem:s14+$0x12010] =	vst v20;
	v20 =	vld [tilespmem:s13+$0x9070]  }
0x153: {  	v33 =	vand.u32 $0xFFFFFC00, v46;
	v57 =	vand.u32 $0x7F, v47;
	v36 =	vand.u32 $0xFFFFFC00, v42;
	[tilespmem:s21+$0x12010] =	vst v23;
	v23 =	vld.idx.msk [tilespmem:v26+s5+$0x0], $0xffff  }
0x154: {  	v25 =	vand.u32 $0xFFFFFC00, v25;
	v28 =	vor.u32 s31, v28;
	v36 =	vadd.s32 v0, v36;
	v32 =	vld.idx.msk [tilespmem:v63+s5+$0x0], $0xffff  }
0x155: {  	v33 =	vadd.s32 v0, v33;
	v25 =	vadd.s32 v0, v25;
	v31 =	vor.u32 v31, v36;
	v21 =	vld [tilespmem:s23+$0x9040];
	[tilespmem:s23+$0x12010] =	vst v24  }
0x156: {  	v25 =	vor.u32 v44, v25;
	v31 =	vor.u32 s2, v31;
	v26 =	vshll.u32 v30, $0x3;
	v29 =	vld.idx.msk [tilespmem:v29+s5+$0x0], $0xffff;
	[tilespmem:s13+$0x12040] =	vst v27  }
0x157: {  	v33 =	vor.u32 v35, v33;
	v25 =	vor.u32 s0, v25;
	v26 =	vand.u32 $0xFFFFFC00, v26;
	v24 =	vld.idx.msk [tilespmem:v34+s5+$0x0], $0xffff  }
0x158: {  	v58 =	vld [tilespmem:s21+$0x9070];
	v33 =	vor.u32 s15, v33;
	v30 =	vand.u32 $0x7F, v30;
	v26 =	vadd.s32 v0, v26;
	[tilespmem:s14+$0x12020] =	vst v23  }
0x159: {  	v35 =	vand.u32 $0x7F, v50;
	v48 =	vshll.u32 v22, $0x3;
	v26 =	vor.u32 v30, v26;
	v28 =	vld.idx.msk [tilespmem:v28+s5+$0x0], $0xffff  }
0x15a: {  	v56 =	vld [tilespmem:s14+$0x9070];
	v22 =	vand.u32 $0x7F, v22;
	v30 =	vshll.u32 v20, $0x3;
	v26 =	vor.u32 s31, v26;
	[tilespmem:s21+$0x12020] =	vst v32  }
0x15b: {  	v49 =	vand.u32 $0xFFFFFC00, v48;
	v30 =	vand.u32 $0xFFFFFC00, v30;
	v27 =	vshll.u32 v21, $0x3;
	[tilespmem:s23+$0x12020] =	vst v29;
	v29 =	vld.idx.msk [tilespmem:v31+s5+$0x0], $0xffff  }
0x15c: {  	v20 =	vand.u32 $0x7F, v20;
	v30 =	vadd.s32 v0, v30;
	v27 =	vand.u32 $0xFFFFFC00, v27;
	v25 =	vld.idx.msk [tilespmem:v25+s5+$0x0], $0xffff;
	[tilespmem:s13+$0x12050] =	vst v24  }
0x15d: {  	v20 =	vor.u32 v20, v30;
	v21 =	vand.u32 $0x7F, v21;
	v27 =	vadd.s32 v0, v27;
	v23 =	vld.idx.msk [tilespmem:v33+s5+$0x0], $0xffff  }
0x15e: {  	v20 =	vor.u32 s15, v20;
	v34 =	vadd.s32 v0, v49;
	v21 =	vor.u32 v21, v27;
	v27 =	vld [tilespmem:s21+$0x9060];
	[tilespmem:s14+$0x12030] =	vst v28  }
0x15f: {  	[tilespmem:s28+$0x12030] =	vst v19;
	v19 =	vshll.u32 v56, $0x3;
	v30 =	vshll.u32 v45, $0x3;
	v22 =	vor.u32 v22, v34;
	v26 =	vld.idx.msk [tilespmem:v26+s5+$0x0], $0xffff  }
0x160: {  	v19 =	vand.u32 $0xFFFFFC00, v19;
	v30 =	vand.u32 $0xFFFFFC00, v30;
	v22 =	vor.u32 s2, v22;
	v24 =	vld [tilespmem:s23+$0x9060]  }
0x161: {  	[tilespmem:s30+$0x12030] =	vst v11;
	v4 =	vld [tilespmem:s28+$0x9070];
	v19 =	vadd.s32 v0, v19;
	v30 =	vadd.s32 v0, v30;
	v21 =	vor.u32 s0, v21  }
0x162: {  	v11 =	vld.idx.msk [tilespmem:v9+s5+$0x0], $0xffff;
	v32 =	vadd.s32 v0, v54;
	v31 =	vand.u32 $0xFFFFFC00, v52;
	v30 =	vor.u32 v55, v30;
	[tilespmem:s13+$0x12060] =	vst v23  }
0x163: {  	v31 =	vadd.s32 v0, v31;
	[tilespmem:s21+$0x12030] =	vst v29;
	v60 =	vshll.u32 v27, $0x3;
	v23 =	vor.u32 s31, v30;
	v20 =	vld.idx.msk [tilespmem:v20+s5+$0x0], $0xffff  }
0x164: {  	v34 =	vand.u32 $0x7F, v51;
	v28 =	vld [tilespmem:s23+$0x9070];
	[tilespmem:s23+$0x12030] =	vst v25;
	v27 =	vand.u32 $0x7F, v27;
	v62 =	vand.u32 $0xFFFFFC00, v60  }
0x165: {  	v22 =	vld.idx.msk [tilespmem:v22+s5+$0x0], $0xffff;
	[tilespmem:s14+$0x12040] =	vst v26;
	v26 =	vshll.u32 v58, $0x3;
	v61 =	vshll.u32 v24, $0x3;
	v30 =	vor.u32 v57, v31  }
0x166: {  	v21 =	vld.idx.msk [tilespmem:v21+s5+$0x0], $0xffff;
	v31 =	vor.u32 v35, v32;
	v32 =	vand.u32 $0xFFFFFC00, v59;
	v30 =	vor.u32 s2, v30  }
0x167: {  	s24 =	sadd.s32 $0x800, s10;
	v6 =	vld [tilespmem:s29+$0x9070];
	v31 =	vor.u32 s0, v31;
	v29 =	vadd.s32 v0, v32;
	v32 =	vadd.s32 v0, v62  }
0x168: {  	s19 =	sor.u32 s15, s24;
	v24 =	vand.u32 $0x7F, v24;
	v25 =	vor.u32 v34, v29;
	v27 =	vor.u32 v27, v32;
	v23 =	vld.idx.msk [tilespmem:v23+s5+$0x0], $0xffff;
	[tilespmem:s13+$0x12070] =	vst v20  }
0x169: {  	[tilespmem:s29+$0x12030] =	vst v18;
	v63 =	vand.u32 $0xFFFFFC00, v61;
	v25 =	vor.u32 s31, v25;
	v20 =	vor.u32 s2, v27;
	v27 =	vld [tilespmem:s19+$0x9000]  }
0x16a: {  	v13 =	vld.idx.msk [tilespmem:v13+s5+$0x0], $0xffff;
	v33 =	vadd.s32 v0, v63;
	[tilespmem:s21+$0x12040] =	vst v22;
	v22 =	vand.u32 $0xFFFFFC00, v26;
	v29 =	vshll.u32 v28, $0x3  }
0x16b: {  	v24 =	vor.u32 v24, v33;
	[tilespmem:s23+$0x12040] =	vst v21;
	v26 =	vand.u32 $0xFFFFFC00, v29;
	v29 =	vand.u32 $0x7F, v56;
	v18 =	vld.idx.msk [tilespmem:v30+s5+$0x0], $0xffff  }
0x16c: {  	v22 =	vadd.s32 v0, v22;
	v21 =	vand.u32 $0x7F, v58;
	v19 =	vor.u32 v29, v19;
	v29 =	vld.idx.msk [tilespmem:v31+s5+$0x0], $0xffff  }
0x16d: {  	v16 =	vld.idx.msk [tilespmem:v16+s5+$0x0], $0xffff;
	v28 =	vand.u32 $0x7F, v28;
	v24 =	vor.u32 s0, v24;
	v26 =	vadd.s32 v0, v26;
	[tilespmem:s14+$0x12050] =	vst v23  }
0x16e: {  	v21 =	vor.u32 v21, v22;
	v22 =	vor.u32 v28, v26;
	v25 =	vld.idx.msk [tilespmem:v25+s5+$0x0], $0xffff;
	v26 =	vshll.u32 v27, $0x3  }
0x16f: {  	[tilespmem:s29+$0x12040] =	vst v13;
	v9 =	vor.u32 s31, v19;
	v19 =	vor.u32 s2, v21;
	v21 =	vand.u32 $0xFFFFFC00, v26;
	v26 =	vld [tilespmem:s19+$0x9010]  }
0x170: {  	v7 =	vor.u32 s8, v12;
	v28 =	vld.idx.msk [tilespmem:v14+s5+$0x0], $0xffff;
	[tilespmem:s21+$0x12050] =	vst v18;
	v23 =	vand.u32 $0x7F, v27;
	v21 =	vadd.s32 v0, v21  }
0x171: {  	v17 =	vand.u32 $0xFFFFFC00, v17;
	v2 =	vor.u32 v2, v15;
	[tilespmem:s23+$0x12050] =	vst v29;
	v20 =	vld.idx.msk [tilespmem:v20+s5+$0x0], $0xffff;
	v18 =	vor.u32 v23, v21  }
0x172: {  	v15 =	vand.u32 $0x7F, v5;
	v13 =	vshll.u32 v4, $0x3;
	v12 =	vld.idx.msk [tilespmem:v24+s5+$0x0], $0xffff;
	v18 =	vor.u32 s15, v18  }
0x173: {  	v17 =	vadd.s32 v1, v17;
	v13 =	vand.u32 $0xFFFFFC00, v13;
	v14 =	vshll.u32 v6, $0x3;
	v23 =	vld [tilespmem:s30+$0x9070];
	[tilespmem:s14+$0x12060] =	vst v25  }
0x174: {  	[tilespmem:s28+$0x12040] =	vst v16;
	v22 =	vor.u32 s0, v22;
	v14 =	vand.u32 $0xFFFFFC00, v14;
	v9 =	vld.idx.msk [tilespmem:v9+s5+$0x0], $0xffff;
	v24 =	vshll.u32 v26, $0x3  }
0x175: {  	v10 =	vld.idx.msk [tilespmem:v10+s5+$0x0], $0xffff;
	v13 =	vadd.s32 v1, v13;
	v14 =	vadd.s32 v1, v14;
	v24 =	vand.u32 $0xFFFFFC00, v24  }
0x176: {  	v27 =	vld [tilespmem:s19+$0x9020];
	v21 =	vshll.u32 v5, $0x3;
	v25 =	vand.u32 $0x7F, v26;
	v24 =	vadd.s32 v0, v24  }
0x177: {  	v5 =	vor.u32 s26, v2;
	v2 =	vor.u32 v3, v17;
	[tilespmem:s21+$0x12060] =	vst v20;
	v18 =	vld.idx.msk [tilespmem:v18+s5+$0x0], $0xffff;
	v20 =	vor.u32 v25, v24  }
0x178: {  	v21 =	vand.u32 $0xFFFFFC00, v21;
	[tilespmem:s23+$0x12060] =	vst v12;
	v12 =	vld.idx.msk [tilespmem:v19+s5+$0x0], $0xffff;
	v17 =	vshll.u32 v23, $0x3;
	v19 =	vor.u32 s15, v20  }
0x179: {  	s9 =	sor.u32 s31, s24;
	v3 =	vor.u32 s7, v2;
	v21 =	vadd.s32 v1, v21;
	v16 =	vld.idx.msk [tilespmem:v22+s5+$0x0], $0xffff;
	v17 =	vand.u32 $0xFFFFFC00, v17;
	[tilespmem:s14+$0x12070] =	vst v9  }
0x17a: {  	v15 =	vor.u32 v15, v21;
	v1 =	vadd.s32 v1, v17;
	v17 =	vand.u32 $0x7F, v23;
	v20 =	vld [tilespmem:s9+$0x9000]  }
0x17b: {  	v2 =	vor.u32 s8, v15;
	v15 =	vshll.u32 v27, $0x3;
	v1 =	vor.u32 v17, v1;
	v17 =	vld [tilespmem:s9+$0x9020]  }
0x17c: {  	v15 =	vand.u32 $0xFFFFFC00, v15;
	[tilespmem:s19+$0x12000] =	vst v18;
	v18 =	vld [tilespmem:s19+$0x9030]  }
0x17d: {  	s10 =	sor.u32 s2, s24;
	v15 =	vadd.s32 v0, v15;
	[tilespmem:s21+$0x12070] =	vst v12;
	v9 =	vld.idx.msk [tilespmem:v19+s5+$0x0], $0xffff;
	v19 =	vand.u32 $0x7F, v27  }
0x17e: {  	v4 =	vand.u32 $0x7F, v4;
	s14 =	sor.u32 s0, s24;
	[tilespmem:s23+$0x12070] =	vst v16;
	v12 =	vor.u32 v19, v15;
	v15 =	vld [tilespmem:s10+$0x9000]  }
0x17f: {  	v4 =	vor.u32 v4, v13;
	v13 =	vand.u32 $0x7F, v6;
	v16 =	vld [tilespmem:s14+$0x9000];
	v12 =	vor.u32 s15, v12  }
0x180: {  	v6 =	vor.u32 s26, v4;
	v4 =	vor.u32 v13, v14  }
0x181: {  	v4 =	vor.u32 s7, v4;
	v21 =	vld [tilespmem:s9+$0x9010];
	v14 =	vshll.u32 v20, $0x3;
	v13 =	vshll.u32 v18, $0x3  }
0x182: {  	[tilespmem:s28+$0x12050] =	vst v10;
	v22 =	vld [tilespmem:s10+$0x9010];
	v10 =	vshll.u32 v17, $0x3;
	v14 =	vand.u32 $0xFFFFFC00, v14;
	v13 =	vand.u32 $0xFFFFFC00, v13  }
0x183: {  	[tilespmem:s19+$0x12010] =	vst v9;
	v9 =	vand.u32 $0x7F, v20;
	v20 =	vld [tilespmem:s19+$0x9040];
	v19 =	vshll.u32 v15, $0x3;
	v13 =	vadd.s32 v0, v13  }
0x184: {  	v15 =	vand.u32 $0x7F, v15;
	v23 =	vld.idx.msk [tilespmem:v12+s5+$0x0], $0xffff;
	v12 =	vand.u32 $0x7F, v18;
	v18 =	vshll.u32 v16, $0x3  }
0x185: {  	v24 =	vld [tilespmem:s14+$0x9010];
	v16 =	vand.u32 $0x7F, v16;
	v12 =	vor.u32 v12, v13;
	v13 =	vand.u32 $0xFFFFFC00, v19  }
0x186: {  	v18 =	vand.u32 $0xFFFFFC00, v18;
	v19 =	vld [tilespmem:s10+$0x9020];
	v25 =	vor.u32 s15, v12;
	v12 =	vadd.s32 v0, v14  }
0x187: {  	v13 =	vadd.s32 v0, v13;
	v14 =	vadd.s32 v0, v18;
	v18 =	vld [tilespmem:s14+$0x9020];
	v9 =	vor.u32 v9, v12  }
0x188: {  	v12 =	vld [tilespmem:s9+$0x9030];
	v13 =	vor.u32 v15, v13;
	v14 =	vor.u32 v16, v14;
	v15 =	vshll.u32 v20, $0x3  }
0x189: {  	v16 =	vor.u32 s31, v9;
	v9 =	vand.u32 $0xFFFFFC00, v15;
	v15 =	vld [tilespmem:s19+$0x9050];
	v26 =	vor.u32 s0, v14  }
0x18a: {  	v14 =	vand.u32 $0x7F, v20;
	[tilespmem:s19+$0x12020] =	vst v23;
	v23 =	vor.u32 s2, v13;
	v9 =	vadd.s32 v0, v9;
	v13 =	vld [tilespmem:s10+$0x9030]  }
0x18b: {  	v27 =	vshll.u32 v22, $0x3;
	v20 =	vshll.u32 v21, $0x3;
	v9 =	vor.u32 v14, v9;
	v14 =	vld [tilespmem:s14+$0x9030]  }
0x18c: {  	v29 =	vshll.u32 v24, $0x3;
	v22 =	vand.u32 $0x7F, v22;
	v20 =	vand.u32 $0xFFFFFC00, v20;
	v25 =	vld.idx.msk [tilespmem:v25+s5+$0x0], $0xffff  }
0x18d: {  	v21 =	vand.u32 $0x7F, v21;
	v20 =	vadd.s32 v0, v20;
	v30 =	vor.u32 s15, v9;
	v9 =	vld [tilespmem:s9+$0x9040]  }
0x18e: {  	v27 =	vand.u32 $0xFFFFFC00, v27;
	v29 =	vand.u32 $0xFFFFFC00, v29;
	v20 =	vor.u32 v21, v20;
	v21 =	vld [tilespmem:s19+$0x9060]  }
0x18f: {  	v27 =	vadd.s32 v0, v27;
	v31 =	vld.idx.msk [tilespmem:v23+s5+$0x0], $0xffff;
	v23 =	vand.u32 $0x7F, v24;
	v24 =	vshll.u32 v15, $0x3  }
0x190: {  	[tilespmem:s22+$0x12070] =	vst v8;
	v29 =	vadd.s32 v0, v29;
	v27 =	vor.u32 v22, v27;
	v16 =	vld.idx.msk [tilespmem:v16+s5+$0x0], $0xffff;
	v22 =	vand.u32 $0xFFFFFC00, v24  }
0x191: {  	v15 =	vand.u32 $0x7F, v15;
	v8 =	vor.u32 v23, v29;
	v23 =	vld.idx.msk [tilespmem:v26+s5+$0x0], $0xffff;
	[tilespmem:s19+$0x12030] =	vst v25;
	v24 =	vadd.s32 v0, v22  }
0x192: {  	[tilespmem:s30+$0x12040] =	vst v11;
	v1 =	vor.u32 s8, v1;
	v10 =	vand.u32 $0xFFFFFC00, v10;
	v25 =	vld.idx.msk [tilespmem:v30+s5+$0x0], $0xffff;
	v11 =	vor.u32 v15, v24  }
0x193: {  	v26 =	vadd.s32 v0, v10;
	v10 =	vld [tilespmem:s9+$0x9050];
	v22 =	vor.u32 s31, v20;
	v24 =	vor.u32 s15, v11  }
0x194: {  	[tilespmem:s29+$0x12050] =	vst v28;
	s26 =	smul.u32 $0xC, s25;
	v20 =	vor.u32 s2, v27;
	v27 =	vshll.u32 v18, $0x3;
	v15 =	vld [tilespmem:s10+$0x9040];
	v11 =	vshll.u32 v19, $0x3  }
0x195: {  	v8 =	vor.u32 s0, v8;
	v27 =	vand.u32 $0xFFFFFC00, v27;
	[tilespmem:s9+$0x12000] =	vst v16;
	v16 =	vld [tilespmem:s14+$0x9040];
	v11 =	vand.u32 $0xFFFFFC00, v11  }
0x196: {  	s7 =	sadd.s32 s6, s26;
	v29 =	vshll.u32 v21, $0x3;
	v27 =	vadd.s32 v0, v27;
	[tilespmem:s10+$0x12000] =	vst v31;
	v28 =	vadd.s32 v0, v11;
	v11 =	vld [tilespmem:s10+$0x9050]  }
.LBB2_3:
0x197: {  	s17 =	sadd.s32 $0x4, s17;
	v17 =	vand.u32 $0x7F, v17;
	v19 =	vand.u32 $0x7F, v19;
	[tilespmem:s19+$0x12040] =	vst v25;
	v25 =	vand.u32 $0xFFFFFC00, v29;
	v29 =	vld [tilespmem:s19+$0x9070]  }
0x198: {  	v18 =	vand.u32 $0x7F, v18;
	v21 =	vand.u32 $0x7F, v21;
	s1 =	sshrl.u32 s17, $0x3;
	s3 =	sand.u32 $0x4, s17;
	p0 =	slt.u32 s17, $0x2C;
	[tilespmem:s14+$0x12000] =	vst v23;
	v23 =	vld.idx.msk [tilespmem:v24+s5+$0x0], $0xffff;
	v24 =	vadd.s32 v0, v25  }
0x199: {  	v17 =	vor.u32 v17, v26;
	v25 =	vor.u32 v19, v28;
	s24 =	smul.u32 $0xC00, s1;
	s8 =	sshll.u32 s3, $0x7;
	v22 =	vld.idx.msk [tilespmem:v22+s5+$0x0], $0xffff;
	v21 =	vor.u32 v21, v24  }
0x19a: {  	v19 =	vor.u32 s31, v17;
	v17 =	vor.u32 v18, v27;
	s22 =	sor.u32 $0x80, s8;
	s23 =	sor.u32 $0x100, s8;
	s21 =	sor.u32 $0x180, s8;
	v24 =	vld.idx.msk [tilespmem:v20+s5+$0x0], $0xffff;
	v21 =	vor.u32 s15, v21  }
0x19b: {  	v18 =	vor.u32 s2, v25;
	v20 =	vshll.u32 v12, $0x3;
	v17 =	vor.u32 s0, v17;
	s12 =	sor.u32 s8, s24;
	s3 =	sor.u32 s24, s22;
	s4 =	sor.u32 s24, s21;
	v25 =	vld.idx.msk [tilespmem:v8+s5+$0x0], $0xffff  }
0x19c: {  	v27 =	vshll.u32 v14, $0x3;
	s11 =	sor.u32 s24, s23;
	v8 =	vand.u32 $0xFFFFFC00, v20;
	v20 =	vshll.u32 v13, $0x3;
	v26 =	vld [tilespmem:s4+$0x9000]  }
0x19d: {  	v27 =	vand.u32 $0xFFFFFC00, v27;
	v30 =	vand.u32 $0xFFFFFC00, v20;
	v31 =	vshll.u32 v29, $0x3;
	v28 =	vld [tilespmem:s12+$0x9000]  }
0x19e: {  	v32 =	vmov s1;
	v20 =	vadd.s32 v0, v8;
	v8 =	vand.u32 $0xFFFFFC00, v31;
	v33 =	vld [tilespmem:s3+$0x9000];
	[tilespmem:s19+$0x12050] =	vst v23  }
0x19f: {  	v29 =	vand.u32 $0x7F, v29;
	v23 =	vmul.u32 $0xC00, v32;
	v8 =	vadd.s32 v0, v8;
	[tilespmem:s9+$0x12010] =	vst v22;
	v31 =	vld.idx.msk [tilespmem:v21+s5+$0x0], $0xffff  }
0x1a0: {  	v21 =	vadd.s32 v0, v30;
	v22 =	vadd.s32 v0, v27;
	v32 =	vld [tilespmem:s11+$0x9000];
	[tilespmem:s10+$0x12010] =	vst v24;
	v24 =	vor.u32 v29, v8  }
0x1a1: {  	v8 =	vbroadcast v23, $0x0;
	v23 =	vld [tilespmem:s12+$0x9010];
	v27 =	vshll.u32 v26, $0x3;
	[tilespmem:s14+$0x12010] =	vst v25;
	v24 =	vor.u32 s15, v24;
	s15 =	smov.u32 s21  }
0x1a2: {  	v25 =	vand.u32 $0x7F, v28;
	v28 =	vshll.u32 v28, $0x3;
	v29 =	vld [tilespmem:s3+$0x9010];
	v27 =	vand.u32 $0xFFFFFC00, v27  }
0x1a3: {  	v26 =	vand.u32 $0x7F, v26;
	v30 =	vshll.u32 v33, $0x3;
	v27 =	vadd.s32 v8, v27;
	v34 =	vld [tilespmem:s4+$0x9010]  }
0x1a4: {  	v28 =	vand.u32 $0xFFFFFC00, v28;
	v30 =	vand.u32 $0xFFFFFC00, v30;
	v35 =	vld [tilespmem:s11+$0x9010];
	v26 =	vor.u32 v26, v27  }
0x1a5: {  	v27 =	vadd.s32 v8, v28;
	v28 =	vld [tilespmem:s12+$0x9020];
	v36 =	vshll.u32 v32, $0x3;
	v26 =	vor.u32 s15, v26;
	[tilespmem:s19+$0x12060] =	vst v31  }
0x1a6: {  	v31 =	vand.u32 $0x7F, v33;
	v30 =	vadd.s32 v8, v30;
	v33 =	vand.u32 $0xFFFFFC00, v36;
	v24 =	vld.idx.msk [tilespmem:v24+s5+$0x0], $0xffff  }
0x1a7: {  	v25 =	vor.u32 v25, v27;
	v32 =	vand.u32 $0x7F, v32;
	v27 =	vld [tilespmem:s3+$0x9020];
	v33 =	vadd.s32 v8, v33  }
0x1a8: {  	v30 =	vor.u32 v31, v30;
	v31 =	vor.u32 v32, v33;
	v32 =	vld [tilespmem:s11+$0x9020];
	v33 =	vshll.u32 v34, $0x3  }
0x1a9: {  	v25 =	vor.u32 s8, v25;
	v30 =	vor.u32 s22, v30;
	v33 =	vand.u32 $0xFFFFFC00, v33;
	v36 =	vld [tilespmem:s4+$0x9020]  }
0x1aa: {  	v34 =	vand.u32 $0x7F, v34;
	v31 =	vor.u32 s23, v31;
	v26 =	vld.idx.msk [tilespmem:v26+s5+$0x0], $0xffff;
	v33 =	vadd.s32 v8, v33  }
0x1ab: {  	v37 =	vshll.u32 v23, $0x3;
	v39 =	vshll.u32 v29, $0x3;
	v38 =	vld [tilespmem:s12+$0x9030];
	v33 =	vor.u32 v34, v33  }
0x1ac: {  	v40 =	vshll.u32 v35, $0x3;
	v34 =	vand.u32 $0xFFFFFC00, v37;
	v37 =	vld [tilespmem:s3+$0x9030];
	v33 =	vor.u32 s15, v33;
	[tilespmem:s19+$0x12070] =	vst v24  }
0x1ad: {  	v24 =	vadd.s32 v8, v34;
	v34 =	vand.u32 $0xFFFFFC00, v39;
	v39 =	vand.u32 $0xFFFFFC00, v40;
	v40 =	vld [tilespmem:s11+$0x9030]  }
0x1ae: {  	v23 =	vand.u32 $0x7F, v23;
	v34 =	vadd.s32 v8, v34;
	v39 =	vadd.s32 v8, v39;
	v25 =	vld.idx.msk [tilespmem:v25+s5+$0x0], $0xffff  }
0x1af: {  	v29 =	vand.u32 $0x7F, v29;
	v35 =	vand.u32 $0x7F, v35;
	v41 =	vshll.u32 v36, $0x3;
	v30 =	vld.idx.msk [tilespmem:v30+s5+$0x0], $0xffff  }
0x1b0: {  	v23 =	vor.u32 v23, v24;
	v24 =	vor.u32 v29, v34;
	[tilespmem:s4+$0x12000] =	vst v26;
	v26 =	vand.u32 $0xFFFFFC00, v41;
	v29 =	vld [tilespmem:s4+$0x9030]  }
0x1b1: {  	v34 =	vor.u32 v35, v39;
	v35 =	vand.u32 $0x7F, v36;
	v33 =	vld.idx.msk [tilespmem:v33+s5+$0x0], $0xffff;
	v26 =	vadd.s32 v8, v26  }
0x1b2: {  	v36 =	vor.u32 s8, v23;
	v24 =	vor.u32 s22, v24;
	v31 =	vld.idx.msk [tilespmem:v31+s5+$0x0], $0xffff;
	v23 =	vor.u32 v35, v26  }
0x1b3: {  	v34 =	vor.u32 s23, v34;
	v26 =	vshll.u32 v28, $0x3;
	v35 =	vld [tilespmem:s12+$0x9040];
	v39 =	vor.u32 s15, v23  }
0x1b4: {  	v41 =	vshll.u32 v32, $0x3;
	v23 =	vand.u32 $0xFFFFFC00, v26;
	[tilespmem:s12+$0x12000] =	vst v25;
	v25 =	vshll.u32 v27, $0x3;
	v26 =	vld [tilespmem:s3+$0x9040]  }
0x1b5: {  	v42 =	vadd.s32 v8, v23;
	[tilespmem:s3+$0x12000] =	vst v30;
	v25 =	vand.u32 $0xFFFFFC00, v25;
	v30 =	vand.u32 $0xFFFFFC00, v41;
	v41 =	vld [tilespmem:s11+$0x9040]  }
0x1b6: {  	v43 =	vshll.u32 v29, $0x3;
	v23 =	vld [tilespmem:s12+$0x9050];
	v25 =	vadd.s32 v8, v25;
	v30 =	vadd.s32 v8, v30  }
0x1b7: {  	v28 =	vand.u32 $0x7F, v28;
	v27 =	vand.u32 $0x7F, v27;
	[tilespmem:s4+$0x12010] =	vst v33;
	v33 =	vand.u32 $0xFFFFFC00, v43;
	v43 =	vld [tilespmem:s4+$0x9040]  }
0x1b8: {  	v29 =	vand.u32 $0x7F, v29;
	[tilespmem:s11+$0x12000] =	vst v31;
	v31 =	vand.u32 $0x7F, v32;
	v32 =	vld.idx.msk [tilespmem:v39+s5+$0x0], $0xffff;
	v33 =	vadd.s32 v8, v33  }
0x1b9: {  	v28 =	vor.u32 v28, v42;
	v25 =	vor.u32 v27, v25;
	v36 =	vld.idx.msk [tilespmem:v36+s5+$0x0], $0xffff;
	v27 =	vor.u32 v29, v33  }
0x1ba: {  	v28 =	vor.u32 s8, v28;
	v29 =	vor.u32 v31, v30;
	v24 =	vld.idx.msk [tilespmem:v24+s5+$0x0], $0xffff;
	v27 =	vor.u32 s15, v27  }
0x1bb: {  	v25 =	vor.u32 s22, v25;
	v30 =	vshll.u32 v38, $0x3;
	v29 =	vor.u32 s23, v29;
	v31 =	vld.idx.msk [tilespmem:v34+s5+$0x0], $0xffff  }
0x1bc: {  	v39 =	vshll.u32 v40, $0x3;
	v33 =	vshll.u32 v37, $0x3;
	v30 =	vand.u32 $0xFFFFFC00, v30;
	v34 =	vld [tilespmem:s3+$0x9050]  }
0x1bd: {  	v39 =	vand.u32 $0xFFFFFC00, v39;
	v33 =	vand.u32 $0xFFFFFC00, v33;
	v44 =	vshll.u32 v43, $0x3;
	v42 =	vld [tilespmem:s11+$0x9050]  }
0x1be: {  	v30 =	vadd.s32 v8, v30;
	v33 =	vadd.s32 v8, v33;
	[tilespmem:s4+$0x12020] =	vst v32;
	v32 =	vand.u32 $0xFFFFFC00, v44;
	v44 =	vld [tilespmem:s4+$0x9050]  }
0x1bf: {  	[tilespmem:s12+$0x12010] =	vst v36;
	v36 =	vadd.s32 v8, v39;
	v27 =	vld.idx.msk [tilespmem:v27+s5+$0x0], $0xffff;
	v39 =	vand.u32 $0x7F, v43;
	v32 =	vadd.s32 v8, v32  }
0x1c0: {  	v38 =	vand.u32 $0x7F, v38;
	v28 =	vld.idx.msk [tilespmem:v28+s5+$0x0], $0xffff;
	[tilespmem:s3+$0x12010] =	vst v24;
	v24 =	vand.u32 $0x7F, v37;
	v32 =	vor.u32 v39, v32  }
0x1c1: {  	v30 =	vor.u32 v38, v30;
	v25 =	vld.idx.msk [tilespmem:v25+s5+$0x0], $0xffff;
	[tilespmem:s11+$0x12010] =	vst v31;
	v31 =	vand.u32 $0x7F, v40;
	v32 =	vor.u32 s15, v32  }
0x1c2: {  	v30 =	vor.u32 s8, v30;
	v24 =	vor.u32 v24, v33;
	v29 =	vld.idx.msk [tilespmem:v29+s5+$0x0], $0xffff;
	v31 =	vor.u32 v31, v36  }
0x1c3: {  	v33 =	vshll.u32 v35, $0x3;
	v24 =	vor.u32 s22, v24;
	v36 =	vld [tilespmem:s12+$0x9060];
	v31 =	vor.u32 s23, v31  }
0x1c4: {  	v37 =	vshll.u32 v26, $0x3;
	v39 =	vshll.u32 v41, $0x3;
	v40 =	vshll.u32 v44, $0x3;
	v38 =	vld [tilespmem:s3+$0x9060]  }
0x1c5: {  	v37 =	vand.u32 $0xFFFFFC00, v37;
	v33 =	vand.u32 $0xFFFFFC00, v33;
	[tilespmem:s4+$0x12030] =	vst v27;
	v27 =	vand.u32 $0xFFFFFC00, v40;
	v40 =	vld [tilespmem:s4+$0x9060]  }
0x1c6: {  	[tilespmem:s12+$0x12020] =	vst v28;
	v28 =	vand.u32 $0xFFFFFC00, v39;
	v32 =	vld.idx.msk [tilespmem:v32+s5+$0x0], $0xffff;
	v39 =	vand.u32 $0x7F, v44;
	v27 =	vadd.s32 v8, v27  }
0x1c7: {  	v35 =	vand.u32 $0x7F, v35;
	v33 =	vadd.s32 v8, v33;
	v30 =	vld.idx.msk [tilespmem:v30+s5+$0x0], $0xffff;
	[tilespmem:s3+$0x12020] =	vst v25;
	v25 =	vor.u32 v39, v27  }
0x1c8: {  	v27 =	vadd.s32 v8, v37;
	v28 =	vadd.s32 v8, v28;
	v24 =	vld.idx.msk [tilespmem:v24+s5+$0x0], $0xffff;
	[tilespmem:s11+$0x12020] =	vst v29;
	v25 =	vor.u32 s15, v25  }
0x1c9: {  	v26 =	vand.u32 $0x7F, v26;
	v29 =	vor.u32 v35, v33;
	v33 =	vand.u32 $0x7F, v41;
	v31 =	vld.idx.msk [tilespmem:v31+s5+$0x0], $0xffff  }
0x1ca: {  	v26 =	vor.u32 v26, v27;
	v29 =	vor.u32 s8, v29;
	v27 =	vor.u32 v33, v28;
	v28 =	vld [tilespmem:s11+$0x9060]  }
0x1cb: {  	v26 =	vor.u32 s22, v26;
	v27 =	vor.u32 s23, v27;
	v35 =	vshll.u32 v40, $0x3;
	v33 =	vld [tilespmem:s12+$0x9070]  }
0x1cc: {  	v37 =	vshll.u32 v23, $0x3;
	v39 =	vshll.u32 v34, $0x3;
	[tilespmem:s4+$0x12040] =	vst v32;
	v32 =	vand.u32 $0xFFFFFC00, v35;
	v35 =	vld [tilespmem:s4+$0x9070]  }
0x1cd: {  	v40 =	vand.u32 $0x7F, v40;
	[tilespmem:s12+$0x12030] =	vst v30;
	v30 =	vshll.u32 v42, $0x3;
	v25 =	vld.idx.msk [tilespmem:v25+s5+$0x0], $0xffff;
	v32 =	vadd.s32 v8, v32  }
0x1ce: {  	v37 =	vand.u32 $0xFFFFFC00, v37;
	[tilespmem:s3+$0x12030] =	vst v24;
	v24 =	vand.u32 $0xFFFFFC00, v39;
	v39 =	vld [tilespmem:s3+$0x9070];
	v32 =	vor.u32 v40, v32  }
0x1cf: {  	v37 =	vadd.s32 v8, v37;
	v30 =	vand.u32 $0xFFFFFC00, v30;
	v29 =	vld.idx.msk [tilespmem:v29+s5+$0x0], $0xffff;
	[tilespmem:s11+$0x12030] =	vst v31;
	v31 =	vor.u32 s15, v32  }
0x1d0: {  	v23 =	vand.u32 $0x7F, v23;
	v24 =	vadd.s32 v8, v24;
	v30 =	vadd.s32 v8, v30;
	v26 =	vld.idx.msk [tilespmem:v26+s5+$0x0], $0xffff  }
0x1d1: {  	v23 =	vor.u32 v23, v37;
	v32 =	vand.u32 $0x7F, v34;
	v34 =	vand.u32 $0x7F, v42;
	v27 =	vld.idx.msk [tilespmem:v27+s5+$0x0], $0xffff  }
0x1d2: {  	v24 =	vor.u32 v32, v24;
	v30 =	vor.u32 v34, v30;
	v34 =	vshll.u32 v35, $0x3;
	v32 =	vld [tilespmem:s11+$0x9070]  }
0x1d3: {  	v37 =	vor.u32 s8, v23;
	v24 =	vor.u32 s22, v24;
	v23 =	vand.u32 $0xFFFFFC00, v34;
	[tilespmem:s4+$0x12050] =	vst v25;
	v19 =	vld.idx.msk [tilespmem:v19+s5+$0x0], $0xffff  }
0x1d4: {  	v25 =	vor.u32 s23, v30;
	v23 =	vadd.s32 v8, v23;
	v30 =	vld.idx.msk [tilespmem:v31+s5+$0x0], $0xffff;
	v31 =	vand.u32 $0x7F, v35  }
0x1d5: {  	v34 =	vshll.u32 v38, $0x3;
	[tilespmem:s12+$0x12040] =	vst v29;
	v29 =	vshll.u32 v36, $0x3;
	v23 =	vor.u32 v31, v23;
	v18 =	vld.idx.msk [tilespmem:v18+s5+$0x0], $0xffff  }
0x1d6: {  	v29 =	vand.u32 $0xFFFFFC00, v29;
	[tilespmem:s3+$0x12040] =	vst v26;
	v26 =	vshll.u32 v28, $0x3;
	v31 =	vor.u32 s15, v23;
	v35 =	vld.idx.msk [tilespmem:v17+s5+$0x0], $0xffff  }
0x1d7: {  	v17 =	vadd.s32 v8, v29;
	v29 =	vand.u32 $0xFFFFFC00, v34;
	[tilespmem:s11+$0x12040] =	vst v27;
	v26 =	vand.u32 $0xFFFFFC00, v26;
	v23 =	vld [tilespmem:s14+$0x9050]  }
0x1d8: {  	v34 =	vand.u32 $0x7F, v36;
	v27 =	vld.idx.msk [tilespmem:v37+s5+$0x0], $0xffff;
	v29 =	vadd.s32 v8, v29;
	v26 =	vadd.s32 v8, v26  }
0x1d9: {  	v28 =	vand.u32 $0x7F, v28;
	v17 =	vor.u32 v34, v17;
	v34 =	vand.u32 $0x7F, v38;
	v24 =	vld.idx.msk [tilespmem:v24+s5+$0x0], $0xffff;
	[tilespmem:s9+$0x12020] =	vst v19  }
0x1da: {  	v36 =	vor.u32 s8, v17;
	v17 =	vor.u32 v34, v29;
	v19 =	vor.u32 v28, v26;
	v25 =	vld.idx.msk [tilespmem:v25+s5+$0x0], $0xffff;
	[tilespmem:s4+$0x12060] =	vst v30  }
0x1db: {  	v26 =	vshll.u32 v33, $0x3;
	v28 =	vor.u32 s22, v17;
	v29 =	vor.u32 s23, v19;
	v30 =	vld.idx.msk [tilespmem:v31+s5+$0x0], $0xffff;
	[tilespmem:s10+$0x12020] =	vst v18  }
0x1dc: {  	v19 =	vshll.u32 v39, $0x3;
	v18 =	vand.u32 $0xFFFFFC00, v26;
	v26 =	vshll.u32 v32, $0x3;
	v17 =	vld [tilespmem:s9+$0x9060];
	[tilespmem:s14+$0x12020] =	vst v35  }
0x1dd: {  	v19 =	vand.u32 $0xFFFFFC00, v19;
	v31 =	vadd.s32 v8, v18;
	v26 =	vand.u32 $0xFFFFFC00, v26;
	v18 =	vld [tilespmem:s10+$0x9060]  }
0x1de: {  	v26 =	vadd.s32 v8, v26;
	[tilespmem:s12+$0x12050] =	vst v27;
	v27 =	vand.u32 $0x7F, v33;
	v33 =	vadd.s32 v8, v19;
	v19 =	vld [tilespmem:s14+$0x9060]  }
0x1df: {  	v34 =	vld.idx.msk [tilespmem:v36+s5+$0x0], $0xffff;
	v27 =	vor.u32 v27, v31;
	[tilespmem:s3+$0x12050] =	vst v24;
	v24 =	vand.u32 $0x7F, v39;
	v31 =	vand.u32 $0x7F, v32  }
0x1e0: {  	s13 =	sadd.s32 $0x400, s24;
	v27 =	vor.u32 s8, v27;
	v28 =	vld.idx.msk [tilespmem:v28+s5+$0x0], $0xffff;
	v24 =	vor.u32 v24, v33;
	[tilespmem:s11+$0x12050] =	vst v25;
	v25 =	vor.u32 v31, v26  }
0x1e1: {  	v12 =	vand.u32 $0x7F, v12;
	s1 =	sor.u32 s8, s13;
	s21 =	sor.u32 s22, s13;
	s19 =	sor.u32 s15, s13;
	v24 =	vor.u32 s22, v24;
	v26 =	vld.idx.msk [tilespmem:v29+s5+$0x0], $0xffff;
	v25 =	vor.u32 s23, v25;
	[tilespmem:s4+$0x12070] =	vst v30  }
0x1e2: {  	v14 =	vand.u32 $0x7F, v14;
	v13 =	vand.u32 $0x7F, v13;
	v12 =	vor.u32 v12, v20;
	s4 =	sor.u32 s23, s13;
	v29 =	vld [tilespmem:s19+$0x9000]  }
0x1e3: {  	v20 =	vor.u32 s31, v12;
	v13 =	vor.u32 v13, v21;
	v14 =	vor.u32 v14, v22;
	v7 =	vld.idx.msk [tilespmem:v7+s5+$0x0], $0xffff  }
0x1e4: {  	v21 =	vshll.u32 v9, $0x3;
	v22 =	vor.u32 s2, v13;
	v14 =	vor.u32 s0, v14;
	v12 =	vld [tilespmem:s9+$0x9070]  }
0x1e5: {  	v21 =	vand.u32 $0xFFFFFC00, v21;
	v31 =	vshll.u32 v16, $0x3;
	v30 =	vshll.u32 v15, $0x3;
	[tilespmem:s12+$0x12060] =	vst v34;
	v13 =	vld [tilespmem:s10+$0x9070]  }
0x1e6: {  	v21 =	vadd.s32 v0, v21;
	v27 =	vld.idx.msk [tilespmem:v27+s5+$0x0], $0xffff;
	[tilespmem:s3+$0x12060] =	vst v28;
	v28 =	vand.u32 $0xFFFFFC00, v30;
	v30 =	vand.u32 $0xFFFFFC00, v31  }
0x1e7: {  	v24 =	vld.idx.msk [tilespmem:v24+s5+$0x0], $0xffff;
	[tilespmem:s11+$0x12060] =	vst v26;
	v26 =	vshll.u32 v29, $0x3;
	v28 =	vadd.s32 v0, v28;
	v30 =	vadd.s32 v0, v30  }
0x1e8: {  	v9 =	vand.u32 $0x7F, v9;
	v15 =	vand.u32 $0x7F, v15;
	v25 =	vld.idx.msk [tilespmem:v25+s5+$0x0], $0xffff;
	v26 =	vand.u32 $0xFFFFFC00, v26  }
0x1e9: {  	v16 =	vand.u32 $0x7F, v16;
	v29 =	vand.u32 $0x7F, v29;
	v26 =	vadd.s32 v8, v26;
	v31 =	vld [tilespmem:s19+$0x9010];
	[tilespmem:s30+$0x12050] =	vst v7  }
0x1ea: {  	v9 =	vor.u32 v9, v21;
	v15 =	vor.u32 v15, v28;
	v7 =	vor.u32 v29, v26;
	v26 =	vld.idx.msk [tilespmem:v20+s5+$0x0], $0xffff  }
0x1eb: {  	v20 =	vor.u32 s31, v9;
	v28 =	vor.u32 s15, v7;
	v22 =	vld.idx.msk [tilespmem:v22+s5+$0x0], $0xffff;
	v7 =	vor.u32 v16, v30  }
0x1ec: {  	v21 =	vor.u32 s2, v15;
	v9 =	vshll.u32 v10, $0x3;
	[tilespmem:s12+$0x12070] =	vst v27;
	v27 =	vld.idx.msk [tilespmem:v14+s5+$0x0], $0xffff;
	v16 =	vor.u32 s0, v7  }
0x1ed: {  	v7 =	vand.u32 $0xFFFFFC00, v9;
	v9 =	vshll.u32 v11, $0x3;
	v14 =	vshll.u32 v23, $0x3;
	v29 =	vld [tilespmem:s1+$0x9000];
	[tilespmem:s3+$0x12070] =	vst v24  }
0x1ee: {  	v14 =	vand.u32 $0xFFFFFC00, v14;
	v24 =	vld [tilespmem:s21+$0x9000];
	[tilespmem:s11+$0x12070] =	vst v25;
	v15 =	vshll.u32 v31, $0x3;
	v25 =	vand.u32 $0xFFFFFC00, v9  }
0x1ef: {  	v9 =	vadd.s32 v0, v7;
	v15 =	vand.u32 $0xFFFFFC00, v15;
	v30 =	vld [tilespmem:s19+$0x9020];
	v7 =	vadd.s32 v0, v25  }
0x1f0: {  	v14 =	vadd.s32 v0, v14;
	v25 =	vld.idx.msk [tilespmem:v28+s5+$0x0], $0xffff;
	v28 =	vand.u32 $0x7F, v31;
	v15 =	vadd.s32 v8, v15;
	[tilespmem:s9+$0x12030] =	vst v26  }
0x1f1: {  	v26 =	vld [tilespmem:s4+$0x9000];
	v28 =	vor.u32 v28, v15;
	v15 =	vand.u32 $0x7F, v10;
	[tilespmem:s10+$0x12030] =	vst v22;
	v10 =	vand.u32 $0x7F, v11  }
0x1f2: {  	v22 =	vand.u32 $0x7F, v29;
	v11 =	vshll.u32 v29, $0x3;
	v29 =	vld [tilespmem:s1+$0x9010];
	v28 =	vor.u32 s15, v28;
	[tilespmem:s14+$0x12030] =	vst v27  }
0x1f3: {  	v11 =	vand.u32 $0xFFFFFC00, v11;
	v27 =	vand.u32 $0x7F, v24;
	v24 =	vshll.u32 v24, $0x3;
	v31 =	vld [tilespmem:s21+$0x9010]  }
0x1f4: {  	v32 =	vadd.s32 v8, v11;
	v24 =	vand.u32 $0xFFFFFC00, v24;
	v33 =	vld [tilespmem:s4+$0x9010];
	v11 =	vand.u32 $0x7F, v23  }
0x1f5: {  	v22 =	vor.u32 v22, v32;
	v23 =	vld [tilespmem:s1+$0x9020];
	v24 =	vadd.s32 v8, v24;
	v32 =	vshll.u32 v30, $0x3  }
0x1f6: {  	v34 =	vand.u32 $0x7F, v26;
	v26 =	vshll.u32 v26, $0x3;
	[tilespmem:s19+$0x12000] =	vst v25;
	v25 =	vand.u32 $0xFFFFFC00, v32;
	v32 =	vld [tilespmem:s19+$0x9030]  }
0x1f7: {  	v30 =	vand.u32 $0x7F, v30;
	v26 =	vand.u32 $0xFFFFFC00, v26;
	v28 =	vld.idx.msk [tilespmem:v28+s5+$0x0], $0xffff;
	v25 =	vadd.s32 v8, v25  }
0x1f8: {  	v24 =	vor.u32 v27, v24;
	v27 =	vld [tilespmem:s21+$0x9020];
	v26 =	vadd.s32 v8, v26;
	v25 =	vor.u32 v30, v25  }
0x1f9: {  	v22 =	vor.u32 s8, v22;
	v26 =	vor.u32 v34, v26;
	v30 =	vld [tilespmem:s4+$0x9020];
	v25 =	vor.u32 s15, v25  }
0x1fa: {  	v24 =	vor.u32 s22, v24;
	v34 =	vshll.u32 v29, $0x3;
	v35 =	vld [tilespmem:s1+$0x9030];
	v26 =	vor.u32 s23, v26  }
0x1fb: {  	v36 =	vshll.u32 v31, $0x3;
	v38 =	vshll.u32 v33, $0x3;
	v34 =	vand.u32 $0xFFFFFC00, v34;
	v37 =	vld [tilespmem:s21+$0x9030]  }
0x1fc: {  	v36 =	vand.u32 $0xFFFFFC00, v36;
	v38 =	vand.u32 $0xFFFFFC00, v38;
	v40 =	vshll.u32 v32, $0x3;
	v39 =	vld [tilespmem:s4+$0x9030]  }
0x1fd: {  	v36 =	vadd.s32 v8, v36;
	v34 =	vadd.s32 v8, v34;
	[tilespmem:s19+$0x12010] =	vst v28;
	v28 =	vand.u32 $0xFFFFFC00, v40;
	v40 =	vld [tilespmem:s19+$0x9040]  }
0x1fe: {  	v38 =	vadd.s32 v8, v38;
	v32 =	vand.u32 $0x7F, v32;
	v25 =	vld.idx.msk [tilespmem:v25+s5+$0x0], $0xffff;
	v28 =	vadd.s32 v8, v28  }
0x1ff: {  	v31 =	vand.u32 $0x7F, v31;
	v29 =	vand.u32 $0x7F, v29;
	v22 =	vld.idx.msk [tilespmem:v22+s5+$0x0], $0xffff;
	v28 =	vor.u32 v32, v28  }
0x200: {  	v29 =	vor.u32 v29, v34;
	v32 =	vand.u32 $0x7F, v33;
	v24 =	vld.idx.msk [tilespmem:v24+s5+$0x0], $0xffff;
	v28 =	vor.u32 s15, v28  }
0x201: {  	v31 =	vor.u32 v31, v36;
	v29 =	vor.u32 s8, v29;
	v32 =	vor.u32 v32, v38;
	v26 =	vld.idx.msk [tilespmem:v26+s5+$0x0], $0xffff  }
0x202: {  	v31 =	vor.u32 s22, v31;
	v33 =	vshll.u32 v23, $0x3;
	v32 =	vor.u32 s23, v32;
	v34 =	vld [tilespmem:s1+$0x9040]  }
0x203: {  	v36 =	vshll.u32 v27, $0x3;
	v41 =	vshll.u32 v30, $0x3;
	v42 =	vshll.u32 v40, $0x3;
	v38 =	vld [tilespmem:s21+$0x9040]  }
0x204: {  	v36 =	vand.u32 $0xFFFFFC00, v36;
	v33 =	vand.u32 $0xFFFFFC00, v33;
	[tilespmem:s19+$0x12020] =	vst v25;
	v25 =	vand.u32 $0xFFFFFC00, v42;
	v42 =	vld [tilespmem:s19+$0x9050]  }
0x205: {  	v40 =	vand.u32 $0x7F, v40;
	[tilespmem:s1+$0x12000] =	vst v22;
	v22 =	vand.u32 $0xFFFFFC00, v41;
	v28 =	vld.idx.msk [tilespmem:v28+s5+$0x0], $0xffff;
	v25 =	vadd.s32 v8, v25  }
0x206: {  	v23 =	vand.u32 $0x7F, v23;
	v33 =	vadd.s32 v8, v33;
	v29 =	vld.idx.msk [tilespmem:v29+s5+$0x0], $0xffff;
	[tilespmem:s21+$0x12000] =	vst v24;
	v24 =	vor.u32 v40, v25  }
0x207: {  	v22 =	vadd.s32 v8, v22;
	v25 =	vld.idx.msk [tilespmem:v31+s5+$0x0], $0xffff;
	v31 =	vadd.s32 v8, v36;
	[tilespmem:s4+$0x12000] =	vst v26;
	v24 =	vor.u32 s15, v24  }
0x208: {  	v30 =	vand.u32 $0x7F, v30;
	v23 =	vor.u32 v23, v33;
	v26 =	vand.u32 $0x7F, v27;
	v27 =	vld.idx.msk [tilespmem:v32+s5+$0x0], $0xffff  }
0x209: {  	v23 =	vor.u32 s8, v23;
	v22 =	vor.u32 v30, v22;
	v26 =	vor.u32 v26, v31;
	v30 =	vld [tilespmem:s4+$0x9040]  }
0x20a: {  	v22 =	vor.u32 s23, v22;
	v26 =	vor.u32 s22, v26;
	v32 =	vshll.u32 v42, $0x3;
	v31 =	vld [tilespmem:s1+$0x9050]  }
0x20b: {  	v33 =	vshll.u32 v35, $0x3;
	v36 =	vshll.u32 v37, $0x3;
	[tilespmem:s19+$0x12030] =	vst v28;
	v28 =	vand.u32 $0xFFFFFC00, v32;
	v32 =	vld [tilespmem:s19+$0x9060]  }
0x20c: {  	v40 =	vand.u32 $0x7F, v42;
	[tilespmem:s1+$0x12010] =	vst v29;
	v29 =	vshll.u32 v39, $0x3;
	v24 =	vld.idx.msk [tilespmem:v24+s5+$0x0], $0xffff;
	v28 =	vadd.s32 v8, v28  }
0x20d: {  	v33 =	vand.u32 $0xFFFFFC00, v33;
	[tilespmem:s21+$0x12010] =	vst v25;
	v25 =	vand.u32 $0xFFFFFC00, v36;
	v36 =	vld [tilespmem:s21+$0x9050];
	v28 =	vor.u32 v40, v28  }
0x20e: {  	v33 =	vadd.s32 v8, v33;
	v23 =	vld.idx.msk [tilespmem:v23+s5+$0x0], $0xffff;
	[tilespmem:s4+$0x12010] =	vst v27;
	v27 =	vand.u32 $0xFFFFFC00, v29;
	v28 =	vor.u32 s15, v28  }
0x20f: {  	v29 =	vand.u32 $0x7F, v35;
	v25 =	vadd.s32 v8, v25;
	v26 =	vld.idx.msk [tilespmem:v26+s5+$0x0], $0xffff;
	v27 =	vadd.s32 v8, v27  }
0x210: {  	v35 =	vand.u32 $0x7F, v39;
	v29 =	vor.u32 v29, v33;
	v33 =	vand.u32 $0x7F, v37;
	v22 =	vld.idx.msk [tilespmem:v22+s5+$0x0], $0xffff  }
0x211: {  	v25 =	vor.u32 v33, v25;
	v27 =	vor.u32 v35, v27;
	v35 =	vshll.u32 v32, $0x3;
	v33 =	vld [tilespmem:s4+$0x9050]  }
0x212: {  	v29 =	vor.u32 s8, v29;
	v25 =	vor.u32 s22, v25;
	[tilespmem:s19+$0x12040] =	vst v24;
	v24 =	vand.u32 $0xFFFFFC00, v35;
	v35 =	vld [tilespmem:s19+$0x9070]  }
0x213: {  	v32 =	vand.u32 $0x7F, v32;
	v27 =	vor.u32 s23, v27;
	v28 =	vld.idx.msk [tilespmem:v28+s5+$0x0], $0xffff;
	v24 =	vadd.s32 v8, v24  }
0x214: {  	v39 =	vshll.u32 v38, $0x3;
	[tilespmem:s1+$0x12020] =	vst v23;
	v23 =	vshll.u32 v34, $0x3;
	v37 =	vld [tilespmem:s1+$0x9060];
	v24 =	vor.u32 v32, v24  }
0x215: {  	v32 =	vshll.u32 v30, $0x3;
	v23 =	vand.u32 $0xFFFFFC00, v23;
	[tilespmem:s21+$0x12020] =	vst v26;
	v26 =	vld [tilespmem:s21+$0x9060];
	v24 =	vor.u32 s15, v24  }
0x216: {  	v39 =	vand.u32 $0xFFFFFC00, v39;
	v23 =	vadd.s32 v8, v23;
	[tilespmem:s4+$0x12020] =	vst v22;
	v22 =	vand.u32 $0xFFFFFC00, v32;
	v32 =	vld [tilespmem:s4+$0x9060]  }
0x217: {  	v39 =	vadd.s32 v8, v39;
	v34 =	vand.u32 $0x7F, v34;
	v29 =	vld.idx.msk [tilespmem:v29+s5+$0x0], $0xffff;
	v22 =	vadd.s32 v8, v22  }
0x218: {  	v38 =	vand.u32 $0x7F, v38;
	v30 =	vand.u32 $0x7F, v30;
	v40 =	vshll.u32 v35, $0x3;
	v25 =	vld.idx.msk [tilespmem:v25+s5+$0x0], $0xffff  }
0x219: {  	v23 =	vor.u32 v34, v23;
	v34 =	vor.u32 v38, v39;
	v27 =	vld.idx.msk [tilespmem:v27+s5+$0x0], $0xffff;
	[tilespmem:s19+$0x12050] =	vst v28;
	v28 =	vand.u32 $0xFFFFFC00, v40  }
0x21a: {  	v22 =	vor.u32 v30, v22;
	v30 =	vand.u32 $0x7F, v35;
	v24 =	vld.idx.msk [tilespmem:v24+s5+$0x0], $0xffff;
	v28 =	vadd.s32 v8, v28  }
0x21b: {  	v23 =	vor.u32 s8, v23;
	v34 =	vor.u32 s22, v34;
	v35 =	vld [tilespmem:s1+$0x9070];
	v28 =	vor.u32 v30, v28  }
0x21c: {  	v22 =	vor.u32 s23, v22;
	v30 =	vshll.u32 v31, $0x3;
	v38 =	vld [tilespmem:s21+$0x9070];
	v28 =	vor.u32 s15, v28  }
0x21d: {  	v39 =	vshll.u32 v33, $0x3;
	[tilespmem:s1+$0x12030] =	vst v29;
	v29 =	vand.u32 $0xFFFFFC00, v30;
	v30 =	vshll.u32 v36, $0x3;
	v40 =	vld [tilespmem:s4+$0x9070]  }
0x21e: {  	v29 =	vadd.s32 v8, v29;
	[tilespmem:s21+$0x12030] =	vst v25;
	v25 =	vand.u32 $0xFFFFFC00, v30;
	v30 =	vand.u32 $0xFFFFFC00, v39;
	v20 =	vld.idx.msk [tilespmem:v20+s5+$0x0], $0xffff  }
0x21f: {  	v31 =	vand.u32 $0x7F, v31;
	v25 =	vadd.s32 v8, v25;
	[tilespmem:s4+$0x12030] =	vst v27;
	v27 =	vadd.s32 v8, v30;
	v21 =	vld.idx.msk [tilespmem:v21+s5+$0x0], $0xffff  }
0x220: {  	v29 =	vor.u32 v31, v29;
	v30 =	vand.u32 $0x7F, v36;
	v31 =	vand.u32 $0x7F, v33;
	v23 =	vld.idx.msk [tilespmem:v23+s5+$0x0], $0xffff;
	[tilespmem:s19+$0x12060] =	vst v24  }
0x221: {  	v24 =	vor.u32 s8, v29;
	v25 =	vor.u32 v30, v25;
	v27 =	vor.u32 v31, v27;
	v28 =	vld.idx.msk [tilespmem:v28+s5+$0x0], $0xffff  }
0x222: {  	v29 =	vshll.u32 v37, $0x3;
	v25 =	vor.u32 s22, v25;
	v27 =	vor.u32 s23, v27;
	v30 =	vld.idx.msk [tilespmem:v34+s5+$0x0], $0xffff  }
0x223: {  	v33 =	vshll.u32 v32, $0x3;
	v31 =	vshll.u32 v26, $0x3;
	v29 =	vand.u32 $0xFFFFFC00, v29;
	v22 =	vld.idx.msk [tilespmem:v22+s5+$0x0], $0xffff  }
0x224: {  	v33 =	vand.u32 $0xFFFFFC00, v33;
	v31 =	vand.u32 $0xFFFFFC00, v31;
	v29 =	vadd.s32 v8, v29;
	[tilespmem:s9+$0x12040] =	vst v20;
	v20 =	vld.idx.msk [tilespmem:v16+s5+$0x0], $0xffff  }
0x225: {  	v33 =	vadd.s32 v8, v33;
	v34 =	vand.u32 $0x7F, v37;
	v31 =	vadd.s32 v8, v31;
	[tilespmem:s10+$0x12040] =	vst v21;
	v16 =	vld [tilespmem:s14+$0x9070]  }
0x226: {  	s11 =	sadd.s32 $0x800, s24;
	v21 =	vor.u32 v34, v29;
	[tilespmem:s1+$0x12040] =	vst v23;
	v23 =	vand.u32 $0x7F, v26;
	v26 =	vand.u32 $0x7F, v32;
	v5 =	vld.idx.msk [tilespmem:v5+s5+$0x0], $0xffff  }
0x227: {  	s12 =	sor.u32 s8, s11;
	s3 =	sor.u32 s22, s11;
	v21 =	vor.u32 s8, v21;
	v24 =	vld.idx.msk [tilespmem:v24+s5+$0x0], $0xffff;
	v23 =	vor.u32 v23, v31;
	v26 =	vor.u32 v26, v33;
	[tilespmem:s19+$0x12070] =	vst v28;
	s19 =	sor.u32 s15, s11  }
0x228: {  	v28 =	vshll.u32 v35, $0x3;
	s11 =	sor.u32 s23, s11;
	[tilespmem:s21+$0x12040] =	vst v30;
	v23 =	vor.u32 s22, v23;
	v26 =	vor.u32 s23, v26;
	v29 =	vld [tilespmem:s19+$0x9000]  }
0x229: {  	v28 =	vand.u32 $0xFFFFFC00, v28;
	v30 =	vshll.u32 v38, $0x3;
	v25 =	vld.idx.msk [tilespmem:v25+s5+$0x0], $0xffff;
	[tilespmem:s4+$0x12040] =	vst v22;
	v22 =	vshll.u32 v40, $0x3  }
0x22a: {  	v28 =	vadd.s32 v8, v28;
	v30 =	vand.u32 $0xFFFFFC00, v30;
	v27 =	vld.idx.msk [tilespmem:v27+s5+$0x0], $0xffff;
	v22 =	vand.u32 $0xFFFFFC00, v22;
	[tilespmem:s14+$0x12040] =	vst v20  }
0x22b: {  	v20 =	vand.u32 $0x7F, v35;
	v30 =	vadd.s32 v8, v30;
	v22 =	vadd.s32 v8, v22;
	v3 =	vld.idx.msk [tilespmem:v3+s5+$0x0], $0xffff  }
0x22c: {  	v31 =	vand.u32 $0x7F, v40;
	v20 =	vor.u32 v20, v28;
	v28 =	vand.u32 $0x7F, v38;
	[tilespmem:s28+$0x12060] =	vst v5;
	v2 =	vld.idx.msk [tilespmem:v2+s5+$0x0], $0xffff  }
0x22d: {  	v5 =	vor.u32 v28, v30;
	v22 =	vor.u32 v31, v22;
	[tilespmem:s1+$0x12050] =	vst v24;
	v24 =	vshll.u32 v29, $0x3;
	v6 =	vld.idx.msk [tilespmem:v6+s5+$0x0], $0xffff  }
0x22e: {  	v20 =	vor.u32 s8, v20;
	v5 =	vor.u32 s22, v5;
	v21 =	vld.idx.msk [tilespmem:v21+s5+$0x0], $0xffff;
	v24 =	vand.u32 $0xFFFFFC00, v24  }
0x22f: {  	v22 =	vor.u32 s23, v22;
	[tilespmem:s21+$0x12050] =	vst v25;
	v25 =	vand.u32 $0x7F, v29;
	v24 =	vadd.s32 v8, v24;
	v28 =	vld [tilespmem:s19+$0x9010]  }
0x230: {  	v9 =	vor.u32 v15, v9;
	v15 =	vshll.u32 v17, $0x3;
	v23 =	vld.idx.msk [tilespmem:v23+s5+$0x0], $0xffff;
	[tilespmem:s4+$0x12050] =	vst v27;
	v24 =	vor.u32 v25, v24  }
0x231: {  	v7 =	vor.u32 v10, v7;
	v10 =	vor.u32 v11, v14;
	v25 =	vld.idx.msk [tilespmem:v26+s5+$0x0], $0xffff;
	v24 =	vor.u32 s15, v24;
	[tilespmem:s29+$0x12060] =	vst v3  }
0x232: {  	v3 =	vor.u32 s31, v9;
	v9 =	vor.u32 s2, v7;
	v7 =	vor.u32 s0, v10;
	[tilespmem:s30+$0x12060] =	vst v2  }
0x233: {  	v11 =	vshll.u32 v19, $0x3;
	v10 =	vshll.u32 v18, $0x3;
	v2 =	vand.u32 $0xFFFFFC00, v15;
	[tilespmem:s28+$0x12070] =	vst v6;
	v4 =	vld.idx.msk [tilespmem:v4+s5+$0x0], $0xffff;
	s28 =	smov.u32 s9;
	s9 =	smov.u32 s12  }
0x234: {  	v11 =	vand.u32 $0xFFFFFC00, v11;
	v10 =	vand.u32 $0xFFFFFC00, v10;
	[tilespmem:s1+$0x12060] =	vst v21;
	v6 =	vshll.u32 v28, $0x3;
	v1 =	vld.idx.msk [tilespmem:v1+s5+$0x0], $0xffff  }
0x235: {  	v2 =	vadd.s32 v0, v2;
	v10 =	vadd.s32 v0, v10;
	v6 =	vand.u32 $0xFFFFFC00, v6;
	v14 =	vld [tilespmem:s19+$0x9020]  }
0x236: {  	v11 =	vadd.s32 v0, v11;
	v21 =	vand.u32 $0x7F, v28;
	[tilespmem:s21+$0x12060] =	vst v23;
	v15 =	vld.idx.msk [tilespmem:v24+s5+$0x0], $0xffff;
	v6 =	vadd.s32 v8, v6  }
0x237: {  	v17 =	vand.u32 $0x7F, v17;
	v18 =	vand.u32 $0x7F, v18;
	v20 =	vld.idx.msk [tilespmem:v20+s5+$0x0], $0xffff;
	[tilespmem:s4+$0x12060] =	vst v25;
	v6 =	vor.u32 v21, v6  }
0x238: {  	v2 =	vor.u32 v17, v2;
	v17 =	vand.u32 $0x7F, v19;
	v21 =	vld.idx.msk [tilespmem:v5+s5+$0x0], $0xffff;
	v6 =	vor.u32 s15, v6  }
0x239: {  	v5 =	vor.u32 s31, v2;
	v2 =	vor.u32 v18, v10;
	v10 =	vor.u32 v17, v11;
	v19 =	vld.idx.msk [tilespmem:v22+s5+$0x0], $0xffff;
	[tilespmem:s29+$0x12070] =	vst v4;
	s29 =	smov.u32 s10;
	s10 =	smov.u32 s3  }
0x23a: {  	v11 =	vshll.u32 v12, $0x3;
	v4 =	vld.idx.msk [tilespmem:v3+s5+$0x0], $0xffff;
	v3 =	vor.u32 s2, v2;
	v2 =	vor.u32 s0, v10;
	[tilespmem:s30+$0x12070] =	vst v1;
	s30 =	smov.u32 s14;
	s14 =	smov.u32 s11  }
0x23b: {  	v17 =	vshll.u32 v16, $0x3;
	v1 =	vshll.u32 v14, $0x3;
	v10 =	vshll.u32 v13, $0x3;
	v9 =	vld.idx.msk [tilespmem:v9+s5+$0x0], $0xffff  }
0x23c: {  	v11 =	vand.u32 $0xFFFFFC00, v11;
	v1 =	vand.u32 $0xFFFFFC00, v1;
	v10 =	vand.u32 $0xFFFFFC00, v10;
	[tilespmem:s19+$0x12000] =	vst v15;
	v15 =	vld [tilespmem:s19+$0x9030]  }
0x23d: {  	v1 =	vadd.s32 v8, v1;
	[tilespmem:s1+$0x12070] =	vst v20;
	v18 =	vld.idx.msk [tilespmem:v6+s5+$0x0], $0xffff;
	v6 =	vand.u32 $0x7F, v14;
	v14 =	vand.u32 $0xFFFFFC00, v17  }
0x23e: {  	v10 =	vadd.s32 v0, v10;
	v17 =	vld [tilespmem:s9+$0x9000];
	[tilespmem:s21+$0x12070] =	vst v21;
	v1 =	vor.u32 v6, v1;
	v6 =	vadd.s32 v0, v11  }
0x23f: {  	v11 =	vld [tilespmem:s10+$0x9000];
	[tilespmem:s4+$0x12070] =	vst v19;
	v19 =	vor.u32 s15, v1;
	v1 =	vand.u32 $0x7F, v12;
	v12 =	vadd.s32 v0, v14;
	v0 =	vmovc v8  }
0x240: {  	v8 =	vld [tilespmem:s14+$0x9000];
	[tilespmem:s28+$0x12050] =	vst v4;
	v1 =	vor.u32 v1, v6;
	v4 =	vand.u32 $0x7F, v13;
	v13 =	vand.u32 $0x7F, v16  }
0x241: {  	v16 =	vld [tilespmem:s9+$0x9010];
	v6 =	vor.u32 s31, v1;
	[tilespmem:s29+$0x12050] =	vst v9;
	v1 =	vor.u32 v4, v10;
	v9 =	vor.u32 v13, v12;
	s31 =	smov.u32 s8  }
0x242: {  	v12 =	vshll.u32 v15, $0x3;
	v10 =	vld [tilespmem:s10+$0x9010];
	v4 =	vor.u32 s2, v1;
	v1 =	vor.u32 s0, v9;
	s2 =	smov.u32 s22;
	s0 =	smov.u32 s23  }
0x243: {  	v12 =	vand.u32 $0xFFFFFC00, v12;
	v9 =	vand.u32 $0x7F, v17;
	v13 =	vshll.u32 v17, $0x3;
	[tilespmem:s19+$0x12010] =	vst v18;
	v14 =	vld [tilespmem:s19+$0x9040]  }
0x244: {  	v15 =	vand.u32 $0x7F, v15;
	v12 =	vadd.s32 v0, v12;
	v18 =	vshll.u32 v11, $0x3;
	v20 =	vld.idx.msk [tilespmem:v19+s5+$0x0], $0xffff  }
0x245: {  	v13 =	vand.u32 $0xFFFFFC00, v13;
	v12 =	vor.u32 v15, v12;
	v19 =	vshll.u32 v8, $0x3;
	v21 =	vld [tilespmem:s14+$0x9010]  }
0x246: {  	v15 =	vand.u32 $0xFFFFFC00, v18;
	v22 =	vor.u32 s15, v12;
	v17 =	vld [tilespmem:s9+$0x9020];
	v18 =	vand.u32 $0xFFFFFC00, v19  }
0x247: {  	v12 =	vadd.s32 v0, v13;
	v13 =	vadd.s32 v0, v15;
	v19 =	vld [tilespmem:s10+$0x9020];
	v15 =	vadd.s32 v0, v18  }
0x248: {  	v11 =	vand.u32 $0x7F, v11;
	v8 =	vand.u32 $0x7F, v8;
	v9 =	vor.u32 v9, v12;
	v18 =	vld [tilespmem:s14+$0x9020]  }
0x249: {  	v11 =	vor.u32 v11, v13;
	v8 =	vor.u32 v8, v15;
	v13 =	vshll.u32 v14, $0x3;
	v12 =	vld [tilespmem:s9+$0x9030]  }
0x24a: {  	v15 =	vor.u32 s31, v9;
	v11 =	vor.u32 s2, v11;
	v9 =	vand.u32 $0xFFFFFC00, v13;
	[tilespmem:s19+$0x12020] =	vst v20;
	v20 =	vld [tilespmem:s19+$0x9050]  }
0x24b: {  	v14 =	vand.u32 $0x7F, v14;
	v8 =	vor.u32 s0, v8;
	v9 =	vadd.s32 v0, v9;
	v22 =	vld.idx.msk [tilespmem:v22+s5+$0x0], $0xffff  }
0x24c: {  	v23 =	vshll.u32 v16, $0x3;
	v24 =	vshll.u32 v10, $0x3;
	v9 =	vor.u32 v14, v9;
	v13 =	vld [tilespmem:s10+$0x9030]  }
0x24d: {  	v23 =	vand.u32 $0xFFFFFC00, v23;
	v25 =	vshll.u32 v21, $0x3;
	v26 =	vor.u32 s15, v9;
	v14 =	vld [tilespmem:s14+$0x9030]  }
0x24e: {  	v23 =	vadd.s32 v0, v23;
	v24 =	vand.u32 $0xFFFFFC00, v24;
	v25 =	vand.u32 $0xFFFFFC00, v25;
	v9 =	vld [tilespmem:s9+$0x9040]  }
0x24f: {  	v27 =	vld.idx.msk [tilespmem:v15+s5+$0x0], $0xffff;
	v15 =	vand.u32 $0x7F, v16;
	v16 =	vadd.s32 v0, v24;
	v24 =	vadd.s32 v0, v25  }
0x250: {  	v10 =	vand.u32 $0x7F, v10;
	v25 =	vand.u32 $0x7F, v21;
	v21 =	vshll.u32 v20, $0x3;
	v11 =	vld.idx.msk [tilespmem:v11+s5+$0x0], $0xffff  }
0x251: {  	v15 =	vor.u32 v15, v23;
	v10 =	vor.u32 v10, v16;
	v16 =	vand.u32 $0xFFFFFC00, v21;
	[tilespmem:s19+$0x12030] =	vst v22;
	v21 =	vld [tilespmem:s19+$0x9060]  }
0x252: {  	v24 =	vor.u32 v25, v24;
	v16 =	vadd.s32 v0, v16;
	v25 =	vld.idx.msk [tilespmem:v26+s5+$0x0], $0xffff;
	v26 =	vand.u32 $0x7F, v20  }
.Ltmp0:
0x253: {  	v22 =	vor.u32 s31, v15;
	v20 =	vor.u32 s2, v10;
	v23 =	vld.idx.msk [tilespmem:v8+s5+$0x0], $0xffff;
	v10 =	vor.u32 v26, v16;
	(pc) =	sbr.rel @p0 .LBB2_3-.Ltmp0, $4  }
0x254: {  	v16 =	vshll.u32 v17, $0x3;
	v8 =	vor.u32 s0, v24;
	v15 =	vld [tilespmem:s10+$0x9040];
	v24 =	vor.u32 s15, v10  }
0x255: {  	v28 =	vshll.u32 v18, $0x3;
	v10 =	vand.u32 $0xFFFFFC00, v16;
	[tilespmem:s9+$0x12000] =	vst v27;
	v27 =	vshll.u32 v19, $0x3;
	v16 =	vld [tilespmem:s14+$0x9040]  }
0x256: {  	v26 =	vadd.s32 v0, v10;
	v10 =	vld [tilespmem:s9+$0x9050];
	[tilespmem:s10+$0x12000] =	vst v11;
	v11 =	vand.u32 $0xFFFFFC00, v27;
	v27 =	vand.u32 $0xFFFFFC00, v28  }
0x257: {  	v29 =	vshll.u32 v21, $0x3;
	v28 =	vadd.s32 v0, v11;
	v11 =	vld [tilespmem:s10+$0x9050];
	v27 =	vadd.s32 v0, v27  }
0x258: {  	_ =	sdelay $0x1  }
0x259: {  	v17 =	vand.u32 $0x7F, v17;
	v19 =	vand.u32 $0x7F, v19  }
0x25a: {  	[tilespmem:s19+$0x12040] =	vst v25;
	v25 =	vand.u32 $0xFFFFFC00, v29;
	v29 =	vld [tilespmem:s19+$0x9070];
	v18 =	vand.u32 $0x7F, v18;
	v21 =	vand.u32 $0x7F, v21  }
0x25b: {  	v22 =	vld.idx.msk [tilespmem:v22+s5+$0x0], $0xffff;
	v25 =	vadd.s32 v0, v25;
	v17 =	vor.u32 v17, v26;
	v19 =	vor.u32 v19, v28  }
0x25c: {  	v20 =	vld.idx.msk [tilespmem:v20+s5+$0x0], $0xffff;
	v18 =	vor.u32 v18, v27;
	v26 =	vshll.u32 v14, $0x3;
	v21 =	vor.u32 v21, v25  }
0x25d: {  	[tilespmem:s14+$0x12000] =	vst v23;
	v7 =	vld.idx.msk [tilespmem:v7+s5+$0x0], $0xffff;
	v17 =	vor.u32 s31, v17;
	v25 =	vshll.u32 v12, $0x3;
	v19 =	vor.u32 s2, v19  }
0x25e: {  	v8 =	vld.idx.msk [tilespmem:v8+s5+$0x0], $0xffff;
	v18 =	vor.u32 s0, v18;
	v26 =	vand.u32 $0xFFFFFC00, v26;
	v12 =	vand.u32 $0x7F, v12  }
0x25f: {  	v23 =	vld.idx.msk [tilespmem:v24+s5+$0x0], $0xffff;
	v21 =	vor.u32 s15, v21;
	v24 =	vand.u32 $0xFFFFFC00, v25;
	v25 =	vshll.u32 v13, $0x3  }
0x260: {  	v5 =	vld.idx.msk [tilespmem:v5+s5+$0x0], $0xffff;
	v13 =	vand.u32 $0x7F, v13;
	v25 =	vand.u32 $0xFFFFFC00, v25;
	v24 =	vadd.s32 v0, v24;
	[tilespmem:s9+$0x12010] =	vst v22  }
0x261: {  	v3 =	vld.idx.msk [tilespmem:v3+s5+$0x0], $0xffff;
	v27 =	vshll.u32 v29, $0x3;
	v22 =	vand.u32 $0x7F, v29;
	[tilespmem:s10+$0x12010] =	vst v20;
	v20 =	vadd.s32 v0, v25  }
0x262: {  	v25 =	vadd.s32 v0, v26;
	v12 =	vor.u32 v12, v24;
	v27 =	vand.u32 $0xFFFFFC00, v27;
	v17 =	vld.idx.msk [tilespmem:v17+s5+$0x0], $0xffff  }
0x263: {  	v24 =	vld [tilespmem:s10+$0x9060];
	[tilespmem:s14+$0x12010] =	vst v8;
	v8 =	vand.u32 $0x7F, v14;
	v12 =	vor.u32 s31, v12;
	v13 =	vor.u32 v13, v20  }
0x264: {  	[tilespmem:s19+$0x12050] =	vst v23;
	v23 =	vshll.u32 v16, $0x3;
	v27 =	vadd.s32 v0, v27;
	v19 =	vld.idx.msk [tilespmem:v19+s5+$0x0], $0xffff;
	v8 =	vor.u32 v8, v25  }
0x265: {  	v14 =	vld.idx.msk [tilespmem:v18+s5+$0x0], $0xffff;
	v18 =	vshll.u32 v9, $0x3;
	v13 =	vor.u32 s2, v13;
	v23 =	vand.u32 $0xFFFFFC00, v23  }
0x266: {  	v26 =	vld [tilespmem:s10+$0x9070];
	v9 =	vand.u32 $0x7F, v9;
	v22 =	vor.u32 v22, v27;
	v8 =	vor.u32 s0, v8  }
0x267: {  	v20 =	vld [tilespmem:s14+$0x9050];
	v23 =	vadd.s32 v0, v23;
	[tilespmem:s9+$0x12020] =	vst v17;
	v17 =	vand.u32 $0xFFFFFC00, v18;
	v18 =	vshll.u32 v15, $0x3  }
0x268: {  	v21 =	vld.idx.msk [tilespmem:v21+s5+$0x0], $0xffff;
	v22 =	vor.u32 s15, v22;
	v17 =	vadd.s32 v0, v17;
	v18 =	vand.u32 $0xFFFFFC00, v18  }
0x269: {  	[tilespmem:s10+$0x12020] =	vst v19;
	v15 =	vand.u32 $0x7F, v15;
	v12 =	vld.idx.msk [tilespmem:v12+s5+$0x0], $0xffff;
	v18 =	vadd.s32 v0, v18;
	v9 =	vor.u32 v9, v17  }
0x26a: {  	[tilespmem:s14+$0x12020] =	vst v14;
	v14 =	vand.u32 $0x7F, v16;
	v13 =	vld.idx.msk [tilespmem:v13+s5+$0x0], $0xffff;
	v15 =	vor.u32 v15, v18;
	v9 =	vor.u32 s31, v9  }
0x26b: {  	v16 =	vshll.u32 v10, $0x3;
	v14 =	vor.u32 v14, v23;
	v8 =	vld.idx.msk [tilespmem:v8+s5+$0x0], $0xffff;
	v15 =	vor.u32 s2, v15  }
0x26c: {  	v19 =	vld [tilespmem:s9+$0x9060];
	v10 =	vand.u32 $0x7F, v10;
	v16 =	vand.u32 $0xFFFFFC00, v16;
	v14 =	vor.u32 s0, v14  }
0x26d: {  	v23 =	vshll.u32 v20, $0x3;
	v17 =	vld [tilespmem:s14+$0x9060];
	v16 =	vadd.s32 v0, v16;
	v18 =	vshll.u32 v11, $0x3  }
0x26e: {  	v25 =	vld [tilespmem:s9+$0x9070];
	v23 =	vand.u32 $0xFFFFFC00, v23;
	v10 =	vor.u32 v10, v16;
	v18 =	vand.u32 $0xFFFFFC00, v18;
	[tilespmem:s9+$0x12030] =	vst v12  }
0x26f: {  	v11 =	vand.u32 $0x7F, v11;
	v10 =	vor.u32 s31, v10;
	v18 =	vadd.s32 v0, v18;
	[tilespmem:s10+$0x12030] =	vst v13;
	v9 =	vld.idx.msk [tilespmem:v9+s5+$0x0], $0xffff  }
0x270: {  	v12 =	vadd.s32 v0, v23;
	[tilespmem:s14+$0x12030] =	vst v8;
	v8 =	vand.u32 $0x7F, v20;
	v11 =	vor.u32 v11, v18;
	v13 =	vld.idx.msk [tilespmem:v15+s5+$0x0], $0xffff  }
0x271: {  	[tilespmem:s30+$0x12050] =	vst v7;
	v16 =	vshll.u32 v24, $0x3;
	v14 =	vld.idx.msk [tilespmem:v14+s5+$0x0], $0xffff;
	v8 =	vor.u32 v8, v12;
	v11 =	vor.u32 s2, v11  }
0x272: {  	[tilespmem:s19+$0x12060] =	vst v21;
	v20 =	vld [tilespmem:s14+$0x9070];
	v18 =	vshll.u32 v17, $0x3;
	v8 =	vor.u32 s0, v8;
	v15 =	vshll.u32 v19, $0x3  }
0x273: {  	[tilespmem:s28+$0x12060] =	vst v5;
	v16 =	vand.u32 $0xFFFFFC00, v16;
	v12 =	vld.idx.msk [tilespmem:v22+s5+$0x0], $0xffff;
	v18 =	vand.u32 $0xFFFFFC00, v18;
	v15 =	vand.u32 $0xFFFFFC00, v15  }
0x274: {  	v2 =	vld.idx.msk [tilespmem:v2+s5+$0x0], $0xffff;
	[tilespmem:s9+$0x12040] =	vst v9;
	v9 =	vadd.s32 v0, v15;
	v15 =	vadd.s32 v0, v16;
	v16 =	vand.u32 $0x7F, v19  }
0x275: {  	[tilespmem:s10+$0x12040] =	vst v13;
	v13 =	vadd.s32 v0, v18;
	v18 =	vand.u32 $0x7F, v24;
	v9 =	vor.u32 v16, v9;
	v10 =	vld.idx.msk [tilespmem:v10+s5+$0x0], $0xffff  }
0x276: {  	[tilespmem:s14+$0x12040] =	vst v14;
	v14 =	vand.u32 $0x7F, v17;
	v9 =	vor.u32 s31, v9;
	v15 =	vor.u32 v18, v15;
	v11 =	vld.idx.msk [tilespmem:v11+s5+$0x0], $0xffff  }
0x277: {  	[tilespmem:s29+$0x12060] =	vst v3;
	v8 =	vld.idx.msk [tilespmem:v8+s5+$0x0], $0xffff;
	v16 =	vshll.u32 v20, $0x3;
	v13 =	vor.u32 v14, v13;
	v15 =	vor.u32 s2, v15  }
0x278: {  	[tilespmem:s19+$0x12070] =	vst v12;
	v14 =	vshll.u32 v25, $0x3;
	v12 =	vor.u32 s0, v13;
	v13 =	vshll.u32 v26, $0x3  }
0x279: {  	v6 =	vld.idx.msk [tilespmem:v6+s5+$0x0], $0xffff;
	[tilespmem:s30+$0x12060] =	vst v2;
	v7 =	vand.u32 $0xFFFFFC00, v14;
	v14 =	vand.u32 $0xFFFFFC00, v16;
	v13 =	vand.u32 $0xFFFFFC00, v13  }
0x27a: {  	v2 =	vld.idx.msk [tilespmem:v4+s5+$0x0], $0xffff;
	v16 =	vand.u32 $0x7F, v25;
	v7 =	vadd.s32 v0, v7;
	v13 =	vadd.s32 v0, v13;
	[tilespmem:s9+$0x12050] =	vst v10  }
0x27b: {  	v0 =	vadd.s32 v0, v14;
	v7 =	vor.u32 v16, v7;
	v10 =	vand.u32 $0x7F, v26;
	[tilespmem:s10+$0x12050] =	vst v11;
	v9 =	vld.idx.msk [tilespmem:v9+s5+$0x0], $0xffff  }
0x27c: {  	[tilespmem:s14+$0x12050] =	vst v8;
	v7 =	vor.u32 s31, v7;
	v11 =	vand.u32 $0x7F, v20;
	v10 =	vor.u32 v10, v13;
	v8 =	vld.idx.msk [tilespmem:v15+s5+$0x0], $0xffff  }
0x27d: {  	v0 =	vor.u32 v11, v0;
	v5 =	vor.u32 s2, v10;
	v10 =	vld.idx.msk [tilespmem:v12+s5+$0x0], $0xffff  }
0x27e: {  	[tilespmem:s28+$0x12070] =	vst v6;
	v1 =	vld.idx.msk [tilespmem:v1+s5+$0x0], $0xffff;
	v0 =	vor.u32 s0, v0  }
0x27f: {  	[tilespmem:s29+$0x12070] =	vst v2  }
0x280: {  	[tilespmem:s9+$0x12060] =	vst v9  }
0x281: {  	v3 =	vld.idx.msk [tilespmem:v7+s5+$0x0], $0xffff;
	[tilespmem:s10+$0x12060] =	vst v8  }
0x282: {  	[tilespmem:s14+$0x12060] =	vst v10;
	v4 =	vld.idx.msk [tilespmem:v5+s5+$0x0], $0xffff  }
0x283: {  	[tilespmem:s30+$0x12070] =	vst v1;
	v0 =	vld.idx.msk [tilespmem:v0+s5+$0x0], $0xffff  }
0x284: {  	p0 =	seq.s32 s25, $0x2F;
	s0 =	rddreg [dreg:$0x8]  }
0x285: {  	s0 =	sadd.s32 @!p0 s26, s0  }
0x286: {  	s0 =	smul.u32 @!p0 $0x180, s0;
	[tilespmem:s9+$0x12070] =	vst v3  }
0x287: {  	s1 =	rddreg [dreg:$0x0];
	[tilespmem:s10+$0x12070] =	vst v4  }
0x288: {  	s2 =	simm.s32 @!p0 $0x0;
	s1 =	sadd.s32 @!p0 s1, s0;
	[tilespmem:s14+$0x12070] =	vst v0  }
0x289: {  	[tilespmem:s2], [sflag:$0x1] =	stream.linear.gather @!p0 [hbm4b:s1+s2], $0x4800, $0x38;
	[tilespmem:$0x1B000] =	vst v63  }
0x28a: {  	s3 =	smul.u32 $0x180, s7;
	s1 =	rddreg [dreg:$0x1]  }
0x28b: {  	s11 =	rddreg [dreg:$0x2];
	s0 =	sadd.s32 @!p0 s1, s0;
	s1 =	simm.s32 @!p0 $0x9000  }
0x28c: {  	[tilespmem:s1], [sflag:$0x1] =	stream.linear.gather @!p0 [hbm4b:s0+s2], $0x4800, $0x38;
	[tilespmem:$0x1B000] =	vst v63  }
0x28d: {  	s12 =	simm.s32 $0x12000;
	s0 =	sadd.s32 s11, s3  }
0x28e: {  	[hbm4b:s0+s5] =	stream.linear.scatter [tilespmem:s12], [sflag:$0x3], $0x4800, $0x38;
	[tilespmem:$0x1B000] =	vst v63  }
0x28f: {  	_ =	swait.ge [sflag:s20], $0x4800  }
0x290: {  	[sflag:s20] =	ssyncset.done $0x0  }
0x291: {  	[sflag:s20] =	ssyncadd.s32 $0xFFFFB800  }
0x292: {  	_ =	swait.ge [sflag:s20], $0x4800  }
0x293: {  	s13 =	simm.s32 $0x0;
	s4 =	simm.s32 $0x0;
	[sflag:s20] =	ssyncset.done $0x0  }
0x294: {  	s14 =	sand.u32 $0x4, s13;
	s1 =	simm.s32 @!p1 $0x4;
	[sflag:s20] =	ssyncadd.s32 $0xFFFFB800  }
0x295: {  	s15 =	smul.u32 $0xC00, s4;
	s9 =	sshll.u32 s14, $0x7;
	_ =	swait.ge @!p1 [sflag:s1], $0x4800  }
0x296: {  	s10 =	sor.u32 $0x180, s9;
	[sflag:s1] =	ssyncset.done @!p1 $0x0  }
0x297: {  	s17 =	sor.u32 s15, s10;
	[sflag:s1] =	ssyncadd.s32 @!p1 $0xFFFFB800  }
0x298: {  	s8 =	sor.u32 $0x80, s9;
	s19 =	sor.u32 s9, s15;
	v0 =	vld [tilespmem:s17+$0xD800]  }
0x299: {  	s7 =	sor.u32 $0x100, s9;
	s21 =	sor.u32 s15, s8;
	v2 =	vld [tilespmem:s19+$0xD800]  }
0x29a: {  	s22 =	sor.u32 s15, s7;
	v3 =	vld [tilespmem:s21+$0xD800]  }
0x29b: {  	v4 =	vld [tilespmem:s22+$0xD800]  }
0x29c: {  	v6 =	vld [tilespmem:s19+$0xD810]  }
0x29d: {  	v9 =	vld [tilespmem:s17+$0xD810]  }
0x29e: {  	v10 =	vld [tilespmem:s21+$0xD810]  }
0x29f: {  	v1 =	vmov s4;
	v11 =	vld [tilespmem:s22+$0xD810]  }
0x2a0: {  	v1 =	vmul.u32 $0xC00, v1;
	v14 =	vld [tilespmem:s21+$0xD820]  }
0x2a1: {  	v15 =	vld [tilespmem:s22+$0xD820]  }
0x2a2: {  	v1 =	vbroadcast v1, $0x0;
	v5 =	vshll.u32 v0, $0x3  }
0x2a3: {  	v7 =	vand.u32 $0x7F, v2;
	v2 =	vshll.u32 v2, $0x3;
	v8 =	vshll.u32 v3, $0x3  }
0x2a4: {  	v0 =	vand.u32 $0x7F, v0;
	v3 =	vand.u32 $0x7F, v3;
	v12 =	vshll.u32 v10, $0x3  }
0x2a5: {  	v13 =	vshll.u32 v11, $0x3;
	v10 =	vand.u32 $0x7F, v10;
	v11 =	vand.u32 $0x7F, v11  }
0x2a6: {  	v18 =	vshll.u32 v14, $0x3;
	v19 =	vshll.u32 v15, $0x3;
	v14 =	vand.u32 $0x7F, v14  }
0x2a7: {  	v5 =	vand.u32 $0xFFFFFC00, v5;
	v2 =	vand.u32 $0xFFFFFC00, v2;
	v8 =	vand.u32 $0xFFFFFC00, v8  }
0x2a8: {  	v12 =	vand.u32 $0xFFFFFC00, v12;
	v13 =	vand.u32 $0xFFFFFC00, v13;
	v5 =	vadd.s32 v1, v5  }
0x2a9: {  	v2 =	vadd.s32 v1, v2;
	v8 =	vadd.s32 v1, v8;
	v12 =	vadd.s32 v1, v12  }
0x2aa: {  	v13 =	vadd.s32 v1, v13;
	v0 =	vor.u32 v0, v5;
	v5 =	vshll.u32 v4, $0x3  }
0x2ab: {  	v2 =	vor.u32 v7, v2;
	v4 =	vand.u32 $0x7F, v4;
	v5 =	vand.u32 $0xFFFFFC00, v5  }
0x2ac: {  	v3 =	vor.u32 v3, v8;
	v7 =	vld [tilespmem:s17+$0xD820];
	v0 =	vor.u32 s10, v0;
	v5 =	vadd.s32 v1, v5  }
0x2ad: {  	v17 =	vld [tilespmem:s19+$0xD830];
	v8 =	vand.u32 $0x7F, v9;
	v4 =	vor.u32 v4, v5;
	v5 =	vshll.u32 v9, $0x3  }
0x2ae: {  	v20 =	vld [tilespmem:s17+$0xD840];
	v11 =	vor.u32 v11, v13;
	v2 =	vor.u32 s9, v2;
	v5 =	vand.u32 $0xFFFFFC00, v5  }
0x2af: {  	v21 =	vld [tilespmem:s19+$0xD840];
	v3 =	vor.u32 s8, v3;
	v9 =	vshll.u32 v6, $0x3;
	v5 =	vadd.s32 v1, v5  }
0x2b0: {  	v4 =	vor.u32 s7, v4;
	v9 =	vand.u32 $0xFFFFFC00, v9;
	v5 =	vor.u32 v8, v5;
	v8 =	vld [tilespmem:s19+$0xD820]  }
0x2b1: {  	v6 =	vand.u32 $0x7F, v6;
	v9 =	vadd.s32 v1, v9;
	v16 =	vshll.u32 v7, $0x3;
	v0 =	vld.idx.msk [tilespmem:v0+s16+$0x0], $0xffff  }
0x2b2: {  	v6 =	vor.u32 v6, v9;
	v9 =	vor.u32 v10, v12;
	v12 =	vld [tilespmem:s17+$0xD830];
	v5 =	vor.u32 s10, v5  }
0x2b3: {  	v15 =	vand.u32 $0x7F, v15;
	v11 =	vor.u32 s7, v11;
	v10 =	vand.u32 $0xFFFFFC00, v16;
	v2 =	vld.idx.msk [tilespmem:v2+s16+$0x0], $0xffff  }
0x2b4: {  	v7 =	vand.u32 $0x7F, v7;
	v3 =	vld.idx.msk [tilespmem:v3+s16+$0x0], $0xffff;
	v10 =	vadd.s32 v1, v10;
	v6 =	vor.u32 s9, v6  }
0x2b5: {  	v9 =	vor.u32 s8, v9;
	v7 =	vor.u32 v7, v10;
	v4 =	vld.idx.msk [tilespmem:v4+s16+$0x0], $0xffff;
	v16 =	vshll.u32 v8, $0x3  }
0x2b6: {  	v10 =	vld [tilespmem:s22+$0xD830];
	v7 =	vor.u32 s10, v7;
	[tilespmem:s17+$0x16800] =	vst v0;
	v8 =	vand.u32 $0x7F, v8;
	v16 =	vand.u32 $0xFFFFFC00, v16  }
0x2b7: {  	v5 =	vld.idx.msk [tilespmem:v5+s16+$0x0], $0xffff;
	v0 =	vadd.s32 v1, v16;
	v16 =	vand.u32 $0xFFFFFC00, v18;
	v18 =	vand.u32 $0xFFFFFC00, v19  }
0x2b8: {  	v13 =	vld [tilespmem:s21+$0xD830];
	[tilespmem:s19+$0x16800] =	vst v2;
	v19 =	vshll.u32 v12, $0x3;
	v12 =	vand.u32 $0x7F, v12;
	v16 =	vadd.s32 v1, v16  }
0x2b9: {  	[tilespmem:s21+$0x16800] =	vst v3;
	v3 =	vld.idx.msk [tilespmem:v6+s16+$0x0], $0xffff;
	v18 =	vadd.s32 v1, v18;
	v19 =	vand.u32 $0xFFFFFC00, v19;
	v0 =	vor.u32 v8, v0  }
0x2ba: {  	v9 =	vld.idx.msk [tilespmem:v9+s16+$0x0], $0xffff;
	[tilespmem:s22+$0x16800] =	vst v4;
	v4 =	vand.u32 $0x7F, v17;
	v19 =	vadd.s32 v1, v19;
	v8 =	vor.u32 v14, v16  }
0x2bb: {  	v0 =	vor.u32 s9, v0;
	v15 =	vor.u32 v15, v18;
	v16 =	vld [tilespmem:s22+$0xD840];
	v18 =	vshll.u32 v10, $0x3  }
0x2bc: {  	v11 =	vld.idx.msk [tilespmem:v11+s16+$0x0], $0xffff;
	v12 =	vor.u32 v12, v19;
	v8 =	vor.u32 s8, v8;
	v15 =	vor.u32 s7, v15;
	[tilespmem:s17+$0x16810] =	vst v5  }
0x2bd: {  	v12 =	vor.u32 s10, v12;
	v5 =	vshll.u32 v17, $0x3;
	v2 =	vld.idx.msk [tilespmem:v7+s16+$0x0], $0xffff;
	v7 =	vshll.u32 v13, $0x3  }
0x2be: {  	v14 =	vld [tilespmem:s21+$0xD840];
	v5 =	vand.u32 $0xFFFFFC00, v5;
	v13 =	vand.u32 $0x7F, v13;
	v6 =	vand.u32 $0xFFFFFC00, v7  }
0x2bf: {  	v7 =	vand.u32 $0xFFFFFC00, v18;
	v18 =	vshll.u32 v20, $0x3;
	v5 =	vadd.s32 v1, v5  }
0x2c0: {  	v19 =	vld [tilespmem:s17+$0xD850];
	v20 =	vand.u32 $0x7F, v20;
	v6 =	vadd.s32 v1, v6;
	v18 =	vand.u32 $0xFFFFFC00, v18  }
0x2c1: {  	[tilespmem:s21+$0x16810] =	vst v9;
	v7 =	vadd.s32 v1, v7;
	v4 =	vor.u32 v4, v5;
	v5 =	vand.u32 $0x7F, v10  }
0x2c2: {  	v22 =	vld [tilespmem:s19+$0xD850];
	v9 =	vshll.u32 v16, $0x3;
	[tilespmem:s22+$0x16810] =	vst v11;
	v11 =	vand.u32 $0x7F, v21;
	v18 =	vadd.s32 v1, v18  }
0x2c3: {  	v5 =	vor.u32 v5, v7;
	v7 =	vshll.u32 v14, $0x3;
	v8 =	vld.idx.msk [tilespmem:v8+s16+$0x0], $0xffff;
	v9 =	vand.u32 $0xFFFFFC00, v9  }
0x2c4: {  	v17 =	vor.u32 v20, v18;
	[tilespmem:s17+$0x16820] =	vst v2;
	v2 =	vor.u32 s9, v4;
	v4 =	vor.u32 v13, v6;
	v13 =	vld [tilespmem:s17+$0xD860]  }
0x2c5: {  	[tilespmem:s19+$0x16810] =	vst v3;
	v5 =	vor.u32 s7, v5;
	v7 =	vand.u32 $0xFFFFFC00, v7;
	v3 =	vld.idx.msk [tilespmem:v12+s16+$0x0], $0xffff;
	v12 =	vshll.u32 v19, $0x3  }
0x2c6: {  	v0 =	vld.idx.msk [tilespmem:v0+s16+$0x0], $0xffff;
	v18 =	vand.u32 $0x7F, v19;
	v10 =	vor.u32 s10, v17;
	v12 =	vand.u32 $0xFFFFFC00, v12  }
0x2c7: {  	v9 =	vadd.s32 v1, v9;
	v6 =	vshll.u32 v21, $0x3;
	v19 =	vld [tilespmem:s22+$0xD850];
	v12 =	vadd.s32 v1, v12  }
0x2c8: {  	v17 =	vld [tilespmem:s21+$0xD850];
	v4 =	vor.u32 s8, v4;
	v6 =	vand.u32 $0xFFFFFC00, v6;
	v12 =	vor.u32 v18, v12  }
0x2c9: {  	v15 =	vld.idx.msk [tilespmem:v15+s16+$0x0], $0xffff;
	v7 =	vadd.s32 v1, v7;
	v6 =	vadd.s32 v1, v6;
	[tilespmem:s21+$0x16820] =	vst v8;
	v12 =	vor.u32 s10, v12  }
0x2ca: {  	v18 =	vld [tilespmem:s19+$0xD860];
	v8 =	vshll.u32 v13, $0x3;
	v13 =	vand.u32 $0x7F, v13;
	[tilespmem:s17+$0x16830] =	vst v3;
	v3 =	vor.u32 v11, v6  }
0x2cb: {  	[tilespmem:s19+$0x16820] =	vst v0;
	v6 =	vand.u32 $0x7F, v14;
	v11 =	vand.u32 $0x7F, v16;
	v8 =	vand.u32 $0xFFFFFC00, v8;
	v0 =	vld.idx.msk [tilespmem:v10+s16+$0x0], $0xffff  }
0x2cc: {  	v2 =	vld.idx.msk [tilespmem:v2+s16+$0x0], $0xffff;
	v14 =	vshll.u32 v19, $0x3;
	v3 =	vor.u32 s9, v3;
	v6 =	vor.u32 v6, v7  }
0x2cd: {  	v4 =	vld.idx.msk [tilespmem:v4+s16+$0x0], $0xffff;
	v7 =	vor.u32 v11, v9;
	v9 =	vshll.u32 v22, $0x3;
	v10 =	vshll.u32 v17, $0x3  }
0x2ce: {  	[tilespmem:s22+$0x16820] =	vst v15;
	v11 =	vld [tilespmem:s17+$0xD870];
	v8 =	vadd.s32 v1, v8;
	v6 =	vor.u32 s8, v6;
	v7 =	vor.u32 s7, v7  }
0x2cf: {  	v5 =	vld.idx.msk [tilespmem:v5+s16+$0x0], $0xffff;
	v9 =	vand.u32 $0xFFFFFC00, v9;
	v10 =	vand.u32 $0xFFFFFC00, v10;
	v8 =	vor.u32 v13, v8  }
0x2d0: {  	v16 =	vld [tilespmem:s21+$0xD860];
	v13 =	vand.u32 $0x7F, v22;
	v8 =	vor.u32 s10, v8;
	v10 =	vadd.s32 v1, v10;
	[tilespmem:s17+$0x16840] =	vst v0  }
0x2d1: {  	[tilespmem:s19+$0x16830] =	vst v2;
	v2 =	vand.u32 $0x7F, v17;
	v0 =	vadd.s32 v1, v9;
	v9 =	vand.u32 $0xFFFFFC00, v14;
	v12 =	vld.idx.msk [tilespmem:v12+s16+$0x0], $0xffff  }
0x2d2: {  	v14 =	vld [tilespmem:s22+$0xD860];
	v9 =	vadd.s32 v1, v9;
	v0 =	vor.u32 v13, v0;
	v13 =	vand.u32 $0x7F, v19  }
0x2d3: {  	[tilespmem:s21+$0x16830] =	vst v4;
	v2 =	vor.u32 v2, v10;
	v3 =	vld.idx.msk [tilespmem:v3+s16+$0x0], $0xffff;
	v4 =	vor.u32 v13, v9;
	v9 =	vshll.u32 v11, $0x3  }
0x2d4: {  	v2 =	vor.u32 s8, v2;
	v6 =	vld.idx.msk [tilespmem:v6+s16+$0x0], $0xffff;
	v0 =	vor.u32 s9, v0;
	v9 =	vand.u32 $0xFFFFFC00, v9  }
0x2d5: {  	[tilespmem:s22+$0x16830] =	vst v5;
	v10 =	vld [tilespmem:s19+$0xD870];
	v5 =	vand.u32 $0x7F, v11;
	v11 =	vshll.u32 v18, $0x3;
	v9 =	vadd.s32 v1, v9  }
0x2d6: {  	v7 =	vld.idx.msk [tilespmem:v7+s16+$0x0], $0xffff;
	v4 =	vor.u32 s7, v4;
	v5 =	vor.u32 v5, v9;
	v9 =	vand.u32 $0xFFFFFC00, v11;
	[tilespmem:s17+$0x16850] =	vst v12  }
0x2d7: {  	v11 =	vshll.u32 v14, $0x3;
	v12 =	vshll.u32 v16, $0x3;
	v5 =	vor.u32 s10, v5;
	v8 =	vld.idx.msk [tilespmem:v8+s16+$0x0], $0xffff  }
0x2d8: {  	v13 =	vld [tilespmem:s21+$0xD870];
	[tilespmem:s19+$0x16840] =	vst v3;
	v3 =	vadd.s32 v1, v9;
	v9 =	vand.u32 $0xFFFFFC00, v12;
	v12 =	vand.u32 $0x7F, v18  }
0x2d9: {  	[tilespmem:s21+$0x16840] =	vst v6;
	v0 =	vld.idx.msk [tilespmem:v0+s16+$0x0], $0xffff;
	v6 =	vadd.s32 v1, v9;
	v3 =	vor.u32 v12, v3;
	v9 =	vand.u32 $0x7F, v16  }
0x2da: {  	v11 =	vand.u32 $0xFFFFFC00, v11;
	v2 =	vld.idx.msk [tilespmem:v2+s16+$0x0], $0xffff;
	v3 =	vor.u32 s9, v3;
	v6 =	vor.u32 v9, v6  }
0x2db: {  	[tilespmem:s22+$0x16840] =	vst v7;
	v7 =	vadd.s32 v1, v11;
	v11 =	vand.u32 $0x7F, v14;
	v9 =	vld [tilespmem:s22+$0xD870];
	v6 =	vor.u32 s8, v6  }
0x2dc: {  	v4 =	vld.idx.msk [tilespmem:v4+s16+$0x0], $0xffff;
	v7 =	vor.u32 v11, v7;
	[tilespmem:s17+$0x16860] =	vst v8;
	v8 =	vshll.u32 v10, $0x3  }
0x2dd: {  	v11 =	vshll.u32 v13, $0x3;
	v7 =	vor.u32 s7, v7;
	v5 =	vld.idx.msk [tilespmem:v5+s16+$0x0], $0xffff;
	v8 =	vand.u32 $0xFFFFFC00, v8  }
0x2de: {  	v11 =	vand.u32 $0xFFFFFC00, v11;
	[tilespmem:s19+$0x16850] =	vst v0;
	v0 =	vand.u32 $0x7F, v10;
	v8 =	vadd.s32 v1, v8  }
0x2df: {  	v10 =	vadd.s32 v1, v11;
	[tilespmem:s21+$0x16850] =	vst v2;
	v2 =	vand.u32 $0x7F, v13;
	v3 =	vld.idx.msk [tilespmem:v3+s16+$0x0], $0xffff;
	v0 =	vor.u32 v0, v8  }
0x2e0: {  	v2 =	vor.u32 v2, v10;
	v8 =	vshll.u32 v9, $0x3;
	v6 =	vld.idx.msk [tilespmem:v6+s16+$0x0], $0xffff;
	v0 =	vor.u32 s9, v0  }
0x2e1: {  	s12 =	sadd.s32 $0x400, s15;
	[tilespmem:s22+$0x16850] =	vst v4;
	v2 =	vor.u32 s8, v2;
	v8 =	vand.u32 $0xFFFFFC00, v8  }
0x2e2: {  	s11 =	sor.u32 s10, s12;
	v7 =	vld.idx.msk [tilespmem:v7+s16+$0x0], $0xffff;
	v4 =	vadd.s32 v1, v8;
	v8 =	vand.u32 $0x7F, v9;
	[tilespmem:s17+$0x16870] =	vst v5  }
0x2e3: {  	v4 =	vor.u32 v8, v4;
	v5 =	vld [tilespmem:s11+$0xD800]  }
0x2e4: {  	v4 =	vor.u32 s7, v4;
	[tilespmem:s19+$0x16860] =	vst v3;
	v13 =	vld [tilespmem:s11+$0xD830]  }
0x2e5: {  	[tilespmem:s21+$0x16860] =	vst v6;
	v0 =	vld.idx.msk [tilespmem:v0+s16+$0x0], $0xffff  }
0x2e6: {  	v2 =	vld.idx.msk [tilespmem:v2+s16+$0x0], $0xffff  }
0x2e7: {  	v18 =	vld [tilespmem:s11+$0xD840]  }
0x2e8: {  	[tilespmem:s22+$0x16860] =	vst v7;
	v6 =	vld [tilespmem:s11+$0xD810];
	v3 =	vshll.u32 v5, $0x3  }
0x2e9: {  	v4 =	vld.idx.msk [tilespmem:v4+s16+$0x0], $0xffff;
	v3 =	vand.u32 $0xFFFFFC00, v3  }
0x2ea: {  	s23 =	sor.u32 s9, s12;
	v5 =	vand.u32 $0x7F, v5;
	v16 =	vshll.u32 v13, $0x3;
	v3 =	vadd.s32 v1, v3;
	[tilespmem:s19+$0x16870] =	vst v0  }
0x2eb: {  	s24 =	sor.u32 s8, s12;
	v16 =	vand.u32 $0xFFFFFC00, v16;
	[tilespmem:s21+$0x16870] =	vst v2;
	v0 =	vor.u32 v5, v3;
	v3 =	vld [tilespmem:s23+$0xD800]  }
0x2ec: {  	v13 =	vand.u32 $0x7F, v13;
	v16 =	vadd.s32 v1, v16;
	v2 =	vld [tilespmem:s24+$0xD800]  }
0x2ed: {  	v5 =	vshll.u32 v6, $0x3;
	v6 =	vand.u32 $0x7F, v6;
	v0 =	vor.u32 s10, v0  }
0x2ee: {  	s12 =	sor.u32 s7, s12;
	v13 =	vor.u32 v13, v16;
	v16 =	vshll.u32 v18, $0x3;
	[tilespmem:s22+$0x16870] =	vst v4;
	v4 =	vand.u32 $0xFFFFFC00, v5;
	v5 =	vld [tilespmem:s11+$0xD820]  }
0x2ef: {  	v18 =	vand.u32 $0x7F, v18;
	v16 =	vand.u32 $0xFFFFFC00, v16;
	v4 =	vadd.s32 v1, v4;
	v7 =	vld [tilespmem:s12+$0xD800]  }
0x2f0: {  	v16 =	vadd.s32 v1, v16;
	v4 =	vor.u32 v6, v4;
	v6 =	vshll.u32 v3, $0x3  }
0x2f1: {  	v3 =	vand.u32 $0x7F, v3;
	v8 =	vshll.u32 v2, $0x3;
	v4 =	vor.u32 s10, v4  }
0x2f2: {  	v2 =	vand.u32 $0x7F, v2;
	v0 =	vld.idx.msk [tilespmem:v0+s16+$0x0], $0xffff;
	v6 =	vand.u32 $0xFFFFFC00, v6;
	v8 =	vand.u32 $0xFFFFFC00, v8  }
0x2f3: {  	v10 =	vld [tilespmem:s24+$0xD810];
	v6 =	vadd.s32 v1, v6;
	v11 =	vshll.u32 v5, $0x3;
	v5 =	vand.u32 $0x7F, v5  }
0x2f4: {  	v9 =	vld [tilespmem:s23+$0xD810];
	v3 =	vor.u32 v3, v6;
	v12 =	vand.u32 $0x7F, v7;
	v7 =	vshll.u32 v7, $0x3  }
0x2f5: {  	v20 =	vld [tilespmem:s11+$0xD850];
	v6 =	vadd.s32 v1, v8;
	v11 =	vand.u32 $0xFFFFFC00, v11;
	v7 =	vand.u32 $0xFFFFFC00, v7  }
0x2f6: {  	v8 =	vld [tilespmem:s12+$0xD810];
	v2 =	vor.u32 v2, v6;
	v3 =	vor.u32 s9, v3;
	v6 =	vadd.s32 v1, v7  }
0x2f7: {  	v14 =	vld [tilespmem:s24+$0xD820];
	v11 =	vadd.s32 v1, v11;
	v2 =	vor.u32 s8, v2;
	v6 =	vor.u32 v12, v6;
	[tilespmem:s11+$0x16800] =	vst v0  }
0x2f8: {  	v5 =	vor.u32 v5, v11;
	v11 =	vshll.u32 v10, $0x3;
	v4 =	vld.idx.msk [tilespmem:v4+s16+$0x0], $0xffff;
	v6 =	vor.u32 s7, v6  }
0x2f9: {  	v7 =	vld [tilespmem:s23+$0xD820];
	v10 =	vand.u32 $0x7F, v10;
	v0 =	vor.u32 s10, v5;
	v5 =	vshll.u32 v9, $0x3  }
0x2fa: {  	v15 =	vld [tilespmem:s12+$0xD820];
	v11 =	vand.u32 $0xFFFFFC00, v11;
	v9 =	vand.u32 $0x7F, v9;
	v5 =	vand.u32 $0xFFFFFC00, v5  }
0x2fb: {  	v11 =	vadd.s32 v1, v11;
	v12 =	vshll.u32 v8, $0x3;
	v5 =	vadd.s32 v1, v5;
	v3 =	vld.idx.msk [tilespmem:v3+s16+$0x0], $0xffff  }
0x2fc: {  	v8 =	vand.u32 $0x7F, v8;
	v10 =	vor.u32 v10, v11;
	v12 =	vand.u32 $0xFFFFFC00, v12;
	v2 =	vld.idx.msk [tilespmem:v2+s16+$0x0], $0xffff  }
0x2fd: {  	v5 =	vor.u32 v9, v5;
	v10 =	vor.u32 s8, v10;
	v12 =	vadd.s32 v1, v12;
	[tilespmem:s11+$0x16810] =	vst v4;
	v6 =	vld.idx.msk [tilespmem:v6+s16+$0x0], $0xffff  }
0x2fe: {  	v5 =	vor.u32 s9, v5;
	v11 =	vshll.u32 v7, $0x3;
	v7 =	vand.u32 $0x7F, v7;
	v0 =	vld.idx.msk [tilespmem:v0+s16+$0x0], $0xffff  }
0x2ff: {  	v17 =	vld [tilespmem:s23+$0xD830];
	v8 =	vor.u32 v8, v12;
	v12 =	vshll.u32 v14, $0x3;
	v4 =	vor.u32 s10, v13  }
0x300: {  	v19 =	vld [tilespmem:s24+$0xD830];
	v11 =	vand.u32 $0xFFFFFC00, v11;
	v8 =	vor.u32 s7, v8;
	v13 =	vshll.u32 v15, $0x3;
	[tilespmem:s23+$0x16800] =	vst v3  }
0x301: {  	v21 =	vld [tilespmem:s23+$0xD840];
	v12 =	vand.u32 $0xFFFFFC00, v12;
	v11 =	vadd.s32 v1, v11;
	v13 =	vand.u32 $0xFFFFFC00, v13;
	[tilespmem:s24+$0x16800] =	vst v2  }
0x302: {  	v9 =	vld [tilespmem:s12+$0xD830];
	v12 =	vadd.s32 v1, v12;
	v7 =	vor.u32 v7, v11;
	v13 =	vadd.s32 v1, v13;
	[tilespmem:s12+$0x16800] =	vst v6  }
0x303: {  	v5 =	vld.idx.msk [tilespmem:v5+s16+$0x0], $0xffff;
	v2 =	vor.u32 s9, v7;
	v6 =	vshll.u32 v20, $0x3;
	[tilespmem:s11+$0x16820] =	vst v0;
	v0 =	vor.u32 v18, v16  }
0x304: {  	v6 =	vand.u32 $0xFFFFFC00, v6;
	v3 =	vld.idx.msk [tilespmem:v4+s16+$0x0], $0xffff;
	v0 =	vor.u32 s10, v0;
	v4 =	vand.u32 $0x7F, v14  }
0x305: {  	v10 =	vld.idx.msk [tilespmem:v10+s16+$0x0], $0xffff;
	v14 =	vand.u32 $0x7F, v15;
	v15 =	vand.u32 $0x7F, v20;
	v6 =	vadd.s32 v1, v6  }
0x306: {  	v8 =	vld.idx.msk [tilespmem:v8+s16+$0x0], $0xffff;
	v4 =	vor.u32 v4, v12;
	v11 =	vor.u32 v14, v13;
	v13 =	vshll.u32 v19, $0x3  }
0x307: {  	v16 =	vld [tilespmem:s11+$0xD860];
	v14 =	vshll.u32 v9, $0x3;
	v9 =	vand.u32 $0x7F, v9;
	v4 =	vor.u32 s8, v4  }
0x308: {  	v18 =	vld [tilespmem:s12+$0xD840];
	v7 =	vor.u32 s7, v11;
	v11 =	vshll.u32 v17, $0x3;
	v13 =	vand.u32 $0xFFFFFC00, v13  }
0x309: {  	v12 =	vld [tilespmem:s24+$0xD840];
	v11 =	vand.u32 $0xFFFFFC00, v11;
	v13 =	vadd.s32 v1, v13;
	[tilespmem:s11+$0x16830] =	vst v3;
	v3 =	vor.u32 v15, v6  }
0x30a: {  	v6 =	vadd.s32 v1, v11;
	v11 =	vand.u32 $0xFFFFFC00, v14;
	v14 =	vand.u32 $0x7F, v17;
	v0 =	vld.idx.msk [tilespmem:v0+s16+$0x0], $0xffff  }
0x30b: {  	[tilespmem:s23+$0x16810] =	vst v5;
	v5 =	vld [tilespmem:s24+$0xD850];
	v17 =	vand.u32 $0x7F, v19;
	v3 =	vor.u32 s10, v3;
	v11 =	vadd.s32 v1, v11  }
0x30c: {  	v2 =	vld.idx.msk [tilespmem:v2+s16+$0x0], $0xffff;
	v6 =	vor.u32 v14, v6;
	v13 =	vor.u32 v17, v13;
	v14 =	vand.u32 $0x7F, v16  }
0x30d: {  	[tilespmem:s24+$0x16810] =	vst v10;
	v15 =	vld [tilespmem:s23+$0xD850];
	v17 =	vand.u32 $0x7F, v21;
	v9 =	vor.u32 v9, v11;
	v11 =	vshll.u32 v16, $0x3  }
0x30e: {  	[tilespmem:s12+$0x16810] =	vst v8;
	v6 =	vor.u32 s9, v6;
	v13 =	vor.u32 s8, v13;
	v10 =	vand.u32 $0xFFFFFC00, v11;
	v11 =	vld [tilespmem:s11+$0xD870]  }
0x30f: {  	v16 =	vshll.u32 v12, $0x3;
	v7 =	vld.idx.msk [tilespmem:v7+s16+$0x0], $0xffff;
	v12 =	vand.u32 $0x7F, v12;
	[tilespmem:s11+$0x16840] =	vst v0;
	v0 =	vadd.s32 v1, v10  }
0x310: {  	v9 =	vor.u32 s7, v9;
	v10 =	vshll.u32 v21, $0x3;
	v3 =	vld.idx.msk [tilespmem:v3+s16+$0x0], $0xffff;
	v0 =	vor.u32 v14, v0  }
0x311: {  	v4 =	vld.idx.msk [tilespmem:v4+s16+$0x0], $0xffff;
	v8 =	vand.u32 $0xFFFFFC00, v10;
	v10 =	vshll.u32 v18, $0x3;
	v0 =	vor.u32 s10, v0  }
0x312: {  	v19 =	vld [tilespmem:s23+$0xD860];
	v14 =	vand.u32 $0xFFFFFC00, v16;
	v18 =	vand.u32 $0x7F, v18;
	v8 =	vadd.s32 v1, v8  }
0x313: {  	[tilespmem:s23+$0x16820] =	vst v2;
	v16 =	vld [tilespmem:s12+$0xD850];
	v10 =	vand.u32 $0xFFFFFC00, v10;
	v14 =	vadd.s32 v1, v14;
	v20 =	vshll.u32 v11, $0x3  }
0x314: {  	v6 =	vld.idx.msk [tilespmem:v6+s16+$0x0], $0xffff;
	[tilespmem:s12+$0x16820] =	vst v7;
	v10 =	vadd.s32 v1, v10;
	v8 =	vor.u32 v17, v8;
	v17 =	vand.u32 $0xFFFFFC00, v20  }
0x315: {  	v9 =	vld.idx.msk [tilespmem:v9+s16+$0x0], $0xffff;
	v12 =	vor.u32 v12, v14;
	[tilespmem:s11+$0x16850] =	vst v3;
	v3 =	vand.u32 $0x7F, v11;
	v11 =	vadd.s32 v1, v17  }
0x316: {  	[tilespmem:s24+$0x16820] =	vst v4;
	v4 =	vor.u32 v18, v10;
	v8 =	vor.u32 s9, v8;
	v0 =	vld.idx.msk [tilespmem:v0+s16+$0x0], $0xffff;
	v3 =	vor.u32 v3, v11  }
0x317: {  	v7 =	vld.idx.msk [tilespmem:v13+s16+$0x0], $0xffff;
	v10 =	vor.u32 s8, v12;
	v12 =	vshll.u32 v5, $0x3;
	v3 =	vor.u32 s10, v3  }
0x318: {  	v2 =	vld [tilespmem:s24+$0xD860];
	v4 =	vor.u32 s7, v4;
	v12 =	vand.u32 $0xFFFFFC00, v12  }
0x319: {  	v13 =	vld [tilespmem:s12+$0xD860];
	v14 =	vshll.u32 v16, $0x3;
	[tilespmem:s23+$0x16830] =	vst v6;
	v12 =	vadd.s32 v1, v12;
	v11 =	vshll.u32 v15, $0x3  }
0x31a: {  	v17 =	vld [tilespmem:s23+$0xD870];
	v6 =	vand.u32 $0xFFFFFC00, v14;
	v14 =	vand.u32 $0x7F, v15;
	[tilespmem:s12+$0x16830] =	vst v9;
	v11 =	vand.u32 $0xFFFFFC00, v11  }
0x31b: {  	v9 =	vshll.u32 v19, $0x3;
	v6 =	vadd.s32 v1, v6;
	v11 =	vadd.s32 v1, v11;
	v8 =	vld.idx.msk [tilespmem:v8+s16+$0x0], $0xffff;
	[tilespmem:s11+$0x16860] =	vst v0  }
0x31c: {  	[tilespmem:s24+$0x16830] =	vst v7;
	v11 =	vor.u32 v14, v11;
	v0 =	vand.u32 $0x7F, v5;
	v5 =	vand.u32 $0x7F, v16;
	v3 =	vld.idx.msk [tilespmem:v3+s16+$0x0], $0xffff  }
0x31d: {  	v7 =	vor.u32 s9, v11;
	v0 =	vor.u32 v0, v12;
	v5 =	vor.u32 v5, v6;
	v6 =	vld.idx.msk [tilespmem:v10+s16+$0x0], $0xffff  }
0x31e: {  	v9 =	vand.u32 $0xFFFFFC00, v9;
	v4 =	vld.idx.msk [tilespmem:v4+s16+$0x0], $0xffff;
	v11 =	vshll.u32 v2, $0x3;
	v0 =	vor.u32 s8, v0  }
0x31f: {  	v9 =	vadd.s32 v1, v9;
	v14 =	vld [tilespmem:s12+$0xD870];
	v2 =	vand.u32 $0x7F, v2;
	v11 =	vand.u32 $0xFFFFFC00, v11  }
0x320: {  	v10 =	vld [tilespmem:s24+$0xD870];
	v12 =	vshll.u32 v13, $0x3;
	v11 =	vadd.s32 v1, v11;
	v5 =	vor.u32 s7, v5;
	[tilespmem:s23+$0x16840] =	vst v8  }
0x321: {  	v12 =	vand.u32 $0xFFFFFC00, v12;
	v8 =	vand.u32 $0x7F, v19;
	v2 =	vor.u32 v2, v11;
	[tilespmem:s11+$0x16870] =	vst v3  }
0x322: {  	s0 =	sadd.s32 $0x800, s15;
	s17 =	simm.s32 $0x4;
	v12 =	vadd.s32 v1, v12;
	v7 =	vld.idx.msk [tilespmem:v7+s16+$0x0], $0xffff;
	v3 =	vor.u32 v8, v9;
	[tilespmem:s24+$0x16840] =	vst v6  }
0x323: {  	s13 =	simm.s32 $0x0;
	s14 =	sor.u32 s10, s0;
	s15 =	sand.u32 $0x4, s17;
	[tilespmem:s12+$0x16840] =	vst v4;
	v4 =	vshll.u32 v17, $0x3;
	v2 =	vor.u32 s8, v2;
	v3 =	vor.u32 s9, v3;
	v0 =	vld.idx.msk [tilespmem:v0+s16+$0x0], $0xffff  }
0x324: {  	s31 =	sshll.u32 s15, $0x7;
	s19 =	smul.u32 $0xC00, s13;
	v11 =	vshll.u32 v14, $0x3;
	v4 =	vand.u32 $0xFFFFFC00, v4;
	v8 =	vand.u32 $0x7F, v13;
	v6 =	vld [tilespmem:s14+$0xD800]  }
0x325: {  	s15 =	sor.u32 $0x180, s31;
	v11 =	vand.u32 $0xFFFFFC00, v11;
	v9 =	vshll.u32 v10, $0x3;
	v8 =	vor.u32 v8, v12;
	v5 =	vld.idx.msk [tilespmem:v5+s16+$0x0], $0xffff  }
0x326: {  	s21 =	sor.u32 s19, s15;
	v4 =	vadd.s32 v1, v4;
	v9 =	vand.u32 $0xFFFFFC00, v9;
	v8 =	vor.u32 s7, v8  }
0x327: {  	v56 =	vld [tilespmem:s21+$0xD830];
	v11 =	vadd.s32 v1, v11;
	v12 =	vand.u32 $0x7F, v17;
	v9 =	vadd.s32 v1, v9;
	[tilespmem:s23+$0x16850] =	vst v7  }
0x328: {  	v4 =	vor.u32 v12, v4;
	v7 =	vand.u32 $0x7F, v10;
	v10 =	vand.u32 $0x7F, v14;
	v3 =	vld.idx.msk [tilespmem:v3+s16+$0x0], $0xffff;
	[tilespmem:s24+$0x16850] =	vst v0  }
0x329: {  	v4 =	vor.u32 s9, v4;
	v0 =	vor.u32 v7, v9;
	v7 =	vshll.u32 v6, $0x3;
	v2 =	vld.idx.msk [tilespmem:v2+s16+$0x0], $0xffff  }
0x32a: {  	[tilespmem:s12+$0x16850] =	vst v5;
	v5 =	vor.u32 v10, v11;
	v9 =	vld [tilespmem:s14+$0xD810];
	v7 =	vand.u32 $0xFFFFFC00, v7  }
0x32b: {  	v6 =	vand.u32 $0x7F, v6;
	v0 =	vor.u32 s8, v0;
	v8 =	vld.idx.msk [tilespmem:v8+s16+$0x0], $0xffff;
	v7 =	vadd.s32 v1, v7  }
0x32c: {  	s22 =	sor.u32 s31, s19;
	v44 =	vld [tilespmem:s21+$0xD850];
	v5 =	vor.u32 s7, v5;
	v6 =	vor.u32 v6, v7  }
0x32d: {  	v42 =	vld [tilespmem:s22+$0xD840];
	v6 =	vor.u32 s10, v6;
	[tilespmem:s23+$0x16860] =	vst v3  }
0x32e: {  	[tilespmem:s24+$0x16860] =	vst v2;
	v2 =	vld.idx.msk [tilespmem:v4+s16+$0x0], $0xffff  }
0x32f: {  	v3 =	vld [tilespmem:s14+$0xD820]  }
0x330: {  	[tilespmem:s12+$0x16860] =	vst v8;
	v4 =	vshll.u32 v9, $0x3;
	v0 =	vld.idx.msk [tilespmem:v0+s16+$0x0], $0xffff  }
0x331: {  	v5 =	vld.idx.msk [tilespmem:v5+s16+$0x0], $0xffff;
	v4 =	vand.u32 $0xFFFFFC00, v4  }
0x332: {  	v7 =	vand.u32 $0x7F, v9;
	v4 =	vadd.s32 v1, v4;
	v6 =	vld.idx.msk [tilespmem:v6+s16+$0x0], $0xffff  }
0x333: {  	s28 =	sor.u32 s9, s0;
	s2 =	sor.u32 $0x80, s31;
	v4 =	vor.u32 v7, v4;
	v7 =	vld [tilespmem:s14+$0xD830];
	[tilespmem:s23+$0x16870] =	vst v2  }
0x334: {  	s23 =	sor.u32 s19, s2;
	v8 =	vld [tilespmem:s28+$0xD800]  }
0x335: {  	v40 =	vshll.u32 v56, $0x3;
	v27 =	vld [tilespmem:s23+$0xD800]  }
0x336: {  	v48 =	vshll.u32 v44, $0x3;
	v2 =	vor.u32 s10, v4;
	v4 =	vshll.u32 v3, $0x3;
	v32 =	vld [tilespmem:s23+$0xD810]  }
0x337: {  	s29 =	sor.u32 s8, s0;
	v50 =	vand.u32 $0x7F, v44;
	v40 =	vand.u32 $0xFFFFFC00, v40;
	[tilespmem:s24+$0x16870] =	vst v0;
	v0 =	vand.u32 $0xFFFFFC00, v4;
	v39 =	vld [tilespmem:s23+$0xD830]  }
0x338: {  	s30 =	sor.u32 s7, s0;
	s0 =	sor.u32 $0x100, s31;
	v49 =	vand.u32 $0xFFFFFC00, v48;
	v3 =	vand.u32 $0x7F, v3;
	[tilespmem:s12+$0x16870] =	vst v5;
	v4 =	vld [tilespmem:s29+$0xD800];
	v0 =	vadd.s32 v1, v0  }
0x339: {  	v53 =	vand.u32 $0x7F, v42;
	s24 =	sor.u32 s19, s0;
	v5 =	vld [tilespmem:s30+$0xD800];
	v0 =	vor.u32 v3, v0;
	v3 =	vshll.u32 v7, $0x3  }
0x33a: {  	v33 =	vld [tilespmem:s24+$0xD810];
	v7 =	vand.u32 $0x7F, v7;
	v0 =	vor.u32 s10, v0;
	v3 =	vand.u32 $0xFFFFFC00, v3  }
0x33b: {  	v36 =	vld [tilespmem:s24+$0xD820];
	[tilespmem:s14+$0x16800] =	vst v6;
	v3 =	vadd.s32 v1, v3;
	v6 =	vand.u32 $0x7F, v8;
	v8 =	vshll.u32 v8, $0x3  }
0x33c: {  	v57 =	vld [tilespmem:s24+$0xD830];
	v3 =	vor.u32 v7, v3;
	v29 =	vshll.u32 v27, $0x3;
	v27 =	vand.u32 $0x7F, v27  }
0x33d: {  	v61 =	vld [tilespmem:s24+$0xD840];
	v34 =	vshll.u32 v32, $0x3;
	v32 =	vand.u32 $0x7F, v32;
	v47 =	vand.u32 $0x7F, v39  }
0x33e: {  	v10 =	vshll.u32 v4, $0x3;
	v8 =	vand.u32 $0xFFFFFC00, v8;
	v11 =	vshll.u32 v5, $0x3  }
0x33f: {  	v9 =	vld [tilespmem:s14+$0xD840];
	v12 =	vor.u32 s10, v3;
	v4 =	vand.u32 $0x7F, v4;
	v5 =	vand.u32 $0x7F, v5  }
0x340: {  	v2 =	vld.idx.msk [tilespmem:v2+s16+$0x0], $0xffff;
	v29 =	vand.u32 $0xFFFFFC00, v29;
	v35 =	vshll.u32 v33, $0x3;
	v34 =	vand.u32 $0xFFFFFC00, v34  }
0x341: {  	v13 =	vld [tilespmem:s29+$0xD810];
	v33 =	vand.u32 $0x7F, v33;
	v60 =	vshll.u32 v36, $0x3;
	v36 =	vand.u32 $0x7F, v36  }
0x342: {  	v45 =	vshll.u32 v57, $0x3;
	v52 =	vshll.u32 v61, $0x3;
	v10 =	vand.u32 $0xFFFFFC00, v10  }
0x343: {  	v7 =	vld [tilespmem:s28+$0xD810];
	v11 =	vand.u32 $0xFFFFFC00, v11;
	v3 =	vadd.s32 v1, v8;
	v35 =	vand.u32 $0xFFFFFC00, v35  }
0x344: {  	v8 =	vadd.s32 v1, v10;
	v10 =	vadd.s32 v1, v11;
	v11 =	vld [tilespmem:s30+$0xD810];
	v3 =	vor.u32 v6, v3  }
0x345: {  	[tilespmem:s14+$0x16810] =	vst v2;
	v2 =	vor.u32 v4, v8;
	v4 =	vor.u32 v5, v10;
	v5 =	vshll.u32 v9, $0x3  }
0x346: {  	v10 =	vor.u32 s9, v3;
	v3 =	vand.u32 $0x7F, v9;
	v8 =	vshll.u32 v13, $0x3;
	v0 =	vld.idx.msk [tilespmem:v0+s16+$0x0], $0xffff  }
0x347: {  	v14 =	vor.u32 s8, v2;
	v2 =	vand.u32 $0xFFFFFC00, v5;
	v5 =	vld [tilespmem:s14+$0xD850];
	v4 =	vor.u32 s7, v4  }
0x348: {  	v6 =	vshll.u32 v7, $0x3;
	v7 =	vand.u32 $0x7F, v7;
	v2 =	vadd.s32 v1, v2  }
0x349: {  	v2 =	vor.u32 v3, v2;
	v3 =	vand.u32 $0xFFFFFC00, v6;
	v6 =	vshll.u32 v11, $0x3  }
0x34a: {  	v17 =	vld [tilespmem:s30+$0xD820];
	v15 =	vor.u32 s10, v2;
	v2 =	vadd.s32 v1, v3;
	v3 =	vand.u32 $0xFFFFFC00, v8  }
0x34b: {  	v9 =	vld [tilespmem:s28+$0xD820];
	v11 =	vand.u32 $0x7F, v11;
	v6 =	vand.u32 $0xFFFFFC00, v6;
	v8 =	vadd.s32 v1, v3  }
0x34c: {  	v16 =	vld [tilespmem:s29+$0xD820];
	v2 =	vor.u32 v7, v2;
	[tilespmem:s14+$0x16820] =	vst v0;
	v0 =	vand.u32 $0x7F, v13;
	v13 =	vshll.u32 v5, $0x3  }
0x34d: {  	v20 =	vld.idx.msk [tilespmem:v10+s16+$0x0], $0xffff;
	v6 =	vadd.s32 v1, v6;
	v5 =	vand.u32 $0x7F, v5;
	v7 =	vand.u32 $0xFFFFFC00, v13  }
0x34e: {  	v18 =	vor.u32 s9, v2;
	v22 =	vld.idx.msk [tilespmem:v14+s16+$0x0], $0xffff;
	v0 =	vor.u32 v0, v8;
	v7 =	vadd.s32 v1, v7  }
0x34f: {  	v13 =	vld [tilespmem:s14+$0xD860];
	v11 =	vor.u32 v11, v6;
	v19 =	vor.u32 s8, v0;
	v0 =	vor.u32 v5, v7  }
0x350: {  	v12 =	vld.idx.msk [tilespmem:v12+s16+$0x0], $0xffff;
	v5 =	vshll.u32 v9, $0x3;
	v7 =	vor.u32 s7, v11;
	v11 =	vshll.u32 v17, $0x3  }
0x351: {  	v3 =	vld [tilespmem:s28+$0xD830];
	v9 =	vand.u32 $0x7F, v9;
	v21 =	vor.u32 s10, v0;
	v0 =	vand.u32 $0xFFFFFC00, v5  }
0x352: {  	v6 =	vld [tilespmem:s29+$0xD830];
	v5 =	vshll.u32 v16, $0x3;
	v10 =	vand.u32 $0xFFFFFC00, v11;
	[tilespmem:s28+$0x16800] =	vst v20;
	v20 =	vmov s13  }
0x353: {  	v8 =	vld [tilespmem:s30+$0xD830];
	v0 =	vadd.s32 v1, v0;
	v5 =	vand.u32 $0xFFFFFC00, v5;
	v10 =	vadd.s32 v1, v10  }
0x354: {  	v20 =	vmul.u32 $0xC00, v20;
	[tilespmem:s29+$0x16800] =	vst v22;
	v22 =	vld [tilespmem:s24+$0xD800];
	v5 =	vadd.s32 v1, v5;
	v11 =	vshll.u32 v13, $0x3  }
0x355: {  	[tilespmem:s14+$0x16830] =	vst v12;
	v12 =	vand.u32 $0x7F, v16;
	v16 =	vand.u32 $0x7F, v17;
	v13 =	vand.u32 $0x7F, v13;
	v17 =	vld.idx.msk [tilespmem:v4+s16+$0x0], $0xffff  }
0x356: {  	v0 =	vor.u32 v9, v0;
	v23 =	vld.idx.msk [tilespmem:v15+s16+$0x0], $0xffff;
	v11 =	vand.u32 $0xFFFFFC00, v11;
	v4 =	vor.u32 v12, v5  }
0x357: {  	v15 =	vld [tilespmem:s14+$0xD870];
	v14 =	vor.u32 s9, v0;
	v0 =	vor.u32 v16, v10;
	v11 =	vadd.s32 v1, v11  }
0x358: {  	v12 =	vor.u32 s8, v4;
	v4 =	vshll.u32 v6, $0x3;
	v6 =	vand.u32 $0x7F, v6  }
0x359: {  	v25 =	vld [tilespmem:s21+$0xD800];
	v5 =	vor.u32 v13, v11;
	v11 =	vor.u32 s7, v0;
	v4 =	vand.u32 $0xFFFFFC00, v4  }
0x35a: {  	v30 =	vld [tilespmem:s21+$0xD810];
	v24 =	vor.u32 s10, v5;
	v5 =	vshll.u32 v3, $0x3;
	v31 =	vshll.u32 v22, $0x3  }
0x35b: {  	v26 =	vld [tilespmem:s22+$0xD800];
	v22 =	vand.u32 $0x7F, v22;
	v0 =	vand.u32 $0xFFFFFC00, v5;
	v5 =	vshll.u32 v8, $0x3  }
0x35c: {  	v41 =	vld [tilespmem:s21+$0xD840];
	v31 =	vand.u32 $0xFFFFFC00, v31;
	v16 =	vand.u32 $0xFFFFFC00, v5;
	v5 =	vshll.u32 v15, $0x3  }
0x35d: {  	v51 =	vld [tilespmem:s21+$0xD860];
	v13 =	vadd.s32 v1, v0;
	v28 =	vand.u32 $0x7F, v15;
	v0 =	vand.u32 $0xFFFFFC00, v5  }
0x35e: {  	v37 =	vld [tilespmem:s22+$0xD830];
	v15 =	vadd.s32 v1, v4;
	[tilespmem:s14+$0x16840] =	vst v23;
	v23 =	vshll.u32 v25, $0x3;
	v0 =	vadd.s32 v1, v0  }
0x35f: {  	v21 =	vld.idx.msk [tilespmem:v21+s16+$0x0], $0xffff;
	v23 =	vand.u32 $0xFFFFFC00, v23;
	v28 =	vor.u32 v28, v0;
	v0 =	vbroadcast v20, $0x0  }
0x360: {  	v63 =	vld [tilespmem:s22+$0xD850];
	v20 =	vor.u32 s10, v28;
	v28 =	vand.u32 $0x7F, v26;
	v26 =	vshll.u32 v26, $0x3  }
0x361: {  	v54 =	vld [tilespmem:s22+$0xD860];
	v25 =	vand.u32 $0x7F, v25;
	v23 =	vadd.s32 v0, v23;
	v26 =	vand.u32 $0xFFFFFC00, v26  }
0x362: {  	v43 =	vld [tilespmem:s23+$0xD840];
	v29 =	vadd.s32 v0, v29;
	v34 =	vadd.s32 v0, v34;
	v35 =	vadd.s32 v0, v35  }
0x363: {  	v46 =	vld [tilespmem:s23+$0xD850];
	v40 =	vadd.s32 v0, v40;
	v23 =	vor.u32 v25, v23;
	v26 =	vadd.s32 v0, v26  }
0x364: {  	v25 =	vld [tilespmem:s22+$0xD810];
	[tilespmem:s14+$0x16850] =	vst v21;
	v27 =	vor.u32 v27, v29;
	v29 =	vand.u32 $0x7F, v30;
	v33 =	vor.u32 v33, v35  }
0x365: {  	v23 =	vor.u32 s15, v23;
	v26 =	vor.u32 v28, v26;
	v28 =	vadd.s32 v0, v31;
	v21 =	vld.idx.msk [tilespmem:v24+s16+$0x0], $0xffff  }
0x366: {  	v35 =	vand.u32 $0x7F, v57;
	v22 =	vor.u32 v22, v28;
	v28 =	vshll.u32 v30, $0x3;
	v30 =	vld [tilespmem:s22+$0xD820]  }
0x367: {  	v24 =	vor.u32 s31, v26;
	v26 =	vor.u32 s2, v27;
	v27 =	vand.u32 $0xFFFFFC00, v28;
	v28 =	vld [tilespmem:s21+$0xD820]  }
0x368: {  	v2 =	vld [tilespmem:s28+$0xD840];
	v57 =	vshll.u32 v63, $0x3;
	v33 =	vor.u32 s0, v33;
	v27 =	vadd.s32 v0, v27  }
0x369: {  	v22 =	vor.u32 s0, v22;
	v31 =	vshll.u32 v25, $0x3;
	v27 =	vor.u32 v29, v27;
	v29 =	vld [tilespmem:s23+$0xD820]  }
0x36a: {  	v25 =	vand.u32 $0x7F, v25;
	v31 =	vand.u32 $0xFFFFFC00, v31;
	v27 =	vor.u32 s15, v27;
	v23 =	vld.idx.msk [tilespmem:v23+s16+$0x0], $0xffff  }
0x36b: {  	v18 =	vld.idx.msk [tilespmem:v18+s16+$0x0], $0xffff;
	v31 =	vadd.s32 v0, v31;
	v58 =	vshll.u32 v30, $0x3;
	v30 =	vand.u32 $0x7F, v30  }
0x36c: {  	v9 =	vld [tilespmem:s29+$0xD840];
	v38 =	vshll.u32 v28, $0x3;
	v25 =	vor.u32 v25, v31;
	v31 =	vor.u32 v32, v34  }
0x36d: {  	v24 =	vld.idx.msk [tilespmem:v24+s16+$0x0], $0xffff;
	v28 =	vand.u32 $0x7F, v28;
	v34 =	vand.u32 $0x7F, v56;
	v56 =	vand.u32 $0x7F, v51  }
0x36e: {  	v26 =	vld.idx.msk [tilespmem:v26+s16+$0x0], $0xffff;
	v55 =	vand.u32 $0xFFFFFC00, v38;
	v25 =	vor.u32 s31, v25;
	v31 =	vor.u32 s2, v31  }
0x36f: {  	v22 =	vld.idx.msk [tilespmem:v22+s16+$0x0], $0xffff;
	v38 =	vand.u32 $0xFFFFFC00, v60;
	v32 =	vadd.s32 v0, v55;
	v59 =	vshll.u32 v29, $0x3;
	[tilespmem:s21+$0x16800] =	vst v23  }
0x370: {  	v38 =	vadd.s32 v0, v38;
	v29 =	vand.u32 $0x7F, v29;
	v28 =	vor.u32 v28, v32;
	v27 =	vld.idx.msk [tilespmem:v27+s16+$0x0], $0xffff  }
0x371: {  	v10 =	vld [tilespmem:s30+$0xD840];
	v55 =	vand.u32 $0x7F, v43;
	v23 =	vand.u32 $0xFFFFFC00, v58;
	v28 =	vor.u32 s15, v28  }
0x372: {  	v19 =	vld.idx.msk [tilespmem:v19+s16+$0x0], $0xffff;
	v32 =	vand.u32 $0xFFFFFC00, v59;
	v62 =	vor.u32 v36, v38;
	v58 =	vshll.u32 v46, $0x3;
	[tilespmem:s22+$0x16800] =	vst v24  }
0x373: {  	v59 =	vld [tilespmem:s21+$0xD870];
	v36 =	vand.u32 $0x7F, v63;
	v23 =	vadd.s32 v0, v23;
	v32 =	vadd.s32 v0, v32;
	[tilespmem:s23+$0x16800] =	vst v26  }
0x374: {  	v24 =	vshll.u32 v39, $0x3;
	v23 =	vor.u32 v30, v23;
	v29 =	vor.u32 v29, v32;
	[tilespmem:s24+$0x16800] =	vst v22;
	v25 =	vld.idx.msk [tilespmem:v25+s16+$0x0], $0xffff  }
0x375: {  	v30 =	vor.u32 v34, v40;
	v40 =	vshll.u32 v41, $0x3;
	v23 =	vor.u32 s31, v23;
	v22 =	vld.idx.msk [tilespmem:v31+s16+$0x0], $0xffff;
	[tilespmem:s21+$0x16810] =	vst v27  }
0x376: {  	v34 =	vor.u32 s0, v62;
	v41 =	vand.u32 $0x7F, v41;
	v29 =	vor.u32 s2, v29;
	v28 =	vld.idx.msk [tilespmem:v28+s16+$0x0], $0xffff  }
0x377: {  	v24 =	vand.u32 $0xFFFFFC00, v24;
	v30 =	vor.u32 s15, v30;
	v33 =	vld.idx.msk [tilespmem:v33+s16+$0x0], $0xffff;
	v27 =	vshll.u32 v37, $0x3  }
0x378: {  	[tilespmem:s30+$0x16800] =	vst v17;
	v17 =	vld [tilespmem:s24+$0xD870];
	v32 =	vand.u32 $0x7F, v61;
	v38 =	vand.u32 $0xFFFFFC00, v40;
	v27 =	vand.u32 $0xFFFFFC00, v27  }
0x379: {  	v4 =	vld [tilespmem:s29+$0xD850];
	v24 =	vadd.s32 v0, v24;
	v37 =	vand.u32 $0x7F, v37;
	v27 =	vadd.s32 v0, v27;
	[tilespmem:s22+$0x16810] =	vst v25  }
0x37a: {  	v31 =	vand.u32 $0xFFFFFC00, v45;
	v38 =	vadd.s32 v0, v38;
	[tilespmem:s23+$0x16810] =	vst v22;
	v27 =	vor.u32 v37, v27;
	v23 =	vld.idx.msk [tilespmem:v23+s16+$0x0], $0xffff  }
0x37b: {  	v31 =	vadd.s32 v0, v31;
	v24 =	vor.u32 v47, v24;
	v29 =	vld.idx.msk [tilespmem:v29+s16+$0x0], $0xffff;
	v27 =	vor.u32 s31, v27;
	[tilespmem:s21+$0x16820] =	vst v28  }
0x37c: {  	v26 =	vor.u32 v41, v38;
	v24 =	vor.u32 s2, v24;
	v62 =	vshll.u32 v59, $0x3;
	[tilespmem:s24+$0x16810] =	vst v33;
	v25 =	vld.idx.msk [tilespmem:v30+s16+$0x0], $0xffff  }
0x37d: {  	v26 =	vor.u32 s15, v26;
	v22 =	vshll.u32 v43, $0x3;
	v33 =	vand.u32 $0xFFFFFC00, v52;
	v34 =	vld.idx.msk [tilespmem:v34+s16+$0x0], $0xffff  }
0x37e: {  	v22 =	vand.u32 $0xFFFFFC00, v22;
	v28 =	vld [tilespmem:s24+$0xD850];
	v30 =	vor.u32 v35, v31;
	v31 =	vshll.u32 v42, $0x3  }
0x37f: {  	v33 =	vadd.s32 v0, v33;
	v22 =	vadd.s32 v0, v22;
	v42 =	vld.idx.msk [tilespmem:v7+s16+$0x0], $0xffff;
	v31 =	vand.u32 $0xFFFFFC00, v31;
	[tilespmem:s22+$0x16820] =	vst v23  }
0x380: {  	v22 =	vor.u32 v55, v22;
	v30 =	vor.u32 s0, v30;
	[tilespmem:s23+$0x16820] =	vst v29;
	v31 =	vadd.s32 v0, v31;
	v27 =	vld.idx.msk [tilespmem:v27+s16+$0x0], $0xffff  }
0x381: {  	v37 =	vand.u32 $0x7F, v46;
	v22 =	vor.u32 s2, v22;
	v24 =	vld.idx.msk [tilespmem:v24+s16+$0x0], $0xffff;
	v31 =	vor.u32 v53, v31;
	[tilespmem:s21+$0x16830] =	vst v25  }
0x382: {  	v35 =	vadd.s32 v0, v49;
	v7 =	vand.u32 $0x7F, v54;
	v23 =	vld.idx.msk [tilespmem:v26+s16+$0x0], $0xffff;
	v26 =	vor.u32 s31, v31  }
0x383: {  	v5 =	vld [tilespmem:s28+$0xD850];
	v35 =	vor.u32 v50, v35;
	v29 =	vor.u32 v32, v33;
	v33 =	vand.u32 $0xFFFFFC00, v57  }
0x384: {  	v61 =	vld [tilespmem:s22+$0xD870];
	[tilespmem:s24+$0x16820] =	vst v34;
	v34 =	vand.u32 $0xFFFFFC00, v58;
	v35 =	vor.u32 s15, v35;
	v33 =	vadd.s32 v0, v33  }
0x385: {  	v29 =	vor.u32 s0, v29;
	v34 =	vadd.s32 v0, v34;
	v33 =	vor.u32 v36, v33;
	v30 =	vld.idx.msk [tilespmem:v30+s16+$0x0], $0xffff  }
0x386: {  	v34 =	vor.u32 v37, v34;
	v37 =	vshll.u32 v54, $0x3;
	v25 =	vld [tilespmem:s23+$0xD860];
	v31 =	vshll.u32 v51, $0x3;
	[tilespmem:s22+$0x16830] =	vst v27  }
0x387: {  	v60 =	vshll.u32 v28, $0x3;
	v28 =	vand.u32 $0x7F, v28;
	v31 =	vand.u32 $0xFFFFFC00, v31;
	[tilespmem:s23+$0x16830] =	vst v24;
	v24 =	vld.idx.msk [tilespmem:v26+s16+$0x0], $0xffff  }
0x388: {  	v32 =	vand.u32 $0xFFFFFC00, v60;
	v31 =	vadd.s32 v0, v31;
	[tilespmem:s21+$0x16840] =	vst v23;
	v23 =	vld [tilespmem:s24+$0xD860];
	v26 =	vor.u32 s31, v33  }
0x389: {  	v63 =	vor.u32 s2, v34;
	v32 =	vadd.s32 v0, v32;
	v31 =	vor.u32 v56, v31;
	v35 =	vld.idx.msk [tilespmem:v35+s16+$0x0], $0xffff  }
0x38a: {  	v28 =	vor.u32 v28, v32;
	v32 =	vand.u32 $0xFFFFFC00, v62;
	v22 =	vld.idx.msk [tilespmem:v22+s16+$0x0], $0xffff;
	v31 =	vor.u32 s15, v31;
	[tilespmem:s24+$0x16830] =	vst v30  }
0x38b: {  	v40 =	vand.u32 $0xFFFFFC00, v37;
	v32 =	vadd.s32 v0, v32;
	v30 =	vand.u32 $0x7F, v59;
	v29 =	vld.idx.msk [tilespmem:v29+s16+$0x0], $0xffff  }
0x38c: {  	v27 =	vld [tilespmem:s23+$0xD870];
	v28 =	vor.u32 s0, v28;
	v30 =	vor.u32 v30, v32;
	v32 =	vadd.s32 v0, v40;
	[tilespmem:s22+$0x16840] =	vst v24  }
0x38d: {  	[tilespmem:s14+$0x16860] =	vst v21;
	v38 =	vshll.u32 v25, $0x3;
	v25 =	vand.u32 $0x7F, v25;
	v21 =	vld.idx.msk [tilespmem:v26+s16+$0x0], $0xffff;
	v26 =	vor.u32 v7, v32  }
0x38e: {  	v41 =	vshll.u32 v23, $0x3;
	[tilespmem:s21+$0x16850] =	vst v35;
	v35 =	vand.u32 $0xFFFFFC00, v38;
	v7 =	vld.idx.msk [tilespmem:v20+s16+$0x0], $0xffff;
	v20 =	vor.u32 s31, v26  }
0x38f: {  	v30 =	vor.u32 s15, v30;
	[tilespmem:s23+$0x16840] =	vst v22;
	v34 =	vand.u32 $0xFFFFFC00, v41;
	v31 =	vld.idx.msk [tilespmem:v31+s16+$0x0], $0xffff;
	v24 =	vadd.s32 v0, v35  }
0x390: {  	v23 =	vand.u32 $0x7F, v23;
	[tilespmem:s24+$0x16840] =	vst v29;
	v34 =	vadd.s32 v0, v34;
	v22 =	vor.u32 v25, v24;
	v24 =	vld.idx.msk [tilespmem:v63+s16+$0x0], $0xffff  }
0x391: {  	[tilespmem:s28+$0x16810] =	vst v18;
	v18 =	vld.idx.msk [tilespmem:v28+s16+$0x0], $0xffff;
	v23 =	vor.u32 v23, v34;
	v25 =	vshll.u32 v61, $0x3;
	v22 =	vor.u32 s2, v22  }
0x392: {  	v3 =	vand.u32 $0x7F, v3;
	v14 =	vld.idx.msk [tilespmem:v14+s16+$0x0], $0xffff;
	v23 =	vor.u32 s0, v23;
	v25 =	vand.u32 $0xFFFFFC00, v25;
	[tilespmem:s22+$0x16850] =	vst v21  }
0x393: {  	[tilespmem:s29+$0x16810] =	vst v19;
	v29 =	vshll.u32 v27, $0x3;
	v25 =	vadd.s32 v0, v25;
	v21 =	vand.u32 $0x7F, v61;
	v19 =	vld.idx.msk [tilespmem:v20+s16+$0x0], $0xffff  }
0x394: {  	v8 =	vand.u32 $0x7F, v8;
	v28 =	vand.u32 $0xFFFFFC00, v29;
	[tilespmem:s21+$0x16860] =	vst v31;
	v20 =	vor.u32 v21, v25;
	v25 =	vld.idx.msk [tilespmem:v12+s16+$0x0], $0xffff  }
0x395: {  	v28 =	vadd.s32 v0, v28;
	v21 =	vand.u32 $0x7F, v27;
	v26 =	vld.idx.msk [tilespmem:v30+s16+$0x0], $0xffff;
	[tilespmem:s23+$0x16850] =	vst v24;
	v12 =	vor.u32 s31, v20  }
0x396: {  	v16 =	vadd.s32 v1, v16;
	[tilespmem:s24+$0x16850] =	vst v18;
	v30 =	vshll.u32 v17, $0x3;
	v20 =	vor.u32 v21, v28;
	v21 =	vld.idx.msk [tilespmem:v22+s16+$0x0], $0xffff  }
0x397: {  	v3 =	vor.u32 v3, v13;
	[tilespmem:s30+$0x16810] =	vst v42;
	v29 =	vand.u32 $0xFFFFFC00, v30;
	v20 =	vor.u32 s2, v20;
	v13 =	vld.idx.msk [tilespmem:v23+s16+$0x0], $0xffff  }
0x398: {  	v22 =	vor.u32 s9, v3;
	v3 =	vor.u32 v6, v15;
	v6 =	vor.u32 v8, v16;
	v8 =	vld.idx.msk [tilespmem:v11+s16+$0x0], $0xffff  }
0x399: {  	s10 =	sadd.s32 $0x400, s19;
	v17 =	vand.u32 $0x7F, v17;
	v29 =	vadd.s32 v0, v29;
	v24 =	vor.u32 s7, v6;
	v6 =	vld [tilespmem:s30+$0xD850];
	[tilespmem:s22+$0x16860] =	vst v19  }
0x39a: {  	s13 =	sor.u32 s15, s10;
	v11 =	vshll.u32 v2, $0x3;
	v17 =	vor.u32 v17, v29;
	[tilespmem:s21+$0x16870] =	vst v26;
	v12 =	vld.idx.msk [tilespmem:v12+s16+$0x0], $0xffff  }
0x39b: {  	v15 =	vshll.u32 v10, $0x3;
	v2 =	vand.u32 $0x7F, v2;
	v17 =	vor.u32 s0, v17;
	v18 =	vld [tilespmem:s13+$0xD800]  }
0x39c: {  	v23 =	vor.u32 s8, v3;
	v3 =	vand.u32 $0xFFFFFC00, v11;
	v11 =	vshll.u32 v9, $0x3;
	[tilespmem:s23+$0x16860] =	vst v21;
	v31 =	vld [tilespmem:s13+$0xD830]  }
0x39d: {  	v10 =	vand.u32 $0x7F, v10;
	v15 =	vand.u32 $0xFFFFFC00, v15;
	v11 =	vand.u32 $0xFFFFFC00, v11;
	v16 =	vld.idx.msk [tilespmem:v20+s16+$0x0], $0xffff  }
0x39e: {  	[tilespmem:s28+$0x16820] =	vst v14;
	v9 =	vand.u32 $0x7F, v9;
	v3 =	vadd.s32 v1, v3;
	v11 =	vadd.s32 v1, v11;
	v49 =	vld [tilespmem:s13+$0xD840]  }
0x39f: {  	v15 =	vadd.s32 v1, v15;
	v2 =	vor.u32 v2, v3;
	v3 =	vor.u32 v9, v11;
	[tilespmem:s24+$0x16860] =	vst v13;
	v53 =	vld [tilespmem:s13+$0xD850]  }
0x3a0: {  	s21 =	sor.u32 s31, s10;
	v9 =	vor.u32 v10, v15;
	v10 =	vshll.u32 v5, $0x3;
	v14 =	vor.u32 s8, v3;
	v17 =	vld.idx.msk [tilespmem:v17+s16+$0x0], $0xffff;
	[tilespmem:s22+$0x16870] =	vst v12  }
0x3a1: {  	v3 =	vand.u32 $0xFFFFFC00, v10;
	v15 =	vshll.u32 v6, $0x3;
	v19 =	vshll.u32 v18, $0x3;
	v43 =	vld [tilespmem:s21+$0xD820]  }
0x3a2: {  	v3 =	vadd.s32 v1, v3;
	v6 =	vand.u32 $0x7F, v6;
	s22 =	sor.u32 s2, s10;
	v13 =	vand.u32 $0xFFFFFC00, v19;
	v19 =	vld [tilespmem:s13+$0xD810];
	[tilespmem:s23+$0x16870] =	vst v16  }
0x3a3: {  	v18 =	vand.u32 $0x7F, v18;
	v46 =	vshll.u32 v31, $0x3;
	v52 =	vshll.u32 v49, $0x3;
	v21 =	vld [tilespmem:s22+$0xD800]  }
0x3a4: {  	v35 =	vand.u32 $0x7F, v49;
	v59 =	vshll.u32 v53, $0x3;
	v13 =	vadd.s32 v0, v13;
	v45 =	vld [tilespmem:s22+$0xD820]  }
0x3a5: {  	v63 =	vand.u32 $0x7F, v53;
	v61 =	vand.u32 $0xFFFFFC00, v59;
	v50 =	vld [tilespmem:s22+$0xD830];
	v12 =	vor.u32 v18, v13  }
0x3a6: {  	v42 =	vld [tilespmem:s22+$0xD840];
	v18 =	vor.u32 s15, v12;
	v12 =	vor.u32 s7, v9;
	v9 =	vshll.u32 v4, $0x3  }
0x3a7: {  	v20 =	vld [tilespmem:s21+$0xD800];
	s23 =	sor.u32 s0, s10;
	v13 =	vor.u32 s9, v2;
	[tilespmem:s24+$0x16870] =	vst v17;
	v4 =	vand.u32 $0x7F, v4;
	v11 =	vand.u32 $0xFFFFFC00, v9  }
0x3a8: {  	v30 =	vld [tilespmem:s23+$0xD810];
	v32 =	vand.u32 $0x7F, v43;
	v10 =	vshll.u32 v19, $0x3;
	v11 =	vadd.s32 v1, v11  }
0x3a9: {  	v47 =	vld [tilespmem:s23+$0xD820];
	v9 =	vand.u32 $0xFFFFFC00, v10;
	v10 =	vand.u32 $0xFFFFFC00, v15;
	v15 =	vand.u32 $0x7F, v19  }
0x3aa: {  	v60 =	vld [tilespmem:s21+$0xD840];
	v26 =	vshll.u32 v21, $0x3;
	v21 =	vand.u32 $0x7F, v21;
	v56 =	vand.u32 $0x7F, v45  }
0x3ab: {  	v40 =	vshll.u32 v50, $0x3;
	v49 =	vshll.u32 v42, $0x3;
	v36 =	vand.u32 $0x7F, v42  }
0x3ac: {  	v4 =	vor.u32 v4, v11;
	v16 =	vadd.s32 v0, v9;
	v26 =	vand.u32 $0xFFFFFC00, v26  }
0x3ad: {  	[tilespmem:s29+$0x16820] =	vst v25;
	v17 =	vld [tilespmem:s13+$0xD820];
	v25 =	vor.u32 v15, v16;
	v16 =	vshll.u32 v20, $0x3;
	v15 =	vand.u32 $0x7F, v5  }
0x3ae: {  	v19 =	vld [tilespmem:s23+$0xD800];
	v5 =	vand.u32 $0x7F, v20;
	v44 =	vshll.u32 v30, $0x3;
	v51 =	vshll.u32 v47, $0x3  }
0x3af: {  	v57 =	vand.u32 $0x7F, v47;
	v47 =	vshll.u32 v60, $0x3;
	v20 =	vand.u32 $0xFFFFFC00, v16  }
0x3b0: {  	v25 =	vor.u32 s15, v25;
	v33 =	vand.u32 $0xFFFFFC00, v44;
	v37 =	vand.u32 $0xFFFFFC00, v51  }
0x3b1: {  	v18 =	vld.idx.msk [tilespmem:v18+s16+$0x0], $0xffff;
	v3 =	vor.u32 v15, v3;
	v20 =	vadd.s32 v0, v20;
	v33 =	vadd.s32 v0, v33  }
0x3b2: {  	v41 =	vld [tilespmem:s13+$0xD860];
	v55 =	vadd.s32 v0, v37;
	v37 =	vand.u32 $0xFFFFFC00, v40;
	v20 =	vor.u32 v5, v20  }
0x3b3: {  	v27 =	vld [tilespmem:s21+$0xD810];
	v5 =	vadd.s32 v0, v26;
	v26 =	vshll.u32 v17, $0x3;
	v29 =	vshll.u32 v19, $0x3  }
0x3b4: {  	v28 =	vld [tilespmem:s22+$0xD810];
	v19 =	vand.u32 $0x7F, v19;
	v17 =	vand.u32 $0x7F, v17;
	v58 =	vor.u32 v57, v55  }
0x3b5: {  	v44 =	vld [tilespmem:s23+$0xD840];
	v26 =	vand.u32 $0xFFFFFC00, v26;
	v29 =	vand.u32 $0xFFFFFC00, v29;
	v21 =	vor.u32 v21, v5  }
0x3b6: {  	v2 =	vld [tilespmem:s28+$0xD860];
	v20 =	vor.u32 s31, v20;
	v26 =	vadd.s32 v0, v26;
	v29 =	vadd.s32 v0, v29;
	[tilespmem:s13+$0x16800] =	vst v18  }
0x3b7: {  	v21 =	vor.u32 s2, v21;
	v18 =	vand.u32 $0x7F, v31;
	v17 =	vor.u32 v17, v26;
	v25 =	vld.idx.msk [tilespmem:v25+s16+$0x0], $0xffff  }
0x3b8: {  	v54 =	vld [tilespmem:s23+$0xD830];
	v31 =	vshll.u32 v45, $0x3;
	v19 =	vor.u32 v19, v29;
	v26 =	vor.u32 s15, v17  }
0x3b9: {  	v29 =	vshll.u32 v27, $0x3;
	v17 =	vld.idx.msk [tilespmem:v22+s16+$0x0], $0xffff;
	v22 =	vor.u32 s0, v19;
	v19 =	vshll.u32 v28, $0x3  }
0x3ba: {  	v45 =	vld [tilespmem:s13+$0xD870];
	v27 =	vand.u32 $0x7F, v27;
	v51 =	vshll.u32 v44, $0x3;
	v19 =	vand.u32 $0xFFFFFC00, v19  }
0x3bb: {  	v16 =	vld [tilespmem:s28+$0xD870];
	v29 =	vand.u32 $0xFFFFFC00, v29;
	v48 =	vadd.s32 v0, v19;
	v19 =	vand.u32 $0xFFFFFC00, v46  }
0x3bc: {  	v28 =	vand.u32 $0x7F, v28;
	v29 =	vadd.s32 v0, v29;
	v20 =	vld.idx.msk [tilespmem:v20+s16+$0x0], $0xffff;
	v19 =	vadd.s32 v0, v19;
	[tilespmem:s13+$0x16810] =	vst v25  }
0x3bd: {  	v27 =	vor.u32 v27, v29;
	v46 =	vand.u32 $0x7F, v41;
	v18 =	vor.u32 v18, v19;
	v26 =	vld.idx.msk [tilespmem:v26+s16+$0x0], $0xffff  }
0x3be: {  	v27 =	vor.u32 s31, v27;
	v19 =	vld.idx.msk [tilespmem:v23+s16+$0x0], $0xffff;
	v23 =	vand.u32 $0x7F, v30;
	v29 =	vor.u32 s15, v18  }
0x3bf: {  	[tilespmem:s30+$0x16820] =	vst v8;
	v21 =	vld.idx.msk [tilespmem:v21+s16+$0x0], $0xffff;
	v25 =	vand.u32 $0xFFFFFC00, v31;
	v31 =	vand.u32 $0xFFFFFC00, v52;
	v52 =	vshll.u32 v45, $0x3  }
0x3c0: {  	v18 =	vld.idx.msk [tilespmem:v24+s16+$0x0], $0xffff;
	v24 =	vor.u32 v28, v48;
	v23 =	vor.u32 v23, v33;
	v28 =	vshll.u32 v43, $0x3  }
0x3c1: {  	v31 =	vadd.s32 v0, v31;
	v25 =	vadd.s32 v0, v25;
	v22 =	vld.idx.msk [tilespmem:v22+s16+$0x0], $0xffff;
	v24 =	vor.u32 s2, v24  }
0x3c2: {  	v30 =	vld [tilespmem:s21+$0xD830];
	v43 =	vadd.s32 v0, v37;
	v33 =	vand.u32 $0x7F, v50;
	v23 =	vor.u32 s0, v23;
	[tilespmem:s13+$0x16820] =	vst v26  }
0x3c3: {  	v50 =	vand.u32 $0xFFFFFC00, v47;
	v37 =	vand.u32 $0x7F, v44;
	v31 =	vor.u32 v35, v31;
	v29 =	vld.idx.msk [tilespmem:v29+s16+$0x0], $0xffff  }
0x3c4: {  	v55 =	vld [tilespmem:s22+$0xD860];
	v28 =	vand.u32 $0xFFFFFC00, v28;
	v25 =	vor.u32 v56, v25;
	v31 =	vor.u32 s15, v31;
	[tilespmem:s21+$0x16800] =	vst v20  }
0x3c5: {  	v48 =	vld [tilespmem:s21+$0xD850];
	v35 =	vand.u32 $0x7F, v60;
	v60 =	vshll.u32 v2, $0x3;
	v2 =	vand.u32 $0x7F, v2;
	[tilespmem:s22+$0x16800] =	vst v21  }
0x3c6: {  	v28 =	vadd.s32 v0, v28;
	v25 =	vor.u32 s2, v25;
	v20 =	vshll.u32 v54, $0x3;
	[tilespmem:s23+$0x16800] =	vst v22;
	v24 =	vld.idx.msk [tilespmem:v24+s16+$0x0], $0xffff  }
0x3c7: {  	v28 =	vor.u32 v32, v28;
	v32 =	vadd.s32 v0, v61;
	v20 =	vand.u32 $0xFFFFFC00, v20;
	v23 =	vld.idx.msk [tilespmem:v23+s16+$0x0], $0xffff  }
0x3c8: {  	v27 =	vld.idx.msk [tilespmem:v27+s16+$0x0], $0xffff;
	v28 =	vor.u32 s31, v28;
	v62 =	vshll.u32 v30, $0x3;
	v26 =	vor.u32 s0, v58;
	[tilespmem:s13+$0x16830] =	vst v29  }
0x3c9: {  	v32 =	vor.u32 v63, v32;
	v30 =	vand.u32 $0x7F, v30;
	v34 =	vand.u32 $0xFFFFFC00, v62;
	v22 =	vld.idx.msk [tilespmem:v31+s16+$0x0], $0xffff  }
0x3ca: {  	v8 =	vld [tilespmem:s30+$0xD860];
	v20 =	vadd.s32 v0, v20;
	[tilespmem:s29+$0x16830] =	vst v19;
	v21 =	vor.u32 s15, v32;
	v34 =	vadd.s32 v0, v34  }
0x3cb: {  	v53 =	vld [tilespmem:s21+$0xD860];
	v19 =	vand.u32 $0x7F, v55;
	v29 =	vor.u32 v30, v34;
	v30 =	vand.u32 $0x7F, v54;
	[tilespmem:s22+$0x16810] =	vst v24  }
0x3cc: {  	v32 =	vor.u32 v33, v43;
	[tilespmem:s23+$0x16810] =	vst v23;
	v20 =	vor.u32 v30, v20;
	v30 =	vshll.u32 v41, $0x3;
	v23 =	vld.idx.msk [tilespmem:v25+s16+$0x0], $0xffff  }
0x3cd: {  	v33 =	vadd.s32 v0, v50;
	v57 =	vand.u32 $0x7F, v48;
	[tilespmem:s21+$0x16810] =	vst v27;
	v26 =	vld.idx.msk [tilespmem:v26+s16+$0x0], $0xffff;
	v30 =	vand.u32 $0xFFFFFC00, v30  }
0x3ce: {  	v62 =	vshll.u32 v16, $0x3;
	v20 =	vor.u32 s0, v20;
	v30 =	vadd.s32 v0, v30;
	[tilespmem:s13+$0x16840] =	vst v22;
	v22 =	vld.idx.msk [tilespmem:v28+s16+$0x0], $0xffff  }
0x3cf: {  	v16 =	vand.u32 $0x7F, v16;
	v29 =	vor.u32 s31, v29;
	v30 =	vor.u32 v46, v30;
	v21 =	vld.idx.msk [tilespmem:v21+s16+$0x0], $0xffff  }
0x3d0: {  	v33 =	vor.u32 v35, v33;
	v27 =	vld [tilespmem:s22+$0xD850];
	v34 =	vand.u32 $0xFFFFFC00, v51;
	v30 =	vor.u32 s15, v30  }
0x3d1: {  	v24 =	vld [tilespmem:s23+$0xD850];
	v31 =	vor.u32 s2, v32;
	v34 =	vadd.s32 v0, v34;
	v28 =	vand.u32 $0xFFFFFC00, v49;
	[tilespmem:s22+$0x16820] =	vst v23  }
0x3d2: {  	v33 =	vor.u32 s31, v33;
	v34 =	vor.u32 v37, v34;
	v23 =	vld [tilespmem:s23+$0xD860];
	[tilespmem:s23+$0x16820] =	vst v26;
	v28 =	vadd.s32 v0, v28  }
0x3d3: {  	v37 =	vand.u32 $0xFFFFFC00, v62;
	v20 =	vld.idx.msk [tilespmem:v20+s16+$0x0], $0xffff;
	v25 =	vor.u32 v36, v28;
	v28 =	vand.u32 $0xFFFFFC00, v52;
	[tilespmem:s21+$0x16820] =	vst v22  }
0x3d4: {  	v32 =	vand.u32 $0x7F, v45;
	v63 =	vadd.s32 v1, v37;
	v28 =	vadd.s32 v0, v28;
	[tilespmem:s13+$0x16850] =	vst v21;
	v29 =	vld.idx.msk [tilespmem:v29+s16+$0x0], $0xffff  }
0x3d5: {  	v54 =	vshll.u32 v48, $0x3;
	v15 =	vor.u32 v16, v63;
	v28 =	vor.u32 v32, v28;
	v22 =	vld.idx.msk [tilespmem:v30+s16+$0x0], $0xffff  }
0x3d6: {  	v56 =	vshll.u32 v24, $0x3;
	v26 =	vld.idx.msk [tilespmem:v31+s16+$0x0], $0xffff;
	v32 =	vand.u32 $0xFFFFFC00, v54;
	v28 =	vor.u32 s15, v28  }
0x3d7: {  	v9 =	vld [tilespmem:s29+$0xD860];
	v24 =	vand.u32 $0x7F, v24;
	v25 =	vor.u32 s2, v25;
	v32 =	vadd.s32 v0, v32  }
0x3d8: {  	v5 =	vld [tilespmem:s29+$0xD870];
	v59 =	vshll.u32 v23, $0x3;
	v21 =	vor.u32 s0, v34;
	v34 =	vand.u32 $0xFFFFFC00, v56;
	[tilespmem:s23+$0x16830] =	vst v20  }
0x3d9: {  	v58 =	vld [tilespmem:s21+$0xD870];
	v32 =	vor.u32 v57, v32;
	v30 =	vshll.u32 v27, $0x3;
	v34 =	vadd.s32 v0, v34;
	[tilespmem:s21+$0x16830] =	vst v29  }
0x3da: {  	v27 =	vand.u32 $0x7F, v27;
	v30 =	vand.u32 $0xFFFFFC00, v30;
	v24 =	vor.u32 v24, v34;
	[tilespmem:s13+$0x16860] =	vst v22;
	v20 =	vld.idx.msk [tilespmem:v33+s16+$0x0], $0xffff  }
0x3db: {  	[tilespmem:s22+$0x16830] =	vst v26;
	v31 =	vor.u32 s31, v32;
	v30 =	vadd.s32 v0, v30;
	v24 =	vor.u32 s0, v24;
	v28 =	vld.idx.msk [tilespmem:v28+s16+$0x0], $0xffff  }
0x3dc: {  	v25 =	vld.idx.msk [tilespmem:v25+s16+$0x0], $0xffff;
	v27 =	vor.u32 v27, v30;
	v30 =	vshll.u32 v53, $0x3;
	v29 =	vand.u32 $0xFFFFFC00, v60  }
0x3dd: {  	[tilespmem:s28+$0x16830] =	vst v17;
	v16 =	vld.idx.msk [tilespmem:v21+s16+$0x0], $0xffff;
	v21 =	vor.u32 s9, v3;
	v22 =	vor.u32 s2, v27;
	v29 =	vadd.s32 v1, v29  }
0x3de: {  	v13 =	vld.idx.msk [tilespmem:v13+s16+$0x0], $0xffff;
	v27 =	vand.u32 $0xFFFFFC00, v30;
	v30 =	vshll.u32 v55, $0x3;
	v2 =	vor.u32 v2, v29  }
0x3df: {  	s24 =	sadd.s32 $0x800, s19;
	v61 =	vld [tilespmem:s22+$0xD870];
	v3 =	vor.u32 s9, v2;
	v2 =	vor.u32 s9, v15;
	v15 =	vand.u32 $0xFFFFFC00, v59;
	[tilespmem:s21+$0x16840] =	vst v20  }
0x3e0: {  	s19 =	sor.u32 s15, s24;
	v30 =	vand.u32 $0xFFFFFC00, v30;
	v15 =	vadd.s32 v0, v15;
	v20 =	vand.u32 $0x7F, v23;
	[tilespmem:s13+$0x16870] =	vst v28;
	v23 =	vld.idx.msk [tilespmem:v31+s16+$0x0], $0xffff  }
0x3e1: {  	[tilespmem:s22+$0x16840] =	vst v25;
	v28 =	vadd.s32 v0, v30;
	v15 =	vor.u32 v20, v15;
	v20 =	vshll.u32 v58, $0x3;
	v29 =	vld [tilespmem:s19+$0xD800]  }
0x3e2: {  	v19 =	vor.u32 v19, v28;
	v25 =	vor.u32 s0, v15;
	v15 =	vand.u32 $0xFFFFFC00, v20;
	v20 =	vld.idx.msk [tilespmem:v22+s16+$0x0], $0xffff  }
0x3e3: {  	v17 =	vand.u32 $0x7F, v53;
	v26 =	vld [tilespmem:s23+$0xD870];
	v27 =	vadd.s32 v0, v27;
	v19 =	vor.u32 s2, v19  }
0x3e4: {  	v10 =	vadd.s32 v1, v10;
	v14 =	vld.idx.msk [tilespmem:v14+s16+$0x0], $0xffff;
	[tilespmem:s30+$0x16830] =	vst v18;
	v17 =	vor.u32 v17, v27;
	v22 =	vshll.u32 v61, $0x3  }
0x3e5: {  	v17 =	vor.u32 s31, v17;
	[tilespmem:s23+$0x16840] =	vst v16;
	v18 =	vadd.s32 v0, v15;
	v15 =	vld.idx.msk [tilespmem:v12+s16+$0x0], $0xffff;
	v12 =	vand.u32 $0xFFFFFC00, v22  }
0x3e6: {  	v6 =	vor.u32 v6, v10;
	v24 =	vld.idx.msk [tilespmem:v24+s16+$0x0], $0xffff;
	v12 =	vadd.s32 v0, v12;
	[tilespmem:s21+$0x16850] =	vst v23;
	v27 =	vshll.u32 v29, $0x3  }
0x3e7: {  	v23 =	vand.u32 $0x7F, v61;
	v28 =	vand.u32 $0x7F, v29;
	v29 =	vld [tilespmem:s19+$0xD810];
	[tilespmem:s22+$0x16850] =	vst v20;
	v22 =	vand.u32 $0xFFFFFC00, v27  }
0x3e8: {  	v16 =	vshll.u32 v26, $0x3;
	v12 =	vor.u32 v23, v12;
	v19 =	vld.idx.msk [tilespmem:v19+s16+$0x0], $0xffff;
	v22 =	vadd.s32 v0, v22  }
0x3e9: {  	v10 =	vld [tilespmem:s19+$0xD830];
	v27 =	vand.u32 $0x7F, v58;
	v12 =	vor.u32 s2, v12;
	v22 =	vor.u32 v28, v22  }
0x3ea: {  	v16 =	vand.u32 $0xFFFFFC00, v16;
	v17 =	vld.idx.msk [tilespmem:v17+s16+$0x0], $0xffff;
	v18 =	vor.u32 v27, v18;
	v20 =	vor.u32 s15, v22  }
0x3eb: {  	v16 =	vadd.s32 v0, v16;
	[tilespmem:s23+$0x16850] =	vst v24;
	v23 =	vld [tilespmem:s30+$0xD870];
	v18 =	vor.u32 s31, v18;
	v22 =	vand.u32 $0x7F, v26  }
0x3ec: {  	v4 =	vor.u32 s8, v4;
	v16 =	vor.u32 v22, v16;
	v22 =	vld.idx.msk [tilespmem:v25+s16+$0x0], $0xffff;
	v24 =	vshll.u32 v29, $0x3  }
0x3ed: {  	v25 =	vshll.u32 v9, $0x3;
	v16 =	vor.u32 s0, v16;
	v11 =	vand.u32 $0xFFFFFC00, v24;
	v24 =	vld [tilespmem:s19+$0xD820];
	[tilespmem:s22+$0x16860] =	vst v19  }
0x3ee: {  	[tilespmem:s28+$0x16840] =	vst v13;
	v9 =	vand.u32 $0x7F, v9;
	v19 =	vand.u32 $0xFFFFFC00, v25;
	v12 =	vld.idx.msk [tilespmem:v12+s16+$0x0], $0xffff  }
0x3ef: {  	[tilespmem:s21+$0x16860] =	vst v17;
	v11 =	vadd.s32 v0, v11;
	v13 =	vadd.s32 v1, v19;
	v17 =	vld.idx.msk [tilespmem:v20+s16+$0x0], $0xffff;
	v20 =	vand.u32 $0x7F, v29  }
0x3f0: {  	[tilespmem:s29+$0x16840] =	vst v14;
	v18 =	vld.idx.msk [tilespmem:v18+s16+$0x0], $0xffff;
	v9 =	vor.u32 v9, v13;
	v11 =	vor.u32 v20, v11;
	v20 =	vshll.u32 v5, $0x3  }
0x3f1: {  	v14 =	vand.u32 $0x7F, v5;
	v27 =	vld.idx.msk [tilespmem:v4+s16+$0x0], $0xffff;
	[tilespmem:s23+$0x16860] =	vst v22;
	v5 =	vor.u32 s8, v9;
	v19 =	vand.u32 $0xFFFFFC00, v20  }
0x3f2: {  	v11 =	vor.u32 s15, v11;
	v16 =	vld.idx.msk [tilespmem:v16+s16+$0x0], $0xffff;
	v9 =	vshll.u32 v24, $0x3;
	v13 =	vadd.s32 v1, v19  }
0x3f3: {  	v26 =	vld.idx.msk [tilespmem:v21+s16+$0x0], $0xffff;
	v9 =	vand.u32 $0xFFFFFC00, v9;
	v4 =	vor.u32 v14, v13;
	v13 =	vshll.u32 v8, $0x3  }
0x3f4: {  	s9 =	sor.u32 s2, s24;
	v21 =	vld [tilespmem:s19+$0xD840];
	[tilespmem:s22+$0x16870] =	vst v12;
	v14 =	vand.u32 $0x7F, v24;
	v9 =	vadd.s32 v0, v9;
	v4 =	vor.u32 s8, v4  }
0x3f5: {  	[tilespmem:s21+$0x16870] =	vst v18;
	s8 =	sor.u32 s31, s24;
	v12 =	vand.u32 $0xFFFFFC00, v13;
	v13 =	vshll.u32 v23, $0x3;
	v9 =	vor.u32 v14, v9;
	v14 =	vld [tilespmem:s9+$0xD800]  }
0x3f6: {  	v18 =	vand.u32 $0x7F, v23;
	[tilespmem:s19+$0x16800] =	vst v17;
	v17 =	vld [tilespmem:s8+$0xD800];
	v12 =	vadd.s32 v1, v12;
	v13 =	vand.u32 $0xFFFFFC00, v13  }
0x3f7: {  	v9 =	vor.u32 s15, v9;
	v11 =	vld.idx.msk [tilespmem:v11+s16+$0x0], $0xffff;
	[tilespmem:s23+$0x16870] =	vst v16;
	v16 =	vand.u32 $0x7F, v8;
	v1 =	vadd.s32 v1, v13  }
0x3f8: {  	s10 =	sor.u32 s0, s24;
	v20 =	vld [tilespmem:s9+$0xD810];
	v8 =	vor.u32 s7, v6;
	v6 =	vor.u32 v16, v12;
	v12 =	vshll.u32 v10, $0x3  }
0x3f9: {  	v13 =	vld [tilespmem:s10+$0xD800];
	v1 =	vor.u32 v18, v1;
	v10 =	vand.u32 $0x7F, v10;
	v12 =	vand.u32 $0xFFFFFC00, v12  }
0x3fa: {  	v23 =	vld [tilespmem:s10+$0xD810];
	v6 =	vor.u32 s7, v6;
	v1 =	vor.u32 s7, v1;
	v12 =	vadd.s32 v0, v12  }
0x3fb: {  	[tilespmem:s30+$0x16840] =	vst v15;
	v15 =	vld [tilespmem:s9+$0xD840];
	v18 =	vshll.u32 v14, $0x3;
	v14 =	vand.u32 $0x7F, v14;
	v10 =	vor.u32 v10, v12  }
0x3fc: {  	v16 =	vld [tilespmem:s8+$0xD810];
	v12 =	vand.u32 $0xFFFFFC00, v18;
	[tilespmem:s19+$0x16810] =	vst v11;
	v11 =	vand.u32 $0x7F, v17;
	v17 =	vshll.u32 v17, $0x3  }
0x3fd: {  	v10 =	vor.u32 s15, v10;
	v24 =	vadd.s32 v0, v12;
	v9 =	vld.idx.msk [tilespmem:v9+s16+$0x0], $0xffff;
	v19 =	vand.u32 $0xFFFFFC00, v17  }
0x3fe: {  	v12 =	vld [tilespmem:s8+$0xD830];
	v22 =	vshll.u32 v13, $0x3;
	v13 =	vand.u32 $0x7F, v13;
	v14 =	vor.u32 v14, v24  }
0x3ff: {  	v17 =	vld [tilespmem:s8+$0xD820];
	v29 =	vshll.u32 v23, $0x3;
	v23 =	vand.u32 $0x7F, v23;
	v18 =	vand.u32 $0xFFFFFC00, v22  }
0x400: {  	v22 =	vadd.s32 v0, v19;
	v19 =	vld [tilespmem:s9+$0xD820];
	v24 =	vor.u32 s2, v14;
	v14 =	vand.u32 $0x7F, v21  }
0x401: {  	v25 =	vadd.s32 v0, v18;
	v11 =	vor.u32 v11, v22;
	v18 =	vld [tilespmem:s10+$0xD820];
	v22 =	vshll.u32 v21, $0x3  }
0x402: {  	v29 =	vand.u32 $0xFFFFFC00, v29;
	v11 =	vor.u32 s31, v11;
	[tilespmem:s19+$0x16820] =	vst v9;
	v9 =	vand.u32 $0xFFFFFC00, v22;
	v22 =	vld [tilespmem:s19+$0xD850]  }
0x403: {  	v21 =	vshll.u32 v16, $0x3;
	v13 =	vor.u32 v13, v25;
	v10 =	vld.idx.msk [tilespmem:v10+s16+$0x0], $0xffff;
	v9 =	vadd.s32 v0, v9  }
0x404: {  	v16 =	vand.u32 $0x7F, v16;
	v28 =	vor.u32 s0, v13;
	v13 =	vld [tilespmem:s9+$0xD830];
	v9 =	vor.u32 v14, v9  }
0x405: {  	v29 =	vadd.s32 v0, v29;
	v25 =	vshll.u32 v20, $0x3;
	v31 =	vld.idx.msk [tilespmem:v24+s16+$0x0], $0xffff;
	v30 =	vor.u32 s15, v9  }
0x406: {  	v21 =	vand.u32 $0xFFFFFC00, v21;
	v20 =	vand.u32 $0x7F, v20;
	v25 =	vand.u32 $0xFFFFFC00, v25;
	v14 =	vld [tilespmem:s10+$0xD830]  }
0x407: {  	v21 =	vadd.s32 v0, v21;
	v25 =	vadd.s32 v0, v25;
	v11 =	vld.idx.msk [tilespmem:v11+s16+$0x0], $0xffff;
	v24 =	vshll.u32 v22, $0x3  }
0x408: {  	v9 =	vld [tilespmem:s8+$0xD840];
	[tilespmem:s19+$0x16830] =	vst v10;
	v10 =	vor.u32 v16, v21;
	v16 =	vor.u32 v20, v25;
	v20 =	vand.u32 $0xFFFFFC00, v24  }
0x409: {  	[tilespmem:s14+$0x16870] =	vst v7;
	v7 =	vor.u32 v23, v29;
	v21 =	vld [tilespmem:s19+$0xD860];
	v24 =	vand.u32 $0x7F, v22;
	v29 =	vadd.s32 v0, v20  }
0x40a: {  	[tilespmem:s28+$0x16850] =	vst v26;
	v7 =	vor.u32 s0, v7;
	v22 =	vor.u32 s31, v10;
	v25 =	vld.idx.msk [tilespmem:v30+s16+$0x0], $0xffff;
	v10 =	vor.u32 v24, v29  }
0x40b: {  	v23 =	vld.idx.msk [tilespmem:v28+s16+$0x0], $0xffff;
	[tilespmem:s9+$0x16800] =	vst v31;
	v20 =	vor.u32 s2, v16;
	v16 =	vshll.u32 v17, $0x3;
	v24 =	vor.u32 s15, v10  }
0x40c: {  	v28 =	vshll.u32 v18, $0x3;
	[tilespmem:s8+$0x16800] =	vst v11;
	v11 =	vshll.u32 v19, $0x3;
	v10 =	vand.u32 $0xFFFFFC00, v16;
	v16 =	vld [tilespmem:s10+$0xD840]  }
0x40d: {  	v29 =	vand.u32 $0xFFFFFC00, v28;
	v11 =	vand.u32 $0xFFFFFC00, v11;
	s1 =	rddreg [dreg:$0x9];
	v26 =	vadd.s32 v0, v10;
	v10 =	vld [tilespmem:s8+$0xD850]  }
0x40e: {  	[tilespmem:s29+$0x16850] =	vst v27;
	v27 =	vadd.s32 v0, v29;
	s7 =	sadd.s32 s26, s1;
	v28 =	vadd.s32 v0, v11;
	v11 =	vld [tilespmem:s9+$0xD850];
	v29 =	vshll.u32 v21, $0x3  }
.LBB2_5:
0x40f: {  	s17 =	sadd.s32 $0x4, s17;
	v17 =	vand.u32 $0x7F, v17;
	v19 =	vand.u32 $0x7F, v19;
	[tilespmem:s19+$0x16840] =	vst v25;
	v25 =	vand.u32 $0xFFFFFC00, v29;
	v29 =	vld [tilespmem:s19+$0xD870]  }
0x410: {  	v18 =	vand.u32 $0x7F, v18;
	v21 =	vand.u32 $0x7F, v21;
	s1 =	sshrl.u32 s17, $0x3;
	s3 =	sand.u32 $0x4, s17;
	p1 =	slt.u32 s17, $0x2C;
	[tilespmem:s10+$0x16800] =	vst v23;
	v23 =	vld.idx.msk [tilespmem:v24+s16+$0x0], $0xffff;
	v24 =	vadd.s32 v0, v25  }
0x411: {  	v17 =	vor.u32 v17, v26;
	v25 =	vor.u32 v19, v28;
	s24 =	smul.u32 $0xC00, s1;
	s14 =	sshll.u32 s3, $0x7;
	v22 =	vld.idx.msk [tilespmem:v22+s16+$0x0], $0xffff;
	v21 =	vor.u32 v21, v24  }
0x412: {  	v19 =	vor.u32 s31, v17;
	v17 =	vor.u32 v18, v27;
	s22 =	sor.u32 $0x80, s14;
	s23 =	sor.u32 $0x100, s14;
	s13 =	sor.u32 $0x180, s14;
	v24 =	vld.idx.msk [tilespmem:v20+s16+$0x0], $0xffff;
	v21 =	vor.u32 s15, v21  }
0x413: {  	v18 =	vor.u32 s2, v25;
	v20 =	vshll.u32 v12, $0x3;
	v17 =	vor.u32 s0, v17;
	s12 =	sor.u32 s14, s24;
	s3 =	sor.u32 s24, s22;
	s4 =	sor.u32 s24, s13;
	v25 =	vld.idx.msk [tilespmem:v7+s16+$0x0], $0xffff  }
0x414: {  	v27 =	vshll.u32 v14, $0x3;
	s11 =	sor.u32 s24, s23;
	v7 =	vand.u32 $0xFFFFFC00, v20;
	v20 =	vshll.u32 v13, $0x3;
	v26 =	vld [tilespmem:s4+$0xD800]  }
0x415: {  	v27 =	vand.u32 $0xFFFFFC00, v27;
	v30 =	vand.u32 $0xFFFFFC00, v20;
	v31 =	vshll.u32 v29, $0x3;
	v28 =	vld [tilespmem:s12+$0xD800]  }
0x416: {  	v32 =	vmov s1;
	v20 =	vadd.s32 v0, v7;
	v7 =	vand.u32 $0xFFFFFC00, v31;
	v33 =	vld [tilespmem:s3+$0xD800];
	[tilespmem:s19+$0x16850] =	vst v23  }
0x417: {  	v29 =	vand.u32 $0x7F, v29;
	v23 =	vmul.u32 $0xC00, v32;
	v7 =	vadd.s32 v0, v7;
	[tilespmem:s8+$0x16810] =	vst v22;
	v31 =	vld.idx.msk [tilespmem:v21+s16+$0x0], $0xffff  }
0x418: {  	v21 =	vadd.s32 v0, v30;
	v22 =	vadd.s32 v0, v27;
	v32 =	vld [tilespmem:s11+$0xD800];
	[tilespmem:s9+$0x16810] =	vst v24;
	v24 =	vor.u32 v29, v7  }
0x419: {  	v7 =	vbroadcast v23, $0x0;
	v23 =	vld [tilespmem:s12+$0xD810];
	v27 =	vshll.u32 v26, $0x3;
	[tilespmem:s10+$0x16810] =	vst v25;
	v24 =	vor.u32 s15, v24;
	s15 =	smov.u32 s13  }
0x41a: {  	v25 =	vand.u32 $0x7F, v28;
	v28 =	vshll.u32 v28, $0x3;
	v29 =	vld [tilespmem:s3+$0xD810];
	v27 =	vand.u32 $0xFFFFFC00, v27  }
0x41b: {  	v26 =	vand.u32 $0x7F, v26;
	v30 =	vshll.u32 v33, $0x3;
	v27 =	vadd.s32 v7, v27;
	v34 =	vld [tilespmem:s4+$0xD810]  }
0x41c: {  	v28 =	vand.u32 $0xFFFFFC00, v28;
	v30 =	vand.u32 $0xFFFFFC00, v30;
	v35 =	vld [tilespmem:s11+$0xD810];
	v26 =	vor.u32 v26, v27  }
0x41d: {  	v27 =	vadd.s32 v7, v28;
	v28 =	vld [tilespmem:s12+$0xD820];
	v36 =	vshll.u32 v32, $0x3;
	v26 =	vor.u32 s15, v26;
	[tilespmem:s19+$0x16860] =	vst v31  }
0x41e: {  	v31 =	vand.u32 $0x7F, v33;
	v30 =	vadd.s32 v7, v30;
	v33 =	vand.u32 $0xFFFFFC00, v36;
	v24 =	vld.idx.msk [tilespmem:v24+s16+$0x0], $0xffff  }
0x41f: {  	v25 =	vor.u32 v25, v27;
	v32 =	vand.u32 $0x7F, v32;
	v27 =	vld [tilespmem:s3+$0xD820];
	v33 =	vadd.s32 v7, v33  }
0x420: {  	v30 =	vor.u32 v31, v30;
	v31 =	vor.u32 v32, v33;
	v32 =	vld [tilespmem:s11+$0xD820];
	v33 =	vshll.u32 v34, $0x3  }
0x421: {  	v25 =	vor.u32 s14, v25;
	v30 =	vor.u32 s22, v30;
	v33 =	vand.u32 $0xFFFFFC00, v33;
	v36 =	vld [tilespmem:s4+$0xD820]  }
0x422: {  	v34 =	vand.u32 $0x7F, v34;
	v31 =	vor.u32 s23, v31;
	v26 =	vld.idx.msk [tilespmem:v26+s16+$0x0], $0xffff;
	v33 =	vadd.s32 v7, v33  }
0x423: {  	v37 =	vshll.u32 v23, $0x3;
	v39 =	vshll.u32 v29, $0x3;
	v38 =	vld [tilespmem:s12+$0xD830];
	v33 =	vor.u32 v34, v33  }
0x424: {  	v40 =	vshll.u32 v35, $0x3;
	v34 =	vand.u32 $0xFFFFFC00, v37;
	v37 =	vld [tilespmem:s3+$0xD830];
	v33 =	vor.u32 s15, v33;
	[tilespmem:s19+$0x16870] =	vst v24  }
0x425: {  	v24 =	vadd.s32 v7, v34;
	v34 =	vand.u32 $0xFFFFFC00, v39;
	v39 =	vand.u32 $0xFFFFFC00, v40;
	v40 =	vld [tilespmem:s11+$0xD830]  }
0x426: {  	v23 =	vand.u32 $0x7F, v23;
	v34 =	vadd.s32 v7, v34;
	v39 =	vadd.s32 v7, v39;
	v25 =	vld.idx.msk [tilespmem:v25+s16+$0x0], $0xffff  }
0x427: {  	v29 =	vand.u32 $0x7F, v29;
	v35 =	vand.u32 $0x7F, v35;
	v41 =	vshll.u32 v36, $0x3;
	v30 =	vld.idx.msk [tilespmem:v30+s16+$0x0], $0xffff  }
0x428: {  	v23 =	vor.u32 v23, v24;
	v24 =	vor.u32 v29, v34;
	[tilespmem:s4+$0x16800] =	vst v26;
	v26 =	vand.u32 $0xFFFFFC00, v41;
	v29 =	vld [tilespmem:s4+$0xD830]  }
0x429: {  	v34 =	vor.u32 v35, v39;
	v35 =	vand.u32 $0x7F, v36;
	v33 =	vld.idx.msk [tilespmem:v33+s16+$0x0], $0xffff;
	v26 =	vadd.s32 v7, v26  }
0x42a: {  	v36 =	vor.u32 s14, v23;
	v24 =	vor.u32 s22, v24;
	v31 =	vld.idx.msk [tilespmem:v31+s16+$0x0], $0xffff;
	v23 =	vor.u32 v35, v26  }
0x42b: {  	v34 =	vor.u32 s23, v34;
	v26 =	vshll.u32 v28, $0x3;
	v35 =	vld [tilespmem:s12+$0xD840];
	v39 =	vor.u32 s15, v23  }
0x42c: {  	v41 =	vshll.u32 v32, $0x3;
	v23 =	vand.u32 $0xFFFFFC00, v26;
	[tilespmem:s12+$0x16800] =	vst v25;
	v25 =	vshll.u32 v27, $0x3;
	v26 =	vld [tilespmem:s3+$0xD840]  }
0x42d: {  	v42 =	vadd.s32 v7, v23;
	[tilespmem:s3+$0x16800] =	vst v30;
	v25 =	vand.u32 $0xFFFFFC00, v25;
	v30 =	vand.u32 $0xFFFFFC00, v41;
	v41 =	vld [tilespmem:s11+$0xD840]  }
0x42e: {  	v43 =	vshll.u32 v29, $0x3;
	v23 =	vld [tilespmem:s12+$0xD850];
	v25 =	vadd.s32 v7, v25;
	v30 =	vadd.s32 v7, v30  }
0x42f: {  	v28 =	vand.u32 $0x7F, v28;
	v27 =	vand.u32 $0x7F, v27;
	[tilespmem:s4+$0x16810] =	vst v33;
	v33 =	vand.u32 $0xFFFFFC00, v43;
	v43 =	vld [tilespmem:s4+$0xD840]  }
0x430: {  	v29 =	vand.u32 $0x7F, v29;
	[tilespmem:s11+$0x16800] =	vst v31;
	v31 =	vand.u32 $0x7F, v32;
	v32 =	vld.idx.msk [tilespmem:v39+s16+$0x0], $0xffff;
	v33 =	vadd.s32 v7, v33  }
0x431: {  	v28 =	vor.u32 v28, v42;
	v25 =	vor.u32 v27, v25;
	v36 =	vld.idx.msk [tilespmem:v36+s16+$0x0], $0xffff;
	v27 =	vor.u32 v29, v33  }
0x432: {  	v28 =	vor.u32 s14, v28;
	v29 =	vor.u32 v31, v30;
	v24 =	vld.idx.msk [tilespmem:v24+s16+$0x0], $0xffff;
	v27 =	vor.u32 s15, v27  }
0x433: {  	v25 =	vor.u32 s22, v25;
	v30 =	vshll.u32 v38, $0x3;
	v29 =	vor.u32 s23, v29;
	v31 =	vld.idx.msk [tilespmem:v34+s16+$0x0], $0xffff  }
0x434: {  	v39 =	vshll.u32 v40, $0x3;
	v33 =	vshll.u32 v37, $0x3;
	v30 =	vand.u32 $0xFFFFFC00, v30;
	v34 =	vld [tilespmem:s3+$0xD850]  }
0x435: {  	v39 =	vand.u32 $0xFFFFFC00, v39;
	v33 =	vand.u32 $0xFFFFFC00, v33;
	v44 =	vshll.u32 v43, $0x3;
	v42 =	vld [tilespmem:s11+$0xD850]  }
0x436: {  	v30 =	vadd.s32 v7, v30;
	v33 =	vadd.s32 v7, v33;
	[tilespmem:s4+$0x16820] =	vst v32;
	v32 =	vand.u32 $0xFFFFFC00, v44;
	v44 =	vld [tilespmem:s4+$0xD850]  }
0x437: {  	[tilespmem:s12+$0x16810] =	vst v36;
	v36 =	vadd.s32 v7, v39;
	v27 =	vld.idx.msk [tilespmem:v27+s16+$0x0], $0xffff;
	v39 =	vand.u32 $0x7F, v43;
	v32 =	vadd.s32 v7, v32  }
0x438: {  	v38 =	vand.u32 $0x7F, v38;
	v28 =	vld.idx.msk [tilespmem:v28+s16+$0x0], $0xffff;
	[tilespmem:s3+$0x16810] =	vst v24;
	v24 =	vand.u32 $0x7F, v37;
	v32 =	vor.u32 v39, v32  }
0x439: {  	v30 =	vor.u32 v38, v30;
	v25 =	vld.idx.msk [tilespmem:v25+s16+$0x0], $0xffff;
	[tilespmem:s11+$0x16810] =	vst v31;
	v31 =	vand.u32 $0x7F, v40;
	v32 =	vor.u32 s15, v32  }
0x43a: {  	v30 =	vor.u32 s14, v30;
	v24 =	vor.u32 v24, v33;
	v29 =	vld.idx.msk [tilespmem:v29+s16+$0x0], $0xffff;
	v31 =	vor.u32 v31, v36  }
0x43b: {  	v33 =	vshll.u32 v35, $0x3;
	v24 =	vor.u32 s22, v24;
	v36 =	vld [tilespmem:s12+$0xD860];
	v31 =	vor.u32 s23, v31  }
0x43c: {  	v37 =	vshll.u32 v26, $0x3;
	v39 =	vshll.u32 v41, $0x3;
	v40 =	vshll.u32 v44, $0x3;
	v38 =	vld [tilespmem:s3+$0xD860]  }
0x43d: {  	v37 =	vand.u32 $0xFFFFFC00, v37;
	v33 =	vand.u32 $0xFFFFFC00, v33;
	[tilespmem:s4+$0x16830] =	vst v27;
	v27 =	vand.u32 $0xFFFFFC00, v40;
	v40 =	vld [tilespmem:s4+$0xD860]  }
0x43e: {  	[tilespmem:s12+$0x16820] =	vst v28;
	v28 =	vand.u32 $0xFFFFFC00, v39;
	v32 =	vld.idx.msk [tilespmem:v32+s16+$0x0], $0xffff;
	v39 =	vand.u32 $0x7F, v44;
	v27 =	vadd.s32 v7, v27  }
0x43f: {  	v35 =	vand.u32 $0x7F, v35;
	v33 =	vadd.s32 v7, v33;
	v30 =	vld.idx.msk [tilespmem:v30+s16+$0x0], $0xffff;
	[tilespmem:s3+$0x16820] =	vst v25;
	v25 =	vor.u32 v39, v27  }
0x440: {  	v27 =	vadd.s32 v7, v37;
	v28 =	vadd.s32 v7, v28;
	v24 =	vld.idx.msk [tilespmem:v24+s16+$0x0], $0xffff;
	[tilespmem:s11+$0x16820] =	vst v29;
	v25 =	vor.u32 s15, v25  }
0x441: {  	v26 =	vand.u32 $0x7F, v26;
	v29 =	vor.u32 v35, v33;
	v33 =	vand.u32 $0x7F, v41;
	v31 =	vld.idx.msk [tilespmem:v31+s16+$0x0], $0xffff  }
0x442: {  	v26 =	vor.u32 v26, v27;
	v29 =	vor.u32 s14, v29;
	v27 =	vor.u32 v33, v28;
	v28 =	vld [tilespmem:s11+$0xD860]  }
0x443: {  	v26 =	vor.u32 s22, v26;
	v27 =	vor.u32 s23, v27;
	v35 =	vshll.u32 v40, $0x3;
	v33 =	vld [tilespmem:s12+$0xD870]  }
0x444: {  	v37 =	vshll.u32 v23, $0x3;
	v39 =	vshll.u32 v34, $0x3;
	[tilespmem:s4+$0x16840] =	vst v32;
	v32 =	vand.u32 $0xFFFFFC00, v35;
	v35 =	vld [tilespmem:s4+$0xD870]  }
0x445: {  	v40 =	vand.u32 $0x7F, v40;
	[tilespmem:s12+$0x16830] =	vst v30;
	v30 =	vshll.u32 v42, $0x3;
	v25 =	vld.idx.msk [tilespmem:v25+s16+$0x0], $0xffff;
	v32 =	vadd.s32 v7, v32  }
0x446: {  	v37 =	vand.u32 $0xFFFFFC00, v37;
	[tilespmem:s3+$0x16830] =	vst v24;
	v24 =	vand.u32 $0xFFFFFC00, v39;
	v39 =	vld [tilespmem:s3+$0xD870];
	v32 =	vor.u32 v40, v32  }
0x447: {  	v37 =	vadd.s32 v7, v37;
	v30 =	vand.u32 $0xFFFFFC00, v30;
	v29 =	vld.idx.msk [tilespmem:v29+s16+$0x0], $0xffff;
	[tilespmem:s11+$0x16830] =	vst v31;
	v31 =	vor.u32 s15, v32  }
0x448: {  	v23 =	vand.u32 $0x7F, v23;
	v24 =	vadd.s32 v7, v24;
	v30 =	vadd.s32 v7, v30;
	v26 =	vld.idx.msk [tilespmem:v26+s16+$0x0], $0xffff  }
0x449: {  	v23 =	vor.u32 v23, v37;
	v32 =	vand.u32 $0x7F, v34;
	v34 =	vand.u32 $0x7F, v42;
	v27 =	vld.idx.msk [tilespmem:v27+s16+$0x0], $0xffff  }
0x44a: {  	v24 =	vor.u32 v32, v24;
	v30 =	vor.u32 v34, v30;
	v34 =	vshll.u32 v35, $0x3;
	v32 =	vld [tilespmem:s11+$0xD870]  }
0x44b: {  	v37 =	vor.u32 s14, v23;
	v24 =	vor.u32 s22, v24;
	v23 =	vand.u32 $0xFFFFFC00, v34;
	[tilespmem:s4+$0x16850] =	vst v25;
	v19 =	vld.idx.msk [tilespmem:v19+s16+$0x0], $0xffff  }
0x44c: {  	v25 =	vor.u32 s23, v30;
	v23 =	vadd.s32 v7, v23;
	v30 =	vld.idx.msk [tilespmem:v31+s16+$0x0], $0xffff;
	v31 =	vand.u32 $0x7F, v35  }
0x44d: {  	v34 =	vshll.u32 v38, $0x3;
	[tilespmem:s12+$0x16840] =	vst v29;
	v29 =	vshll.u32 v36, $0x3;
	v23 =	vor.u32 v31, v23;
	v18 =	vld.idx.msk [tilespmem:v18+s16+$0x0], $0xffff  }
0x44e: {  	v29 =	vand.u32 $0xFFFFFC00, v29;
	[tilespmem:s3+$0x16840] =	vst v26;
	v26 =	vshll.u32 v28, $0x3;
	v31 =	vor.u32 s15, v23;
	v35 =	vld.idx.msk [tilespmem:v17+s16+$0x0], $0xffff  }
0x44f: {  	v17 =	vadd.s32 v7, v29;
	v29 =	vand.u32 $0xFFFFFC00, v34;
	[tilespmem:s11+$0x16840] =	vst v27;
	v26 =	vand.u32 $0xFFFFFC00, v26;
	v23 =	vld [tilespmem:s10+$0xD850]  }
0x450: {  	v34 =	vand.u32 $0x7F, v36;
	v27 =	vld.idx.msk [tilespmem:v37+s16+$0x0], $0xffff;
	v29 =	vadd.s32 v7, v29;
	v26 =	vadd.s32 v7, v26  }
0x451: {  	v28 =	vand.u32 $0x7F, v28;
	v17 =	vor.u32 v34, v17;
	v34 =	vand.u32 $0x7F, v38;
	v24 =	vld.idx.msk [tilespmem:v24+s16+$0x0], $0xffff;
	[tilespmem:s8+$0x16820] =	vst v19  }
0x452: {  	v36 =	vor.u32 s14, v17;
	v17 =	vor.u32 v34, v29;
	v19 =	vor.u32 v28, v26;
	v25 =	vld.idx.msk [tilespmem:v25+s16+$0x0], $0xffff;
	[tilespmem:s4+$0x16860] =	vst v30  }
0x453: {  	v26 =	vshll.u32 v33, $0x3;
	v28 =	vor.u32 s22, v17;
	v29 =	vor.u32 s23, v19;
	v30 =	vld.idx.msk [tilespmem:v31+s16+$0x0], $0xffff;
	[tilespmem:s9+$0x16820] =	vst v18  }
0x454: {  	v19 =	vshll.u32 v39, $0x3;
	v18 =	vand.u32 $0xFFFFFC00, v26;
	v26 =	vshll.u32 v32, $0x3;
	v17 =	vld [tilespmem:s8+$0xD860];
	[tilespmem:s10+$0x16820] =	vst v35  }
0x455: {  	v19 =	vand.u32 $0xFFFFFC00, v19;
	v31 =	vadd.s32 v7, v18;
	v26 =	vand.u32 $0xFFFFFC00, v26;
	v18 =	vld [tilespmem:s9+$0xD860]  }
0x456: {  	v26 =	vadd.s32 v7, v26;
	[tilespmem:s12+$0x16850] =	vst v27;
	v27 =	vand.u32 $0x7F, v33;
	v33 =	vadd.s32 v7, v19;
	v19 =	vld [tilespmem:s10+$0xD860]  }
0x457: {  	v34 =	vld.idx.msk [tilespmem:v36+s16+$0x0], $0xffff;
	v27 =	vor.u32 v27, v31;
	[tilespmem:s3+$0x16850] =	vst v24;
	v24 =	vand.u32 $0x7F, v39;
	v31 =	vand.u32 $0x7F, v32  }
0x458: {  	s13 =	sadd.s32 $0x400, s24;
	v27 =	vor.u32 s14, v27;
	v28 =	vld.idx.msk [tilespmem:v28+s16+$0x0], $0xffff;
	v24 =	vor.u32 v24, v33;
	[tilespmem:s11+$0x16850] =	vst v25;
	v25 =	vor.u32 v31, v26  }
0x459: {  	v12 =	vand.u32 $0x7F, v12;
	s1 =	sor.u32 s14, s13;
	s21 =	sor.u32 s22, s13;
	s19 =	sor.u32 s15, s13;
	v24 =	vor.u32 s22, v24;
	v26 =	vld.idx.msk [tilespmem:v29+s16+$0x0], $0xffff;
	v25 =	vor.u32 s23, v25;
	[tilespmem:s4+$0x16870] =	vst v30  }
0x45a: {  	v14 =	vand.u32 $0x7F, v14;
	v13 =	vand.u32 $0x7F, v13;
	v12 =	vor.u32 v12, v20;
	s4 =	sor.u32 s23, s13;
	v29 =	vld [tilespmem:s19+$0xD800]  }
0x45b: {  	v20 =	vor.u32 s31, v12;
	v13 =	vor.u32 v13, v21;
	v14 =	vor.u32 v14, v22;
	v8 =	vld.idx.msk [tilespmem:v8+s16+$0x0], $0xffff  }
0x45c: {  	v21 =	vshll.u32 v9, $0x3;
	v22 =	vor.u32 s2, v13;
	v14 =	vor.u32 s0, v14;
	v12 =	vld [tilespmem:s8+$0xD870]  }
0x45d: {  	v21 =	vand.u32 $0xFFFFFC00, v21;
	v31 =	vshll.u32 v16, $0x3;
	v30 =	vshll.u32 v15, $0x3;
	[tilespmem:s12+$0x16860] =	vst v34;
	v13 =	vld [tilespmem:s9+$0xD870]  }
0x45e: {  	v21 =	vadd.s32 v0, v21;
	v27 =	vld.idx.msk [tilespmem:v27+s16+$0x0], $0xffff;
	[tilespmem:s3+$0x16860] =	vst v28;
	v28 =	vand.u32 $0xFFFFFC00, v30;
	v30 =	vand.u32 $0xFFFFFC00, v31  }
0x45f: {  	v24 =	vld.idx.msk [tilespmem:v24+s16+$0x0], $0xffff;
	[tilespmem:s11+$0x16860] =	vst v26;
	v26 =	vshll.u32 v29, $0x3;
	v28 =	vadd.s32 v0, v28;
	v30 =	vadd.s32 v0, v30  }
0x460: {  	v9 =	vand.u32 $0x7F, v9;
	v15 =	vand.u32 $0x7F, v15;
	v25 =	vld.idx.msk [tilespmem:v25+s16+$0x0], $0xffff;
	v26 =	vand.u32 $0xFFFFFC00, v26  }
0x461: {  	v16 =	vand.u32 $0x7F, v16;
	v29 =	vand.u32 $0x7F, v29;
	v26 =	vadd.s32 v7, v26;
	v31 =	vld [tilespmem:s19+$0xD810];
	[tilespmem:s30+$0x16850] =	vst v8  }
0x462: {  	v9 =	vor.u32 v9, v21;
	v15 =	vor.u32 v15, v28;
	v8 =	vor.u32 v29, v26;
	v26 =	vld.idx.msk [tilespmem:v20+s16+$0x0], $0xffff  }
0x463: {  	v20 =	vor.u32 s31, v9;
	v28 =	vor.u32 s15, v8;
	v22 =	vld.idx.msk [tilespmem:v22+s16+$0x0], $0xffff;
	v8 =	vor.u32 v16, v30  }
0x464: {  	v21 =	vor.u32 s2, v15;
	v9 =	vshll.u32 v10, $0x3;
	[tilespmem:s12+$0x16870] =	vst v27;
	v27 =	vld.idx.msk [tilespmem:v14+s16+$0x0], $0xffff;
	v16 =	vor.u32 s0, v8  }
0x465: {  	v8 =	vand.u32 $0xFFFFFC00, v9;
	v9 =	vshll.u32 v11, $0x3;
	v14 =	vshll.u32 v23, $0x3;
	v29 =	vld [tilespmem:s1+$0xD800];
	[tilespmem:s3+$0x16870] =	vst v24  }
0x466: {  	v14 =	vand.u32 $0xFFFFFC00, v14;
	v24 =	vld [tilespmem:s21+$0xD800];
	[tilespmem:s11+$0x16870] =	vst v25;
	v15 =	vshll.u32 v31, $0x3;
	v25 =	vand.u32 $0xFFFFFC00, v9  }
0x467: {  	v9 =	vadd.s32 v0, v8;
	v15 =	vand.u32 $0xFFFFFC00, v15;
	v30 =	vld [tilespmem:s19+$0xD820];
	v8 =	vadd.s32 v0, v25  }
0x468: {  	v14 =	vadd.s32 v0, v14;
	v25 =	vld.idx.msk [tilespmem:v28+s16+$0x0], $0xffff;
	v28 =	vand.u32 $0x7F, v31;
	v15 =	vadd.s32 v7, v15;
	[tilespmem:s8+$0x16830] =	vst v26  }
0x469: {  	v26 =	vld [tilespmem:s4+$0xD800];
	v28 =	vor.u32 v28, v15;
	v15 =	vand.u32 $0x7F, v10;
	[tilespmem:s9+$0x16830] =	vst v22;
	v10 =	vand.u32 $0x7F, v11  }
0x46a: {  	v22 =	vand.u32 $0x7F, v29;
	v11 =	vshll.u32 v29, $0x3;
	v29 =	vld [tilespmem:s1+$0xD810];
	v28 =	vor.u32 s15, v28;
	[tilespmem:s10+$0x16830] =	vst v27  }
0x46b: {  	v11 =	vand.u32 $0xFFFFFC00, v11;
	v27 =	vand.u32 $0x7F, v24;
	v24 =	vshll.u32 v24, $0x3;
	v31 =	vld [tilespmem:s21+$0xD810]  }
0x46c: {  	v32 =	vadd.s32 v7, v11;
	v24 =	vand.u32 $0xFFFFFC00, v24;
	v33 =	vld [tilespmem:s4+$0xD810];
	v11 =	vand.u32 $0x7F, v23  }
0x46d: {  	v22 =	vor.u32 v22, v32;
	v23 =	vld [tilespmem:s1+$0xD820];
	v24 =	vadd.s32 v7, v24;
	v32 =	vshll.u32 v30, $0x3  }
0x46e: {  	v34 =	vand.u32 $0x7F, v26;
	v26 =	vshll.u32 v26, $0x3;
	[tilespmem:s19+$0x16800] =	vst v25;
	v25 =	vand.u32 $0xFFFFFC00, v32;
	v32 =	vld [tilespmem:s19+$0xD830]  }
0x46f: {  	v30 =	vand.u32 $0x7F, v30;
	v26 =	vand.u32 $0xFFFFFC00, v26;
	v28 =	vld.idx.msk [tilespmem:v28+s16+$0x0], $0xffff;
	v25 =	vadd.s32 v7, v25  }
0x470: {  	v24 =	vor.u32 v27, v24;
	v27 =	vld [tilespmem:s21+$0xD820];
	v26 =	vadd.s32 v7, v26;
	v25 =	vor.u32 v30, v25  }
0x471: {  	v22 =	vor.u32 s14, v22;
	v26 =	vor.u32 v34, v26;
	v30 =	vld [tilespmem:s4+$0xD820];
	v25 =	vor.u32 s15, v25  }
0x472: {  	v24 =	vor.u32 s22, v24;
	v34 =	vshll.u32 v29, $0x3;
	v35 =	vld [tilespmem:s1+$0xD830];
	v26 =	vor.u32 s23, v26  }
0x473: {  	v36 =	vshll.u32 v31, $0x3;
	v38 =	vshll.u32 v33, $0x3;
	v34 =	vand.u32 $0xFFFFFC00, v34;
	v37 =	vld [tilespmem:s21+$0xD830]  }
0x474: {  	v36 =	vand.u32 $0xFFFFFC00, v36;
	v38 =	vand.u32 $0xFFFFFC00, v38;
	v40 =	vshll.u32 v32, $0x3;
	v39 =	vld [tilespmem:s4+$0xD830]  }
0x475: {  	v36 =	vadd.s32 v7, v36;
	v34 =	vadd.s32 v7, v34;
	[tilespmem:s19+$0x16810] =	vst v28;
	v28 =	vand.u32 $0xFFFFFC00, v40;
	v40 =	vld [tilespmem:s19+$0xD840]  }
0x476: {  	v38 =	vadd.s32 v7, v38;
	v32 =	vand.u32 $0x7F, v32;
	v25 =	vld.idx.msk [tilespmem:v25+s16+$0x0], $0xffff;
	v28 =	vadd.s32 v7, v28  }
0x477: {  	v31 =	vand.u32 $0x7F, v31;
	v29 =	vand.u32 $0x7F, v29;
	v22 =	vld.idx.msk [tilespmem:v22+s16+$0x0], $0xffff;
	v28 =	vor.u32 v32, v28  }
0x478: {  	v29 =	vor.u32 v29, v34;
	v32 =	vand.u32 $0x7F, v33;
	v24 =	vld.idx.msk [tilespmem:v24+s16+$0x0], $0xffff;
	v28 =	vor.u32 s15, v28  }
0x479: {  	v31 =	vor.u32 v31, v36;
	v29 =	vor.u32 s14, v29;
	v32 =	vor.u32 v32, v38;
	v26 =	vld.idx.msk [tilespmem:v26+s16+$0x0], $0xffff  }
0x47a: {  	v31 =	vor.u32 s22, v31;
	v33 =	vshll.u32 v23, $0x3;
	v32 =	vor.u32 s23, v32;
	v34 =	vld [tilespmem:s1+$0xD840]  }
0x47b: {  	v36 =	vshll.u32 v27, $0x3;
	v41 =	vshll.u32 v30, $0x3;
	v42 =	vshll.u32 v40, $0x3;
	v38 =	vld [tilespmem:s21+$0xD840]  }
0x47c: {  	v36 =	vand.u32 $0xFFFFFC00, v36;
	v33 =	vand.u32 $0xFFFFFC00, v33;
	[tilespmem:s19+$0x16820] =	vst v25;
	v25 =	vand.u32 $0xFFFFFC00, v42;
	v42 =	vld [tilespmem:s19+$0xD850]  }
0x47d: {  	v40 =	vand.u32 $0x7F, v40;
	[tilespmem:s1+$0x16800] =	vst v22;
	v22 =	vand.u32 $0xFFFFFC00, v41;
	v28 =	vld.idx.msk [tilespmem:v28+s16+$0x0], $0xffff;
	v25 =	vadd.s32 v7, v25  }
0x47e: {  	v23 =	vand.u32 $0x7F, v23;
	v33 =	vadd.s32 v7, v33;
	v29 =	vld.idx.msk [tilespmem:v29+s16+$0x0], $0xffff;
	[tilespmem:s21+$0x16800] =	vst v24;
	v24 =	vor.u32 v40, v25  }
0x47f: {  	v22 =	vadd.s32 v7, v22;
	v25 =	vld.idx.msk [tilespmem:v31+s16+$0x0], $0xffff;
	v31 =	vadd.s32 v7, v36;
	[tilespmem:s4+$0x16800] =	vst v26;
	v24 =	vor.u32 s15, v24  }
0x480: {  	v30 =	vand.u32 $0x7F, v30;
	v23 =	vor.u32 v23, v33;
	v26 =	vand.u32 $0x7F, v27;
	v27 =	vld.idx.msk [tilespmem:v32+s16+$0x0], $0xffff  }
0x481: {  	v23 =	vor.u32 s14, v23;
	v22 =	vor.u32 v30, v22;
	v26 =	vor.u32 v26, v31;
	v30 =	vld [tilespmem:s4+$0xD840]  }
0x482: {  	v22 =	vor.u32 s23, v22;
	v26 =	vor.u32 s22, v26;
	v32 =	vshll.u32 v42, $0x3;
	v31 =	vld [tilespmem:s1+$0xD850]  }
0x483: {  	v33 =	vshll.u32 v35, $0x3;
	v36 =	vshll.u32 v37, $0x3;
	[tilespmem:s19+$0x16830] =	vst v28;
	v28 =	vand.u32 $0xFFFFFC00, v32;
	v32 =	vld [tilespmem:s19+$0xD860]  }
0x484: {  	v40 =	vand.u32 $0x7F, v42;
	[tilespmem:s1+$0x16810] =	vst v29;
	v29 =	vshll.u32 v39, $0x3;
	v24 =	vld.idx.msk [tilespmem:v24+s16+$0x0], $0xffff;
	v28 =	vadd.s32 v7, v28  }
0x485: {  	v33 =	vand.u32 $0xFFFFFC00, v33;
	[tilespmem:s21+$0x16810] =	vst v25;
	v25 =	vand.u32 $0xFFFFFC00, v36;
	v36 =	vld [tilespmem:s21+$0xD850];
	v28 =	vor.u32 v40, v28  }
0x486: {  	v33 =	vadd.s32 v7, v33;
	v23 =	vld.idx.msk [tilespmem:v23+s16+$0x0], $0xffff;
	[tilespmem:s4+$0x16810] =	vst v27;
	v27 =	vand.u32 $0xFFFFFC00, v29;
	v28 =	vor.u32 s15, v28  }
0x487: {  	v29 =	vand.u32 $0x7F, v35;
	v25 =	vadd.s32 v7, v25;
	v26 =	vld.idx.msk [tilespmem:v26+s16+$0x0], $0xffff;
	v27 =	vadd.s32 v7, v27  }
0x488: {  	v35 =	vand.u32 $0x7F, v39;
	v29 =	vor.u32 v29, v33;
	v33 =	vand.u32 $0x7F, v37;
	v22 =	vld.idx.msk [tilespmem:v22+s16+$0x0], $0xffff  }
0x489: {  	v25 =	vor.u32 v33, v25;
	v27 =	vor.u32 v35, v27;
	v35 =	vshll.u32 v32, $0x3;
	v33 =	vld [tilespmem:s4+$0xD850]  }
0x48a: {  	v29 =	vor.u32 s14, v29;
	v25 =	vor.u32 s22, v25;
	[tilespmem:s19+$0x16840] =	vst v24;
	v24 =	vand.u32 $0xFFFFFC00, v35;
	v35 =	vld [tilespmem:s19+$0xD870]  }
0x48b: {  	v32 =	vand.u32 $0x7F, v32;
	v27 =	vor.u32 s23, v27;
	v28 =	vld.idx.msk [tilespmem:v28+s16+$0x0], $0xffff;
	v24 =	vadd.s32 v7, v24  }
0x48c: {  	v39 =	vshll.u32 v38, $0x3;
	[tilespmem:s1+$0x16820] =	vst v23;
	v23 =	vshll.u32 v34, $0x3;
	v37 =	vld [tilespmem:s1+$0xD860];
	v24 =	vor.u32 v32, v24  }
0x48d: {  	v32 =	vshll.u32 v30, $0x3;
	v23 =	vand.u32 $0xFFFFFC00, v23;
	[tilespmem:s21+$0x16820] =	vst v26;
	v26 =	vld [tilespmem:s21+$0xD860];
	v24 =	vor.u32 s15, v24  }
0x48e: {  	v39 =	vand.u32 $0xFFFFFC00, v39;
	v23 =	vadd.s32 v7, v23;
	[tilespmem:s4+$0x16820] =	vst v22;
	v22 =	vand.u32 $0xFFFFFC00, v32;
	v32 =	vld [tilespmem:s4+$0xD860]  }
0x48f: {  	v39 =	vadd.s32 v7, v39;
	v34 =	vand.u32 $0x7F, v34;
	v29 =	vld.idx.msk [tilespmem:v29+s16+$0x0], $0xffff;
	v22 =	vadd.s32 v7, v22  }
0x490: {  	v38 =	vand.u32 $0x7F, v38;
	v30 =	vand.u32 $0x7F, v30;
	v40 =	vshll.u32 v35, $0x3;
	v25 =	vld.idx.msk [tilespmem:v25+s16+$0x0], $0xffff  }
0x491: {  	v23 =	vor.u32 v34, v23;
	v34 =	vor.u32 v38, v39;
	v27 =	vld.idx.msk [tilespmem:v27+s16+$0x0], $0xffff;
	[tilespmem:s19+$0x16850] =	vst v28;
	v28 =	vand.u32 $0xFFFFFC00, v40  }
0x492: {  	v22 =	vor.u32 v30, v22;
	v30 =	vand.u32 $0x7F, v35;
	v24 =	vld.idx.msk [tilespmem:v24+s16+$0x0], $0xffff;
	v28 =	vadd.s32 v7, v28  }
0x493: {  	v23 =	vor.u32 s14, v23;
	v34 =	vor.u32 s22, v34;
	v35 =	vld [tilespmem:s1+$0xD870];
	v28 =	vor.u32 v30, v28  }
0x494: {  	v22 =	vor.u32 s23, v22;
	v30 =	vshll.u32 v31, $0x3;
	v38 =	vld [tilespmem:s21+$0xD870];
	v28 =	vor.u32 s15, v28  }
0x495: {  	v39 =	vshll.u32 v33, $0x3;
	[tilespmem:s1+$0x16830] =	vst v29;
	v29 =	vand.u32 $0xFFFFFC00, v30;
	v30 =	vshll.u32 v36, $0x3;
	v40 =	vld [tilespmem:s4+$0xD870]  }
0x496: {  	v29 =	vadd.s32 v7, v29;
	[tilespmem:s21+$0x16830] =	vst v25;
	v25 =	vand.u32 $0xFFFFFC00, v30;
	v30 =	vand.u32 $0xFFFFFC00, v39;
	v20 =	vld.idx.msk [tilespmem:v20+s16+$0x0], $0xffff  }
0x497: {  	v31 =	vand.u32 $0x7F, v31;
	v25 =	vadd.s32 v7, v25;
	[tilespmem:s4+$0x16830] =	vst v27;
	v27 =	vadd.s32 v7, v30;
	v21 =	vld.idx.msk [tilespmem:v21+s16+$0x0], $0xffff  }
0x498: {  	v29 =	vor.u32 v31, v29;
	v30 =	vand.u32 $0x7F, v36;
	v31 =	vand.u32 $0x7F, v33;
	v23 =	vld.idx.msk [tilespmem:v23+s16+$0x0], $0xffff;
	[tilespmem:s19+$0x16860] =	vst v24  }
0x499: {  	v24 =	vor.u32 s14, v29;
	v25 =	vor.u32 v30, v25;
	v27 =	vor.u32 v31, v27;
	v28 =	vld.idx.msk [tilespmem:v28+s16+$0x0], $0xffff  }
0x49a: {  	v29 =	vshll.u32 v37, $0x3;
	v25 =	vor.u32 s22, v25;
	v27 =	vor.u32 s23, v27;
	v30 =	vld.idx.msk [tilespmem:v34+s16+$0x0], $0xffff  }
0x49b: {  	v33 =	vshll.u32 v32, $0x3;
	v31 =	vshll.u32 v26, $0x3;
	v29 =	vand.u32 $0xFFFFFC00, v29;
	v22 =	vld.idx.msk [tilespmem:v22+s16+$0x0], $0xffff  }
0x49c: {  	v33 =	vand.u32 $0xFFFFFC00, v33;
	v31 =	vand.u32 $0xFFFFFC00, v31;
	v29 =	vadd.s32 v7, v29;
	[tilespmem:s8+$0x16840] =	vst v20;
	v20 =	vld.idx.msk [tilespmem:v16+s16+$0x0], $0xffff  }
0x49d: {  	v33 =	vadd.s32 v7, v33;
	v34 =	vand.u32 $0x7F, v37;
	v31 =	vadd.s32 v7, v31;
	[tilespmem:s9+$0x16840] =	vst v21;
	v16 =	vld [tilespmem:s10+$0xD870]  }
0x49e: {  	s11 =	sadd.s32 $0x800, s24;
	v21 =	vor.u32 v34, v29;
	[tilespmem:s1+$0x16840] =	vst v23;
	v23 =	vand.u32 $0x7F, v26;
	v26 =	vand.u32 $0x7F, v32;
	v3 =	vld.idx.msk [tilespmem:v3+s16+$0x0], $0xffff  }
0x49f: {  	s12 =	sor.u32 s14, s11;
	s3 =	sor.u32 s22, s11;
	v21 =	vor.u32 s14, v21;
	v24 =	vld.idx.msk [tilespmem:v24+s16+$0x0], $0xffff;
	v23 =	vor.u32 v23, v31;
	v26 =	vor.u32 v26, v33;
	[tilespmem:s19+$0x16870] =	vst v28;
	s19 =	sor.u32 s15, s11  }
0x4a0: {  	v28 =	vshll.u32 v35, $0x3;
	s11 =	sor.u32 s23, s11;
	[tilespmem:s21+$0x16840] =	vst v30;
	v23 =	vor.u32 s22, v23;
	v26 =	vor.u32 s23, v26;
	v29 =	vld [tilespmem:s19+$0xD800]  }
0x4a1: {  	v28 =	vand.u32 $0xFFFFFC00, v28;
	v30 =	vshll.u32 v38, $0x3;
	v25 =	vld.idx.msk [tilespmem:v25+s16+$0x0], $0xffff;
	[tilespmem:s4+$0x16840] =	vst v22;
	v22 =	vshll.u32 v40, $0x3  }
0x4a2: {  	v28 =	vadd.s32 v7, v28;
	v30 =	vand.u32 $0xFFFFFC00, v30;
	v27 =	vld.idx.msk [tilespmem:v27+s16+$0x0], $0xffff;
	v22 =	vand.u32 $0xFFFFFC00, v22;
	[tilespmem:s10+$0x16840] =	vst v20  }
0x4a3: {  	v20 =	vand.u32 $0x7F, v35;
	v30 =	vadd.s32 v7, v30;
	v22 =	vadd.s32 v7, v22;
	v5 =	vld.idx.msk [tilespmem:v5+s16+$0x0], $0xffff  }
0x4a4: {  	v31 =	vand.u32 $0x7F, v40;
	v20 =	vor.u32 v20, v28;
	v28 =	vand.u32 $0x7F, v38;
	[tilespmem:s28+$0x16860] =	vst v3;
	v3 =	vld.idx.msk [tilespmem:v6+s16+$0x0], $0xffff  }
0x4a5: {  	v6 =	vor.u32 v28, v30;
	v22 =	vor.u32 v31, v22;
	[tilespmem:s1+$0x16850] =	vst v24;
	v24 =	vshll.u32 v29, $0x3;
	v2 =	vld.idx.msk [tilespmem:v2+s16+$0x0], $0xffff  }
0x4a6: {  	v20 =	vor.u32 s14, v20;
	v6 =	vor.u32 s22, v6;
	v21 =	vld.idx.msk [tilespmem:v21+s16+$0x0], $0xffff;
	v24 =	vand.u32 $0xFFFFFC00, v24  }
0x4a7: {  	v22 =	vor.u32 s23, v22;
	[tilespmem:s21+$0x16850] =	vst v25;
	v25 =	vand.u32 $0x7F, v29;
	v24 =	vadd.s32 v7, v24;
	v28 =	vld [tilespmem:s19+$0xD810]  }
0x4a8: {  	v9 =	vor.u32 v15, v9;
	v15 =	vshll.u32 v17, $0x3;
	v23 =	vld.idx.msk [tilespmem:v23+s16+$0x0], $0xffff;
	[tilespmem:s4+$0x16850] =	vst v27;
	v24 =	vor.u32 v25, v24  }
0x4a9: {  	v8 =	vor.u32 v10, v8;
	v10 =	vor.u32 v11, v14;
	v25 =	vld.idx.msk [tilespmem:v26+s16+$0x0], $0xffff;
	v24 =	vor.u32 s15, v24;
	[tilespmem:s29+$0x16860] =	vst v5  }
0x4aa: {  	v5 =	vor.u32 s31, v9;
	v9 =	vor.u32 s2, v8;
	v8 =	vor.u32 s0, v10;
	[tilespmem:s30+$0x16860] =	vst v3  }
0x4ab: {  	v11 =	vshll.u32 v19, $0x3;
	v10 =	vshll.u32 v18, $0x3;
	v3 =	vand.u32 $0xFFFFFC00, v15;
	[tilespmem:s28+$0x16870] =	vst v2;
	v2 =	vld.idx.msk [tilespmem:v4+s16+$0x0], $0xffff;
	s28 =	smov.u32 s8;
	s8 =	smov.u32 s12  }
0x4ac: {  	v11 =	vand.u32 $0xFFFFFC00, v11;
	v10 =	vand.u32 $0xFFFFFC00, v10;
	[tilespmem:s1+$0x16860] =	vst v21;
	v4 =	vshll.u32 v28, $0x3;
	v1 =	vld.idx.msk [tilespmem:v1+s16+$0x0], $0xffff  }
0x4ad: {  	v3 =	vadd.s32 v0, v3;
	v10 =	vadd.s32 v0, v10;
	v4 =	vand.u32 $0xFFFFFC00, v4;
	v14 =	vld [tilespmem:s19+$0xD820]  }
0x4ae: {  	v11 =	vadd.s32 v0, v11;
	v21 =	vand.u32 $0x7F, v28;
	[tilespmem:s21+$0x16860] =	vst v23;
	v15 =	vld.idx.msk [tilespmem:v24+s16+$0x0], $0xffff;
	v4 =	vadd.s32 v7, v4  }
0x4af: {  	v17 =	vand.u32 $0x7F, v17;
	v18 =	vand.u32 $0x7F, v18;
	v20 =	vld.idx.msk [tilespmem:v20+s16+$0x0], $0xffff;
	[tilespmem:s4+$0x16860] =	vst v25;
	v4 =	vor.u32 v21, v4  }
0x4b0: {  	v3 =	vor.u32 v17, v3;
	v21 =	vld.idx.msk [tilespmem:v6+s16+$0x0], $0xffff;
	v4 =	vor.u32 s15, v4;
	v6 =	vand.u32 $0x7F, v19  }
0x4b1: {  	v10 =	vor.u32 v18, v10;
	v3 =	vor.u32 s31, v3;
	v17 =	vld.idx.msk [tilespmem:v22+s16+$0x0], $0xffff;
	v6 =	vor.u32 v6, v11;
	[tilespmem:s29+$0x16870] =	vst v2;
	s29 =	smov.u32 s9;
	s9 =	smov.u32 s3  }
0x4b2: {  	v11 =	vshll.u32 v12, $0x3;
	v2 =	vld.idx.msk [tilespmem:v5+s16+$0x0], $0xffff;
	v5 =	vor.u32 s2, v10;
	v6 =	vor.u32 s0, v6;
	[tilespmem:s30+$0x16870] =	vst v1;
	s30 =	smov.u32 s10;
	s10 =	smov.u32 s11  }
0x4b3: {  	v18 =	vshll.u32 v16, $0x3;
	v1 =	vshll.u32 v14, $0x3;
	v10 =	vshll.u32 v13, $0x3;
	v9 =	vld.idx.msk [tilespmem:v9+s16+$0x0], $0xffff  }
0x4b4: {  	v11 =	vand.u32 $0xFFFFFC00, v11;
	v1 =	vand.u32 $0xFFFFFC00, v1;
	v10 =	vand.u32 $0xFFFFFC00, v10;
	[tilespmem:s19+$0x16800] =	vst v15;
	v15 =	vld [tilespmem:s19+$0xD830]  }
0x4b5: {  	v1 =	vadd.s32 v7, v1;
	[tilespmem:s1+$0x16870] =	vst v20;
	v19 =	vld.idx.msk [tilespmem:v4+s16+$0x0], $0xffff;
	v4 =	vand.u32 $0x7F, v14;
	v14 =	vand.u32 $0xFFFFFC00, v18  }
0x4b6: {  	v10 =	vadd.s32 v0, v10;
	v18 =	vld [tilespmem:s8+$0xD800];
	[tilespmem:s21+$0x16870] =	vst v21;
	v1 =	vor.u32 v4, v1;
	v4 =	vadd.s32 v0, v11  }
0x4b7: {  	v11 =	vld [tilespmem:s9+$0xD800];
	[tilespmem:s4+$0x16870] =	vst v17;
	v17 =	vor.u32 s15, v1;
	v1 =	vand.u32 $0x7F, v12;
	v12 =	vadd.s32 v0, v14;
	v0 =	vmovc v7  }
0x4b8: {  	v7 =	vld [tilespmem:s10+$0xD800];
	[tilespmem:s28+$0x16850] =	vst v2;
	v1 =	vor.u32 v1, v4;
	v4 =	vand.u32 $0x7F, v13;
	v13 =	vand.u32 $0x7F, v16  }
0x4b9: {  	v16 =	vld [tilespmem:s8+$0xD810];
	v2 =	vor.u32 s31, v1;
	[tilespmem:s29+$0x16850] =	vst v9;
	v1 =	vor.u32 v4, v10;
	v9 =	vor.u32 v13, v12;
	s31 =	smov.u32 s14  }
0x4ba: {  	v12 =	vshll.u32 v15, $0x3;
	v10 =	vld [tilespmem:s9+$0xD810];
	v4 =	vor.u32 s2, v1;
	v1 =	vor.u32 s0, v9;
	s2 =	smov.u32 s22;
	s0 =	smov.u32 s23  }
0x4bb: {  	v12 =	vand.u32 $0xFFFFFC00, v12;
	v9 =	vand.u32 $0x7F, v18;
	v13 =	vshll.u32 v18, $0x3;
	[tilespmem:s19+$0x16810] =	vst v19;
	v14 =	vld [tilespmem:s19+$0xD840]  }
0x4bc: {  	v15 =	vand.u32 $0x7F, v15;
	v12 =	vadd.s32 v0, v12;
	v18 =	vshll.u32 v11, $0x3;
	v20 =	vld.idx.msk [tilespmem:v17+s16+$0x0], $0xffff  }
0x4bd: {  	v13 =	vand.u32 $0xFFFFFC00, v13;
	v12 =	vor.u32 v15, v12;
	v19 =	vshll.u32 v7, $0x3;
	v21 =	vld [tilespmem:s10+$0xD810]  }
0x4be: {  	v15 =	vand.u32 $0xFFFFFC00, v18;
	v22 =	vor.u32 s15, v12;
	v17 =	vld [tilespmem:s8+$0xD820];
	v18 =	vand.u32 $0xFFFFFC00, v19  }
0x4bf: {  	v12 =	vadd.s32 v0, v13;
	v13 =	vadd.s32 v0, v15;
	v19 =	vld [tilespmem:s9+$0xD820];
	v15 =	vadd.s32 v0, v18  }
0x4c0: {  	v11 =	vand.u32 $0x7F, v11;
	v7 =	vand.u32 $0x7F, v7;
	v9 =	vor.u32 v9, v12;
	v18 =	vld [tilespmem:s10+$0xD820]  }
0x4c1: {  	v11 =	vor.u32 v11, v13;
	v7 =	vor.u32 v7, v15;
	v13 =	vshll.u32 v14, $0x3;
	v12 =	vld [tilespmem:s8+$0xD830]  }
0x4c2: {  	v15 =	vor.u32 s31, v9;
	v11 =	vor.u32 s2, v11;
	v9 =	vand.u32 $0xFFFFFC00, v13;
	[tilespmem:s19+$0x16820] =	vst v20;
	v20 =	vld [tilespmem:s19+$0xD850]  }
0x4c3: {  	v14 =	vand.u32 $0x7F, v14;
	v7 =	vor.u32 s0, v7;
	v9 =	vadd.s32 v0, v9;
	v22 =	vld.idx.msk [tilespmem:v22+s16+$0x0], $0xffff  }
0x4c4: {  	v23 =	vshll.u32 v16, $0x3;
	v24 =	vshll.u32 v10, $0x3;
	v9 =	vor.u32 v14, v9;
	v13 =	vld [tilespmem:s9+$0xD830]  }
0x4c5: {  	v23 =	vand.u32 $0xFFFFFC00, v23;
	v25 =	vshll.u32 v21, $0x3;
	v26 =	vor.u32 s15, v9;
	v14 =	vld [tilespmem:s10+$0xD830]  }
0x4c6: {  	v23 =	vadd.s32 v0, v23;
	v24 =	vand.u32 $0xFFFFFC00, v24;
	v25 =	vand.u32 $0xFFFFFC00, v25;
	v9 =	vld [tilespmem:s8+$0xD840]  }
0x4c7: {  	v27 =	vld.idx.msk [tilespmem:v15+s16+$0x0], $0xffff;
	v15 =	vand.u32 $0x7F, v16;
	v16 =	vadd.s32 v0, v24;
	v24 =	vadd.s32 v0, v25  }
0x4c8: {  	v10 =	vand.u32 $0x7F, v10;
	v25 =	vand.u32 $0x7F, v21;
	v21 =	vshll.u32 v20, $0x3;
	v11 =	vld.idx.msk [tilespmem:v11+s16+$0x0], $0xffff  }
0x4c9: {  	v15 =	vor.u32 v15, v23;
	v10 =	vor.u32 v10, v16;
	v16 =	vand.u32 $0xFFFFFC00, v21;
	[tilespmem:s19+$0x16830] =	vst v22;
	v21 =	vld [tilespmem:s19+$0xD860]  }
0x4ca: {  	v24 =	vor.u32 v25, v24;
	v16 =	vadd.s32 v0, v16;
	v25 =	vld.idx.msk [tilespmem:v26+s16+$0x0], $0xffff;
	v26 =	vand.u32 $0x7F, v20  }
.Ltmp1:
0x4cb: {  	v22 =	vor.u32 s31, v15;
	v20 =	vor.u32 s2, v10;
	v23 =	vld.idx.msk [tilespmem:v7+s16+$0x0], $0xffff;
	v10 =	vor.u32 v26, v16;
	(pc) =	sbr.rel @p1 .LBB2_5-.Ltmp1, $4  }
0x4cc: {  	v16 =	vshll.u32 v17, $0x3;
	v7 =	vor.u32 s0, v24;
	v15 =	vld [tilespmem:s9+$0xD840];
	v24 =	vor.u32 s15, v10  }
0x4cd: {  	v28 =	vshll.u32 v18, $0x3;
	v10 =	vand.u32 $0xFFFFFC00, v16;
	[tilespmem:s8+$0x16800] =	vst v27;
	v27 =	vshll.u32 v19, $0x3;
	v16 =	vld [tilespmem:s10+$0xD840]  }
0x4ce: {  	v26 =	vadd.s32 v0, v10;
	v10 =	vld [tilespmem:s8+$0xD850];
	[tilespmem:s9+$0x16800] =	vst v11;
	v11 =	vand.u32 $0xFFFFFC00, v27;
	v27 =	vand.u32 $0xFFFFFC00, v28  }
0x4cf: {  	v29 =	vshll.u32 v21, $0x3;
	v28 =	vadd.s32 v0, v11;
	v11 =	vld [tilespmem:s9+$0xD850];
	v27 =	vadd.s32 v0, v27  }
0x4d0: {  	_ = 	snop  }
0x4d1: {  	v17 =	vand.u32 $0x7F, v17;
	v19 =	vand.u32 $0x7F, v19  }
0x4d2: {  	v42 =	vand.u32 $0xFFFFFC00, v29;
	v18 =	vand.u32 $0x7F, v18;
	v21 =	vand.u32 $0x7F, v21  }
0x4d3: {  	v43 =	vld [tilespmem:s19+$0xD870];
	v44 =	vshll.u32 v12, $0x3;
	v47 =	vshll.u32 v13, $0x3;
	v48 =	vshll.u32 v14, $0x3  }
0x4d4: {  	v22 =	vld.idx.msk [tilespmem:v22+s16+$0x0], $0xffff;
	v53 =	vand.u32 $0x7F, v12;
	v54 =	vand.u32 $0x7F, v13;
	v55 =	vand.u32 $0x7F, v14  }
0x4d5: {  	[tilespmem:s19+$0x16840] =	vst v25;
	v20 =	vld.idx.msk [tilespmem:v20+s16+$0x0], $0xffff;
	v57 =	vshll.u32 v9, $0x3;
	v25 =	vadd.s32 v0, v42;
	v17 =	vor.u32 v17, v26  }
0x4d6: {  	[tilespmem:s10+$0x16800] =	vst v23;
	v58 =	vld [tilespmem:s10+$0xD850];
	v19 =	vor.u32 v19, v28;
	v18 =	vor.u32 v18, v27;
	v17 =	vor.u32 s31, v17  }
0x4d7: {  	v46 =	vand.u32 $0xFFFFFC00, v44;
	v7 =	vld.idx.msk [tilespmem:v7+s16+$0x0], $0xffff;
	v26 =	vand.u32 $0xFFFFFC00, v48;
	v19 =	vor.u32 s2, v19  }
0x4d8: {  	v61 =	vld [tilespmem:s8+$0xD860];
	v59 =	vand.u32 $0xFFFFFC00, v57;
	v60 =	vshll.u32 v15, $0x3;
	v18 =	vor.u32 s0, v18  }
0x4d9: {  	v45 =	vld.idx.msk [tilespmem:v24+s16+$0x0], $0xffff;
	v21 =	vor.u32 v21, v25;
	v25 =	vand.u32 $0xFFFFFC00, v47;
	v24 =	vadd.s32 v0, v46  }
0x4da: {  	v63 =	vld [tilespmem:s9+$0xD860];
	v52 =	vadd.s32 v0, v26;
	v62 =	vshll.u32 v16, $0x3;
	v26 =	vand.u32 $0x7F, v9;
	[tilespmem:s8+$0x16810] =	vst v22  }
0x4db: {  	v28 =	vand.u32 $0x7F, v16;
	v51 =	vadd.s32 v0, v25;
	v12 =	vor.u32 v53, v24;
	[tilespmem:s9+$0x16810] =	vst v20;
	v17 =	vld.idx.msk [tilespmem:v17+s16+$0x0], $0xffff  }
0x4dc: {  	v21 =	vor.u32 s15, v21;
	v12 =	vor.u32 s31, v12;
	v13 =	vor.u32 v54, v51;
	[tilespmem:s10+$0x16810] =	vst v7;
	v19 =	vld.idx.msk [tilespmem:v19+s16+$0x0], $0xffff  }
0x4dd: {  	v49 =	vshll.u32 v43, $0x3;
	v13 =	vor.u32 s2, v13;
	v7 =	vor.u32 v55, v52;
	v56 =	vld.idx.msk [tilespmem:v18+s16+$0x0], $0xffff  }
0x4de: {  	v30 =	vld [tilespmem:s10+$0xD860];
	v23 =	vand.u32 $0xFFFFFC00, v62;
	v27 =	vand.u32 $0xFFFFFC00, v49;
	v7 =	vor.u32 s0, v7  }
0x4df: {  	v33 =	vld [tilespmem:s8+$0xD870];
	v29 =	vshll.u32 v10, $0x3;
	v50 =	vand.u32 $0x7F, v43;
	v27 =	vadd.s32 v0, v27  }
0x4e0: {  	v34 =	vld [tilespmem:s9+$0xD870];
	v18 =	vand.u32 $0xFFFFFC00, v60;
	v22 =	vor.u32 v50, v27;
	[tilespmem:s8+$0x16820] =	vst v17;
	v17 =	vadd.s32 v0, v59  }
0x4e1: {  	v18 =	vadd.s32 v0, v18;
	v27 =	vand.u32 $0x7F, v15;
	[tilespmem:s9+$0x16820] =	vst v19;
	v12 =	vld.idx.msk [tilespmem:v12+s16+$0x0], $0xffff;
	v9 =	vor.u32 v26, v17  }
0x4e2: {  	v23 =	vadd.s32 v0, v23;
	v15 =	vor.u32 v27, v18;
	[tilespmem:s10+$0x16820] =	vst v56;
	v13 =	vld.idx.msk [tilespmem:v13+s16+$0x0], $0xffff;
	v9 =	vor.u32 s31, v9  }
0x4e3: {  	v35 =	vand.u32 $0x7F, v10;
	v14 =	vor.u32 v28, v23;
	v15 =	vor.u32 s2, v15;
	v7 =	vld.idx.msk [tilespmem:v7+s16+$0x0], $0xffff  }
0x4e4: {  	v8 =	vld.idx.msk [tilespmem:v8+s16+$0x0], $0xffff;
	v31 =	vshll.u32 v11, $0x3;
	v16 =	vand.u32 $0xFFFFFC00, v29;
	v14 =	vor.u32 s0, v14  }
0x4e5: {  	v3 =	vld.idx.msk [tilespmem:v3+s16+$0x0], $0xffff;
	v37 =	vand.u32 $0x7F, v11;
	v32 =	vshll.u32 v58, $0x3;
	v16 =	vadd.s32 v0, v16  }
0x4e6: {  	v5 =	vld.idx.msk [tilespmem:v5+s16+$0x0], $0xffff;
	v38 =	vand.u32 $0x7F, v58;
	v39 =	vshll.u32 v61, $0x3;
	v18 =	vand.u32 $0xFFFFFC00, v31;
	[tilespmem:s8+$0x16830] =	vst v12  }
0x4e7: {  	v23 =	vand.u32 $0xFFFFFC00, v32;
	v10 =	vor.u32 v35, v16;
	v18 =	vadd.s32 v0, v18;
	[tilespmem:s9+$0x16830] =	vst v13;
	v9 =	vld.idx.msk [tilespmem:v9+s16+$0x0], $0xffff  }
0x4e8: {  	v36 =	vadd.s32 v0, v23;
	v10 =	vor.u32 s31, v10;
	v11 =	vor.u32 v37, v18;
	[tilespmem:s10+$0x16830] =	vst v7;
	v13 =	vld.idx.msk [tilespmem:v15+s16+$0x0], $0xffff  }
0x4e9: {  	v41 =	vshll.u32 v63, $0x3;
	[tilespmem:s30+$0x16850] =	vst v8;
	v11 =	vor.u32 s2, v11;
	v7 =	vor.u32 v38, v36;
	v14 =	vld.idx.msk [tilespmem:v14+s16+$0x0], $0xffff  }
0x4ea: {  	v42 =	vshll.u32 v30, $0x3;
	v43 =	vld [tilespmem:s10+$0xD870];
	v46 =	vand.u32 $0x7F, v61;
	[tilespmem:s28+$0x16860] =	vst v3;
	v7 =	vor.u32 s0, v7  }
0x4eb: {  	v48 =	vand.u32 $0x7F, v63;
	[tilespmem:s19+$0x16850] =	vst v45;
	v16 =	vand.u32 $0xFFFFFC00, v41;
	v6 =	vld.idx.msk [tilespmem:v6+s16+$0x0], $0xffff;
	v15 =	vand.u32 $0xFFFFFC00, v39  }
0x4ec: {  	v49 =	vand.u32 $0x7F, v30;
	v52 =	vshll.u32 v34, $0x3;
	v2 =	vld.idx.msk [tilespmem:v2+s16+$0x0], $0xffff;
	v44 =	vadd.s32 v0, v15;
	[tilespmem:s8+$0x16840] =	vst v9  }
0x4ed: {  	v45 =	vadd.s32 v0, v16;
	v18 =	vand.u32 $0xFFFFFC00, v42;
	[tilespmem:s9+$0x16840] =	vst v13;
	v9 =	vor.u32 v46, v44;
	v10 =	vld.idx.msk [tilespmem:v10+s16+$0x0], $0xffff  }
0x4ee: {  	v47 =	vadd.s32 v0, v18;
	v15 =	vor.u32 v48, v45;
	[tilespmem:s10+$0x16840] =	vst v14;
	v9 =	vor.u32 s31, v9;
	v11 =	vld.idx.msk [tilespmem:v11+s16+$0x0], $0xffff  }
0x4ef: {  	[tilespmem:s29+$0x16860] =	vst v5;
	v50 =	vshll.u32 v33, $0x3;
	v15 =	vor.u32 s2, v15;
	v13 =	vor.u32 v49, v47;
	v7 =	vld.idx.msk [tilespmem:v7+s16+$0x0], $0xffff  }
0x4f0: {  	v21 =	vld.idx.msk [tilespmem:v21+s16+$0x0], $0xffff;
	v54 =	vand.u32 $0xFFFFFC00, v50;
	v53 =	vshll.u32 v43, $0x3;
	[tilespmem:s30+$0x16860] =	vst v6;
	v51 =	vor.u32 s0, v13  }
0x4f1: {  	v4 =	vld.idx.msk [tilespmem:v4+s16+$0x0], $0xffff;
	v22 =	vor.u32 s15, v22;
	v8 =	vadd.s32 v0, v54;
	v55 =	vand.u32 $0xFFFFFC00, v53;
	[tilespmem:s28+$0x16870] =	vst v2  }
0x4f2: {  	v56 =	vand.u32 $0x7F, v33;
	v57 =	vadd.s32 v0, v55;
	v1 =	vld.idx.msk [tilespmem:v1+s16+$0x0], $0xffff;
	v13 =	vand.u32 $0xFFFFFC00, v52;
	[tilespmem:s8+$0x16850] =	vst v10  }
0x4f3: {  	v58 =	vand.u32 $0x7F, v34;
	v8 =	vor.u32 v56, v8;
	v13 =	vadd.s32 v0, v13;
	[tilespmem:s9+$0x16850] =	vst v11;
	v9 =	vld.idx.msk [tilespmem:v9+s16+$0x0], $0xffff  }
0x4f4: {  	v59 =	vand.u32 $0x7F, v43;
	v8 =	vor.u32 s31, v8;
	v10 =	vor.u32 v58, v13;
	[tilespmem:s10+$0x16850] =	vst v7;
	v60 =	vld.idx.msk [tilespmem:v15+s16+$0x0], $0xffff  }
0x4f5: {  	[tilespmem:s19+$0x16860] =	vst v21;
	v0 =	vor.u32 v59, v57;
	v61 =	vor.u32 s2, v10;
	v62 =	vld.idx.msk [tilespmem:v51+s16+$0x0], $0xffff  }
0x4f6: {  	[tilespmem:s29+$0x16870] =	vst v4;
	v40 =	vld.idx.msk [tilespmem:v22+s16+$0x0], $0xffff;
	v0 =	vor.u32 s0, v0  }
0x4f7: {  	[tilespmem:s30+$0x16870] =	vst v1  }
0x4f8: {  	[tilespmem:s8+$0x16860] =	vst v9  }
0x4f9: {  	[tilespmem:s9+$0x16860] =	vst v60;
	v63 =	vld.idx.msk [tilespmem:v8+s16+$0x0], $0xffff  }
0x4fa: {  	[tilespmem:s10+$0x16860] =	vst v62;
	v3 =	vld.idx.msk [tilespmem:v61+s16+$0x0], $0xffff  }
0x4fb: {  	[tilespmem:s19+$0x16870] =	vst v40;
	v0 =	vld.idx.msk [tilespmem:v0+s16+$0x0], $0xffff  }
0x4fc: {  	s0 =	rddreg [dreg:$0xa]  }
0x4fd: {  	s0 =	sadd.s32 @!p0 s26, s0  }
0x4fe: {  	s0 =	smul.u32 @!p0 $0x180, s0;
	[tilespmem:s8+$0x16870] =	vst v63  }
0x4ff: {  	s1 =	rddreg [dreg:$0x0];
	[tilespmem:s9+$0x16870] =	vst v3  }
0x500: {  	s3 =	simm.s32 @!p0 $0x4800;
	s2 =	simm.s32 @!p0 $0x0;
	s1 =	sadd.s32 @!p0 s1, s0;
	[tilespmem:s10+$0x16870] =	vst v0  }
0x501: {  	[tilespmem:s3], [sflag:$0x2] =	stream.linear.gather @!p0 [hbm4b:s1+s2], $0x4800, $0x38;
	[tilespmem:$0x1B000] =	vst v63  }
0x502: {  	s1 =	rddreg [dreg:$0x1]  }
0x503: {  	s25 =	sadd.s32 $0x1, s25;
	s0 =	sadd.s32 @!p0 s1, s0;
	s1 =	simm.s32 @!p0 $0xD800  }
0x504: {  	[tilespmem:s1], [sflag:$0x2] =	stream.linear.gather @!p0 [hbm4b:s0+s2], $0x4800, $0x38;
	[tilespmem:$0x1B000] =	vst v63  }
0x505: {  	p0 =	sne.s32 s25, $0x30  }
.Ltmp2:
0x506: {  	_ = 	snop;
	(pc) =	sbr.rel @p0 .LBB2_2-.Ltmp2, $4  }
0x507: {  	s29 =	smul.u32 $0x180, s7  }
0x508: {  	s30 =	rddreg [dreg:$0x2]  }
0x509: {  	s31 =	simm.s32 $0x16800;
	s0 =	sadd.s32 s30, s29  }
0x50a: {  	[hbm4b:s0+s5] =	stream.linear.scatter [tilespmem:s31], [sflag:$0x4], $0x4800, $0x38;
	[tilespmem:$0x1B000] =	vst v63  }
0x50b: {  	s0 =	simm.s32 $0x3  }
0x50c: {  	_ =	swait.ge [sflag:s0], $0x4800  }
0x50d: {  	[sflag:s0] =	ssyncset.done $0x0  }
0x50e: {  	s1 =	simm.s32 $0x4;
	[sflag:s0] =	ssyncadd.s32 $0xFFFFB800  }
0x50f: {  	_ =	swait.ge [sflag:s1], $0x4800  }
0x510: {  	s2 =	rddreg [dreg:$0xc]  }
0x511: {  	s31 =	rddreg [dreg:$0xb];
	s2 =	sadd.s32 $0x1, s2  }
0x512: {  	p0 =	sne.s32 s2, s31  }
.Ltmp3:
0x513: {  	_ = 	snop;
	(pc) =	sbr.rel @p0 .LBB2_1-.Ltmp3, $3  }
0x514: {  	_ =	sdelay $0x1  }
0x515: {  	[sflag:s1] =	ssyncset.done $0x0  }
0x516: {  	[sflag:s1] =	ssyncadd.s32 $0xFFFFB800  }
0x517: {  	_ =	sfence.sel $0x180000  }
0x518: {  	[bflag:$0x0] =	sbarrier.arrive $0xFFFF  }
0x519: {  	_ =	strace $0x90000047  }
0x51a: {  	s0 =	stileid.u32;
	[bflag:$0x2] =	sbarrier.arrive $0xFFFF  }
0x51b: {  	p0 =	sne.s32 s0, $0x0;
	s0 =	rddreg [dreg:$0x3]  }
0x51c: {  	s0 =	sadd.s32 @!p0 $0x100000, s0  }
0x51d: {  	[sflag:s0] =	ssyncadd.tile.s32 @!p0 $0x1;
	_ =	shalt  }
.Lfunc_end2:
_tile_overlayer_lowered:
.L_overlay_start_2:
0x51e: {  	(tag) =	ssettag $0x2  }
0x51f: {  	s0 =	rddreg [dreg:$0x0];
	s2 =	stileid.u32  }
0x520: {  	s1 =	rddreg [dreg:$0x1];
	p0 =	sne.s32 s2, $0x0  }
0x521: {  	s3 =	rddreg [dreg:$0x2];
	[bflag:$0x3] =	sbarrier.arrive $0xFFFF;
	s2 =	simm.s32 @!p0 $0x1C05  }
0x522: {  	[timem:s3], [sflag:s2] =	dma.local @!p0 [hbm:s0], s1  }
0x523: {  	s0 =	simm.s32 @!p0 $0x5  }
0x524: {  	_ =	swait.ge @!p0 [sflag:s0], s1  }
0x525: {  	s1 =	ssub.s32 @!p0 $0x0, s1;
	[sflag:s0] =	ssyncset.done @!p0 $0x0  }
0x526: {  	[sflag:s0] =	ssyncadd.s32 @!p0 s1  }
0x527: {  	[bflag:$0x3] =	sbarrier.arrive $0xFFFF  }
0x528: {  	_ =	shalt  }

</sc_bundles>
